<compile_context>
chip_gen: v7x
topology: tpu7x:2x2x1
jax: 0.10.2.dev20260603
libtpu: 0.0.44.dev20260713+nightly
codegen_flags: <defaults>
</compile_context>

<pallas_src>
import numpy as np

import jax
import jax.numpy as jnp
from jax import lax
from jax.experimental import pallas as pl
from jax.experimental.pallas import tpu as pltpu
from jax.experimental.pallas import tpu_sc as plsc

N0, N1, N2 = 50000, 20000, 5000
D_IN, D_H = 128, 50
DP = 64
DT = 128
CNT = 50
NC, NS, L = 2, 16, 16
NW = NC * NS
CH = 128

R0 = 20480
R1 = 6144


def _ceil_div(a, b):
    return (a + b - 1) // b


def _tab_body(x1_ref, x2_ref, wl_ref, wr_ref, o_ref):
    acc = (jnp.dot(x1_ref[...], wl_ref[...], preferred_element_type=jnp.float32)
           + jnp.dot(x2_ref[...], wr_ref[...],
                     preferred_element_type=jnp.float32))
    col = lax.broadcasted_iota(jnp.int32, (1, DT), 1)
    o_ref[...] = acc + jnp.where(col % DP == CNT, 1.0, 0.0)


def _make_table(x, w_left, w_right, block_rows):
    n, d = x.shape
    half_blocks = (n // 2) // block_rows
    return pl.pallas_call(
        _tab_body,
        grid=(half_blocks,),
        in_specs=[
            pl.BlockSpec((block_rows, d), lambda i: (i, 0)),
            pl.BlockSpec((block_rows, d),
                         lambda i, hb=half_blocks: (i + hb, 0)),
            pl.BlockSpec((d, DT), lambda i: (0, 0)),
            pl.BlockSpec((d, DT), lambda i: (0, 0)),
        ],
        out_specs=pl.BlockSpec((block_rows, DT), lambda i: (i, 0)),
        out_shape=jax.ShapeDtypeStruct((n // 2, DT), jnp.float32),
    )(x, x, w_left, w_right)


def _make_sc_agg(n_chunks, n_rows, split_half):
    rows_per_tile = n_rows // NS
    n_zch = rows_per_tile // CH
    mesh = plsc.VectorSubcoreMesh(
        core_axis_name="c", subcore_axis_name="s",
        num_cores=NC, num_subcores=NS)
    NB = 3
    assert n_chunks % NB == 0 and n_chunks >= 2 * NB

    def body(edge_hbm, tab_hbm, out_hbm,
             idx_s, idx_d, rows0, rows1, rows2, acc,
             g0, g1, g2, s0, s1, s2):
        rows = (rows0, rows1, rows2)
        gsem = (g0, g1, g2)
        ssem = (s0, s1, s2)
        zbuf = rows0
        c = lax.axis_index("c")
        s = lax.axis_index("s")
        w = c * NS + s

        zv = jnp.zeros((L,), jnp.float32)

        def zrow(i, carry):
            for k in range(DP // L):
                zbuf[i, pl.ds(k * L, L)] = zv
            return carry
        lax.fori_loop(0, CH, zrow, 0)

        def zch(k, carry):
            pltpu.async_copy(
                zbuf, acc.at[pl.ds(s * rows_per_tile + k * CH, CH)], g0)
            return carry
        lax.fori_loop(0, n_zch, zch, 0)
        pltpu.sync_copy(edge_hbm.at[0, w], idx_s)
        pltpu.sync_copy(edge_hbm.at[1, w], idx_d)

        def zdr(k, carry):
            pltpu.make_async_copy(
                zbuf, acc.at[pl.ds(s * rows_per_tile, CH)], g0).wait()
            return carry
        lax.fori_loop(0, n_zch, zdr, 0)
        plsc.subcore_barrier()

        def fire_g(j, b):
            for k in range(CH // L):
                sl = pl.ds(k * L, L)
                v = idx_s[j, sl]
                if split_half is None:
                    idx_s[j, sl] = v * 2
                else:
                    adj = jnp.where(v >= split_half,
                                    jnp.full((L,), 2 * split_half - 1,
                                             jnp.int32),
                                    jnp.zeros((L,), jnp.int32))
                    idx_s[j, sl] = v * 2 - adj
            pltpu.async_copy(tab_hbm.at[idx_s.at[j]], rows[b], gsem[b])

        def wait_g(b):
            pltpu.make_async_copy(
                tab_hbm.at[idx_s.at[0]], rows[b], gsem[b]).wait()

        def fire_s(j, b):
            pltpu.async_copy(
                rows[b], acc.at[idx_d.at[j]], ssem[b], add=True)

        def wait_s(b):
            pltpu.make_async_copy(
                rows[b], acc.at[idx_d.at[0]], ssem[b]).wait()

        for b in range(NB):
            fire_g(b, b)

        def grp(g, carry):
            j = NB * g
            for b in range(NB):
                wait_g(b)
                fire_s(j + b, b)
            for b in range(NB):
                wait_s(b)
                fire_g(j + NB + b, b)
            return carry
        lax.fori_loop(0, n_chunks // NB - 1, grp, 0)
        j_last = n_chunks - NB
        for b in range(NB):
            wait_g(b)
            fire_s(j_last + b, b)
        for b in range(NB):
            wait_s(b)
        plsc.subcore_barrier()

        half = NS // 2
        col_off = (s // half) * DP
        row_base = (s % half) * rows_per_tile
        pltpu.sync_copy(
            acc.at[pl.ds(s * rows_per_tile, rows_per_tile)],
            out_hbm.at[c, pl.ds(row_base, rows_per_tile),
                       pl.ds(col_off, DP)])

    return pl.kernel(
        body,
        out_type=jax.ShapeDtypeStruct((NC, n_rows // 2, DT), jnp.float32),
        mesh=mesh,
        scratch_types=[
            pltpu.VMEM((n_chunks, CH), jnp.int32),
            pltpu.VMEM((n_chunks, CH), jnp.int32),
            pltpu.VMEM((CH, DP), jnp.float32),
            pltpu.VMEM((CH, DP), jnp.float32),
            pltpu.VMEM((CH, DP), jnp.float32),
            pltpu.VMEM_SHARED((n_rows, DP), jnp.float32),
        ] + [pltpu.SemaphoreType.DMA] * 6,
        compiler_params=pltpu.CompilerParams(use_tc_tiling_on_sc=False),
    )


def _pad_edges(edge_index, n_chunks, dummy_lo, dummy_hi, n_src):
    e_pad = NW * n_chunks * CH
    pad = e_pad - edge_index.shape[1]
    ar = np.arange(pad, dtype=np.int32)
    pad_blk = jnp.asarray(np.stack([
        ar % n_src,
        dummy_lo + ar % (dummy_hi - dummy_lo),
    ]), jnp.int32)
    return jnp.concatenate([edge_index, pad_blk], axis=1).reshape(
        2, NW, n_chunks, CH)


def _tc2_body(p_ref, x1_ref, x2_ref, wrl_ref, wrr_ref, bl_ref, wl_ref,
              hl_ref, h_ref):
    col = lax.broadcasted_iota(jnp.int32, (1, DT), 1)
    sfull = p_ref[0] + p_ref[1]
    cnt_l = jnp.maximum(sfull[:, CNT:CNT + 1], 1.0)
    cnt_r = jnp.maximum(sfull[:, DP + CNT:DP + CNT + 1], 1.0)
    cntb = jnp.where(col < DP, cnt_l, cnt_r)
    mean = jnp.where(col % DP < CNT, sfull / cntb, 0.0)
    xw = (jnp.dot(x1_ref[...], wrl_ref[...],
                  preferred_element_type=jnp.float32)
          + jnp.dot(x2_ref[...], wrr_ref[...],
                    preferred_element_type=jnp.float32))
    h = jnp.maximum(mean + bl_ref[...] + xw, 0.0)
    h_ref[...] = h
    hl_ref[...] = (
        jnp.dot(h, wl_ref[...], preferred_element_type=jnp.float32)
        + jnp.where(col % DP == CNT, 1.0, 0.0))


def _tc3_body(q_ref, h1_ref, h2_ref, wr1_ref, wr2_ref, bl_ref, wo_ref,
              bo_ref, o_ref):
    col = lax.broadcasted_iota(jnp.int32, (1, DT), 1)
    sfull = q_ref[0] + q_ref[1]
    cnt_l = jnp.maximum(sfull[:, CNT:CNT + 1], 1.0)
    cnt_r = jnp.maximum(sfull[:, DP + CNT:DP + CNT + 1], 1.0)
    cntb = jnp.where(col < DP, cnt_l, cnt_r)
    mean = jnp.where(col % DP < CNT, sfull / cntb, 0.0)
    hw = (jnp.dot(h1_ref[...], wr1_ref[...],
                  preferred_element_type=jnp.float32)
          + jnp.dot(h2_ref[...], wr2_ref[...],
                    preferred_element_type=jnp.float32))
    pre = mean + bl_ref[...] + hw
    out = jnp.dot(pre, wo_ref[...], preferred_element_type=jnp.float32)
    o_ref[...] = jnp.maximum(out + bo_ref[...], 0.0)


def kernel(x, edge_index_0, edge_index_1, edge_attr,
           Wl0, bl0, Wr0, Wl1, bl1, Wr1, W_out, b_out):
    del edge_attr
    f32 = jnp.float32

    def pad64(w):
        out = jnp.zeros((w.shape[0], DP), f32)
        return out.at[:, :w.shape[1]].set(w)

    z64 = jnp.zeros((D_IN, DP), f32)
    wl0_l = jnp.concatenate([pad64(Wl0), z64], axis=1)
    wl0_r = jnp.concatenate([z64, pad64(Wl0)], axis=1)
    wr0_l = jnp.concatenate([pad64(Wr0), z64], axis=1)
    wr0_r = jnp.concatenate([z64, pad64(Wr0)], axis=1)
    wl1_p = jnp.zeros((DP, DP), f32).at[:D_H, :D_H].set(Wl1)
    wr1_p = jnp.zeros((DP, DP), f32).at[:D_H, :D_H].set(Wr1)
    zz = jnp.zeros((DP, DP), f32)
    wl1_bd = jnp.concatenate([
        jnp.concatenate([wl1_p, zz], axis=1),
        jnp.concatenate([zz, wl1_p], axis=1)], axis=0)
    wr1_w1 = jnp.concatenate([
        jnp.concatenate([wr1_p, zz], axis=1),
        jnp.concatenate([zz, zz], axis=1)], axis=0)
    wr1_w2 = jnp.concatenate([
        jnp.concatenate([zz, wr1_p], axis=1),
        jnp.concatenate([zz, zz], axis=1)], axis=0)
    wo2 = (jnp.zeros((DT, 2), f32)
           .at[:D_H, 0].set(W_out[:, 0])
           .at[DP:DP + D_H, 1].set(W_out[:, 0]))
    bl0_d = jnp.tile(jnp.zeros((1, DP), f32).at[0, :D_H].set(bl0), (1, 2))
    bl1_d = jnp.tile(jnp.zeros((1, DP), f32).at[0, :D_H].set(bl1), (1, 2))
    bo2 = jnp.tile(b_out.reshape(1, 1), (1, 2))

    e0 = edge_index_0.shape[1]
    e1 = edge_index_1.shape[1]
    nch0 = 3 * _ceil_div(_ceil_div(e0, NW), 3 * CH)
    nch1 = 3 * _ceil_div(_ceil_div(e1, NW), 3 * CH)
    ei0 = _pad_edges(edge_index_0, nch0, N1, R0, N0)
    ei1 = _pad_edges(edge_index_1, nch1, N2, R1, N1)

    xt = _make_table(x, wl0_l, wl0_r, 5000)
    tab0 = xt.reshape(N0, DP)

    p0 = _make_sc_agg(nch0, R0, N0 // 2)(ei0, tab0)

    f0 = R0 // 2
    b2 = 2048
    nb2 = f0 // b2
    hl, h = pl.pallas_call(
        _tc2_body,
        grid=(nb2,),
        in_specs=[
            pl.BlockSpec((NC, b2, DT), lambda i: (0, i, 0)),
            pl.BlockSpec((b2, D_IN), lambda i: (i, 0)),
            pl.BlockSpec((b2, D_IN), lambda i, nb=nb2: (i + nb, 0)),
            pl.BlockSpec((D_IN, DT), lambda i: (0, 0)),
            pl.BlockSpec((D_IN, DT), lambda i: (0, 0)),
            pl.BlockSpec((1, DT), lambda i: (0, 0)),
            pl.BlockSpec((DT, DT), lambda i: (0, 0)),
        ],
        out_specs=[
            pl.BlockSpec((b2, DT), lambda i: (i, 0)),
            pl.BlockSpec((b2, DT), lambda i: (i, 0)),
        ],
        out_shape=[
            jax.ShapeDtypeStruct((f0, DT), f32),
            jax.ShapeDtypeStruct((f0, DT), f32),
        ],
    )(p0, x, x, wr0_l, wr0_r, bl0_d, wl1_bd)

    tab1 = hl.reshape(R0, DP)
    p1 = _make_sc_agg(nch1, R1, f0)(ei1, tab1)

    f1 = R1 // 2
    of = pl.pallas_call(
        _tc3_body,
        grid=(1,),
        in_specs=[
            pl.BlockSpec((NC, f1, DT), lambda i: (0, 0, 0)),
            pl.BlockSpec((f1, DT), lambda i: (0, 0)),
            pl.BlockSpec((f1, DT), lambda i: (1, 0)),
            pl.BlockSpec((DT, DT), lambda i: (0, 0)),
            pl.BlockSpec((DT, DT), lambda i: (0, 0)),
            pl.BlockSpec((1, DT), lambda i: (0, 0)),
            pl.BlockSpec((DT, 2), lambda i: (0, 0)),
            pl.BlockSpec((1, 2), lambda i: (0, 0)),
        ],
        out_specs=pl.BlockSpec((f1, 2), lambda i: (0, 0)),
        out_shape=jax.ShapeDtypeStruct((f1, 2), f32),
    )(p1, h, h, wr1_w1, wr1_w2, bl1_d, wo2, bo2)

    return jnp.concatenate([of[:, 0:1], of[:N2 - f1, 1:2]], axis=0)

# --- scband reference (transcript-rebuilt; emitter-appended) ---
"""Pipeline reference for scband-model-90709709291753 (READ-ONLY COPY).

The authoritative reference and input builder live on the scoring server;
editing this copy changes nothing except your own understanding.
"""

import jax, jax.numpy as jnp
import numpy as np

N0, N1, N2 = 50000, 20000, 5000
E0, E1 = 320000, 80000
D_IN, D_H, D_OUT = 128, 50, 1


def setup_inputs(seed: int = 0) -> dict:
    key = jax.random.key(seed)
    ks = jax.random.split(key, 16)
    x = jax.random.normal(ks[0], (N0, D_IN), dtype=jnp.float32)
    src0 = jax.random.randint(ks[1], (E0,), 0, N0, dtype=jnp.int32)
    dst0 = jax.random.randint(ks[2], (E0,), 0, N1, dtype=jnp.int32)
    edge_index_0 = jnp.stack([src0, dst0], axis=0)
    src1 = jax.random.randint(ks[3], (E1,), 0, N1, dtype=jnp.int32)
    dst1 = jax.random.randint(ks[4], (E1,), 0, N2, dtype=jnp.int32)
    edge_index_1 = jnp.stack([src1, dst1], axis=0)
    edge_attr = jax.random.normal(ks[5], (E0, 4), dtype=jnp.float32)
    # SAGEConv layer 0: lin_l (with bias) applied to aggregated msgs, lin_r (no bias) to root
    Wl0 = jax.random.normal(ks[6], (D_IN, D_H), dtype=jnp.float32) / np.sqrt(D_IN)
    bl0 = jnp.zeros((D_H,), dtype=jnp.float32)
    Wr0 = jax.random.normal(ks[7], (D_IN, D_H), dtype=jnp.float32) / np.sqrt(D_IN)
    # SAGEConv layer 1
    Wl1 = jax.random.normal(ks[8], (D_H, D_H), dtype=jnp.float32) / np.sqrt(D_H)
    bl1 = jnp.zeros((D_H,), dtype=jnp.float32)
    Wr1 = jax.random.normal(ks[9], (D_H, D_H), dtype=jnp.float32) / np.sqrt(D_H)
    # final linear
    W_out = jax.random.normal(ks[10], (D_H, D_OUT), dtype=jnp.float32) / np.sqrt(D_H)
    b_out = jnp.zeros((D_OUT,), dtype=jnp.float32)
    return {"x": x, "edge_index_0": edge_index_0, "edge_index_1": edge_index_1,
            "edge_attr": edge_attr, "Wl0": Wl0, "bl0": bl0, "Wr0": Wr0,
            "Wl1": Wl1, "bl1": bl1, "Wr1": Wr1, "W_out": W_out, "b_out": b_out}


def _sage_conv(x_src, x_dst, edge_index, Wl, bl, Wr):
    # PyG SAGEConv (aggr='mean', bipartite): out = lin_l(mean_j x_src[j]) + lin_r(x_dst)
    row = edge_index[0]
    col = edge_index[1]
    n_dst = x_dst.shape[0]
    msgs = jnp.take(x_src, row, axis=0)                      # gather (SparseCore)
    summed = jax.ops.segment_sum(msgs, col, num_segments=n_dst)  # scatter-add
    cnt = jax.ops.segment_sum(jnp.ones((row.shape[0],), msgs.dtype), col, num_segments=n_dst)
    mean = summed / jnp.clip(cnt, 1.0)[:, None]
    return mean @ Wl + bl + x_dst @ Wr


def reference(x, edge_index_0, edge_index_1, edge_attr,
              Wl0, bl0, Wr0, Wl1, bl1, Wr1, W_out, b_out):
    # adjs = [(edge_index_0, e_id0, (N0, N1)), (edge_index_1, e_id1, (N1, N2))]
    # layer 0
    x_target = x[:N1]
    h = _sage_conv(x, x_target, edge_index_0, Wl0, bl0, Wr0)
    h = jax.nn.relu(h)  # dropout p=0.0 is identity
    # layer 1 (last conv: no relu/dropout between conv and linear head besides final relu)
    h_target = h[:N2]
    h = _sage_conv(h, h_target, edge_index_1, Wl1, bl1, Wr1)
    # head
    out = h @ W_out + b_out
    out = jax.nn.relu(out)
    return out

if __name__ == "__main__":
    import jax
    _d = setup_inputs()
    print(jax.jit(kernel)(*tuple(_d.values())))

</pallas_src>

<mosaic_0001>
#map = affine_map<(d0, d1) -> (0, 0, 0, 0)>
#map1 = affine_map<(d0, d1) -> (0, 0)>
#map2 = affine_map<(d0, d1) -> (0, 0, 0)>
module attributes {stable_mosaic.version = 14 : i64} {
  func.func @body(%arg0: i32, %arg1: i32, %arg2: memref<2x32x81x128xi32, #tpu.memory_space<hbm>>, %arg3: memref<50000x64xf32, #tpu.memory_space<hbm>>, %arg4: memref<2x10240x128xf32, #tpu.memory_space<hbm>>, %arg5: memref<81x128xi32, #tpu.memory_space<vmem>>, %arg6: memref<81x128xi32, #tpu.memory_space<vmem>>, %arg7: memref<128x64xf32, #tpu.memory_space<vmem>>, %arg8: memref<128x64xf32, #tpu.memory_space<vmem>>, %arg9: memref<128x64xf32, #tpu.memory_space<vmem>>, %arg10: memref<20480x64xf32, #tpu.memory_space<vmem_shared>>, %arg11: memref<!tpu.dma_semaphore, #tpu.memory_space<semaphore_mem>>, %arg12: memref<!tpu.dma_semaphore, #tpu.memory_space<semaphore_mem>>, %arg13: memref<!tpu.dma_semaphore, #tpu.memory_space<semaphore_mem>>, %arg14: memref<!tpu.dma_semaphore, #tpu.memory_space<semaphore_mem>>, %arg15: memref<!tpu.dma_semaphore, #tpu.memory_space<semaphore_mem>>, %arg16: memref<!tpu.dma_semaphore, #tpu.memory_space<semaphore_mem>>) attributes {dimension_semantics = [#tpu.dimension_semantics<core_parallel>, #tpu.dimension_semantics<subcore_parallel>], iteration_bounds = array<i64: 2, 16>, scalar_prefetch = 0 : i64, scratch_operands = 12 : i64, tpu.core_type = #tpu.core_type<sc_vector_subcore>, window_params = [{transform_indices = #map}, {transform_indices = #map1}, {transform_indices = #map2}]} {
    %mul3A = arith.constant 16 : i32
    %mul3A_0 = arith.muli %arg0, %mul3A : i32
    %add3A = arith.addi %mul3A_0, %arg1 : i32
    %broadcast_in_dim3A = arith.constant 0.000000e+00 : f32
    %broadcast_in_dim3A_1 = vector.broadcast %broadcast_in_dim3A : f32 to vector<16xf32>
    %scan3A = arith.constant 0 : i32
    %scan3A_2 = arith.constant 0 : i32
    %scan3A_3 = arith.constant 128 : i32
    %scan3A_4 = arith.addi %scan3A_2, %scan3A_3 : i32
    %scan3A_5 = arith.constant 1 : i32
    scf.for %scan3A_694 = %scan3A_2 to %scan3A_4 step %scan3A_5  : i32 {
      %swap3A_695 = arith.index_cast %scan3A_694 : i32 to index
      %swap3A_696 = arith.constant 0 : index
      %swap3A_697 = tpu.vector_load %arg7[%swap3A_695, %swap3A_696] {strides = array<i32>} : memref<128x64xf32, #tpu.memory_space<vmem>>, vector<1x16xf32>,
      %swap3A_698 = vector.shape_cast %swap3A_697 : vector<1x16xf32> to vector<16xf32>
      %swap3A_699 = vector.shape_cast %broadcast_in_dim3A_1 : vector<16xf32> to vector<1x16xf32>
      tpu.vector_store %arg7[%swap3A_695, %swap3A_696], %swap3A_699 {strides = array<i32>} : memref<128x64xf32, #tpu.memory_space<vmem>>, vector<1x16xf32>,
      %swap3A_700 = arith.index_cast %scan3A_694 : i32 to index
      %swap3A_701 = arith.constant 16 : index
      %swap3A_702 = tpu.vector_load %arg7[%swap3A_700, %swap3A_701] {strides = array<i32>} : memref<128x64xf32, #tpu.memory_space<vmem>>, vector<1x16xf32>,
      %swap3A_703 = vector.shape_cast %swap3A_702 : vector<1x16xf32> to vector<16xf32>
      %swap3A_704 = vector.shape_cast %broadcast_in_dim3A_1 : vector<16xf32> to vector<1x16xf32>
      tpu.vector_store %arg7[%swap3A_700, %swap3A_701], %swap3A_704 {strides = array<i32>} : memref<128x64xf32, #tpu.memory_space<vmem>>, vector<1x16xf32>,
      %swap3A_705 = arith.index_cast %scan3A_694 : i32 to index
      %swap3A_706 = arith.constant 32 : index
      %swap3A_707 = tpu.vector_load %arg7[%swap3A_705, %swap3A_706] {strides = array<i32>} : memref<128x64xf32, #tpu.memory_space<vmem>>, vector<1x16xf32>,
      %swap3A_708 = vector.shape_cast %swap3A_707 : vector<1x16xf32> to vector<16xf32>
      %swap3A_709 = vector.shape_cast %broadcast_in_dim3A_1 : vector<16xf32> to vector<1x16xf32>
      tpu.vector_store %arg7[%swap3A_705, %swap3A_706], %swap3A_709 {strides = array<i32>} : memref<128x64xf32, #tpu.memory_space<vmem>>, vector<1x16xf32>,
      %swap3A_710 = arith.index_cast %scan3A_694 : i32 to index
      %swap3A_711 = arith.constant 48 : index
      %swap3A_712 = tpu.vector_load %arg7[%swap3A_710, %swap3A_711] {strides = array<i32>} : memref<128x64xf32, #tpu.memory_space<vmem>>, vector<1x16xf32>,
      %swap3A_713 = vector.shape_cast %swap3A_712 : vector<1x16xf32> to vector<16xf32>
      %swap3A_714 = vector.shape_cast %broadcast_in_dim3A_1 : vector<16xf32> to vector<1x16xf32>
      tpu.vector_store %arg7[%swap3A_710, %swap3A_711], %swap3A_714 {strides = array<i32>} : memref<128x64xf32, #tpu.memory_space<vmem>>, vector<1x16xf32>,
    }
    %scan3A_6 = arith.constant 128 : i32
    %scan3A_7 = arith.constant 0 : i32
    %scan3A_8 = arith.constant 0 : i32
    %scan3A_9 = arith.constant 10 : i32
    %scan3A_10 = arith.addi %scan3A_8, %scan3A_9 : i32
    %scan3A_11 = arith.constant 1 : i32
    scf.for %scan3A_694 = %scan3A_8 to %scan3A_10 step %scan3A_11  : i32 {
      %mul3A_695 = arith.constant 1280 : i32
      %mul3A_696 = arith.muli %arg1, %mul3A_695 : i32
      %mul3A_697 = arith.constant 128 : i32
      %mul3A_698 = arith.muli %scan3A_694, %mul3A_697 : i32
      %add3A_699 = arith.addi %mul3A_696, %mul3A_698 : i32
      %dma_start3A_700 = arith.constant 0 : i32
      %dma_start3A_701 = tpu.memref_slice %arg10[%add3A_699, %dma_start3A_700] : memref<20480x64xf32, #tpu.memory_space<vmem_shared>> -> memref<128x64xf32, #tpu.memory_space<vmem_shared>>
      %dma_start3A_702 = arith.constant 0 : i32
      %dma_start3A_703 = tpu.memref_slice %arg10[%add3A_699, %dma_start3A_702] : memref<20480x64xf32, #tpu.memory_space<vmem_shared>> -> memref<128x64xf32, #tpu.memory_space<vmem_shared>>
      tpu.enqueue_dma source(%arg7 : memref<128x64xf32, #tpu.memory_space<vmem>>) target(%dma_start3A_703 : memref<128x64xf32, #tpu.memory_space<vmem_shared>>) target_semaphore(%arg11 : memref<!tpu.dma_semaphore, #tpu.memory_space<semaphore_mem>>)
    }
    %scan3A_12 = arith.constant 10 : i32
    %run_scoped3A = arith.constant 0 : i32
    "tpu.region"() ({
      %run_scoped3A_694 = tpu.sem_alloc : memref<!tpu.dma_semaphore, #tpu.memory_space<semaphore_mem>>
      %dma_start3A_695 = arith.constant 0 : i32
      %dma_start3A_696 = arith.constant 0 : i32
      %dma_start3A_697 = tpu.memref_slice %arg2[%run_scoped3A, %add3A, %dma_start3A_695, %dma_start3A_696] : memref<2x32x81x128xi32, #tpu.memory_space<hbm>> -> memref<1x1x81x128xi32, #tpu.memory_space<hbm>>
      %dma_start3A_698 = tpu.memref_squeeze %dma_start3A_697 : memref<1x1x81x128xi32, #tpu.memory_space<hbm>> -> memref<81x128xi32, #tpu.memory_space<hbm>>
      %dma_start3A_699 = arith.constant 0 : i32
      %dma_start3A_700 = arith.constant 0 : i32
      %dma_start3A_701 = tpu.memref_slice %arg2[%run_scoped3A, %add3A, %dma_start3A_699, %dma_start3A_700] : memref<2x32x81x128xi32, #tpu.memory_space<hbm>> -> memref<1x1x81x128xi32, #tpu.memory_space<hbm>>
      %dma_start3A_702 = tpu.memref_squeeze %dma_start3A_701 : memref<1x1x81x128xi32, #tpu.memory_space<hbm>> -> memref<81x128xi32, #tpu.memory_space<hbm>>
      tpu.enqueue_dma source(%dma_start3A_702 : memref<81x128xi32, #tpu.memory_space<hbm>>) target(%arg5 : memref<81x128xi32, #tpu.memory_space<vmem>>) target_semaphore(%run_scoped3A_694 : memref<!tpu.dma_semaphore, #tpu.memory_space<semaphore_mem>>)
      %dma_wait3A_703 = arith.constant 0 : i32
      %dma_wait3A_704 = arith.constant 0 : i32
      %dma_wait3A_705 = tpu.memref_slice %arg2[%run_scoped3A, %add3A, %dma_wait3A_703, %dma_wait3A_704] : memref<2x32x81x128xi32, #tpu.memory_space<hbm>> -> memref<1x1x81x128xi32, #tpu.memory_space<hbm>>
      %dma_wait3A_706 = tpu.memref_squeeze %dma_wait3A_705 : memref<1x1x81x128xi32, #tpu.memory_space<hbm>> -> memref<81x128xi32, #tpu.memory_space<hbm>>
      %dma_wait3A_707 = arith.constant 0 : i32
      %dma_wait3A_708 = arith.constant 0 : i32
      %dma_wait3A_709 = tpu.memref_slice %arg2[%run_scoped3A, %add3A, %dma_wait3A_707, %dma_wait3A_708] : memref<2x32x81x128xi32, #tpu.memory_space<hbm>> -> memref<1x1x81x128xi32, #tpu.memory_space<hbm>>
      %dma_wait3A_710 = tpu.memref_squeeze %dma_wait3A_709 : memref<1x1x81x128xi32, #tpu.memory_space<hbm>> -> memref<81x128xi32, #tpu.memory_space<hbm>>
      tpu.wait_dma2 semaphore(%run_scoped3A_694 : memref<!tpu.dma_semaphore, #tpu.memory_space<semaphore_mem>>) src(%dma_wait3A_710 : memref<81x128xi32, #tpu.memory_space<hbm>>) dst(%arg5 : memref<81x128xi32, #tpu.memory_space<vmem>>)
      tpu.yield
    }) : () -> ()
    %run_scoped3A_13 = arith.constant 1 : i32
    "tpu.region"() ({
      %run_scoped3A_694 = tpu.sem_alloc : memref<!tpu.dma_semaphore, #tpu.memory_space<semaphore_mem>>
      %dma_start3A_695 = arith.constant 0 : i32
      %dma_start3A_696 = arith.constant 0 : i32
      %dma_start3A_697 = tpu.memref_slice %arg2[%run_scoped3A_13, %add3A, %dma_start3A_695, %dma_start3A_696] : memref<2x32x81x128xi32, #tpu.memory_space<hbm>> -> memref<1x1x81x128xi32, #tpu.memory_space<hbm>>
      %dma_start3A_698 = tpu.memref_squeeze %dma_start3A_697 : memref<1x1x81x128xi32, #tpu.memory_space<hbm>> -> memref<81x128xi32, #tpu.memory_space<hbm>>
      %dma_start3A_699 = arith.constant 0 : i32
      %dma_start3A_700 = arith.constant 0 : i32
      %dma_start3A_701 = tpu.memref_slice %arg2[%run_scoped3A_13, %add3A, %dma_start3A_699, %dma_start3A_700] : memref<2x32x81x128xi32, #tpu.memory_space<hbm>> -> memref<1x1x81x128xi32, #tpu.memory_space<hbm>>
      %dma_start3A_702 = tpu.memref_squeeze %dma_start3A_701 : memref<1x1x81x128xi32, #tpu.memory_space<hbm>> -> memref<81x128xi32, #tpu.memory_space<hbm>>
      tpu.enqueue_dma source(%dma_start3A_702 : memref<81x128xi32, #tpu.memory_space<hbm>>) target(%arg6 : memref<81x128xi32, #tpu.memory_space<vmem>>) target_semaphore(%run_scoped3A_694 : memref<!tpu.dma_semaphore, #tpu.memory_space<semaphore_mem>>)
      %dma_wait3A_703 = arith.constant 0 : i32
      %dma_wait3A_704 = arith.constant 0 : i32
      %dma_wait3A_705 = tpu.memref_slice %arg2[%run_scoped3A_13, %add3A, %dma_wait3A_703, %dma_wait3A_704] : memref<2x32x81x128xi32, #tpu.memory_space<hbm>> -> memref<1x1x81x128xi32, #tpu.memory_space<hbm>>
      %dma_wait3A_706 = tpu.memref_squeeze %dma_wait3A_705 : memref<1x1x81x128xi32, #tpu.memory_space<hbm>> -> memref<81x128xi32, #tpu.memory_space<hbm>>
      %dma_wait3A_707 = arith.constant 0 : i32
      %dma_wait3A_708 = arith.constant 0 : i32
      %dma_wait3A_709 = tpu.memref_slice %arg2[%run_scoped3A_13, %add3A, %dma_wait3A_707, %dma_wait3A_708] : memref<2x32x81x128xi32, #tpu.memory_space<hbm>> -> memref<1x1x81x128xi32, #tpu.memory_space<hbm>>
      %dma_wait3A_710 = tpu.memref_squeeze %dma_wait3A_709 : memref<1x1x81x128xi32, #tpu.memory_space<hbm>> -> memref<81x128xi32, #tpu.memory_space<hbm>>
      tpu.wait_dma2 semaphore(%run_scoped3A_694 : memref<!tpu.dma_semaphore, #tpu.memory_space<semaphore_mem>>) src(%dma_wait3A_710 : memref<81x128xi32, #tpu.memory_space<hbm>>) dst(%arg6 : memref<81x128xi32, #tpu.memory_space<vmem>>)
      tpu.yield
    }) : () -> ()
    %scan3A_14 = arith.constant 0 : i32
    %scan3A_15 = arith.constant 0 : i32
    %scan3A_16 = arith.constant 10 : i32
    %scan3A_17 = arith.addi %scan3A_15, %scan3A_16 : i32
    %scan3A_18 = arith.constant 1 : i32
    scf.for %scan3A_694 = %scan3A_15 to %scan3A_17 step %scan3A_18  : i32 {
      %mul3A_695 = arith.constant 1280 : i32
      %mul3A_696 = arith.muli %arg1, %mul3A_695 : i32
      %dma_wait3A_697 = arith.constant 0 : i32
      %dma_wait3A_698 = tpu.memref_slice %arg10[%mul3A_696, %dma_wait3A_697] : memref<20480x64xf32, #tpu.memory_space<vmem_shared>> -> memref<128x64xf32, #tpu.memory_space<vmem_shared>>
      %dma_wait3A_699 = arith.constant 0 : i32
      %dma_wait3A_700 = tpu.memref_slice %arg10[%mul3A_696, %dma_wait3A_699] : memref<20480x64xf32, #tpu.memory_space<vmem_shared>> -> memref<128x64xf32, #tpu.memory_space<vmem_shared>>
      tpu.wait_dma2 semaphore(%arg11 : memref<!tpu.dma_semaphore, #tpu.memory_space<semaphore_mem>>) src(%arg7 : memref<128x64xf32, #tpu.memory_space<vmem>>) dst(%dma_wait3A_700 : memref<128x64xf32, #tpu.memory_space<vmem_shared>>)
    }
    %scan3A_19 = arith.constant 10 : i32
    %barrier3A = arith.constant 0 : index
    tpu.barrier barrier_id(%barrier3A)
    %get3A = arith.constant 0 : i32
    %get3A_20 = arith.index_cast %get3A : i32 to index
    %get3A_21 = arith.constant 0 : index
    %get3A_22 = tpu.vector_load %arg5[%get3A_20, %get3A_21] {strides = array<i32>} : memref<81x128xi32, #tpu.memory_space<vmem>>, vector<1x16xi32>,
    %get3A_23 = vector.shape_cast %get3A_22 : vector<1x16xi32> to vector<16xi32>
    %ge3A = arith.constant 25000 : i32
    %ge3A_24 = vector.broadcast %ge3A : i32 to vector<16xi32>
    %ge3A_25 = arith.cmpi sge, %get3A_23, %ge3A_24 : vector<16xi32>
    %broadcast_in_dim3A_26 = arith.constant 49999 : i32
    %broadcast_in_dim3A_27 = vector.broadcast %broadcast_in_dim3A_26 : i32 to vector<16xi32>
    %broadcast_in_dim3A_28 = arith.constant 0 : i32
    %broadcast_in_dim3A_29 = vector.broadcast %broadcast_in_dim3A_28 : i32 to vector<16xi32>
    %select_n3A = arith.select %ge3A_25, %broadcast_in_dim3A_27, %broadcast_in_dim3A_29 : vector<16xi1>, vector<16xi32>
    %mul3A_30 = arith.constant 2 : i32
    %mul3A_31 = vector.broadcast %mul3A_30 : i32 to vector<16xi32>
    %mul3A_32 = arith.muli %get3A_23, %mul3A_31 : vector<16xi32>
    %sub3A = arith.subi %mul3A_32, %select_n3A : vector<16xi32>
    %swap3A = arith.constant 0 : i32
    %swap3A_33 = arith.index_cast %swap3A : i32 to index
    %swap3A_34 = arith.constant 0 : index
    %swap3A_35 = tpu.vector_load %arg5[%swap3A_33, %swap3A_34] {strides = array<i32>} : memref<81x128xi32, #tpu.memory_space<vmem>>, vector<1x16xi32>,
    %swap3A_36 = vector.shape_cast %swap3A_35 : vector<1x16xi32> to vector<16xi32>
    %swap3A_37 = vector.shape_cast %sub3A : vector<16xi32> to vector<1x16xi32>
    tpu.vector_store %arg5[%swap3A_33, %swap3A_34], %swap3A_37 {strides = array<i32>} : memref<81x128xi32, #tpu.memory_space<vmem>>, vector<1x16xi32>,
    %get3A_38 = arith.constant 0 : i32
    %get3A_39 = arith.index_cast %get3A_38 : i32 to index
    %get3A_40 = arith.constant 16 : index
    %get3A_41 = tpu.vector_load %arg5[%get3A_39, %get3A_40] {strides = array<i32>} : memref<81x128xi32, #tpu.memory_space<vmem>>, vector<1x16xi32>,
    %get3A_42 = vector.shape_cast %get3A_41 : vector<1x16xi32> to vector<16xi32>
    %ge3A_43 = arith.constant 25000 : i32
    %ge3A_44 = vector.broadcast %ge3A_43 : i32 to vector<16xi32>
    %ge3A_45 = arith.cmpi sge, %get3A_42, %ge3A_44 : vector<16xi32>
    %broadcast_in_dim3A_46 = arith.constant 49999 : i32
    %broadcast_in_dim3A_47 = vector.broadcast %broadcast_in_dim3A_46 : i32 to vector<16xi32>
    %broadcast_in_dim3A_48 = arith.constant 0 : i32
    %broadcast_in_dim3A_49 = vector.broadcast %broadcast_in_dim3A_48 : i32 to vector<16xi32>
    %select_n3A_50 = arith.select %ge3A_45, %broadcast_in_dim3A_47, %broadcast_in_dim3A_49 : vector<16xi1>, vector<16xi32>
    %mul3A_51 = arith.constant 2 : i32
    %mul3A_52 = vector.broadcast %mul3A_51 : i32 to vector<16xi32>
    %mul3A_53 = arith.muli %get3A_42, %mul3A_52 : vector<16xi32>
    %sub3A_54 = arith.subi %mul3A_53, %select_n3A_50 : vector<16xi32>
    %swap3A_55 = arith.constant 0 : i32
    %swap3A_56 = arith.index_cast %swap3A_55 : i32 to index
    %swap3A_57 = arith.constant 16 : index
    %swap3A_58 = tpu.vector_load %arg5[%swap3A_56, %swap3A_57] {strides = array<i32>} : memref<81x128xi32, #tpu.memory_space<vmem>>, vector<1x16xi32>,
    %swap3A_59 = vector.shape_cast %swap3A_58 : vector<1x16xi32> to vector<16xi32>
    %swap3A_60 = vector.shape_cast %sub3A_54 : vector<16xi32> to vector<1x16xi32>
    tpu.vector_store %arg5[%swap3A_56, %swap3A_57], %swap3A_60 {strides = array<i32>} : memref<81x128xi32, #tpu.memory_space<vmem>>, vector<1x16xi32>,
    %get3A_61 = arith.constant 0 : i32
    %get3A_62 = arith.index_cast %get3A_61 : i32 to index
    %get3A_63 = arith.constant 32 : index
    %get3A_64 = tpu.vector_load %arg5[%get3A_62, %get3A_63] {strides = array<i32>} : memref<81x128xi32, #tpu.memory_space<vmem>>, vector<1x16xi32>,
    %get3A_65 = vector.shape_cast %get3A_64 : vector<1x16xi32> to vector<16xi32>
    %ge3A_66 = arith.constant 25000 : i32
    %ge3A_67 = vector.broadcast %ge3A_66 : i32 to vector<16xi32>
    %ge3A_68 = arith.cmpi sge, %get3A_65, %ge3A_67 : vector<16xi32>
    %broadcast_in_dim3A_69 = arith.constant 49999 : i32
    %broadcast_in_dim3A_70 = vector.broadcast %broadcast_in_dim3A_69 : i32 to vector<16xi32>
    %broadcast_in_dim3A_71 = arith.constant 0 : i32
    %broadcast_in_dim3A_72 = vector.broadcast %broadcast_in_dim3A_71 : i32 to vector<16xi32>
    %select_n3A_73 = arith.select %ge3A_68, %broadcast_in_dim3A_70, %broadcast_in_dim3A_72 : vector<16xi1>, vector<16xi32>
    %mul3A_74 = arith.constant 2 : i32
    %mul3A_75 = vector.broadcast %mul3A_74 : i32 to vector<16xi32>
    %mul3A_76 = arith.muli %get3A_65, %mul3A_75 : vector<16xi32>
    %sub3A_77 = arith.subi %mul3A_76, %select_n3A_73 : vector<16xi32>
    %swap3A_78 = arith.constant 0 : i32
    %swap3A_79 = arith.index_cast %swap3A_78 : i32 to index
    %swap3A_80 = arith.constant 32 : index
    %swap3A_81 = tpu.vector_load %arg5[%swap3A_79, %swap3A_80] {strides = array<i32>} : memref<81x128xi32, #tpu.memory_space<vmem>>, vector<1x16xi32>,
    %swap3A_82 = vector.shape_cast %swap3A_81 : vector<1x16xi32> to vector<16xi32>
    %swap3A_83 = vector.shape_cast %sub3A_77 : vector<16xi32> to vector<1x16xi32>
    tpu.vector_store %arg5[%swap3A_79, %swap3A_80], %swap3A_83 {strides = array<i32>} : memref<81x128xi32, #tpu.memory_space<vmem>>, vector<1x16xi32>,
    %get3A_84 = arith.constant 0 : i32
    %get3A_85 = arith.index_cast %get3A_84 : i32 to index
    %get3A_86 = arith.constant 48 : index
    %get3A_87 = tpu.vector_load %arg5[%get3A_85, %get3A_86] {strides = array<i32>} : memref<81x128xi32, #tpu.memory_space<vmem>>, vector<1x16xi32>,
    %get3A_88 = vector.shape_cast %get3A_87 : vector<1x16xi32> to vector<16xi32>
    %ge3A_89 = arith.constant 25000 : i32
    %ge3A_90 = vector.broadcast %ge3A_89 : i32 to vector<16xi32>
    %ge3A_91 = arith.cmpi sge, %get3A_88, %ge3A_90 : vector<16xi32>
    %broadcast_in_dim3A_92 = arith.constant 49999 : i32
    %broadcast_in_dim3A_93 = vector.broadcast %broadcast_in_dim3A_92 : i32 to vector<16xi32>
    %broadcast_in_dim3A_94 = arith.constant 0 : i32
    %broadcast_in_dim3A_95 = vector.broadcast %broadcast_in_dim3A_94 : i32 to vector<16xi32>
    %select_n3A_96 = arith.select %ge3A_91, %broadcast_in_dim3A_93, %broadcast_in_dim3A_95 : vector<16xi1>, vector<16xi32>
    %mul3A_97 = arith.constant 2 : i32
    %mul3A_98 = vector.broadcast %mul3A_97 : i32 to vector<16xi32>
    %mul3A_99 = arith.muli %get3A_88, %mul3A_98 : vector<16xi32>
    %sub3A_100 = arith.subi %mul3A_99, %select_n3A_96 : vector<16xi32>
    %swap3A_101 = arith.constant 0 : i32
    %swap3A_102 = arith.index_cast %swap3A_101 : i32 to index
    %swap3A_103 = arith.constant 48 : index
    %swap3A_104 = tpu.vector_load %arg5[%swap3A_102, %swap3A_103] {strides = array<i32>} : memref<81x128xi32, #tpu.memory_space<vmem>>, vector<1x16xi32>,
    %swap3A_105 = vector.shape_cast %swap3A_104 : vector<1x16xi32> to vector<16xi32>
    %swap3A_106 = vector.shape_cast %sub3A_100 : vector<16xi32> to vector<1x16xi32>
    tpu.vector_store %arg5[%swap3A_102, %swap3A_103], %swap3A_106 {strides = array<i32>} : memref<81x128xi32, #tpu.memory_space<vmem>>, vector<1x16xi32>,
    %get3A_107 = arith.constant 0 : i32
    %get3A_108 = arith.index_cast %get3A_107 : i32 to index
    %get3A_109 = arith.constant 64 : index
    %get3A_110 = tpu.vector_load %arg5[%get3A_108, %get3A_109] {strides = array<i32>} : memref<81x128xi32, #tpu.memory_space<vmem>>, vector<1x16xi32>,
    %get3A_111 = vector.shape_cast %get3A_110 : vector<1x16xi32> to vector<16xi32>
    %ge3A_112 = arith.constant 25000 : i32
    %ge3A_113 = vector.broadcast %ge3A_112 : i32 to vector<16xi32>
    %ge3A_114 = arith.cmpi sge, %get3A_111, %ge3A_113 : vector<16xi32>
    %broadcast_in_dim3A_115 = arith.constant 49999 : i32
    %broadcast_in_dim3A_116 = vector.broadcast %broadcast_in_dim3A_115 : i32 to vector<16xi32>
    %broadcast_in_dim3A_117 = arith.constant 0 : i32
    %broadcast_in_dim3A_118 = vector.broadcast %broadcast_in_dim3A_117 : i32 to vector<16xi32>
    %select_n3A_119 = arith.select %ge3A_114, %broadcast_in_dim3A_116, %broadcast_in_dim3A_118 : vector<16xi1>, vector<16xi32>
    %mul3A_120 = arith.constant 2 : i32
    %mul3A_121 = vector.broadcast %mul3A_120 : i32 to vector<16xi32>
    %mul3A_122 = arith.muli %get3A_111, %mul3A_121 : vector<16xi32>
    %sub3A_123 = arith.subi %mul3A_122, %select_n3A_119 : vector<16xi32>
    %swap3A_124 = arith.constant 0 : i32
    %swap3A_125 = arith.index_cast %swap3A_124 : i32 to index
    %swap3A_126 = arith.constant 64 : index
    %swap3A_127 = tpu.vector_load %arg5[%swap3A_125, %swap3A_126] {strides = array<i32>} : memref<81x128xi32, #tpu.memory_space<vmem>>, vector<1x16xi32>,
    %swap3A_128 = vector.shape_cast %swap3A_127 : vector<1x16xi32> to vector<16xi32>
    %swap3A_129 = vector.shape_cast %sub3A_123 : vector<16xi32> to vector<1x16xi32>
    tpu.vector_store %arg5[%swap3A_125, %swap3A_126], %swap3A_129 {strides = array<i32>} : memref<81x128xi32, #tpu.memory_space<vmem>>, vector<1x16xi32>,
    %get3A_130 = arith.constant 0 : i32
    %get3A_131 = arith.index_cast %get3A_130 : i32 to index
    %get3A_132 = arith.constant 80 : index
    %get3A_133 = tpu.vector_load %arg5[%get3A_131, %get3A_132] {strides = array<i32>} : memref<81x128xi32, #tpu.memory_space<vmem>>, vector<1x16xi32>,
    %get3A_134 = vector.shape_cast %get3A_133 : vector<1x16xi32> to vector<16xi32>
    %ge3A_135 = arith.constant 25000 : i32
    %ge3A_136 = vector.broadcast %ge3A_135 : i32 to vector<16xi32>
    %ge3A_137 = arith.cmpi sge, %get3A_134, %ge3A_136 : vector<16xi32>
    %broadcast_in_dim3A_138 = arith.constant 49999 : i32
    %broadcast_in_dim3A_139 = vector.broadcast %broadcast_in_dim3A_138 : i32 to vector<16xi32>
    %broadcast_in_dim3A_140 = arith.constant 0 : i32
    %broadcast_in_dim3A_141 = vector.broadcast %broadcast_in_dim3A_140 : i32 to vector<16xi32>
    %select_n3A_142 = arith.select %ge3A_137, %broadcast_in_dim3A_139, %broadcast_in_dim3A_141 : vector<16xi1>, vector<16xi32>
    %mul3A_143 = arith.constant 2 : i32
    %mul3A_144 = vector.broadcast %mul3A_143 : i32 to vector<16xi32>
    %mul3A_145 = arith.muli %get3A_134, %mul3A_144 : vector<16xi32>
    %sub3A_146 = arith.subi %mul3A_145, %select_n3A_142 : vector<16xi32>
    %swap3A_147 = arith.constant 0 : i32
    %swap3A_148 = arith.index_cast %swap3A_147 : i32 to index
    %swap3A_149 = arith.constant 80 : index
    %swap3A_150 = tpu.vector_load %arg5[%swap3A_148, %swap3A_149] {strides = array<i32>} : memref<81x128xi32, #tpu.memory_space<vmem>>, vector<1x16xi32>,
    %swap3A_151 = vector.shape_cast %swap3A_150 : vector<1x16xi32> to vector<16xi32>
    %swap3A_152 = vector.shape_cast %sub3A_146 : vector<16xi32> to vector<1x16xi32>
    tpu.vector_store %arg5[%swap3A_148, %swap3A_149], %swap3A_152 {strides = array<i32>} : memref<81x128xi32, #tpu.memory_space<vmem>>, vector<1x16xi32>,
    %get3A_153 = arith.constant 0 : i32
    %get3A_154 = arith.index_cast %get3A_153 : i32 to index
    %get3A_155 = arith.constant 96 : index
    %get3A_156 = tpu.vector_load %arg5[%get3A_154, %get3A_155] {strides = array<i32>} : memref<81x128xi32, #tpu.memory_space<vmem>>, vector<1x16xi32>,
    %get3A_157 = vector.shape_cast %get3A_156 : vector<1x16xi32> to vector<16xi32>
    %ge3A_158 = arith.constant 25000 : i32
    %ge3A_159 = vector.broadcast %ge3A_158 : i32 to vector<16xi32>
    %ge3A_160 = arith.cmpi sge, %get3A_157, %ge3A_159 : vector<16xi32>
    %broadcast_in_dim3A_161 = arith.constant 49999 : i32
    %broadcast_in_dim3A_162 = vector.broadcast %broadcast_in_dim3A_161 : i32 to vector<16xi32>
    %broadcast_in_dim3A_163 = arith.constant 0 : i32
    %broadcast_in_dim3A_164 = vector.broadcast %broadcast_in_dim3A_163 : i32 to vector<16xi32>
    %select_n3A_165 = arith.select %ge3A_160, %broadcast_in_dim3A_162, %broadcast_in_dim3A_164 : vector<16xi1>, vector<16xi32>
    %mul3A_166 = arith.constant 2 : i32
    %mul3A_167 = vector.broadcast %mul3A_166 : i32 to vector<16xi32>
    %mul3A_168 = arith.muli %get3A_157, %mul3A_167 : vector<16xi32>
    %sub3A_169 = arith.subi %mul3A_168, %select_n3A_165 : vector<16xi32>
    %swap3A_170 = arith.constant 0 : i32
    %swap3A_171 = arith.index_cast %swap3A_170 : i32 to index
    %swap3A_172 = arith.constant 96 : index
    %swap3A_173 = tpu.vector_load %arg5[%swap3A_171, %swap3A_172] {strides = array<i32>} : memref<81x128xi32, #tpu.memory_space<vmem>>, vector<1x16xi32>,
    %swap3A_174 = vector.shape_cast %swap3A_173 : vector<1x16xi32> to vector<16xi32>
    %swap3A_175 = vector.shape_cast %sub3A_169 : vector<16xi32> to vector<1x16xi32>
    tpu.vector_store %arg5[%swap3A_171, %swap3A_172], %swap3A_175 {strides = array<i32>} : memref<81x128xi32, #tpu.memory_space<vmem>>, vector<1x16xi32>,
    %get3A_176 = arith.constant 0 : i32
    %get3A_177 = arith.index_cast %get3A_176 : i32 to index
    %get3A_178 = arith.constant 112 : index
    %get3A_179 = tpu.vector_load %arg5[%get3A_177, %get3A_178] {strides = array<i32>} : memref<81x128xi32, #tpu.memory_space<vmem>>, vector<1x16xi32>,
    %get3A_180 = vector.shape_cast %get3A_179 : vector<1x16xi32> to vector<16xi32>
    %ge3A_181 = arith.constant 25000 : i32
    %ge3A_182 = vector.broadcast %ge3A_181 : i32 to vector<16xi32>
    %ge3A_183 = arith.cmpi sge, %get3A_180, %ge3A_182 : vector<16xi32>
    %broadcast_in_dim3A_184 = arith.constant 49999 : i32
    %broadcast_in_dim3A_185 = vector.broadcast %broadcast_in_dim3A_184 : i32 to vector<16xi32>
    %broadcast_in_dim3A_186 = arith.constant 0 : i32
    %broadcast_in_dim3A_187 = vector.broadcast %broadcast_in_dim3A_186 : i32 to vector<16xi32>
    %select_n3A_188 = arith.select %ge3A_183, %broadcast_in_dim3A_185, %broadcast_in_dim3A_187 : vector<16xi1>, vector<16xi32>
    %mul3A_189 = arith.constant 2 : i32
    %mul3A_190 = vector.broadcast %mul3A_189 : i32 to vector<16xi32>
    %mul3A_191 = arith.muli %get3A_180, %mul3A_190 : vector<16xi32>
    %sub3A_192 = arith.subi %mul3A_191, %select_n3A_188 : vector<16xi32>
    %swap3A_193 = arith.constant 0 : i32
    %swap3A_194 = arith.index_cast %swap3A_193 : i32 to index
    %swap3A_195 = arith.constant 112 : index
    %swap3A_196 = tpu.vector_load %arg5[%swap3A_194, %swap3A_195] {strides = array<i32>} : memref<81x128xi32, #tpu.memory_space<vmem>>, vector<1x16xi32>,
    %swap3A_197 = vector.shape_cast %swap3A_196 : vector<1x16xi32> to vector<16xi32>
    %swap3A_198 = vector.shape_cast %sub3A_192 : vector<16xi32> to vector<1x16xi32>
    tpu.vector_store %arg5[%swap3A_194, %swap3A_195], %swap3A_198 {strides = array<i32>} : memref<81x128xi32, #tpu.memory_space<vmem>>, vector<1x16xi32>,
    %dma_start3A = arith.constant 0 : i32
    %dma_start3A_199 = arith.constant 0 : i32
    %dma_start3A_200 = tpu.memref_slice %arg5[%dma_start3A, %dma_start3A_199] : memref<81x128xi32, #tpu.memory_space<vmem>> -> memref<1x128xi32, #tpu.memory_space<vmem>>
    %dma_start3A_201 = tpu.memref_squeeze %dma_start3A_200 : memref<1x128xi32, #tpu.memory_space<vmem>> -> memref<128xi32, #tpu.memory_space<vmem>>
    %dma_start3A_202 = arith.constant 0 : i32
    %dma_start3A_203 = arith.constant 0 : i32
    %dma_start3A_204 = tpu.memref_slice %arg3[%dma_start3A_202, %dma_start3A_203] : memref<50000x64xf32, #tpu.memory_space<hbm>> -> memref<50000x64xf32, #tpu.memory_space<hbm>>
    tpu.enqueue_indirect_dma source(%dma_start3A_204 : memref<50000x64xf32, #tpu.memory_space<hbm>>) target(%arg7 : memref<128x64xf32, #tpu.memory_space<vmem>>) offsets(%dma_start3A_201 : memref<128xi32, #tpu.memory_space<vmem>>) semaphore(%arg11 : memref<!tpu.dma_semaphore, #tpu.memory_space<semaphore_mem>>)
    %get3A_205 = arith.constant 1 : i32
    %get3A_206 = arith.index_cast %get3A_205 : i32 to index
    %get3A_207 = arith.constant 0 : index
    %get3A_208 = tpu.vector_load %arg5[%get3A_206, %get3A_207] {strides = array<i32>} : memref<81x128xi32, #tpu.memory_space<vmem>>, vector<1x16xi32>,
    %get3A_209 = vector.shape_cast %get3A_208 : vector<1x16xi32> to vector<16xi32>
    %ge3A_210 = arith.constant 25000 : i32
    %ge3A_211 = vector.broadcast %ge3A_210 : i32 to vector<16xi32>
    %ge3A_212 = arith.cmpi sge, %get3A_209, %ge3A_211 : vector<16xi32>
    %broadcast_in_dim3A_213 = arith.constant 49999 : i32
    %broadcast_in_dim3A_214 = vector.broadcast %broadcast_in_dim3A_213 : i32 to vector<16xi32>
    %broadcast_in_dim3A_215 = arith.constant 0 : i32
    %broadcast_in_dim3A_216 = vector.broadcast %broadcast_in_dim3A_215 : i32 to vector<16xi32>
    %select_n3A_217 = arith.select %ge3A_212, %broadcast_in_dim3A_214, %broadcast_in_dim3A_216 : vector<16xi1>, vector<16xi32>
    %mul3A_218 = arith.constant 2 : i32
    %mul3A_219 = vector.broadcast %mul3A_218 : i32 to vector<16xi32>
    %mul3A_220 = arith.muli %get3A_209, %mul3A_219 : vector<16xi32>
    %sub3A_221 = arith.subi %mul3A_220, %select_n3A_217 : vector<16xi32>
    %swap3A_222 = arith.constant 1 : i32
    %swap3A_223 = arith.index_cast %swap3A_222 : i32 to index
    %swap3A_224 = arith.constant 0 : index
    %swap3A_225 = tpu.vector_load %arg5[%swap3A_223, %swap3A_224] {strides = array<i32>} : memref<81x128xi32, #tpu.memory_space<vmem>>, vector<1x16xi32>,
    %swap3A_226 = vector.shape_cast %swap3A_225 : vector<1x16xi32> to vector<16xi32>
    %swap3A_227 = vector.shape_cast %sub3A_221 : vector<16xi32> to vector<1x16xi32>
    tpu.vector_store %arg5[%swap3A_223, %swap3A_224], %swap3A_227 {strides = array<i32>} : memref<81x128xi32, #tpu.memory_space<vmem>>, vector<1x16xi32>,
    %get3A_228 = arith.constant 1 : i32
    %get3A_229 = arith.index_cast %get3A_228 : i32 to index
    %get3A_230 = arith.constant 16 : index
    %get3A_231 = tpu.vector_load %arg5[%get3A_229, %get3A_230] {strides = array<i32>} : memref<81x128xi32, #tpu.memory_space<vmem>>, vector<1x16xi32>,
    %get3A_232 = vector.shape_cast %get3A_231 : vector<1x16xi32> to vector<16xi32>
    %ge3A_233 = arith.constant 25000 : i32
    %ge3A_234 = vector.broadcast %ge3A_233 : i32 to vector<16xi32>
    %ge3A_235 = arith.cmpi sge, %get3A_232, %ge3A_234 : vector<16xi32>
    %broadcast_in_dim3A_236 = arith.constant 49999 : i32
    %broadcast_in_dim3A_237 = vector.broadcast %broadcast_in_dim3A_236 : i32 to vector<16xi32>
    %broadcast_in_dim3A_238 = arith.constant 0 : i32
    %broadcast_in_dim3A_239 = vector.broadcast %broadcast_in_dim3A_238 : i32 to vector<16xi32>
    %select_n3A_240 = arith.select %ge3A_235, %broadcast_in_dim3A_237, %broadcast_in_dim3A_239 : vector<16xi1>, vector<16xi32>
    %mul3A_241 = arith.constant 2 : i32
    %mul3A_242 = vector.broadcast %mul3A_241 : i32 to vector<16xi32>
    %mul3A_243 = arith.muli %get3A_232, %mul3A_242 : vector<16xi32>
    %sub3A_244 = arith.subi %mul3A_243, %select_n3A_240 : vector<16xi32>
    %swap3A_245 = arith.constant 1 : i32
    %swap3A_246 = arith.index_cast %swap3A_245 : i32 to index
    %swap3A_247 = arith.constant 16 : index
    %swap3A_248 = tpu.vector_load %arg5[%swap3A_246, %swap3A_247] {strides = array<i32>} : memref<81x128xi32, #tpu.memory_space<vmem>>, vector<1x16xi32>,
    %swap3A_249 = vector.shape_cast %swap3A_248 : vector<1x16xi32> to vector<16xi32>
    %swap3A_250 = vector.shape_cast %sub3A_244 : vector<16xi32> to vector<1x16xi32>
    tpu.vector_store %arg5[%swap3A_246, %swap3A_247], %swap3A_250 {strides = array<i32>} : memref<81x128xi32, #tpu.memory_space<vmem>>, vector<1x16xi32>,
    %get3A_251 = arith.constant 1 : i32
    %get3A_252 = arith.index_cast %get3A_251 : i32 to index
    %get3A_253 = arith.constant 32 : index
    %get3A_254 = tpu.vector_load %arg5[%get3A_252, %get3A_253] {strides = array<i32>} : memref<81x128xi32, #tpu.memory_space<vmem>>, vector<1x16xi32>,
    %get3A_255 = vector.shape_cast %get3A_254 : vector<1x16xi32> to vector<16xi32>
    %ge3A_256 = arith.constant 25000 : i32
    %ge3A_257 = vector.broadcast %ge3A_256 : i32 to vector<16xi32>
    %ge3A_258 = arith.cmpi sge, %get3A_255, %ge3A_257 : vector<16xi32>
    %broadcast_in_dim3A_259 = arith.constant 49999 : i32
    %broadcast_in_dim3A_260 = vector.broadcast %broadcast_in_dim3A_259 : i32 to vector<16xi32>
    %broadcast_in_dim3A_261 = arith.constant 0 : i32
    %broadcast_in_dim3A_262 = vector.broadcast %broadcast_in_dim3A_261 : i32 to vector<16xi32>
    %select_n3A_263 = arith.select %ge3A_258, %broadcast_in_dim3A_260, %broadcast_in_dim3A_262 : vector<16xi1>, vector<16xi32>
    %mul3A_264 = arith.constant 2 : i32
    %mul3A_265 = vector.broadcast %mul3A_264 : i32 to vector<16xi32>
    %mul3A_266 = arith.muli %get3A_255, %mul3A_265 : vector<16xi32>
    %sub3A_267 = arith.subi %mul3A_266, %select_n3A_263 : vector<16xi32>
    %swap3A_268 = arith.constant 1 : i32
    %swap3A_269 = arith.index_cast %swap3A_268 : i32 to index
    %swap3A_270 = arith.constant 32 : index
    %swap3A_271 = tpu.vector_load %arg5[%swap3A_269, %swap3A_270] {strides = array<i32>} : memref<81x128xi32, #tpu.memory_space<vmem>>, vector<1x16xi32>,
    %swap3A_272 = vector.shape_cast %swap3A_271 : vector<1x16xi32> to vector<16xi32>
    %swap3A_273 = vector.shape_cast %sub3A_267 : vector<16xi32> to vector<1x16xi32>
    tpu.vector_store %arg5[%swap3A_269, %swap3A_270], %swap3A_273 {strides = array<i32>} : memref<81x128xi32, #tpu.memory_space<vmem>>, vector<1x16xi32>,
    %get3A_274 = arith.constant 1 : i32
    %get3A_275 = arith.index_cast %get3A_274 : i32 to index
    %get3A_276 = arith.constant 48 : index
    %get3A_277 = tpu.vector_load %arg5[%get3A_275, %get3A_276] {strides = array<i32>} : memref<81x128xi32, #tpu.memory_space<vmem>>, vector<1x16xi32>,
    %get3A_278 = vector.shape_cast %get3A_277 : vector<1x16xi32> to vector<16xi32>
    %ge3A_279 = arith.constant 25000 : i32
    %ge3A_280 = vector.broadcast %ge3A_279 : i32 to vector<16xi32>
    %ge3A_281 = arith.cmpi sge, %get3A_278, %ge3A_280 : vector<16xi32>
    %broadcast_in_dim3A_282 = arith.constant 49999 : i32
    %broadcast_in_dim3A_283 = vector.broadcast %broadcast_in_dim3A_282 : i32 to vector<16xi32>
    %broadcast_in_dim3A_284 = arith.constant 0 : i32
    %broadcast_in_dim3A_285 = vector.broadcast %broadcast_in_dim3A_284 : i32 to vector<16xi32>
    %select_n3A_286 = arith.select %ge3A_281, %broadcast_in_dim3A_283, %broadcast_in_dim3A_285 : vector<16xi1>, vector<16xi32>
    %mul3A_287 = arith.constant 2 : i32
    %mul3A_288 = vector.broadcast %mul3A_287 : i32 to vector<16xi32>
    %mul3A_289 = arith.muli %get3A_278, %mul3A_288 : vector<16xi32>
    %sub3A_290 = arith.subi %mul3A_289, %select_n3A_286 : vector<16xi32>
    %swap3A_291 = arith.constant 1 : i32
    %swap3A_292 = arith.index_cast %swap3A_291 : i32 to index
    %swap3A_293 = arith.constant 48 : index
    %swap3A_294 = tpu.vector_load %arg5[%swap3A_292, %swap3A_293] {strides = array<i32>} : memref<81x128xi32, #tpu.memory_space<vmem>>, vector<1x16xi32>,
    %swap3A_295 = vector.shape_cast %swap3A_294 : vector<1x16xi32> to vector<16xi32>
    %swap3A_296 = vector.shape_cast %sub3A_290 : vector<16xi32> to vector<1x16xi32>
    tpu.vector_store %arg5[%swap3A_292, %swap3A_293], %swap3A_296 {strides = array<i32>} : memref<81x128xi32, #tpu.memory_space<vmem>>, vector<1x16xi32>,
    %get3A_297 = arith.constant 1 : i32
    %get3A_298 = arith.index_cast %get3A_297 : i32 to index
    %get3A_299 = arith.constant 64 : index
    %get3A_300 = tpu.vector_load %arg5[%get3A_298, %get3A_299] {strides = array<i32>} : memref<81x128xi32, #tpu.memory_space<vmem>>, vector<1x16xi32>,
    %get3A_301 = vector.shape_cast %get3A_300 : vector<1x16xi32> to vector<16xi32>
    %ge3A_302 = arith.constant 25000 : i32
    %ge3A_303 = vector.broadcast %ge3A_302 : i32 to vector<16xi32>
    %ge3A_304 = arith.cmpi sge, %get3A_301, %ge3A_303 : vector<16xi32>
    %broadcast_in_dim3A_305 = arith.constant 49999 : i32
    %broadcast_in_dim3A_306 = vector.broadcast %broadcast_in_dim3A_305 : i32 to vector<16xi32>
    %broadcast_in_dim3A_307 = arith.constant 0 : i32
    %broadcast_in_dim3A_308 = vector.broadcast %broadcast_in_dim3A_307 : i32 to vector<16xi32>
    %select_n3A_309 = arith.select %ge3A_304, %broadcast_in_dim3A_306, %broadcast_in_dim3A_308 : vector<16xi1>, vector<16xi32>
    %mul3A_310 = arith.constant 2 : i32
    %mul3A_311 = vector.broadcast %mul3A_310 : i32 to vector<16xi32>
    %mul3A_312 = arith.muli %get3A_301, %mul3A_311 : vector<16xi32>
    %sub3A_313 = arith.subi %mul3A_312, %select_n3A_309 : vector<16xi32>
    %swap3A_314 = arith.constant 1 : i32
    %swap3A_315 = arith.index_cast %swap3A_314 : i32 to index
    %swap3A_316 = arith.constant 64 : index
    %swap3A_317 = tpu.vector_load %arg5[%swap3A_315, %swap3A_316] {strides = array<i32>} : memref<81x128xi32, #tpu.memory_space<vmem>>, vector<1x16xi32>,
    %swap3A_318 = vector.shape_cast %swap3A_317 : vector<1x16xi32> to vector<16xi32>
    %swap3A_319 = vector.shape_cast %sub3A_313 : vector<16xi32> to vector<1x16xi32>
    tpu.vector_store %arg5[%swap3A_315, %swap3A_316], %swap3A_319 {strides = array<i32>} : memref<81x128xi32, #tpu.memory_space<vmem>>, vector<1x16xi32>,
    %get3A_320 = arith.constant 1 : i32
    %get3A_321 = arith.index_cast %get3A_320 : i32 to index
    %get3A_322 = arith.constant 80 : index
    %get3A_323 = tpu.vector_load %arg5[%get3A_321, %get3A_322] {strides = array<i32>} : memref<81x128xi32, #tpu.memory_space<vmem>>, vector<1x16xi32>,
    %get3A_324 = vector.shape_cast %get3A_323 : vector<1x16xi32> to vector<16xi32>
    %ge3A_325 = arith.constant 25000 : i32
    %ge3A_326 = vector.broadcast %ge3A_325 : i32 to vector<16xi32>
    %ge3A_327 = arith.cmpi sge, %get3A_324, %ge3A_326 : vector<16xi32>
    %broadcast_in_dim3A_328 = arith.constant 49999 : i32
    %broadcast_in_dim3A_329 = vector.broadcast %broadcast_in_dim3A_328 : i32 to vector<16xi32>
    %broadcast_in_dim3A_330 = arith.constant 0 : i32
    %broadcast_in_dim3A_331 = vector.broadcast %broadcast_in_dim3A_330 : i32 to vector<16xi32>
    %select_n3A_332 = arith.select %ge3A_327, %broadcast_in_dim3A_329, %broadcast_in_dim3A_331 : vector<16xi1>, vector<16xi32>
    %mul3A_333 = arith.constant 2 : i32
    %mul3A_334 = vector.broadcast %mul3A_333 : i32 to vector<16xi32>
    %mul3A_335 = arith.muli %get3A_324, %mul3A_334 : vector<16xi32>
    %sub3A_336 = arith.subi %mul3A_335, %select_n3A_332 : vector<16xi32>
    %swap3A_337 = arith.constant 1 : i32
    %swap3A_338 = arith.index_cast %swap3A_337 : i32 to index
    %swap3A_339 = arith.constant 80 : index
    %swap3A_340 = tpu.vector_load %arg5[%swap3A_338, %swap3A_339] {strides = array<i32>} : memref<81x128xi32, #tpu.memory_space<vmem>>, vector<1x16xi32>,
    %swap3A_341 = vector.shape_cast %swap3A_340 : vector<1x16xi32> to vector<16xi32>
    %swap3A_342 = vector.shape_cast %sub3A_336 : vector<16xi32> to vector<1x16xi32>
    tpu.vector_store %arg5[%swap3A_338, %swap3A_339], %swap3A_342 {strides = array<i32>} : memref<81x128xi32, #tpu.memory_space<vmem>>, vector<1x16xi32>,
    %get3A_343 = arith.constant 1 : i32
    %get3A_344 = arith.index_cast %get3A_343 : i32 to index
    %get3A_345 = arith.constant 96 : index
    %get3A_346 = tpu.vector_load %arg5[%get3A_344, %get3A_345] {strides = array<i32>} : memref<81x128xi32, #tpu.memory_space<vmem>>, vector<1x16xi32>,
    %get3A_347 = vector.shape_cast %get3A_346 : vector<1x16xi32> to vector<16xi32>
    %ge3A_348 = arith.constant 25000 : i32
    %ge3A_349 = vector.broadcast %ge3A_348 : i32 to vector<16xi32>
    %ge3A_350 = arith.cmpi sge, %get3A_347, %ge3A_349 : vector<16xi32>
    %broadcast_in_dim3A_351 = arith.constant 49999 : i32
    %broadcast_in_dim3A_352 = vector.broadcast %broadcast_in_dim3A_351 : i32 to vector<16xi32>
    %broadcast_in_dim3A_353 = arith.constant 0 : i32
    %broadcast_in_dim3A_354 = vector.broadcast %broadcast_in_dim3A_353 : i32 to vector<16xi32>
    %select_n3A_355 = arith.select %ge3A_350, %broadcast_in_dim3A_352, %broadcast_in_dim3A_354 : vector<16xi1>, vector<16xi32>
    %mul3A_356 = arith.constant 2 : i32
    %mul3A_357 = vector.broadcast %mul3A_356 : i32 to vector<16xi32>
    %mul3A_358 = arith.muli %get3A_347, %mul3A_357 : vector<16xi32>
    %sub3A_359 = arith.subi %mul3A_358, %select_n3A_355 : vector<16xi32>
    %swap3A_360 = arith.constant 1 : i32
    %swap3A_361 = arith.index_cast %swap3A_360 : i32 to index
    %swap3A_362 = arith.constant 96 : index
    %swap3A_363 = tpu.vector_load %arg5[%swap3A_361, %swap3A_362] {strides = array<i32>} : memref<81x128xi32, #tpu.memory_space<vmem>>, vector<1x16xi32>,
    %swap3A_364 = vector.shape_cast %swap3A_363 : vector<1x16xi32> to vector<16xi32>
    %swap3A_365 = vector.shape_cast %sub3A_359 : vector<16xi32> to vector<1x16xi32>
    tpu.vector_store %arg5[%swap3A_361, %swap3A_362], %swap3A_365 {strides = array<i32>} : memref<81x128xi32, #tpu.memory_space<vmem>>, vector<1x16xi32>,
    %get3A_366 = arith.constant 1 : i32
    %get3A_367 = arith.index_cast %get3A_366 : i32 to index
    %get3A_368 = arith.constant 112 : index
    %get3A_369 = tpu.vector_load %arg5[%get3A_367, %get3A_368] {strides = array<i32>} : memref<81x128xi32, #tpu.memory_space<vmem>>, vector<1x16xi32>,
    %get3A_370 = vector.shape_cast %get3A_369 : vector<1x16xi32> to vector<16xi32>
    %ge3A_371 = arith.constant 25000 : i32
    %ge3A_372 = vector.broadcast %ge3A_371 : i32 to vector<16xi32>
    %ge3A_373 = arith.cmpi sge, %get3A_370, %ge3A_372 : vector<16xi32>
    %broadcast_in_dim3A_374 = arith.constant 49999 : i32
    %broadcast_in_dim3A_375 = vector.broadcast %broadcast_in_dim3A_374 : i32 to vector<16xi32>
    %broadcast_in_dim3A_376 = arith.constant 0 : i32
    %broadcast_in_dim3A_377 = vector.broadcast %broadcast_in_dim3A_376 : i32 to vector<16xi32>
    %select_n3A_378 = arith.select %ge3A_373, %broadcast_in_dim3A_375, %broadcast_in_dim3A_377 : vector<16xi1>, vector<16xi32>
    %mul3A_379 = arith.constant 2 : i32
    %mul3A_380 = vector.broadcast %mul3A_379 : i32 to vector<16xi32>
    %mul3A_381 = arith.muli %get3A_370, %mul3A_380 : vector<16xi32>
    %sub3A_382 = arith.subi %mul3A_381, %select_n3A_378 : vector<16xi32>
    %swap3A_383 = arith.constant 1 : i32
    %swap3A_384 = arith.index_cast %swap3A_383 : i32 to index
    %swap3A_385 = arith.constant 112 : index
    %swap3A_386 = tpu.vector_load %arg5[%swap3A_384, %swap3A_385] {strides = array<i32>} : memref<81x128xi32, #tpu.memory_space<vmem>>, vector<1x16xi32>,
    %swap3A_387 = vector.shape_cast %swap3A_386 : vector<1x16xi32> to vector<16xi32>
    %swap3A_388 = vector.shape_cast %sub3A_382 : vector<16xi32> to vector<1x16xi32>
    tpu.vector_store %arg5[%swap3A_384, %swap3A_385], %swap3A_388 {strides = array<i32>} : memref<81x128xi32, #tpu.memory_space<vmem>>, vector<1x16xi32>,
    %dma_start3A_389 = arith.constant 1 : i32
    %dma_start3A_390 = arith.constant 0 : i32
    %dma_start3A_391 = tpu.memref_slice %arg5[%dma_start3A_389, %dma_start3A_390] : memref<81x128xi32, #tpu.memory_space<vmem>> -> memref<1x128xi32, #tpu.memory_space<vmem>>
    %dma_start3A_392 = tpu.memref_squeeze %dma_start3A_391 : memref<1x128xi32, #tpu.memory_space<vmem>> -> memref<128xi32, #tpu.memory_space<vmem>>
    %dma_start3A_393 = arith.constant 0 : i32
    %dma_start3A_394 = arith.constant 0 : i32
    %dma_start3A_395 = tpu.memref_slice %arg3[%dma_start3A_393, %dma_start3A_394] : memref<50000x64xf32, #tpu.memory_space<hbm>> -> memref<50000x64xf32, #tpu.memory_space<hbm>>
    tpu.enqueue_indirect_dma source(%dma_start3A_395 : memref<50000x64xf32, #tpu.memory_space<hbm>>) target(%arg8 : memref<128x64xf32, #tpu.memory_space<vmem>>) offsets(%dma_start3A_392 : memref<128xi32, #tpu.memory_space<vmem>>) semaphore(%arg12 : memref<!tpu.dma_semaphore, #tpu.memory_space<semaphore_mem>>)
    %get3A_396 = arith.constant 2 : i32
    %get3A_397 = arith.index_cast %get3A_396 : i32 to index
    %get3A_398 = arith.constant 0 : index
    %get3A_399 = tpu.vector_load %arg5[%get3A_397, %get3A_398] {strides = array<i32>} : memref<81x128xi32, #tpu.memory_space<vmem>>, vector<1x16xi32>,
    %get3A_400 = vector.shape_cast %get3A_399 : vector<1x16xi32> to vector<16xi32>
    %ge3A_401 = arith.constant 25000 : i32
    %ge3A_402 = vector.broadcast %ge3A_401 : i32 to vector<16xi32>
    %ge3A_403 = arith.cmpi sge, %get3A_400, %ge3A_402 : vector<16xi32>
    %broadcast_in_dim3A_404 = arith.constant 49999 : i32
    %broadcast_in_dim3A_405 = vector.broadcast %broadcast_in_dim3A_404 : i32 to vector<16xi32>
    %broadcast_in_dim3A_406 = arith.constant 0 : i32
    %broadcast_in_dim3A_407 = vector.broadcast %broadcast_in_dim3A_406 : i32 to vector<16xi32>
    %select_n3A_408 = arith.select %ge3A_403, %broadcast_in_dim3A_405, %broadcast_in_dim3A_407 : vector<16xi1>, vector<16xi32>
    %mul3A_409 = arith.constant 2 : i32
    %mul3A_410 = vector.broadcast %mul3A_409 : i32 to vector<16xi32>
    %mul3A_411 = arith.muli %get3A_400, %mul3A_410 : vector<16xi32>
    %sub3A_412 = arith.subi %mul3A_411, %select_n3A_408 : vector<16xi32>
    %swap3A_413 = arith.constant 2 : i32
    %swap3A_414 = arith.index_cast %swap3A_413 : i32 to index
    %swap3A_415 = arith.constant 0 : index
    %swap3A_416 = tpu.vector_load %arg5[%swap3A_414, %swap3A_415] {strides = array<i32>} : memref<81x128xi32, #tpu.memory_space<vmem>>, vector<1x16xi32>,
    %swap3A_417 = vector.shape_cast %swap3A_416 : vector<1x16xi32> to vector<16xi32>
    %swap3A_418 = vector.shape_cast %sub3A_412 : vector<16xi32> to vector<1x16xi32>
    tpu.vector_store %arg5[%swap3A_414, %swap3A_415], %swap3A_418 {strides = array<i32>} : memref<81x128xi32, #tpu.memory_space<vmem>>, vector<1x16xi32>,
    %get3A_419 = arith.constant 2 : i32
    %get3A_420 = arith.index_cast %get3A_419 : i32 to index
    %get3A_421 = arith.constant 16 : index
    %get3A_422 = tpu.vector_load %arg5[%get3A_420, %get3A_421] {strides = array<i32>} : memref<81x128xi32, #tpu.memory_space<vmem>>, vector<1x16xi32>,
    %get3A_423 = vector.shape_cast %get3A_422 : vector<1x16xi32> to vector<16xi32>
    %ge3A_424 = arith.constant 25000 : i32
    %ge3A_425 = vector.broadcast %ge3A_424 : i32 to vector<16xi32>
    %ge3A_426 = arith.cmpi sge, %get3A_423, %ge3A_425 : vector<16xi32>
    %broadcast_in_dim3A_427 = arith.constant 49999 : i32
    %broadcast_in_dim3A_428 = vector.broadcast %broadcast_in_dim3A_427 : i32 to vector<16xi32>
    %broadcast_in_dim3A_429 = arith.constant 0 : i32
    %broadcast_in_dim3A_430 = vector.broadcast %broadcast_in_dim3A_429 : i32 to vector<16xi32>
    %select_n3A_431 = arith.select %ge3A_426, %broadcast_in_dim3A_428, %broadcast_in_dim3A_430 : vector<16xi1>, vector<16xi32>
    %mul3A_432 = arith.constant 2 : i32
    %mul3A_433 = vector.broadcast %mul3A_432 : i32 to vector<16xi32>
    %mul3A_434 = arith.muli %get3A_423, %mul3A_433 : vector<16xi32>
    %sub3A_435 = arith.subi %mul3A_434, %select_n3A_431 : vector<16xi32>
    %swap3A_436 = arith.constant 2 : i32
    %swap3A_437 = arith.index_cast %swap3A_436 : i32 to index
    %swap3A_438 = arith.constant 16 : index
    %swap3A_439 = tpu.vector_load %arg5[%swap3A_437, %swap3A_438] {strides = array<i32>} : memref<81x128xi32, #tpu.memory_space<vmem>>, vector<1x16xi32>,
    %swap3A_440 = vector.shape_cast %swap3A_439 : vector<1x16xi32> to vector<16xi32>
    %swap3A_441 = vector.shape_cast %sub3A_435 : vector<16xi32> to vector<1x16xi32>
    tpu.vector_store %arg5[%swap3A_437, %swap3A_438], %swap3A_441 {strides = array<i32>} : memref<81x128xi32, #tpu.memory_space<vmem>>, vector<1x16xi32>,
    %get3A_442 = arith.constant 2 : i32
    %get3A_443 = arith.index_cast %get3A_442 : i32 to index
    %get3A_444 = arith.constant 32 : index
    %get3A_445 = tpu.vector_load %arg5[%get3A_443, %get3A_444] {strides = array<i32>} : memref<81x128xi32, #tpu.memory_space<vmem>>, vector<1x16xi32>,
    %get3A_446 = vector.shape_cast %get3A_445 : vector<1x16xi32> to vector<16xi32>
    %ge3A_447 = arith.constant 25000 : i32
    %ge3A_448 = vector.broadcast %ge3A_447 : i32 to vector<16xi32>
    %ge3A_449 = arith.cmpi sge, %get3A_446, %ge3A_448 : vector<16xi32>
    %broadcast_in_dim3A_450 = arith.constant 49999 : i32
    %broadcast_in_dim3A_451 = vector.broadcast %broadcast_in_dim3A_450 : i32 to vector<16xi32>
    %broadcast_in_dim3A_452 = arith.constant 0 : i32
    %broadcast_in_dim3A_453 = vector.broadcast %broadcast_in_dim3A_452 : i32 to vector<16xi32>
    %select_n3A_454 = arith.select %ge3A_449, %broadcast_in_dim3A_451, %broadcast_in_dim3A_453 : vector<16xi1>, vector<16xi32>
    %mul3A_455 = arith.constant 2 : i32
    %mul3A_456 = vector.broadcast %mul3A_455 : i32 to vector<16xi32>
    %mul3A_457 = arith.muli %get3A_446, %mul3A_456 : vector<16xi32>
    %sub3A_458 = arith.subi %mul3A_457, %select_n3A_454 : vector<16xi32>
    %swap3A_459 = arith.constant 2 : i32
    %swap3A_460 = arith.index_cast %swap3A_459 : i32 to index
    %swap3A_461 = arith.constant 32 : index
    %swap3A_462 = tpu.vector_load %arg5[%swap3A_460, %swap3A_461] {strides = array<i32>} : memref<81x128xi32, #tpu.memory_space<vmem>>, vector<1x16xi32>,
    %swap3A_463 = vector.shape_cast %swap3A_462 : vector<1x16xi32> to vector<16xi32>
    %swap3A_464 = vector.shape_cast %sub3A_458 : vector<16xi32> to vector<1x16xi32>
    tpu.vector_store %arg5[%swap3A_460, %swap3A_461], %swap3A_464 {strides = array<i32>} : memref<81x128xi32, #tpu.memory_space<vmem>>, vector<1x16xi32>,
    %get3A_465 = arith.constant 2 : i32
    %get3A_466 = arith.index_cast %get3A_465 : i32 to index
    %get3A_467 = arith.constant 48 : index
    %get3A_468 = tpu.vector_load %arg5[%get3A_466, %get3A_467] {strides = array<i32>} : memref<81x128xi32, #tpu.memory_space<vmem>>, vector<1x16xi32>,
    %get3A_469 = vector.shape_cast %get3A_468 : vector<1x16xi32> to vector<16xi32>
    %ge3A_470 = arith.constant 25000 : i32
    %ge3A_471 = vector.broadcast %ge3A_470 : i32 to vector<16xi32>
    %ge3A_472 = arith.cmpi sge, %get3A_469, %ge3A_471 : vector<16xi32>
    %broadcast_in_dim3A_473 = arith.constant 49999 : i32
    %broadcast_in_dim3A_474 = vector.broadcast %broadcast_in_dim3A_473 : i32 to vector<16xi32>
    %broadcast_in_dim3A_475 = arith.constant 0 : i32
    %broadcast_in_dim3A_476 = vector.broadcast %broadcast_in_dim3A_475 : i32 to vector<16xi32>
    %select_n3A_477 = arith.select %ge3A_472, %broadcast_in_dim3A_474, %broadcast_in_dim3A_476 : vector<16xi1>, vector<16xi32>
    %mul3A_478 = arith.constant 2 : i32
    %mul3A_479 = vector.broadcast %mul3A_478 : i32 to vector<16xi32>
    %mul3A_480 = arith.muli %get3A_469, %mul3A_479 : vector<16xi32>
    %sub3A_481 = arith.subi %mul3A_480, %select_n3A_477 : vector<16xi32>
    %swap3A_482 = arith.constant 2 : i32
    %swap3A_483 = arith.index_cast %swap3A_482 : i32 to index
    %swap3A_484 = arith.constant 48 : index
    %swap3A_485 = tpu.vector_load %arg5[%swap3A_483, %swap3A_484] {strides = array<i32>} : memref<81x128xi32, #tpu.memory_space<vmem>>, vector<1x16xi32>,
    %swap3A_486 = vector.shape_cast %swap3A_485 : vector<1x16xi32> to vector<16xi32>
    %swap3A_487 = vector.shape_cast %sub3A_481 : vector<16xi32> to vector<1x16xi32>
    tpu.vector_store %arg5[%swap3A_483, %swap3A_484], %swap3A_487 {strides = array<i32>} : memref<81x128xi32, #tpu.memory_space<vmem>>, vector<1x16xi32>,
    %get3A_488 = arith.constant 2 : i32
    %get3A_489 = arith.index_cast %get3A_488 : i32 to index
    %get3A_490 = arith.constant 64 : index
    %get3A_491 = tpu.vector_load %arg5[%get3A_489, %get3A_490] {strides = array<i32>} : memref<81x128xi32, #tpu.memory_space<vmem>>, vector<1x16xi32>,
    %get3A_492 = vector.shape_cast %get3A_491 : vector<1x16xi32> to vector<16xi32>
    %ge3A_493 = arith.constant 25000 : i32
    %ge3A_494 = vector.broadcast %ge3A_493 : i32 to vector<16xi32>
    %ge3A_495 = arith.cmpi sge, %get3A_492, %ge3A_494 : vector<16xi32>
    %broadcast_in_dim3A_496 = arith.constant 49999 : i32
    %broadcast_in_dim3A_497 = vector.broadcast %broadcast_in_dim3A_496 : i32 to vector<16xi32>
    %broadcast_in_dim3A_498 = arith.constant 0 : i32
    %broadcast_in_dim3A_499 = vector.broadcast %broadcast_in_dim3A_498 : i32 to vector<16xi32>
    %select_n3A_500 = arith.select %ge3A_495, %broadcast_in_dim3A_497, %broadcast_in_dim3A_499 : vector<16xi1>, vector<16xi32>
    %mul3A_501 = arith.constant 2 : i32
    %mul3A_502 = vector.broadcast %mul3A_501 : i32 to vector<16xi32>
    %mul3A_503 = arith.muli %get3A_492, %mul3A_502 : vector<16xi32>
    %sub3A_504 = arith.subi %mul3A_503, %select_n3A_500 : vector<16xi32>
    %swap3A_505 = arith.constant 2 : i32
    %swap3A_506 = arith.index_cast %swap3A_505 : i32 to index
    %swap3A_507 = arith.constant 64 : index
    %swap3A_508 = tpu.vector_load %arg5[%swap3A_506, %swap3A_507] {strides = array<i32>} : memref<81x128xi32, #tpu.memory_space<vmem>>, vector<1x16xi32>,
    %swap3A_509 = vector.shape_cast %swap3A_508 : vector<1x16xi32> to vector<16xi32>
    %swap3A_510 = vector.shape_cast %sub3A_504 : vector<16xi32> to vector<1x16xi32>
    tpu.vector_store %arg5[%swap3A_506, %swap3A_507], %swap3A_510 {strides = array<i32>} : memref<81x128xi32, #tpu.memory_space<vmem>>, vector<1x16xi32>,
    %get3A_511 = arith.constant 2 : i32
    %get3A_512 = arith.index_cast %get3A_511 : i32 to index
    %get3A_513 = arith.constant 80 : index
    %get3A_514 = tpu.vector_load %arg5[%get3A_512, %get3A_513] {strides = array<i32>} : memref<81x128xi32, #tpu.memory_space<vmem>>, vector<1x16xi32>,
    %get3A_515 = vector.shape_cast %get3A_514 : vector<1x16xi32> to vector<16xi32>
    %ge3A_516 = arith.constant 25000 : i32
    %ge3A_517 = vector.broadcast %ge3A_516 : i32 to vector<16xi32>
    %ge3A_518 = arith.cmpi sge, %get3A_515, %ge3A_517 : vector<16xi32>
    %broadcast_in_dim3A_519 = arith.constant 49999 : i32
    %broadcast_in_dim3A_520 = vector.broadcast %broadcast_in_dim3A_519 : i32 to vector<16xi32>
    %broadcast_in_dim3A_521 = arith.constant 0 : i32
    %broadcast_in_dim3A_522 = vector.broadcast %broadcast_in_dim3A_521 : i32 to vector<16xi32>
    %select_n3A_523 = arith.select %ge3A_518, %broadcast_in_dim3A_520, %broadcast_in_dim3A_522 : vector<16xi1>, vector<16xi32>
    %mul3A_524 = arith.constant 2 : i32
    %mul3A_525 = vector.broadcast %mul3A_524 : i32 to vector<16xi32>
    %mul3A_526 = arith.muli %get3A_515, %mul3A_525 : vector<16xi32>
    %sub3A_527 = arith.subi %mul3A_526, %select_n3A_523 : vector<16xi32>
    %swap3A_528 = arith.constant 2 : i32
    %swap3A_529 = arith.index_cast %swap3A_528 : i32 to index
    %swap3A_530 = arith.constant 80 : index
    %swap3A_531 = tpu.vector_load %arg5[%swap3A_529, %swap3A_530] {strides = array<i32>} : memref<81x128xi32, #tpu.memory_space<vmem>>, vector<1x16xi32>,
    %swap3A_532 = vector.shape_cast %swap3A_531 : vector<1x16xi32> to vector<16xi32>
    %swap3A_533 = vector.shape_cast %sub3A_527 : vector<16xi32> to vector<1x16xi32>
    tpu.vector_store %arg5[%swap3A_529, %swap3A_530], %swap3A_533 {strides = array<i32>} : memref<81x128xi32, #tpu.memory_space<vmem>>, vector<1x16xi32>,
    %get3A_534 = arith.constant 2 : i32
    %get3A_535 = arith.index_cast %get3A_534 : i32 to index
    %get3A_536 = arith.constant 96 : index
    %get3A_537 = tpu.vector_load %arg5[%get3A_535, %get3A_536] {strides = array<i32>} : memref<81x128xi32, #tpu.memory_space<vmem>>, vector<1x16xi32>,
    %get3A_538 = vector.shape_cast %get3A_537 : vector<1x16xi32> to vector<16xi32>
    %ge3A_539 = arith.constant 25000 : i32
    %ge3A_540 = vector.broadcast %ge3A_539 : i32 to vector<16xi32>
    %ge3A_541 = arith.cmpi sge, %get3A_538, %ge3A_540 : vector<16xi32>
    %broadcast_in_dim3A_542 = arith.constant 49999 : i32
    %broadcast_in_dim3A_543 = vector.broadcast %broadcast_in_dim3A_542 : i32 to vector<16xi32>
    %broadcast_in_dim3A_544 = arith.constant 0 : i32
    %broadcast_in_dim3A_545 = vector.broadcast %broadcast_in_dim3A_544 : i32 to vector<16xi32>
    %select_n3A_546 = arith.select %ge3A_541, %broadcast_in_dim3A_543, %broadcast_in_dim3A_545 : vector<16xi1>, vector<16xi32>
    %mul3A_547 = arith.constant 2 : i32
    %mul3A_548 = vector.broadcast %mul3A_547 : i32 to vector<16xi32>
    %mul3A_549 = arith.muli %get3A_538, %mul3A_548 : vector<16xi32>
    %sub3A_550 = arith.subi %mul3A_549, %select_n3A_546 : vector<16xi32>
    %swap3A_551 = arith.constant 2 : i32
    %swap3A_552 = arith.index_cast %swap3A_551 : i32 to index
    %swap3A_553 = arith.constant 96 : index
    %swap3A_554 = tpu.vector_load %arg5[%swap3A_552, %swap3A_553] {strides = array<i32>} : memref<81x128xi32, #tpu.memory_space<vmem>>, vector<1x16xi32>,
    %swap3A_555 = vector.shape_cast %swap3A_554 : vector<1x16xi32> to vector<16xi32>
    %swap3A_556 = vector.shape_cast %sub3A_550 : vector<16xi32> to vector<1x16xi32>
    tpu.vector_store %arg5[%swap3A_552, %swap3A_553], %swap3A_556 {strides = array<i32>} : memref<81x128xi32, #tpu.memory_space<vmem>>, vector<1x16xi32>,
    %get3A_557 = arith.constant 2 : i32
    %get3A_558 = arith.index_cast %get3A_557 : i32 to index
    %get3A_559 = arith.constant 112 : index
    %get3A_560 = tpu.vector_load %arg5[%get3A_558, %get3A_559] {strides = array<i32>} : memref<81x128xi32, #tpu.memory_space<vmem>>, vector<1x16xi32>,
    %get3A_561 = vector.shape_cast %get3A_560 : vector<1x16xi32> to vector<16xi32>
    %ge3A_562 = arith.constant 25000 : i32
    %ge3A_563 = vector.broadcast %ge3A_562 : i32 to vector<16xi32>
    %ge3A_564 = arith.cmpi sge, %get3A_561, %ge3A_563 : vector<16xi32>
    %broadcast_in_dim3A_565 = arith.constant 49999 : i32
    %broadcast_in_dim3A_566 = vector.broadcast %broadcast_in_dim3A_565 : i32 to vector<16xi32>
    %broadcast_in_dim3A_567 = arith.constant 0 : i32
    %broadcast_in_dim3A_568 = vector.broadcast %broadcast_in_dim3A_567 : i32 to vector<16xi32>
    %select_n3A_569 = arith.select %ge3A_564, %broadcast_in_dim3A_566, %broadcast_in_dim3A_568 : vector<16xi1>, vector<16xi32>
    %mul3A_570 = arith.constant 2 : i32
    %mul3A_571 = vector.broadcast %mul3A_570 : i32 to vector<16xi32>
    %mul3A_572 = arith.muli %get3A_561, %mul3A_571 : vector<16xi32>
    %sub3A_573 = arith.subi %mul3A_572, %select_n3A_569 : vector<16xi32>
    %swap3A_574 = arith.constant 2 : i32
    %swap3A_575 = arith.index_cast %swap3A_574 : i32 to index
    %swap3A_576 = arith.constant 112 : index
    %swap3A_577 = tpu.vector_load %arg5[%swap3A_575, %swap3A_576] {strides = array<i32>} : memref<81x128xi32, #tpu.memory_space<vmem>>, vector<1x16xi32>,
    %swap3A_578 = vector.shape_cast %swap3A_577 : vector<1x16xi32> to vector<16xi32>
    %swap3A_579 = vector.shape_cast %sub3A_573 : vector<16xi32> to vector<1x16xi32>
    tpu.vector_store %arg5[%swap3A_575, %swap3A_576], %swap3A_579 {strides = array<i32>} : memref<81x128xi32, #tpu.memory_space<vmem>>, vector<1x16xi32>,
    %dma_start3A_580 = arith.constant 2 : i32
    %dma_start3A_581 = arith.constant 0 : i32
    %dma_start3A_582 = tpu.memref_slice %arg5[%dma_start3A_580, %dma_start3A_581] : memref<81x128xi32, #tpu.memory_space<vmem>> -> memref<1x128xi32, #tpu.memory_space<vmem>>
    %dma_start3A_583 = tpu.memref_squeeze %dma_start3A_582 : memref<1x128xi32, #tpu.memory_space<vmem>> -> memref<128xi32, #tpu.memory_space<vmem>>
    %dma_start3A_584 = arith.constant 0 : i32
    %dma_start3A_585 = arith.constant 0 : i32
    %dma_start3A_586 = tpu.memref_slice %arg3[%dma_start3A_584, %dma_start3A_585] : memref<50000x64xf32, #tpu.memory_space<hbm>> -> memref<50000x64xf32, #tpu.memory_space<hbm>>
    tpu.enqueue_indirect_dma source(%dma_start3A_586 : memref<50000x64xf32, #tpu.memory_space<hbm>>) target(%arg9 : memref<128x64xf32, #tpu.memory_space<vmem>>) offsets(%dma_start3A_583 : memref<128xi32, #tpu.memory_space<vmem>>) semaphore(%arg13 : memref<!tpu.dma_semaphore, #tpu.memory_space<semaphore_mem>>)
    %scan3A_587 = arith.constant 0 : i32
    %scan3A_588 = arith.constant 0 : i32
    %scan3A_589 = arith.constant 26 : i32
    %scan3A_590 = arith.addi %scan3A_588, %scan3A_589 : i32
    %scan3A_591 = arith.constant 1 : i32
    scf.for %scan3A_694 = %scan3A_588 to %scan3A_590 step %scan3A_591  : i32 {
      %mul3A_695 = arith.constant 3 : i32
      %mul3A_696 = arith.muli %mul3A_695, %scan3A_694 : i32
      %dma_wait3A_697 = arith.constant 0 : i32
      %dma_wait3A_698 = arith.constant 0 : i32
      %dma_wait3A_699 = tpu.memref_slice %arg5[%dma_wait3A_697, %dma_wait3A_698] : memref<81x128xi32, #tpu.memory_space<vmem>> -> memref<1x128xi32, #tpu.memory_space<vmem>>
      %dma_wait3A_700 = tpu.memref_squeeze %dma_wait3A_699 : memref<1x128xi32, #tpu.memory_space<vmem>> -> memref<128xi32, #tpu.memory_space<vmem>>
      %dma_wait3A_701 = arith.constant 0 : i32
      %dma_wait3A_702 = arith.constant 0 : i32
      %dma_wait3A_703 = tpu.memref_slice %arg3[%dma_wait3A_701, %dma_wait3A_702] : memref<50000x64xf32, #tpu.memory_space<hbm>> -> memref<50000x64xf32, #tpu.memory_space<hbm>>
      tpu.wait_indirect_dma semaphore(%arg11 : memref<!tpu.dma_semaphore, #tpu.memory_space<semaphore_mem>>) src(%dma_wait3A_703 : memref<50000x64xf32, #tpu.memory_space<hbm>>) dst(%arg7 : memref<128x64xf32, #tpu.memory_space<vmem>>)
      %add3A_704 = arith.constant 0 : i32
      %add3A_705 = arith.addi %mul3A_696, %add3A_704 : i32
      %dma_start3A_706 = arith.constant 0 : i32
      %dma_start3A_707 = tpu.memref_slice %arg6[%add3A_705, %dma_start3A_706] : memref<81x128xi32, #tpu.memory_space<vmem>> -> memref<1x128xi32, #tpu.memory_space<vmem>>
      %dma_start3A_708 = tpu.memref_squeeze %dma_start3A_707 : memref<1x128xi32, #tpu.memory_space<vmem>> -> memref<128xi32, #tpu.memory_space<vmem>>
      %dma_start3A_709 = arith.constant 0 : i32
      %dma_start3A_710 = arith.constant 0 : i32
      %dma_start3A_711 = tpu.memref_slice %arg10[%dma_start3A_709, %dma_start3A_710] : memref<20480x64xf32, #tpu.memory_space<vmem_shared>> -> memref<20480x64xf32, #tpu.memory_space<vmem_shared>>
      tpu.enqueue_indirect_dma source(%arg7 : memref<128x64xf32, #tpu.memory_space<vmem>>) target(%dma_start3A_711 : memref<20480x64xf32, #tpu.memory_space<vmem_shared>>) offsets(%dma_start3A_708 : memref<128xi32, #tpu.memory_space<vmem>>) semaphore(%arg14 : memref<!tpu.dma_semaphore, #tpu.memory_space<semaphore_mem>>) {add = true}
      %dma_wait3A_712 = arith.constant 0 : i32
      %dma_wait3A_713 = arith.constant 0 : i32
      %dma_wait3A_714 = tpu.memref_slice %arg5[%dma_wait3A_712, %dma_wait3A_713] : memref<81x128xi32, #tpu.memory_space<vmem>> -> memref<1x128xi32, #tpu.memory_space<vmem>>
      %dma_wait3A_715 = tpu.memref_squeeze %dma_wait3A_714 : memref<1x128xi32, #tpu.memory_space<vmem>> -> memref<128xi32, #tpu.memory_space<vmem>>
      %dma_wait3A_716 = arith.constant 0 : i32
      %dma_wait3A_717 = arith.constant 0 : i32
      %dma_wait3A_718 = tpu.memref_slice %arg3[%dma_wait3A_716, %dma_wait3A_717] : memref<50000x64xf32, #tpu.memory_space<hbm>> -> memref<50000x64xf32, #tpu.memory_space<hbm>>
      tpu.wait_indirect_dma semaphore(%arg12 : memref<!tpu.dma_semaphore, #tpu.memory_space<semaphore_mem>>) src(%dma_wait3A_718 : memref<50000x64xf32, #tpu.memory_space<hbm>>) dst(%arg8 : memref<128x64xf32, #tpu.memory_space<vmem>>)
      %add3A_719 = arith.constant 1 : i32
      %add3A_720 = arith.addi %mul3A_696, %add3A_719 : i32
      %dma_start3A_721 = arith.constant 0 : i32
      %dma_start3A_722 = tpu.memref_slice %arg6[%add3A_720, %dma_start3A_721] : memref<81x128xi32, #tpu.memory_space<vmem>> -> memref<1x128xi32, #tpu.memory_space<vmem>>
      %dma_start3A_723 = tpu.memref_squeeze %dma_start3A_722 : memref<1x128xi32, #tpu.memory_space<vmem>> -> memref<128xi32, #tpu.memory_space<vmem>>
      %dma_start3A_724 = arith.constant 0 : i32
      %dma_start3A_725 = arith.constant 0 : i32
      %dma_start3A_726 = tpu.memref_slice %arg10[%dma_start3A_724, %dma_start3A_725] : memref<20480x64xf32, #tpu.memory_space<vmem_shared>> -> memref<20480x64xf32, #tpu.memory_space<vmem_shared>>
      tpu.enqueue_indirect_dma source(%arg8 : memref<128x64xf32, #tpu.memory_space<vmem>>) target(%dma_start3A_726 : memref<20480x64xf32, #tpu.memory_space<vmem_shared>>) offsets(%dma_start3A_723 : memref<128xi32, #tpu.memory_space<vmem>>) semaphore(%arg15 : memref<!tpu.dma_semaphore, #tpu.memory_space<semaphore_mem>>) {add = true}
      %dma_wait3A_727 = arith.constant 0 : i32
      %dma_wait3A_728 = arith.constant 0 : i32
      %dma_wait3A_729 = tpu.memref_slice %arg5[%dma_wait3A_727, %dma_wait3A_728] : memref<81x128xi32, #tpu.memory_space<vmem>> -> memref<1x128xi32, #tpu.memory_space<vmem>>
      %dma_wait3A_730 = tpu.memref_squeeze %dma_wait3A_729 : memref<1x128xi32, #tpu.memory_space<vmem>> -> memref<128xi32, #tpu.memory_space<vmem>>
      %dma_wait3A_731 = arith.constant 0 : i32
      %dma_wait3A_732 = arith.constant 0 : i32
      %dma_wait3A_733 = tpu.memref_slice %arg3[%dma_wait3A_731, %dma_wait3A_732] : memref<50000x64xf32, #tpu.memory_space<hbm>> -> memref<50000x64xf32, #tpu.memory_space<hbm>>
      tpu.wait_indirect_dma semaphore(%arg13 : memref<!tpu.dma_semaphore, #tpu.memory_space<semaphore_mem>>) src(%dma_wait3A_733 : memref<50000x64xf32, #tpu.memory_space<hbm>>) dst(%arg9 : memref<128x64xf32, #tpu.memory_space<vmem>>)
      %add3A_734 = arith.constant 2 : i32
      %add3A_735 = arith.addi %mul3A_696, %add3A_734 : i32
      %dma_start3A_736 = arith.constant 0 : i32
      %dma_start3A_737 = tpu.memref_slice %arg6[%add3A_735, %dma_start3A_736] : memref<81x128xi32, #tpu.memory_space<vmem>> -> memref<1x128xi32, #tpu.memory_space<vmem>>
      %dma_start3A_738 = tpu.memref_squeeze %dma_start3A_737 : memref<1x128xi32, #tpu.memory_space<vmem>> -> memref<128xi32, #tpu.memory_space<vmem>>
      %dma_start3A_739 = arith.constant 0 : i32
      %dma_start3A_740 = arith.constant 0 : i32
      %dma_start3A_741 = tpu.memref_slice %arg10[%dma_start3A_739, %dma_start3A_740] : memref<20480x64xf32, #tpu.memory_space<vmem_shared>> -> memref<20480x64xf32, #tpu.memory_space<vmem_shared>>
      tpu.enqueue_indirect_dma source(%arg9 : memref<128x64xf32, #tpu.memory_space<vmem>>) target(%dma_start3A_741 : memref<20480x64xf32, #tpu.memory_space<vmem_shared>>) offsets(%dma_start3A_738 : memref<128xi32, #tpu.memory_space<vmem>>) semaphore(%arg16 : memref<!tpu.dma_semaphore, #tpu.memory_space<semaphore_mem>>) {add = true}
      %dma_wait3A_742 = arith.constant 0 : i32
      %dma_wait3A_743 = arith.constant 0 : i32
      %dma_wait3A_744 = tpu.memref_slice %arg6[%dma_wait3A_742, %dma_wait3A_743] : memref<81x128xi32, #tpu.memory_space<vmem>> -> memref<1x128xi32, #tpu.memory_space<vmem>>
      %dma_wait3A_745 = tpu.memref_squeeze %dma_wait3A_744 : memref<1x128xi32, #tpu.memory_space<vmem>> -> memref<128xi32, #tpu.memory_space<vmem>>
      %dma_wait3A_746 = arith.constant 0 : i32
      %dma_wait3A_747 = arith.constant 0 : i32
      %dma_wait3A_748 = tpu.memref_slice %arg10[%dma_wait3A_746, %dma_wait3A_747] : memref<20480x64xf32, #tpu.memory_space<vmem_shared>> -> memref<20480x64xf32, #tpu.memory_space<vmem_shared>>
      tpu.wait_indirect_dma semaphore(%arg14 : memref<!tpu.dma_semaphore, #tpu.memory_space<semaphore_mem>>) src(%arg7 : memref<128x64xf32, #tpu.memory_space<vmem>>) dst(%dma_wait3A_748 : memref<20480x64xf32, #tpu.memory_space<vmem_shared>>)
      %add3A_749 = arith.constant 3 : i32
      %add3A_750 = arith.addi %mul3A_696, %add3A_749 : i32
      %add3A_751 = arith.constant 0 : i32
      %add3A_752 = arith.addi %add3A_750, %add3A_751 : i32
      %get3A_753 = arith.index_cast %add3A_752 : i32 to index
      %get3A_754 = arith.constant 0 : index
      %get3A_755 = tpu.vector_load %arg5[%get3A_753, %get3A_754] {strides = array<i32>} : memref<81x128xi32, #tpu.memory_space<vmem>>, vector<1x16xi32>,
      %get3A_756 = vector.shape_cast %get3A_755 : vector<1x16xi32> to vector<16xi32>
      %ge3A_757 = arith.constant 25000 : i32
      %ge3A_758 = vector.broadcast %ge3A_757 : i32 to vector<16xi32>
      %ge3A_759 = arith.cmpi sge, %get3A_756, %ge3A_758 : vector<16xi32>
      %broadcast_in_dim3A_760 = arith.constant 49999 : i32
      %broadcast_in_dim3A_761 = vector.broadcast %broadcast_in_dim3A_760 : i32 to vector<16xi32>
      %broadcast_in_dim3A_762 = arith.constant 0 : i32
      %broadcast_in_dim3A_763 = vector.broadcast %broadcast_in_dim3A_762 : i32 to vector<16xi32>
      %select_n3A_764 = arith.select %ge3A_759, %broadcast_in_dim3A_761, %broadcast_in_dim3A_763 : vector<16xi1>, vector<16xi32>
      %mul3A_765 = arith.constant 2 : i32
      %mul3A_766 = vector.broadcast %mul3A_765 : i32 to vector<16xi32>
      %mul3A_767 = arith.muli %get3A_756, %mul3A_766 : vector<16xi32>
      %sub3A_768 = arith.subi %mul3A_767, %select_n3A_764 : vector<16xi32>
      %swap3A_769 = arith.index_cast %add3A_752 : i32 to index
      %swap3A_770 = arith.constant 0 : index
      %swap3A_771 = tpu.vector_load %arg5[%swap3A_769, %swap3A_770] {strides = array<i32>} : memref<81x128xi32, #tpu.memory_space<vmem>>, vector<1x16xi32>,
      %swap3A_772 = vector.shape_cast %swap3A_771 : vector<1x16xi32> to vector<16xi32>
      %swap3A_773 = vector.shape_cast %sub3A_768 : vector<16xi32> to vector<1x16xi32>
      tpu.vector_store %arg5[%swap3A_769, %swap3A_770], %swap3A_773 {strides = array<i32>} : memref<81x128xi32, #tpu.memory_space<vmem>>, vector<1x16xi32>,
      %get3A_774 = arith.index_cast %add3A_752 : i32 to index
      %get3A_775 = arith.constant 16 : index
      %get3A_776 = tpu.vector_load %arg5[%get3A_774, %get3A_775] {strides = array<i32>} : memref<81x128xi32, #tpu.memory_space<vmem>>, vector<1x16xi32>,
      %get3A_777 = vector.shape_cast %get3A_776 : vector<1x16xi32> to vector<16xi32>
      %ge3A_778 = arith.constant 25000 : i32
      %ge3A_779 = vector.broadcast %ge3A_778 : i32 to vector<16xi32>
      %ge3A_780 = arith.cmpi sge, %get3A_777, %ge3A_779 : vector<16xi32>
      %broadcast_in_dim3A_781 = arith.constant 49999 : i32
      %broadcast_in_dim3A_782 = vector.broadcast %broadcast_in_dim3A_781 : i32 to vector<16xi32>
      %broadcast_in_dim3A_783 = arith.constant 0 : i32
      %broadcast_in_dim3A_784 = vector.broadcast %broadcast_in_dim3A_783 : i32 to vector<16xi32>
      %select_n3A_785 = arith.select %ge3A_780, %broadcast_in_dim3A_782, %broadcast_in_dim3A_784 : vector<16xi1>, vector<16xi32>
      %mul3A_786 = arith.constant 2 : i32
      %mul3A_787 = vector.broadcast %mul3A_786 : i32 to vector<16xi32>
      %mul3A_788 = arith.muli %get3A_777, %mul3A_787 : vector<16xi32>
      %sub3A_789 = arith.subi %mul3A_788, %select_n3A_785 : vector<16xi32>
      %swap3A_790 = arith.index_cast %add3A_752 : i32 to index
      %swap3A_791 = arith.constant 16 : index
      %swap3A_792 = tpu.vector_load %arg5[%swap3A_790, %swap3A_791] {strides = array<i32>} : memref<81x128xi32, #tpu.memory_space<vmem>>, vector<1x16xi32>,
      %swap3A_793 = vector.shape_cast %swap3A_792 : vector<1x16xi32> to vector<16xi32>
      %swap3A_794 = vector.shape_cast %sub3A_789 : vector<16xi32> to vector<1x16xi32>
      tpu.vector_store %arg5[%swap3A_790, %swap3A_791], %swap3A_794 {strides = array<i32>} : memref<81x128xi32, #tpu.memory_space<vmem>>, vector<1x16xi32>,
      %get3A_795 = arith.index_cast %add3A_752 : i32 to index
      %get3A_796 = arith.constant 32 : index
      %get3A_797 = tpu.vector_load %arg5[%get3A_795, %get3A_796] {strides = array<i32>} : memref<81x128xi32, #tpu.memory_space<vmem>>, vector<1x16xi32>,
      %get3A_798 = vector.shape_cast %get3A_797 : vector<1x16xi32> to vector<16xi32>
      %ge3A_799 = arith.constant 25000 : i32
      %ge3A_800 = vector.broadcast %ge3A_799 : i32 to vector<16xi32>
      %ge3A_801 = arith.cmpi sge, %get3A_798, %ge3A_800 : vector<16xi32>
      %broadcast_in_dim3A_802 = arith.constant 49999 : i32
      %broadcast_in_dim3A_803 = vector.broadcast %broadcast_in_dim3A_802 : i32 to vector<16xi32>
      %broadcast_in_dim3A_804 = arith.constant 0 : i32
      %broadcast_in_dim3A_805 = vector.broadcast %broadcast_in_dim3A_804 : i32 to vector<16xi32>
      %select_n3A_806 = arith.select %ge3A_801, %broadcast_in_dim3A_803, %broadcast_in_dim3A_805 : vector<16xi1>, vector<16xi32>
      %mul3A_807 = arith.constant 2 : i32
      %mul3A_808 = vector.broadcast %mul3A_807 : i32 to vector<16xi32>
      %mul3A_809 = arith.muli %get3A_798, %mul3A_808 : vector<16xi32>
      %sub3A_810 = arith.subi %mul3A_809, %select_n3A_806 : vector<16xi32>
      %swap3A_811 = arith.index_cast %add3A_752 : i32 to index
      %swap3A_812 = arith.constant 32 : index
      %swap3A_813 = tpu.vector_load %arg5[%swap3A_811, %swap3A_812] {strides = array<i32>} : memref<81x128xi32, #tpu.memory_space<vmem>>, vector<1x16xi32>,
      %swap3A_814 = vector.shape_cast %swap3A_813 : vector<1x16xi32> to vector<16xi32>
      %swap3A_815 = vector.shape_cast %sub3A_810 : vector<16xi32> to vector<1x16xi32>
      tpu.vector_store %arg5[%swap3A_811, %swap3A_812], %swap3A_815 {strides = array<i32>} : memref<81x128xi32, #tpu.memory_space<vmem>>, vector<1x16xi32>,
      %get3A_816 = arith.index_cast %add3A_752 : i32 to index
      %get3A_817 = arith.constant 48 : index
      %get3A_818 = tpu.vector_load %arg5[%get3A_816, %get3A_817] {strides = array<i32>} : memref<81x128xi32, #tpu.memory_space<vmem>>, vector<1x16xi32>,
      %get3A_819 = vector.shape_cast %get3A_818 : vector<1x16xi32> to vector<16xi32>
      %ge3A_820 = arith.constant 25000 : i32
      %ge3A_821 = vector.broadcast %ge3A_820 : i32 to vector<16xi32>
      %ge3A_822 = arith.cmpi sge, %get3A_819, %ge3A_821 : vector<16xi32>
      %broadcast_in_dim3A_823 = arith.constant 49999 : i32
      %broadcast_in_dim3A_824 = vector.broadcast %broadcast_in_dim3A_823 : i32 to vector<16xi32>
      %broadcast_in_dim3A_825 = arith.constant 0 : i32
      %broadcast_in_dim3A_826 = vector.broadcast %broadcast_in_dim3A_825 : i32 to vector<16xi32>
      %select_n3A_827 = arith.select %ge3A_822, %broadcast_in_dim3A_824, %broadcast_in_dim3A_826 : vector<16xi1>, vector<16xi32>
      %mul3A_828 = arith.constant 2 : i32
      %mul3A_829 = vector.broadcast %mul3A_828 : i32 to vector<16xi32>
      %mul3A_830 = arith.muli %get3A_819, %mul3A_829 : vector<16xi32>
      %sub3A_831 = arith.subi %mul3A_830, %select_n3A_827 : vector<16xi32>
      %swap3A_832 = arith.index_cast %add3A_752 : i32 to index
      %swap3A_833 = arith.constant 48 : index
      %swap3A_834 = tpu.vector_load %arg5[%swap3A_832, %swap3A_833] {strides = array<i32>} : memref<81x128xi32, #tpu.memory_space<vmem>>, vector<1x16xi32>,
      %swap3A_835 = vector.shape_cast %swap3A_834 : vector<1x16xi32> to vector<16xi32>
      %swap3A_836 = vector.shape_cast %sub3A_831 : vector<16xi32> to vector<1x16xi32>
      tpu.vector_store %arg5[%swap3A_832, %swap3A_833], %swap3A_836 {strides = array<i32>} : memref<81x128xi32, #tpu.memory_space<vmem>>, vector<1x16xi32>,
      %get3A_837 = arith.index_cast %add3A_752 : i32 to index
      %get3A_838 = arith.constant 64 : index
      %get3A_839 = tpu.vector_load %arg5[%get3A_837, %get3A_838] {strides = array<i32>} : memref<81x128xi32, #tpu.memory_space<vmem>>, vector<1x16xi32>,
      %get3A_840 = vector.shape_cast %get3A_839 : vector<1x16xi32> to vector<16xi32>
      %ge3A_841 = arith.constant 25000 : i32
      %ge3A_842 = vector.broadcast %ge3A_841 : i32 to vector<16xi32>
      %ge3A_843 = arith.cmpi sge, %get3A_840, %ge3A_842 : vector<16xi32>
      %broadcast_in_dim3A_844 = arith.constant 49999 : i32
      %broadcast_in_dim3A_845 = vector.broadcast %broadcast_in_dim3A_844 : i32 to vector<16xi32>
      %broadcast_in_dim3A_846 = arith.constant 0 : i32
      %broadcast_in_dim3A_847 = vector.broadcast %broadcast_in_dim3A_846 : i32 to vector<16xi32>
      %select_n3A_848 = arith.select %ge3A_843, %broadcast_in_dim3A_845, %broadcast_in_dim3A_847 : vector<16xi1>, vector<16xi32>
      %mul3A_849 = arith.constant 2 : i32
      %mul3A_850 = vector.broadcast %mul3A_849 : i32 to vector<16xi32>
      %mul3A_851 = arith.muli %get3A_840, %mul3A_850 : vector<16xi32>
      %sub3A_852 = arith.subi %mul3A_851, %select_n3A_848 : vector<16xi32>
      %swap3A_853 = arith.index_cast %add3A_752 : i32 to index
      %swap3A_854 = arith.constant 64 : index
      %swap3A_855 = tpu.vector_load %arg5[%swap3A_853, %swap3A_854] {strides = array<i32>} : memref<81x128xi32, #tpu.memory_space<vmem>>, vector<1x16xi32>,
      %swap3A_856 = vector.shape_cast %swap3A_855 : vector<1x16xi32> to vector<16xi32>
      %swap3A_857 = vector.shape_cast %sub3A_852 : vector<16xi32> to vector<1x16xi32>
      tpu.vector_store %arg5[%swap3A_853, %swap3A_854], %swap3A_857 {strides = array<i32>} : memref<81x128xi32, #tpu.memory_space<vmem>>, vector<1x16xi32>,
      %get3A_858 = arith.index_cast %add3A_752 : i32 to index
      %get3A_859 = arith.constant 80 : index
      %get3A_860 = tpu.vector_load %arg5[%get3A_858, %get3A_859] {strides = array<i32>} : memref<81x128xi32, #tpu.memory_space<vmem>>, vector<1x16xi32>,
      %get3A_861 = vector.shape_cast %get3A_860 : vector<1x16xi32> to vector<16xi32>
      %ge3A_862 = arith.constant 25000 : i32
      %ge3A_863 = vector.broadcast %ge3A_862 : i32 to vector<16xi32>
      %ge3A_864 = arith.cmpi sge, %get3A_861, %ge3A_863 : vector<16xi32>
      %broadcast_in_dim3A_865 = arith.constant 49999 : i32
      %broadcast_in_dim3A_866 = vector.broadcast %broadcast_in_dim3A_865 : i32 to vector<16xi32>
      %broadcast_in_dim3A_867 = arith.constant 0 : i32
      %broadcast_in_dim3A_868 = vector.broadcast %broadcast_in_dim3A_867 : i32 to vector<16xi32>
      %select_n3A_869 = arith.select %ge3A_864, %broadcast_in_dim3A_866, %broadcast_in_dim3A_868 : vector<16xi1>, vector<16xi32>
      %mul3A_870 = arith.constant 2 : i32
      %mul3A_871 = vector.broadcast %mul3A_870 : i32 to vector<16xi32>
      %mul3A_872 = arith.muli %get3A_861, %mul3A_871 : vector<16xi32>
      %sub3A_873 = arith.subi %mul3A_872, %select_n3A_869 : vector<16xi32>
      %swap3A_874 = arith.index_cast %add3A_752 : i32 to index
      %swap3A_875 = arith.constant 80 : index
      %swap3A_876 = tpu.vector_load %arg5[%swap3A_874, %swap3A_875] {strides = array<i32>} : memref<81x128xi32, #tpu.memory_space<vmem>>, vector<1x16xi32>,
      %swap3A_877 = vector.shape_cast %swap3A_876 : vector<1x16xi32> to vector<16xi32>
      %swap3A_878 = vector.shape_cast %sub3A_873 : vector<16xi32> to vector<1x16xi32>
      tpu.vector_store %arg5[%swap3A_874, %swap3A_875], %swap3A_878 {strides = array<i32>} : memref<81x128xi32, #tpu.memory_space<vmem>>, vector<1x16xi32>,
      %get3A_879 = arith.index_cast %add3A_752 : i32 to index
      %get3A_880 = arith.constant 96 : index
      %get3A_881 = tpu.vector_load %arg5[%get3A_879, %get3A_880] {strides = array<i32>} : memref<81x128xi32, #tpu.memory_space<vmem>>, vector<1x16xi32>,
      %get3A_882 = vector.shape_cast %get3A_881 : vector<1x16xi32> to vector<16xi32>
      %ge3A_883 = arith.constant 25000 : i32
      %ge3A_884 = vector.broadcast %ge3A_883 : i32 to vector<16xi32>
      %ge3A_885 = arith.cmpi sge, %get3A_882, %ge3A_884 : vector<16xi32>
      %broadcast_in_dim3A_886 = arith.constant 49999 : i32
      %broadcast_in_dim3A_887 = vector.broadcast %broadcast_in_dim3A_886 : i32 to vector<16xi32>
      %broadcast_in_dim3A_888 = arith.constant 0 : i32
      %broadcast_in_dim3A_889 = vector.broadcast %broadcast_in_dim3A_888 : i32 to vector<16xi32>
      %select_n3A_890 = arith.select %ge3A_885, %broadcast_in_dim3A_887, %broadcast_in_dim3A_889 : vector<16xi1>, vector<16xi32>
      %mul3A_891 = arith.constant 2 : i32
      %mul3A_892 = vector.broadcast %mul3A_891 : i32 to vector<16xi32>
      %mul3A_893 = arith.muli %get3A_882, %mul3A_892 : vector<16xi32>
      %sub3A_894 = arith.subi %mul3A_893, %select_n3A_890 : vector<16xi32>
      %swap3A_895 = arith.index_cast %add3A_752 : i32 to index
      %swap3A_896 = arith.constant 96 : index
      %swap3A_897 = tpu.vector_load %arg5[%swap3A_895, %swap3A_896] {strides = array<i32>} : memref<81x128xi32, #tpu.memory_space<vmem>>, vector<1x16xi32>,
      %swap3A_898 = vector.shape_cast %swap3A_897 : vector<1x16xi32> to vector<16xi32>
      %swap3A_899 = vector.shape_cast %sub3A_894 : vector<16xi32> to vector<1x16xi32>
      tpu.vector_store %arg5[%swap3A_895, %swap3A_896], %swap3A_899 {strides = array<i32>} : memref<81x128xi32, #tpu.memory_space<vmem>>, vector<1x16xi32>,
      %get3A_900 = arith.index_cast %add3A_752 : i32 to index
      %get3A_901 = arith.constant 112 : index
      %get3A_902 = tpu.vector_load %arg5[%get3A_900, %get3A_901] {strides = array<i32>} : memref<81x128xi32, #tpu.memory_space<vmem>>, vector<1x16xi32>,
      %get3A_903 = vector.shape_cast %get3A_902 : vector<1x16xi32> to vector<16xi32>
      %ge3A_904 = arith.constant 25000 : i32
      %ge3A_905 = vector.broadcast %ge3A_904 : i32 to vector<16xi32>
      %ge3A_906 = arith.cmpi sge, %get3A_903, %ge3A_905 : vector<16xi32>
      %broadcast_in_dim3A_907 = arith.constant 49999 : i32
      %broadcast_in_dim3A_908 = vector.broadcast %broadcast_in_dim3A_907 : i32 to vector<16xi32>
      %broadcast_in_dim3A_909 = arith.constant 0 : i32
      %broadcast_in_dim3A_910 = vector.broadcast %broadcast_in_dim3A_909 : i32 to vector<16xi32>
      %select_n3A_911 = arith.select %ge3A_906, %broadcast_in_dim3A_908, %broadcast_in_dim3A_910 : vector<16xi1>, vector<16xi32>
      %mul3A_912 = arith.constant 2 : i32
      %mul3A_913 = vector.broadcast %mul3A_912 : i32 to vector<16xi32>
      %mul3A_914 = arith.muli %get3A_903, %mul3A_913 : vector<16xi32>
      %sub3A_915 = arith.subi %mul3A_914, %select_n3A_911 : vector<16xi32>
      %swap3A_916 = arith.index_cast %add3A_752 : i32 to index
      %swap3A_917 = arith.constant 112 : index
      %swap3A_918 = tpu.vector_load %arg5[%swap3A_916, %swap3A_917] {strides = array<i32>} : memref<81x128xi32, #tpu.memory_space<vmem>>, vector<1x16xi32>,
      %swap3A_919 = vector.shape_cast %swap3A_918 : vector<1x16xi32> to vector<16xi32>
      %swap3A_920 = vector.shape_cast %sub3A_915 : vector<16xi32> to vector<1x16xi32>
      tpu.vector_store %arg5[%swap3A_916, %swap3A_917], %swap3A_920 {strides = array<i32>} : memref<81x128xi32, #tpu.memory_space<vmem>>, vector<1x16xi32>,
      %dma_start3A_921 = arith.constant 0 : i32
      %dma_start3A_922 = tpu.memref_slice %arg5[%add3A_752, %dma_start3A_921] : memref<81x128xi32, #tpu.memory_space<vmem>> -> memref<1x128xi32, #tpu.memory_space<vmem>>
      %dma_start3A_923 = tpu.memref_squeeze %dma_start3A_922 : memref<1x128xi32, #tpu.memory_space<vmem>> -> memref<128xi32, #tpu.memory_space<vmem>>
      %dma_start3A_924 = arith.constant 0 : i32
      %dma_start3A_925 = arith.constant 0 : i32
      %dma_start3A_926 = tpu.memref_slice %arg3[%dma_start3A_924, %dma_start3A_925] : memref<50000x64xf32, #tpu.memory_space<hbm>> -> memref<50000x64xf32, #tpu.memory_space<hbm>>
      tpu.enqueue_indirect_dma source(%dma_start3A_926 : memref<50000x64xf32, #tpu.memory_space<hbm>>) target(%arg7 : memref<128x64xf32, #tpu.memory_space<vmem>>) offsets(%dma_start3A_923 : memref<128xi32, #tpu.memory_space<vmem>>) semaphore(%arg11 : memref<!tpu.dma_semaphore, #tpu.memory_space<semaphore_mem>>)
      %dma_wait3A_927 = arith.constant 0 : i32
      %dma_wait3A_928 = arith.constant 0 : i32
      %dma_wait3A_929 = tpu.memref_slice %arg6[%dma_wait3A_927, %dma_wait3A_928] : memref<81x128xi32, #tpu.memory_space<vmem>> -> memref<1x128xi32, #tpu.memory_space<vmem>>
      %dma_wait3A_930 = tpu.memref_squeeze %dma_wait3A_929 : memref<1x128xi32, #tpu.memory_space<vmem>> -> memref<128xi32, #tpu.memory_space<vmem>>
      %dma_wait3A_931 = arith.constant 0 : i32
      %dma_wait3A_932 = arith.constant 0 : i32
      %dma_wait3A_933 = tpu.memref_slice %arg10[%dma_wait3A_931, %dma_wait3A_932] : memref<20480x64xf32, #tpu.memory_space<vmem_shared>> -> memref<20480x64xf32, #tpu.memory_space<vmem_shared>>
      tpu.wait_indirect_dma semaphore(%arg15 : memref<!tpu.dma_semaphore, #tpu.memory_space<semaphore_mem>>) src(%arg8 : memref<128x64xf32, #tpu.memory_space<vmem>>) dst(%dma_wait3A_933 : memref<20480x64xf32, #tpu.memory_space<vmem_shared>>)
      %add3A_934 = arith.constant 3 : i32
      %add3A_935 = arith.addi %mul3A_696, %add3A_934 : i32
      %add3A_936 = arith.constant 1 : i32
      %add3A_937 = arith.addi %add3A_935, %add3A_936 : i32
      %get3A_938 = arith.index_cast %add3A_937 : i32 to index
      %get3A_939 = arith.constant 0 : index
      %get3A_940 = tpu.vector_load %arg5[%get3A_938, %get3A_939] {strides = array<i32>} : memref<81x128xi32, #tpu.memory_space<vmem>>, vector<1x16xi32>,
      %get3A_941 = vector.shape_cast %get3A_940 : vector<1x16xi32> to vector<16xi32>
      %ge3A_942 = arith.constant 25000 : i32
      %ge3A_943 = vector.broadcast %ge3A_942 : i32 to vector<16xi32>
      %ge3A_944 = arith.cmpi sge, %get3A_941, %ge3A_943 : vector<16xi32>
      %broadcast_in_dim3A_945 = arith.constant 49999 : i32
      %broadcast_in_dim3A_946 = vector.broadcast %broadcast_in_dim3A_945 : i32 to vector<16xi32>
      %broadcast_in_dim3A_947 = arith.constant 0 : i32
      %broadcast_in_dim3A_948 = vector.broadcast %broadcast_in_dim3A_947 : i32 to vector<16xi32>
      %select_n3A_949 = arith.select %ge3A_944, %broadcast_in_dim3A_946, %broadcast_in_dim3A_948 : vector<16xi1>, vector<16xi32>
      %mul3A_950 = arith.constant 2 : i32
      %mul3A_951 = vector.broadcast %mul3A_950 : i32 to vector<16xi32>
      %mul3A_952 = arith.muli %get3A_941, %mul3A_951 : vector<16xi32>
      %sub3A_953 = arith.subi %mul3A_952, %select_n3A_949 : vector<16xi32>
      %swap3A_954 = arith.index_cast %add3A_937 : i32 to index
      %swap3A_955 = arith.constant 0 : index
      %swap3A_956 = tpu.vector_load %arg5[%swap3A_954, %swap3A_955] {strides = array<i32>} : memref<81x128xi32, #tpu.memory_space<vmem>>, vector<1x16xi32>,
      %swap3A_957 = vector.shape_cast %swap3A_956 : vector<1x16xi32> to vector<16xi32>
      %swap3A_958 = vector.shape_cast %sub3A_953 : vector<16xi32> to vector<1x16xi32>
      tpu.vector_store %arg5[%swap3A_954, %swap3A_955], %swap3A_958 {strides = array<i32>} : memref<81x128xi32, #tpu.memory_space<vmem>>, vector<1x16xi32>,
      %get3A_959 = arith.index_cast %add3A_937 : i32 to index
      %get3A_960 = arith.constant 16 : index
      %get3A_961 = tpu.vector_load %arg5[%get3A_959, %get3A_960] {strides = array<i32>} : memref<81x128xi32, #tpu.memory_space<vmem>>, vector<1x16xi32>,
      %get3A_962 = vector.shape_cast %get3A_961 : vector<1x16xi32> to vector<16xi32>
      %ge3A_963 = arith.constant 25000 : i32
      %ge3A_964 = vector.broadcast %ge3A_963 : i32 to vector<16xi32>
      %ge3A_965 = arith.cmpi sge, %get3A_962, %ge3A_964 : vector<16xi32>
      %broadcast_in_dim3A_966 = arith.constant 49999 : i32
      %broadcast_in_dim3A_967 = vector.broadcast %broadcast_in_dim3A_966 : i32 to vector<16xi32>
      %broadcast_in_dim3A_968 = arith.constant 0 : i32
      %broadcast_in_dim3A_969 = vector.broadcast %broadcast_in_dim3A_968 : i32 to vector<16xi32>
      %select_n3A_970 = arith.select %ge3A_965, %broadcast_in_dim3A_967, %broadcast_in_dim3A_969 : vector<16xi1>, vector<16xi32>
      %mul3A_971 = arith.constant 2 : i32
      %mul3A_972 = vector.broadcast %mul3A_971 : i32 to vector<16xi32>
      %mul3A_973 = arith.muli %get3A_962, %mul3A_972 : vector<16xi32>
      %sub3A_974 = arith.subi %mul3A_973, %select_n3A_970 : vector<16xi32>
      %swap3A_975 = arith.index_cast %add3A_937 : i32 to index
      %swap3A_976 = arith.constant 16 : index
      %swap3A_977 = tpu.vector_load %arg5[%swap3A_975, %swap3A_976] {strides = array<i32>} : memref<81x128xi32, #tpu.memory_space<vmem>>, vector<1x16xi32>,
      %swap3A_978 = vector.shape_cast %swap3A_977 : vector<1x16xi32> to vector<16xi32>
      %swap3A_979 = vector.shape_cast %sub3A_974 : vector<16xi32> to vector<1x16xi32>
      tpu.vector_store %arg5[%swap3A_975, %swap3A_976], %swap3A_979 {strides = array<i32>} : memref<81x128xi32, #tpu.memory_space<vmem>>, vector<1x16xi32>,
      %get3A_980 = arith.index_cast %add3A_937 : i32 to index
      %get3A_981 = arith.constant 32 : index
      %get3A_982 = tpu.vector_load %arg5[%get3A_980, %get3A_981] {strides = array<i32>} : memref<81x128xi32, #tpu.memory_space<vmem>>, vector<1x16xi32>,
      %get3A_983 = vector.shape_cast %get3A_982 : vector<1x16xi32> to vector<16xi32>
      %ge3A_984 = arith.constant 25000 : i32
      %ge3A_985 = vector.broadcast %ge3A_984 : i32 to vector<16xi32>
      %ge3A_986 = arith.cmpi sge, %get3A_983, %ge3A_985 : vector<16xi32>
      %broadcast_in_dim3A_987 = arith.constant 49999 : i32
      %broadcast_in_dim3A_988 = vector.broadcast %broadcast_in_dim3A_987 : i32 to vector<16xi32>
      %broadcast_in_dim3A_989 = arith.constant 0 : i32
      %broadcast_in_dim3A_990 = vector.broadcast %broadcast_in_dim3A_989 : i32 to vector<16xi32>
      %select_n3A_991 = arith.select %ge3A_986, %broadcast_in_dim3A_988, %broadcast_in_dim3A_990 : vector<16xi1>, vector<16xi32>
      %mul3A_992 = arith.constant 2 : i32
      %mul3A_993 = vector.broadcast %mul3A_992 : i32 to vector<16xi32>
      %mul3A_994 = arith.muli %get3A_983, %mul3A_993 : vector<16xi32>
      %sub3A_995 = arith.subi %mul3A_994, %select_n3A_991 : vector<16xi32>
      %swap3A_996 = arith.index_cast %add3A_937 : i32 to index
      %swap3A_997 = arith.constant 32 : index
      %swap3A_998 = tpu.vector_load %arg5[%swap3A_996, %swap3A_997] {strides = array<i32>} : memref<81x128xi32, #tpu.memory_space<vmem>>, vector<1x16xi32>,
      %swap3A_999 = vector.shape_cast %swap3A_998 : vector<1x16xi32> to vector<16xi32>
      %swap3A_1000 = vector.shape_cast %sub3A_995 : vector<16xi32> to vector<1x16xi32>
      tpu.vector_store %arg5[%swap3A_996, %swap3A_997], %swap3A_1000 {strides = array<i32>} : memref<81x128xi32, #tpu.memory_space<vmem>>, vector<1x16xi32>,
      %get3A_1001 = arith.index_cast %add3A_937 : i32 to index
      %get3A_1002 = arith.constant 48 : index
      %get3A_1003 = tpu.vector_load %arg5[%get3A_1001, %get3A_1002] {strides = array<i32>} : memref<81x128xi32, #tpu.memory_space<vmem>>, vector<1x16xi32>,
      %get3A_1004 = vector.shape_cast %get3A_1003 : vector<1x16xi32> to vector<16xi32>
      %ge3A_1005 = arith.constant 25000 : i32
      %ge3A_1006 = vector.broadcast %ge3A_1005 : i32 to vector<16xi32>
      %ge3A_1007 = arith.cmpi sge, %get3A_1004, %ge3A_1006 : vector<16xi32>
      %broadcast_in_dim3A_1008 = arith.constant 49999 : i32
      %broadcast_in_dim3A_1009 = vector.broadcast %broadcast_in_dim3A_1008 : i32 to vector<16xi32>
      %broadcast_in_dim3A_1010 = arith.constant 0 : i32
      %broadcast_in_dim3A_1011 = vector.broadcast %broadcast_in_dim3A_1010 : i32 to vector<16xi32>
      %select_n3A_1012 = arith.select %ge3A_1007, %broadcast_in_dim3A_1009, %broadcast_in_dim3A_1011 : vector<16xi1>, vector<16xi32>
      %mul3A_1013 = arith.constant 2 : i32
      %mul3A_1014 = vector.broadcast %mul3A_1013 : i32 to vector<16xi32>
      %mul3A_1015 = arith.muli %get3A_1004, %mul3A_1014 : vector<16xi32>
      %sub3A_1016 = arith.subi %mul3A_1015, %select_n3A_1012 : vector<16xi32>
      %swap3A_1017 = arith.index_cast %add3A_937 : i32 to index
      %swap3A_1018 = arith.constant 48 : index
      %swap3A_1019 = tpu.vector_load %arg5[%swap3A_1017, %swap3A_1018] {strides = array<i32>} : memref<81x128xi32, #tpu.memory_space<vmem>>, vector<1x16xi32>,
      %swap3A_1020 = vector.shape_cast %swap3A_1019 : vector<1x16xi32> to vector<16xi32>
      %swap3A_1021 = vector.shape_cast %sub3A_1016 : vector<16xi32> to vector<1x16xi32>
      tpu.vector_store %arg5[%swap3A_1017, %swap3A_1018], %swap3A_1021 {strides = array<i32>} : memref<81x128xi32, #tpu.memory_space<vmem>>, vector<1x16xi32>,
      %get3A_1022 = arith.index_cast %add3A_937 : i32 to index
      %get3A_1023 = arith.constant 64 : index
      %get3A_1024 = tpu.vector_load %arg5[%get3A_1022, %get3A_1023] {strides = array<i32>} : memref<81x128xi32, #tpu.memory_space<vmem>>, vector<1x16xi32>,
      %get3A_1025 = vector.shape_cast %get3A_1024 : vector<1x16xi32> to vector<16xi32>
      %ge3A_1026 = arith.constant 25000 : i32
      %ge3A_1027 = vector.broadcast %ge3A_1026 : i32 to vector<16xi32>
      %ge3A_1028 = arith.cmpi sge, %get3A_1025, %ge3A_1027 : vector<16xi32>
      %broadcast_in_dim3A_1029 = arith.constant 49999 : i32
      %broadcast_in_dim3A_1030 = vector.broadcast %broadcast_in_dim3A_1029 : i32 to vector<16xi32>
      %broadcast_in_dim3A_1031 = arith.constant 0 : i32
      %broadcast_in_dim3A_1032 = vector.broadcast %broadcast_in_dim3A_1031 : i32 to vector<16xi32>
      %select_n3A_1033 = arith.select %ge3A_1028, %broadcast_in_dim3A_1030, %broadcast_in_dim3A_1032 : vector<16xi1>, vector<16xi32>
      %mul3A_1034 = arith.constant 2 : i32
      %mul3A_1035 = vector.broadcast %mul3A_1034 : i32 to vector<16xi32>
      %mul3A_1036 = arith.muli %get3A_1025, %mul3A_1035 : vector<16xi32>
      %sub3A_1037 = arith.subi %mul3A_1036, %select_n3A_1033 : vector<16xi32>
      %swap3A_1038 = arith.index_cast %add3A_937 : i32 to index
      %swap3A_1039 = arith.constant 64 : index
      %swap3A_1040 = tpu.vector_load %arg5[%swap3A_1038, %swap3A_1039] {strides = array<i32>} : memref<81x128xi32, #tpu.memory_space<vmem>>, vector<1x16xi32>,
      %swap3A_1041 = vector.shape_cast %swap3A_1040 : vector<1x16xi32> to vector<16xi32>
      %swap3A_1042 = vector.shape_cast %sub3A_1037 : vector<16xi32> to vector<1x16xi32>
      tpu.vector_store %arg5[%swap3A_1038, %swap3A_1039], %swap3A_1042 {strides = array<i32>} : memref<81x128xi32, #tpu.memory_space<vmem>>, vector<1x16xi32>,
      %get3A_1043 = arith.index_cast %add3A_937 : i32 to index
      %get3A_1044 = arith.constant 80 : index
      %get3A_1045 = tpu.vector_load %arg5[%get3A_1043, %get3A_1044] {strides = array<i32>} : memref<81x128xi32, #tpu.memory_space<vmem>>, vector<1x16xi32>,
      %get3A_1046 = vector.shape_cast %get3A_1045 : vector<1x16xi32> to vector<16xi32>
      %ge3A_1047 = arith.constant 25000 : i32
      %ge3A_1048 = vector.broadcast %ge3A_1047 : i32 to vector<16xi32>
      %ge3A_1049 = arith.cmpi sge, %get3A_1046, %ge3A_1048 : vector<16xi32>
      %broadcast_in_dim3A_1050 = arith.constant 49999 : i32
      %broadcast_in_dim3A_1051 = vector.broadcast %broadcast_in_dim3A_1050 : i32 to vector<16xi32>
      %broadcast_in_dim3A_1052 = arith.constant 0 : i32
      %broadcast_in_dim3A_1053 = vector.broadcast %broadcast_in_dim3A_1052 : i32 to vector<16xi32>
      %select_n3A_1054 = arith.select %ge3A_1049, %broadcast_in_dim3A_1051, %broadcast_in_dim3A_1053 : vector<16xi1>, vector<16xi32>
      %mul3A_1055 = arith.constant 2 : i32
      %mul3A_1056 = vector.broadcast %mul3A_1055 : i32 to vector<16xi32>
      %mul3A_1057 = arith.muli %get3A_1046, %mul3A_1056 : vector<16xi32>
      %sub3A_1058 = arith.subi %mul3A_1057, %select_n3A_1054 : vector<16xi32>
      %swap3A_1059 = arith.index_cast %add3A_937 : i32 to index
      %swap3A_1060 = arith.constant 80 : index
      %swap3A_1061 = tpu.vector_load %arg5[%swap3A_1059, %swap3A_1060] {strides = array<i32>} : memref<81x128xi32, #tpu.memory_space<vmem>>, vector<1x16xi32>,
      %swap3A_1062 = vector.shape_cast %swap3A_1061 : vector<1x16xi32> to vector<16xi32>
      %swap3A_1063 = vector.shape_cast %sub3A_1058 : vector<16xi32> to vector<1x16xi32>
      tpu.vector_store %arg5[%swap3A_1059, %swap3A_1060], %swap3A_1063 {strides = array<i32>} : memref<81x128xi32, #tpu.memory_space<vmem>>, vector<1x16xi32>,
      %get3A_1064 = arith.index_cast %add3A_937 : i32 to index
      %get3A_1065 = arith.constant 96 : index
      %get3A_1066 = tpu.vector_load %arg5[%get3A_1064, %get3A_1065] {strides = array<i32>} : memref<81x128xi32, #tpu.memory_space<vmem>>, vector<1x16xi32>,
      %get3A_1067 = vector.shape_cast %get3A_1066 : vector<1x16xi32> to vector<16xi32>
      %ge3A_1068 = arith.constant 25000 : i32
      %ge3A_1069 = vector.broadcast %ge3A_1068 : i32 to vector<16xi32>
      %ge3A_1070 = arith.cmpi sge, %get3A_1067, %ge3A_1069 : vector<16xi32>
      %broadcast_in_dim3A_1071 = arith.constant 49999 : i32
      %broadcast_in_dim3A_1072 = vector.broadcast %broadcast_in_dim3A_1071 : i32 to vector<16xi32>
      %broadcast_in_dim3A_1073 = arith.constant 0 : i32
      %broadcast_in_dim3A_1074 = vector.broadcast %broadcast_in_dim3A_1073 : i32 to vector<16xi32>
      %select_n3A_1075 = arith.select %ge3A_1070, %broadcast_in_dim3A_1072, %broadcast_in_dim3A_1074 : vector<16xi1>, vector<16xi32>
      %mul3A_1076 = arith.constant 2 : i32
      %mul3A_1077 = vector.broadcast %mul3A_1076 : i32 to vector<16xi32>
      %mul3A_1078 = arith.muli %get3A_1067, %mul3A_1077 : vector<16xi32>
      %sub3A_1079 = arith.subi %mul3A_1078, %select_n3A_1075 : vector<16xi32>
      %swap3A_1080 = arith.index_cast %add3A_937 : i32 to index
      %swap3A_1081 = arith.constant 96 : index
      %swap3A_1082 = tpu.vector_load %arg5[%swap3A_1080, %swap3A_1081] {strides = array<i32>} : memref<81x128xi32, #tpu.memory_space<vmem>>, vector<1x16xi32>,
      %swap3A_1083 = vector.shape_cast %swap3A_1082 : vector<1x16xi32> to vector<16xi32>
      %swap3A_1084 = vector.shape_cast %sub3A_1079 : vector<16xi32> to vector<1x16xi32>
      tpu.vector_store %arg5[%swap3A_1080, %swap3A_1081], %swap3A_1084 {strides = array<i32>} : memref<81x128xi32, #tpu.memory_space<vmem>>, vector<1x16xi32>,
      %get3A_1085 = arith.index_cast %add3A_937 : i32 to index
      %get3A_1086 = arith.constant 112 : index
      %get3A_1087 = tpu.vector_load %arg5[%get3A_1085, %get3A_1086] {strides = array<i32>} : memref<81x128xi32, #tpu.memory_space<vmem>>, vector<1x16xi32>,
      %get3A_1088 = vector.shape_cast %get3A_1087 : vector<1x16xi32> to vector<16xi32>
      %ge3A_1089 = arith.constant 25000 : i32
      %ge3A_1090 = vector.broadcast %ge3A_1089 : i32 to vector<16xi32>
      %ge3A_1091 = arith.cmpi sge, %get3A_1088, %ge3A_1090 : vector<16xi32>
      %broadcast_in_dim3A_1092 = arith.constant 49999 : i32
      %broadcast_in_dim3A_1093 = vector.broadcast %broadcast_in_dim3A_1092 : i32 to vector<16xi32>
      %broadcast_in_dim3A_1094 = arith.constant 0 : i32
      %broadcast_in_dim3A_1095 = vector.broadcast %broadcast_in_dim3A_1094 : i32 to vector<16xi32>
      %select_n3A_1096 = arith.select %ge3A_1091, %broadcast_in_dim3A_1093, %broadcast_in_dim3A_1095 : vector<16xi1>, vector<16xi32>
      %mul3A_1097 = arith.constant 2 : i32
      %mul3A_1098 = vector.broadcast %mul3A_1097 : i32 to vector<16xi32>
      %mul3A_1099 = arith.muli %get3A_1088, %mul3A_1098 : vector<16xi32>
      %sub3A_1100 = arith.subi %mul3A_1099, %select_n3A_1096 : vector<16xi32>
      %swap3A_1101 = arith.index_cast %add3A_937 : i32 to index
      %swap3A_1102 = arith.constant 112 : index
      %swap3A_1103 = tpu.vector_load %arg5[%swap3A_1101, %swap3A_1102] {strides = array<i32>} : memref<81x128xi32, #tpu.memory_space<vmem>>, vector<1x16xi32>,
      %swap3A_1104 = vector.shape_cast %swap3A_1103 : vector<1x16xi32> to vector<16xi32>
      %swap3A_1105 = vector.shape_cast %sub3A_1100 : vector<16xi32> to vector<1x16xi32>
      tpu.vector_store %arg5[%swap3A_1101, %swap3A_1102], %swap3A_1105 {strides = array<i32>} : memref<81x128xi32, #tpu.memory_space<vmem>>, vector<1x16xi32>,
      %dma_start3A_1106 = arith.constant 0 : i32
      %dma_start3A_1107 = tpu.memref_slice %arg5[%add3A_937, %dma_start3A_1106] : memref<81x128xi32, #tpu.memory_space<vmem>> -> memref<1x128xi32, #tpu.memory_space<vmem>>
      %dma_start3A_1108 = tpu.memref_squeeze %dma_start3A_1107 : memref<1x128xi32, #tpu.memory_space<vmem>> -> memref<128xi32, #tpu.memory_space<vmem>>
      %dma_start3A_1109 = arith.constant 0 : i32
      %dma_start3A_1110 = arith.constant 0 : i32
      %dma_start3A_1111 = tpu.memref_slice %arg3[%dma_start3A_1109, %dma_start3A_1110] : memref<50000x64xf32, #tpu.memory_space<hbm>> -> memref<50000x64xf32, #tpu.memory_space<hbm>>
      tpu.enqueue_indirect_dma source(%dma_start3A_1111 : memref<50000x64xf32, #tpu.memory_space<hbm>>) target(%arg8 : memref<128x64xf32, #tpu.memory_space<vmem>>) offsets(%dma_start3A_1108 : memref<128xi32, #tpu.memory_space<vmem>>) semaphore(%arg12 : memref<!tpu.dma_semaphore, #tpu.memory_space<semaphore_mem>>)
      %dma_wait3A_1112 = arith.constant 0 : i32
      %dma_wait3A_1113 = arith.constant 0 : i32
      %dma_wait3A_1114 = tpu.memref_slice %arg6[%dma_wait3A_1112, %dma_wait3A_1113] : memref<81x128xi32, #tpu.memory_space<vmem>> -> memref<1x128xi32, #tpu.memory_space<vmem>>
      %dma_wait3A_1115 = tpu.memref_squeeze %dma_wait3A_1114 : memref<1x128xi32, #tpu.memory_space<vmem>> -> memref<128xi32, #tpu.memory_space<vmem>>
      %dma_wait3A_1116 = arith.constant 0 : i32
      %dma_wait3A_1117 = arith.constant 0 : i32
      %dma_wait3A_1118 = tpu.memref_slice %arg10[%dma_wait3A_1116, %dma_wait3A_1117] : memref<20480x64xf32, #tpu.memory_space<vmem_shared>> -> memref<20480x64xf32, #tpu.memory_space<vmem_shared>>
      tpu.wait_indirect_dma semaphore(%arg16 : memref<!tpu.dma_semaphore, #tpu.memory_space<semaphore_mem>>) src(%arg9 : memref<128x64xf32, #tpu.memory_space<vmem>>) dst(%dma_wait3A_1118 : memref<20480x64xf32, #tpu.memory_space<vmem_shared>>)
      %add3A_1119 = arith.constant 3 : i32
      %add3A_1120 = arith.addi %mul3A_696, %add3A_1119 : i32
      %add3A_1121 = arith.constant 2 : i32
      %add3A_1122 = arith.addi %add3A_1120, %add3A_1121 : i32
      %get3A_1123 = arith.index_cast %add3A_1122 : i32 to index
      %get3A_1124 = arith.constant 0 : index
      %get3A_1125 = tpu.vector_load %arg5[%get3A_1123, %get3A_1124] {strides = array<i32>} : memref<81x128xi32, #tpu.memory_space<vmem>>, vector<1x16xi32>,
      %get3A_1126 = vector.shape_cast %get3A_1125 : vector<1x16xi32> to vector<16xi32>
      %ge3A_1127 = arith.constant 25000 : i32
      %ge3A_1128 = vector.broadcast %ge3A_1127 : i32 to vector<16xi32>
      %ge3A_1129 = arith.cmpi sge, %get3A_1126, %ge3A_1128 : vector<16xi32>
      %broadcast_in_dim3A_1130 = arith.constant 49999 : i32
      %broadcast_in_dim3A_1131 = vector.broadcast %broadcast_in_dim3A_1130 : i32 to vector<16xi32>
      %broadcast_in_dim3A_1132 = arith.constant 0 : i32
      %broadcast_in_dim3A_1133 = vector.broadcast %broadcast_in_dim3A_1132 : i32 to vector<16xi32>
      %select_n3A_1134 = arith.select %ge3A_1129, %broadcast_in_dim3A_1131, %broadcast_in_dim3A_1133 : vector<16xi1>, vector<16xi32>
      %mul3A_1135 = arith.constant 2 : i32
      %mul3A_1136 = vector.broadcast %mul3A_1135 : i32 to vector<16xi32>
      %mul3A_1137 = arith.muli %get3A_1126, %mul3A_1136 : vector<16xi32>
      %sub3A_1138 = arith.subi %mul3A_1137, %select_n3A_1134 : vector<16xi32>
      %swap3A_1139 = arith.index_cast %add3A_1122 : i32 to index
      %swap3A_1140 = arith.constant 0 : index
      %swap3A_1141 = tpu.vector_load %arg5[%swap3A_1139, %swap3A_1140] {strides = array<i32>} : memref<81x128xi32, #tpu.memory_space<vmem>>, vector<1x16xi32>,
      %swap3A_1142 = vector.shape_cast %swap3A_1141 : vector<1x16xi32> to vector<16xi32>
      %swap3A_1143 = vector.shape_cast %sub3A_1138 : vector<16xi32> to vector<1x16xi32>
      tpu.vector_store %arg5[%swap3A_1139, %swap3A_1140], %swap3A_1143 {strides = array<i32>} : memref<81x128xi32, #tpu.memory_space<vmem>>, vector<1x16xi32>,
      %get3A_1144 = arith.index_cast %add3A_1122 : i32 to index
      %get3A_1145 = arith.constant 16 : index
      %get3A_1146 = tpu.vector_load %arg5[%get3A_1144, %get3A_1145] {strides = array<i32>} : memref<81x128xi32, #tpu.memory_space<vmem>>, vector<1x16xi32>,
      %get3A_1147 = vector.shape_cast %get3A_1146 : vector<1x16xi32> to vector<16xi32>
      %ge3A_1148 = arith.constant 25000 : i32
      %ge3A_1149 = vector.broadcast %ge3A_1148 : i32 to vector<16xi32>
      %ge3A_1150 = arith.cmpi sge, %get3A_1147, %ge3A_1149 : vector<16xi32>
      %broadcast_in_dim3A_1151 = arith.constant 49999 : i32
      %broadcast_in_dim3A_1152 = vector.broadcast %broadcast_in_dim3A_1151 : i32 to vector<16xi32>
      %broadcast_in_dim3A_1153 = arith.constant 0 : i32
      %broadcast_in_dim3A_1154 = vector.broadcast %broadcast_in_dim3A_1153 : i32 to vector<16xi32>
      %select_n3A_1155 = arith.select %ge3A_1150, %broadcast_in_dim3A_1152, %broadcast_in_dim3A_1154 : vector<16xi1>, vector<16xi32>
      %mul3A_1156 = arith.constant 2 : i32
      %mul3A_1157 = vector.broadcast %mul3A_1156 : i32 to vector<16xi32>
      %mul3A_1158 = arith.muli %get3A_1147, %mul3A_1157 : vector<16xi32>
      %sub3A_1159 = arith.subi %mul3A_1158, %select_n3A_1155 : vector<16xi32>
      %swap3A_1160 = arith.index_cast %add3A_1122 : i32 to index
      %swap3A_1161 = arith.constant 16 : index
      %swap3A_1162 = tpu.vector_load %arg5[%swap3A_1160, %swap3A_1161] {strides = array<i32>} : memref<81x128xi32, #tpu.memory_space<vmem>>, vector<1x16xi32>,
      %swap3A_1163 = vector.shape_cast %swap3A_1162 : vector<1x16xi32> to vector<16xi32>
      %swap3A_1164 = vector.shape_cast %sub3A_1159 : vector<16xi32> to vector<1x16xi32>
      tpu.vector_store %arg5[%swap3A_1160, %swap3A_1161], %swap3A_1164 {strides = array<i32>} : memref<81x128xi32, #tpu.memory_space<vmem>>, vector<1x16xi32>,
      %get3A_1165 = arith.index_cast %add3A_1122 : i32 to index
      %get3A_1166 = arith.constant 32 : index
      %get3A_1167 = tpu.vector_load %arg5[%get3A_1165, %get3A_1166] {strides = array<i32>} : memref<81x128xi32, #tpu.memory_space<vmem>>, vector<1x16xi32>,
      %get3A_1168 = vector.shape_cast %get3A_1167 : vector<1x16xi32> to vector<16xi32>
      %ge3A_1169 = arith.constant 25000 : i32
      %ge3A_1170 = vector.broadcast %ge3A_1169 : i32 to vector<16xi32>
      %ge3A_1171 = arith.cmpi sge, %get3A_1168, %ge3A_1170 : vector<16xi32>
      %broadcast_in_dim3A_1172 = arith.constant 49999 : i32
      %broadcast_in_dim3A_1173 = vector.broadcast %broadcast_in_dim3A_1172 : i32 to vector<16xi32>
      %broadcast_in_dim3A_1174 = arith.constant 0 : i32
      %broadcast_in_dim3A_1175 = vector.broadcast %broadcast_in_dim3A_1174 : i32 to vector<16xi32>
      %select_n3A_1176 = arith.select %ge3A_1171, %broadcast_in_dim3A_1173, %broadcast_in_dim3A_1175 : vector<16xi1>, vector<16xi32>
      %mul3A_1177 = arith.constant 2 : i32
      %mul3A_1178 = vector.broadcast %mul3A_1177 : i32 to vector<16xi32>
      %mul3A_1179 = arith.muli %get3A_1168, %mul3A_1178 : vector<16xi32>
      %sub3A_1180 = arith.subi %mul3A_1179, %select_n3A_1176 : vector<16xi32>
      %swap3A_1181 = arith.index_cast %add3A_1122 : i32 to index
      %swap3A_1182 = arith.constant 32 : index
      %swap3A_1183 = tpu.vector_load %arg5[%swap3A_1181, %swap3A_1182] {strides = array<i32>} : memref<81x128xi32, #tpu.memory_space<vmem>>, vector<1x16xi32>,
      %swap3A_1184 = vector.shape_cast %swap3A_1183 : vector<1x16xi32> to vector<16xi32>
      %swap3A_1185 = vector.shape_cast %sub3A_1180 : vector<16xi32> to vector<1x16xi32>
      tpu.vector_store %arg5[%swap3A_1181, %swap3A_1182], %swap3A_1185 {strides = array<i32>} : memref<81x128xi32, #tpu.memory_space<vmem>>, vector<1x16xi32>,
      %get3A_1186 = arith.index_cast %add3A_1122 : i32 to index
      %get3A_1187 = arith.constant 48 : index
      %get3A_1188 = tpu.vector_load %arg5[%get3A_1186, %get3A_1187] {strides = array<i32>} : memref<81x128xi32, #tpu.memory_space<vmem>>, vector<1x16xi32>,
      %get3A_1189 = vector.shape_cast %get3A_1188 : vector<1x16xi32> to vector<16xi32>
      %ge3A_1190 = arith.constant 25000 : i32
      %ge3A_1191 = vector.broadcast %ge3A_1190 : i32 to vector<16xi32>
      %ge3A_1192 = arith.cmpi sge, %get3A_1189, %ge3A_1191 : vector<16xi32>
      %broadcast_in_dim3A_1193 = arith.constant 49999 : i32
      %broadcast_in_dim3A_1194 = vector.broadcast %broadcast_in_dim3A_1193 : i32 to vector<16xi32>
      %broadcast_in_dim3A_1195 = arith.constant 0 : i32
      %broadcast_in_dim3A_1196 = vector.broadcast %broadcast_in_dim3A_1195 : i32 to vector<16xi32>
      %select_n3A_1197 = arith.select %ge3A_1192, %broadcast_in_dim3A_1194, %broadcast_in_dim3A_1196 : vector<16xi1>, vector<16xi32>
      %mul3A_1198 = arith.constant 2 : i32
      %mul3A_1199 = vector.broadcast %mul3A_1198 : i32 to vector<16xi32>
      %mul3A_1200 = arith.muli %get3A_1189, %mul3A_1199 : vector<16xi32>
      %sub3A_1201 = arith.subi %mul3A_1200, %select_n3A_1197 : vector<16xi32>
      %swap3A_1202 = arith.index_cast %add3A_1122 : i32 to index
      %swap3A_1203 = arith.constant 48 : index
      %swap3A_1204 = tpu.vector_load %arg5[%swap3A_1202, %swap3A_1203] {strides = array<i32>} : memref<81x128xi32, #tpu.memory_space<vmem>>, vector<1x16xi32>,
      %swap3A_1205 = vector.shape_cast %swap3A_1204 : vector<1x16xi32> to vector<16xi32>
      %swap3A_1206 = vector.shape_cast %sub3A_1201 : vector<16xi32> to vector<1x16xi32>
      tpu.vector_store %arg5[%swap3A_1202, %swap3A_1203], %swap3A_1206 {strides = array<i32>} : memref<81x128xi32, #tpu.memory_space<vmem>>, vector<1x16xi32>,
      %get3A_1207 = arith.index_cast %add3A_1122 : i32 to index
      %get3A_1208 = arith.constant 64 : index
      %get3A_1209 = tpu.vector_load %arg5[%get3A_1207, %get3A_1208] {strides = array<i32>} : memref<81x128xi32, #tpu.memory_space<vmem>>, vector<1x16xi32>,
      %get3A_1210 = vector.shape_cast %get3A_1209 : vector<1x16xi32> to vector<16xi32>
      %ge3A_1211 = arith.constant 25000 : i32
      %ge3A_1212 = vector.broadcast %ge3A_1211 : i32 to vector<16xi32>
      %ge3A_1213 = arith.cmpi sge, %get3A_1210, %ge3A_1212 : vector<16xi32>
      %broadcast_in_dim3A_1214 = arith.constant 49999 : i32
      %broadcast_in_dim3A_1215 = vector.broadcast %broadcast_in_dim3A_1214 : i32 to vector<16xi32>
      %broadcast_in_dim3A_1216 = arith.constant 0 : i32
      %broadcast_in_dim3A_1217 = vector.broadcast %broadcast_in_dim3A_1216 : i32 to vector<16xi32>
      %select_n3A_1218 = arith.select %ge3A_1213, %broadcast_in_dim3A_1215, %broadcast_in_dim3A_1217 : vector<16xi1>, vector<16xi32>
      %mul3A_1219 = arith.constant 2 : i32
      %mul3A_1220 = vector.broadcast %mul3A_1219 : i32 to vector<16xi32>
      %mul3A_1221 = arith.muli %get3A_1210, %mul3A_1220 : vector<16xi32>
      %sub3A_1222 = arith.subi %mul3A_1221, %select_n3A_1218 : vector<16xi32>
      %swap3A_1223 = arith.index_cast %add3A_1122 : i32 to index
      %swap3A_1224 = arith.constant 64 : index
      %swap3A_1225 = tpu.vector_load %arg5[%swap3A_1223, %swap3A_1224] {strides = array<i32>} : memref<81x128xi32, #tpu.memory_space<vmem>>, vector<1x16xi32>,
      %swap3A_1226 = vector.shape_cast %swap3A_1225 : vector<1x16xi32> to vector<16xi32>
      %swap3A_1227 = vector.shape_cast %sub3A_1222 : vector<16xi32> to vector<1x16xi32>
      tpu.vector_store %arg5[%swap3A_1223, %swap3A_1224], %swap3A_1227 {strides = array<i32>} : memref<81x128xi32, #tpu.memory_space<vmem>>, vector<1x16xi32>,
      %get3A_1228 = arith.index_cast %add3A_1122 : i32 to index
      %get3A_1229 = arith.constant 80 : index
      %get3A_1230 = tpu.vector_load %arg5[%get3A_1228, %get3A_1229] {strides = array<i32>} : memref<81x128xi32, #tpu.memory_space<vmem>>, vector<1x16xi32>,
      %get3A_1231 = vector.shape_cast %get3A_1230 : vector<1x16xi32> to vector<16xi32>
      %ge3A_1232 = arith.constant 25000 : i32
      %ge3A_1233 = vector.broadcast %ge3A_1232 : i32 to vector<16xi32>
      %ge3A_1234 = arith.cmpi sge, %get3A_1231, %ge3A_1233 : vector<16xi32>
      %broadcast_in_dim3A_1235 = arith.constant 49999 : i32
      %broadcast_in_dim3A_1236 = vector.broadcast %broadcast_in_dim3A_1235 : i32 to vector<16xi32>
      %broadcast_in_dim3A_1237 = arith.constant 0 : i32
      %broadcast_in_dim3A_1238 = vector.broadcast %broadcast_in_dim3A_1237 : i32 to vector<16xi32>
      %select_n3A_1239 = arith.select %ge3A_1234, %broadcast_in_dim3A_1236, %broadcast_in_dim3A_1238 : vector<16xi1>, vector<16xi32>
      %mul3A_1240 = arith.constant 2 : i32
      %mul3A_1241 = vector.broadcast %mul3A_1240 : i32 to vector<16xi32>
      %mul3A_1242 = arith.muli %get3A_1231, %mul3A_1241 : vector<16xi32>
      %sub3A_1243 = arith.subi %mul3A_1242, %select_n3A_1239 : vector<16xi32>
      %swap3A_1244 = arith.index_cast %add3A_1122 : i32 to index
      %swap3A_1245 = arith.constant 80 : index
      %swap3A_1246 = tpu.vector_load %arg5[%swap3A_1244, %swap3A_1245] {strides = array<i32>} : memref<81x128xi32, #tpu.memory_space<vmem>>, vector<1x16xi32>,
      %swap3A_1247 = vector.shape_cast %swap3A_1246 : vector<1x16xi32> to vector<16xi32>
      %swap3A_1248 = vector.shape_cast %sub3A_1243 : vector<16xi32> to vector<1x16xi32>
      tpu.vector_store %arg5[%swap3A_1244, %swap3A_1245], %swap3A_1248 {strides = array<i32>} : memref<81x128xi32, #tpu.memory_space<vmem>>, vector<1x16xi32>,
      %get3A_1249 = arith.index_cast %add3A_1122 : i32 to index
      %get3A_1250 = arith.constant 96 : index
      %get3A_1251 = tpu.vector_load %arg5[%get3A_1249, %get3A_1250] {strides = array<i32>} : memref<81x128xi32, #tpu.memory_space<vmem>>, vector<1x16xi32>,
      %get3A_1252 = vector.shape_cast %get3A_1251 : vector<1x16xi32> to vector<16xi32>
      %ge3A_1253 = arith.constant 25000 : i32
      %ge3A_1254 = vector.broadcast %ge3A_1253 : i32 to vector<16xi32>
      %ge3A_1255 = arith.cmpi sge, %get3A_1252, %ge3A_1254 : vector<16xi32>
      %broadcast_in_dim3A_1256 = arith.constant 49999 : i32
      %broadcast_in_dim3A_1257 = vector.broadcast %broadcast_in_dim3A_1256 : i32 to vector<16xi32>
      %broadcast_in_dim3A_1258 = arith.constant 0 : i32
      %broadcast_in_dim3A_1259 = vector.broadcast %broadcast_in_dim3A_1258 : i32 to vector<16xi32>
      %select_n3A_1260 = arith.select %ge3A_1255, %broadcast_in_dim3A_1257, %broadcast_in_dim3A_1259 : vector<16xi1>, vector<16xi32>
      %mul3A_1261 = arith.constant 2 : i32
      %mul3A_1262 = vector.broadcast %mul3A_1261 : i32 to vector<16xi32>
      %mul3A_1263 = arith.muli %get3A_1252, %mul3A_1262 : vector<16xi32>
      %sub3A_1264 = arith.subi %mul3A_1263, %select_n3A_1260 : vector<16xi32>
      %swap3A_1265 = arith.index_cast %add3A_1122 : i32 to index
      %swap3A_1266 = arith.constant 96 : index
      %swap3A_1267 = tpu.vector_load %arg5[%swap3A_1265, %swap3A_1266] {strides = array<i32>} : memref<81x128xi32, #tpu.memory_space<vmem>>, vector<1x16xi32>,
      %swap3A_1268 = vector.shape_cast %swap3A_1267 : vector<1x16xi32> to vector<16xi32>
      %swap3A_1269 = vector.shape_cast %sub3A_1264 : vector<16xi32> to vector<1x16xi32>
      tpu.vector_store %arg5[%swap3A_1265, %swap3A_1266], %swap3A_1269 {strides = array<i32>} : memref<81x128xi32, #tpu.memory_space<vmem>>, vector<1x16xi32>,
      %get3A_1270 = arith.index_cast %add3A_1122 : i32 to index
      %get3A_1271 = arith.constant 112 : index
      %get3A_1272 = tpu.vector_load %arg5[%get3A_1270, %get3A_1271] {strides = array<i32>} : memref<81x128xi32, #tpu.memory_space<vmem>>, vector<1x16xi32>,
      %get3A_1273 = vector.shape_cast %get3A_1272 : vector<1x16xi32> to vector<16xi32>
      %ge3A_1274 = arith.constant 25000 : i32
      %ge3A_1275 = vector.broadcast %ge3A_1274 : i32 to vector<16xi32>
      %ge3A_1276 = arith.cmpi sge, %get3A_1273, %ge3A_1275 : vector<16xi32>
      %broadcast_in_dim3A_1277 = arith.constant 49999 : i32
      %broadcast_in_dim3A_1278 = vector.broadcast %broadcast_in_dim3A_1277 : i32 to vector<16xi32>
      %broadcast_in_dim3A_1279 = arith.constant 0 : i32
      %broadcast_in_dim3A_1280 = vector.broadcast %broadcast_in_dim3A_1279 : i32 to vector<16xi32>
      %select_n3A_1281 = arith.select %ge3A_1276, %broadcast_in_dim3A_1278, %broadcast_in_dim3A_1280 : vector<16xi1>, vector<16xi32>
      %mul3A_1282 = arith.constant 2 : i32
      %mul3A_1283 = vector.broadcast %mul3A_1282 : i32 to vector<16xi32>
      %mul3A_1284 = arith.muli %get3A_1273, %mul3A_1283 : vector<16xi32>
      %sub3A_1285 = arith.subi %mul3A_1284, %select_n3A_1281 : vector<16xi32>
      %swap3A_1286 = arith.index_cast %add3A_1122 : i32 to index
      %swap3A_1287 = arith.constant 112 : index
      %swap3A_1288 = tpu.vector_load %arg5[%swap3A_1286, %swap3A_1287] {strides = array<i32>} : memref<81x128xi32, #tpu.memory_space<vmem>>, vector<1x16xi32>,
      %swap3A_1289 = vector.shape_cast %swap3A_1288 : vector<1x16xi32> to vector<16xi32>
      %swap3A_1290 = vector.shape_cast %sub3A_1285 : vector<16xi32> to vector<1x16xi32>
      tpu.vector_store %arg5[%swap3A_1286, %swap3A_1287], %swap3A_1290 {strides = array<i32>} : memref<81x128xi32, #tpu.memory_space<vmem>>, vector<1x16xi32>,
      %dma_start3A_1291 = arith.constant 0 : i32
      %dma_start3A_1292 = tpu.memref_slice %arg5[%add3A_1122, %dma_start3A_1291] : memref<81x128xi32, #tpu.memory_space<vmem>> -> memref<1x128xi32, #tpu.memory_space<vmem>>
      %dma_start3A_1293 = tpu.memref_squeeze %dma_start3A_1292 : memref<1x128xi32, #tpu.memory_space<vmem>> -> memref<128xi32, #tpu.memory_space<vmem>>
      %dma_start3A_1294 = arith.constant 0 : i32
      %dma_start3A_1295 = arith.constant 0 : i32
      %dma_start3A_1296 = tpu.memref_slice %arg3[%dma_start3A_1294, %dma_start3A_1295] : memref<50000x64xf32, #tpu.memory_space<hbm>> -> memref<50000x64xf32, #tpu.memory_space<hbm>>
      tpu.enqueue_indirect_dma source(%dma_start3A_1296 : memref<50000x64xf32, #tpu.memory_space<hbm>>) target(%arg9 : memref<128x64xf32, #tpu.memory_space<vmem>>) offsets(%dma_start3A_1293 : memref<128xi32, #tpu.memory_space<vmem>>) semaphore(%arg13 : memref<!tpu.dma_semaphore, #tpu.memory_space<semaphore_mem>>)
    }
    %scan3A_592 = arith.constant 26 : i32
    %dma_wait3A = arith.constant 0 : i32
    %dma_wait3A_593 = arith.constant 0 : i32
    %dma_wait3A_594 = tpu.memref_slice %arg5[%dma_wait3A, %dma_wait3A_593] : memref<81x128xi32, #tpu.memory_space<vmem>> -> memref<1x128xi32, #tpu.memory_space<vmem>>
    %dma_wait3A_595 = tpu.memref_squeeze %dma_wait3A_594 : memref<1x128xi32, #tpu.memory_space<vmem>> -> memref<128xi32, #tpu.memory_space<vmem>>
    %dma_wait3A_596 = arith.constant 0 : i32
    %dma_wait3A_597 = arith.constant 0 : i32
    %dma_wait3A_598 = tpu.memref_slice %arg3[%dma_wait3A_596, %dma_wait3A_597] : memref<50000x64xf32, #tpu.memory_space<hbm>> -> memref<50000x64xf32, #tpu.memory_space<hbm>>
    tpu.wait_indirect_dma semaphore(%arg11 : memref<!tpu.dma_semaphore, #tpu.memory_space<semaphore_mem>>) src(%dma_wait3A_598 : memref<50000x64xf32, #tpu.memory_space<hbm>>) dst(%arg7 : memref<128x64xf32, #tpu.memory_space<vmem>>)
    %dma_start3A_599 = arith.constant 78 : i32
    %dma_start3A_600 = arith.constant 0 : i32
    %dma_start3A_601 = tpu.memref_slice %arg6[%dma_start3A_599, %dma_start3A_600] : memref<81x128xi32, #tpu.memory_space<vmem>> -> memref<1x128xi32, #tpu.memory_space<vmem>>
    %dma_start3A_602 = tpu.memref_squeeze %dma_start3A_601 : memref<1x128xi32, #tpu.memory_space<vmem>> -> memref<128xi32, #tpu.memory_space<vmem>>
    %dma_start3A_603 = arith.constant 0 : i32
    %dma_start3A_604 = arith.constant 0 : i32
    %dma_start3A_605 = tpu.memref_slice %arg10[%dma_start3A_603, %dma_start3A_604] : memref<20480x64xf32, #tpu.memory_space<vmem_shared>> -> memref<20480x64xf32, #tpu.memory_space<vmem_shared>>
    tpu.enqueue_indirect_dma source(%arg7 : memref<128x64xf32, #tpu.memory_space<vmem>>) target(%dma_start3A_605 : memref<20480x64xf32, #tpu.memory_space<vmem_shared>>) offsets(%dma_start3A_602 : memref<128xi32, #tpu.memory_space<vmem>>) semaphore(%arg14 : memref<!tpu.dma_semaphore, #tpu.memory_space<semaphore_mem>>) {add = true}
    %dma_wait3A_606 = arith.constant 0 : i32
    %dma_wait3A_607 = arith.constant 0 : i32
    %dma_wait3A_608 = tpu.memref_slice %arg5[%dma_wait3A_606, %dma_wait3A_607] : memref<81x128xi32, #tpu.memory_space<vmem>> -> memref<1x128xi32, #tpu.memory_space<vmem>>
    %dma_wait3A_609 = tpu.memref_squeeze %dma_wait3A_608 : memref<1x128xi32, #tpu.memory_space<vmem>> -> memref<128xi32, #tpu.memory_space<vmem>>
    %dma_wait3A_610 = arith.constant 0 : i32
    %dma_wait3A_611 = arith.constant 0 : i32
    %dma_wait3A_612 = tpu.memref_slice %arg3[%dma_wait3A_610, %dma_wait3A_611] : memref<50000x64xf32, #tpu.memory_space<hbm>> -> memref<50000x64xf32, #tpu.memory_space<hbm>>
    tpu.wait_indirect_dma semaphore(%arg12 : memref<!tpu.dma_semaphore, #tpu.memory_space<semaphore_mem>>) src(%dma_wait3A_612 : memref<50000x64xf32, #tpu.memory_space<hbm>>) dst(%arg8 : memref<128x64xf32, #tpu.memory_space<vmem>>)
    %dma_start3A_613 = arith.constant 79 : i32
    %dma_start3A_614 = arith.constant 0 : i32
    %dma_start3A_615 = tpu.memref_slice %arg6[%dma_start3A_613, %dma_start3A_614] : memref<81x128xi32, #tpu.memory_space<vmem>> -> memref<1x128xi32, #tpu.memory_space<vmem>>
    %dma_start3A_616 = tpu.memref_squeeze %dma_start3A_615 : memref<1x128xi32, #tpu.memory_space<vmem>> -> memref<128xi32, #tpu.memory_space<vmem>>
    %dma_start3A_617 = arith.constant 0 : i32
    %dma_start3A_618 = arith.constant 0 : i32
    %dma_start3A_619 = tpu.memref_slice %arg10[%dma_start3A_617, %dma_start3A_618] : memref<20480x64xf32, #tpu.memory_space<vmem_shared>> -> memref<20480x64xf32, #tpu.memory_space<vmem_shared>>
    tpu.enqueue_indirect_dma source(%arg8 : memref<128x64xf32, #tpu.memory_space<vmem>>) target(%dma_start3A_619 : memref<20480x64xf32, #tpu.memory_space<vmem_shared>>) offsets(%dma_start3A_616 : memref<128xi32, #tpu.memory_space<vmem>>) semaphore(%arg15 : memref<!tpu.dma_semaphore, #tpu.memory_space<semaphore_mem>>) {add = true}
    %dma_wait3A_620 = arith.constant 0 : i32
    %dma_wait3A_621 = arith.constant 0 : i32
    %dma_wait3A_622 = tpu.memref_slice %arg5[%dma_wait3A_620, %dma_wait3A_621] : memref<81x128xi32, #tpu.memory_space<vmem>> -> memref<1x128xi32, #tpu.memory_space<vmem>>
    %dma_wait3A_623 = tpu.memref_squeeze %dma_wait3A_622 : memref<1x128xi32, #tpu.memory_space<vmem>> -> memref<128xi32, #tpu.memory_space<vmem>>
    %dma_wait3A_624 = arith.constant 0 : i32
    %dma_wait3A_625 = arith.constant 0 : i32
    %dma_wait3A_626 = tpu.memref_slice %arg3[%dma_wait3A_624, %dma_wait3A_625] : memref<50000x64xf32, #tpu.memory_space<hbm>> -> memref<50000x64xf32, #tpu.memory_space<hbm>>
    tpu.wait_indirect_dma semaphore(%arg13 : memref<!tpu.dma_semaphore, #tpu.memory_space<semaphore_mem>>) src(%dma_wait3A_626 : memref<50000x64xf32, #tpu.memory_space<hbm>>) dst(%arg9 : memref<128x64xf32, #tpu.memory_space<vmem>>)
    %dma_start3A_627 = arith.constant 80 : i32
    %dma_start3A_628 = arith.constant 0 : i32
    %dma_start3A_629 = tpu.memref_slice %arg6[%dma_start3A_627, %dma_start3A_628] : memref<81x128xi32, #tpu.memory_space<vmem>> -> memref<1x128xi32, #tpu.memory_space<vmem>>
    %dma_start3A_630 = tpu.memref_squeeze %dma_start3A_629 : memref<1x128xi32, #tpu.memory_space<vmem>> -> memref<128xi32, #tpu.memory_space<vmem>>
    %dma_start3A_631 = arith.constant 0 : i32
    %dma_start3A_632 = arith.constant 0 : i32
    %dma_start3A_633 = tpu.memref_slice %arg10[%dma_start3A_631, %dma_start3A_632] : memref<20480x64xf32, #tpu.memory_space<vmem_shared>> -> memref<20480x64xf32, #tpu.memory_space<vmem_shared>>
    tpu.enqueue_indirect_dma source(%arg9 : memref<128x64xf32, #tpu.memory_space<vmem>>) target(%dma_start3A_633 : memref<20480x64xf32, #tpu.memory_space<vmem_shared>>) offsets(%dma_start3A_630 : memref<128xi32, #tpu.memory_space<vmem>>) semaphore(%arg16 : memref<!tpu.dma_semaphore, #tpu.memory_space<semaphore_mem>>) {add = true}
    %dma_wait3A_634 = arith.constant 0 : i32
    %dma_wait3A_635 = arith.constant 0 : i32
    %dma_wait3A_636 = tpu.memref_slice %arg6[%dma_wait3A_634, %dma_wait3A_635] : memref<81x128xi32, #tpu.memory_space<vmem>> -> memref<1x128xi32, #tpu.memory_space<vmem>>
    %dma_wait3A_637 = tpu.memref_squeeze %dma_wait3A_636 : memref<1x128xi32, #tpu.memory_space<vmem>> -> memref<128xi32, #tpu.memory_space<vmem>>
    %dma_wait3A_638 = arith.constant 0 : i32
    %dma_wait3A_639 = arith.constant 0 : i32
    %dma_wait3A_640 = tpu.memref_slice %arg10[%dma_wait3A_638, %dma_wait3A_639] : memref<20480x64xf32, #tpu.memory_space<vmem_shared>> -> memref<20480x64xf32, #tpu.memory_space<vmem_shared>>
    tpu.wait_indirect_dma semaphore(%arg14 : memref<!tpu.dma_semaphore, #tpu.memory_space<semaphore_mem>>) src(%arg7 : memref<128x64xf32, #tpu.memory_space<vmem>>) dst(%dma_wait3A_640 : memref<20480x64xf32, #tpu.memory_space<vmem_shared>>)
    %dma_wait3A_641 = arith.constant 0 : i32
    %dma_wait3A_642 = arith.constant 0 : i32
    %dma_wait3A_643 = tpu.memref_slice %arg6[%dma_wait3A_641, %dma_wait3A_642] : memref<81x128xi32, #tpu.memory_space<vmem>> -> memref<1x128xi32, #tpu.memory_space<vmem>>
    %dma_wait3A_644 = tpu.memref_squeeze %dma_wait3A_643 : memref<1x128xi32, #tpu.memory_space<vmem>> -> memref<128xi32, #tpu.memory_space<vmem>>
    %dma_wait3A_645 = arith.constant 0 : i32
    %dma_wait3A_646 = arith.constant 0 : i32
    %dma_wait3A_647 = tpu.memref_slice %arg10[%dma_wait3A_645, %dma_wait3A_646] : memref<20480x64xf32, #tpu.memory_space<vmem_shared>> -> memref<20480x64xf32, #tpu.memory_space<vmem_shared>>
    tpu.wait_indirect_dma semaphore(%arg15 : memref<!tpu.dma_semaphore, #tpu.memory_space<semaphore_mem>>) src(%arg8 : memref<128x64xf32, #tpu.memory_space<vmem>>) dst(%dma_wait3A_647 : memref<20480x64xf32, #tpu.memory_space<vmem_shared>>)
    %dma_wait3A_648 = arith.constant 0 : i32
    %dma_wait3A_649 = arith.constant 0 : i32
    %dma_wait3A_650 = tpu.memref_slice %arg6[%dma_wait3A_648, %dma_wait3A_649] : memref<81x128xi32, #tpu.memory_space<vmem>> -> memref<1x128xi32, #tpu.memory_space<vmem>>
    %dma_wait3A_651 = tpu.memref_squeeze %dma_wait3A_650 : memref<1x128xi32, #tpu.memory_space<vmem>> -> memref<128xi32, #tpu.memory_space<vmem>>
    %dma_wait3A_652 = arith.constant 0 : i32
    %dma_wait3A_653 = arith.constant 0 : i32
    %dma_wait3A_654 = tpu.memref_slice %arg10[%dma_wait3A_652, %dma_wait3A_653] : memref<20480x64xf32, #tpu.memory_space<vmem_shared>> -> memref<20480x64xf32, #tpu.memory_space<vmem_shared>>
    tpu.wait_indirect_dma semaphore(%arg16 : memref<!tpu.dma_semaphore, #tpu.memory_space<semaphore_mem>>) src(%arg9 : memref<128x64xf32, #tpu.memory_space<vmem>>) dst(%dma_wait3A_654 : memref<20480x64xf32, #tpu.memory_space<vmem_shared>>)
    %barrier3A_655 = arith.constant 0 : index
    tpu.barrier barrier_id(%barrier3A_655)
    %jit3A = arith.constant 8 : i32
    %div3A = arith.divsi %arg1, %jit3A : i32
    %sign3A = arith.constant 0 : i32
    %sign3A_656 = arith.cmpi sgt, %arg1, %sign3A : i32
    %sign3A_657 = arith.extui %sign3A_656 : i1 to i32
    %sign3A_658 = arith.constant 0 : i32
    %sign3A_659 = arith.cmpi slt, %arg1, %sign3A_658 : i32
    %sign3A_660 = arith.extui %sign3A_659 : i1 to i32
    %sign3A_661 = arith.subi %sign3A_657, %sign3A_660 : i32
    %sign3A_662 = arith.constant 0 : i32
    %sign3A_663 = arith.cmpi sgt, %jit3A, %sign3A_662 : i32
    %sign3A_664 = arith.extui %sign3A_663 : i1 to i32
    %sign3A_665 = arith.constant 0 : i32
    %sign3A_666 = arith.cmpi slt, %jit3A, %sign3A_665 : i32
    %sign3A_667 = arith.extui %sign3A_666 : i1 to i32
    %sign3A_668 = arith.subi %sign3A_664, %sign3A_667 : i32
    %ne3A = arith.cmpi ne, %sign3A_661, %sign3A_668 : i32
    %rem3A = arith.remsi %arg1, %jit3A : i32
    %ne3A_669 = arith.constant 0 : i32
    %ne3A_670 = arith.cmpi ne, %rem3A, %ne3A_669 : i32
    %and3A = arith.andi %ne3A, %ne3A_670 : i1
    %sub3A_671 = arith.constant 1 : i32
    %sub3A_672 = arith.subi %div3A, %sub3A_671 : i32
    %select_n3A_673 = arith.select %and3A, %sub3A_672, %div3A : i32
    %mul3A_674 = arith.constant 64 : i32
    %mul3A_675 = arith.muli %select_n3A_673, %mul3A_674 : i32
    %jit3A_676 = arith.constant 8 : i32
    %eq3A = arith.constant 0 : i32
    %eq3A_677 = arith.cmpi eq, %jit3A_676, %eq3A : i32
    %jit3A_678 = arith.constant 1 : i32
    %select_n3A_679 = arith.select %eq3A_677, %jit3A_678, %jit3A_676 : i32
    %rem3A_680 = arith.remsi %arg1, %select_n3A_679 : i32
    %ne3A_681 = arith.constant 0 : i32
    %ne3A_682 = arith.cmpi ne, %rem3A_680, %ne3A_681 : i32
    %lt3A = arith.constant 0 : i32
    %lt3A_683 = arith.cmpi slt, %rem3A_680, %lt3A : i32
    %lt3A_684 = arith.constant 0 : i32
    %lt3A_685 = arith.cmpi slt, %select_n3A_679, %lt3A_684 : i32
    %ne3A_686 = arith.xori %lt3A_683, %lt3A_685 : i1
    %and3A_687 = arith.andi %ne3A_686, %ne3A_682 : i1
    %add3A_688 = arith.addi %rem3A_680, %select_n3A_679 : i32
    %select_n3A_689 = arith.select %and3A_687, %add3A_688, %rem3A_680 : i32
    %mul3A_690 = arith.constant 1280 : i32
    %mul3A_691 = arith.muli %select_n3A_689, %mul3A_690 : i32
    %mul3A_692 = arith.constant 1280 : i32
    %mul3A_693 = arith.muli %arg1, %mul3A_692 : i32
    "tpu.region"() ({
      %run_scoped3A_694 = tpu.sem_alloc : memref<!tpu.dma_semaphore, #tpu.memory_space<semaphore_mem>>
      %dma_start3A_695 = tpu.memref_slice %arg4[%arg0, %mul3A_691, %mul3A_675] : memref<2x10240x128xf32, #tpu.memory_space<hbm>> -> memref<1x1280x64xf32, #tpu.memory_space<hbm>>
      %dma_start3A_696 = tpu.memref_squeeze %dma_start3A_695 : memref<1x1280x64xf32, #tpu.memory_space<hbm>> -> memref<1280x64xf32, #tpu.memory_space<hbm>>
      %dma_start3A_697 = arith.constant 0 : i32
      %dma_start3A_698 = tpu.memref_slice %arg10[%mul3A_693, %dma_start3A_697] : memref<20480x64xf32, #tpu.memory_space<vmem_shared>> -> memref<1280x64xf32, #tpu.memory_space<vmem_shared>>
      tpu.enqueue_dma source(%dma_start3A_698 : memref<1280x64xf32, #tpu.memory_space<vmem_shared>>) target(%dma_start3A_696 : memref<1280x64xf32, #tpu.memory_space<hbm>>) target_semaphore(%run_scoped3A_694 : memref<!tpu.dma_semaphore, #tpu.memory_space<semaphore_mem>>)
      %dma_wait3A_699 = tpu.memref_slice %arg4[%arg0, %mul3A_691, %mul3A_675] : memref<2x10240x128xf32, #tpu.memory_space<hbm>> -> memref<1x1280x64xf32, #tpu.memory_space<hbm>>
      %dma_wait3A_700 = tpu.memref_squeeze %dma_wait3A_699 : memref<1x1280x64xf32, #tpu.memory_space<hbm>> -> memref<1280x64xf32, #tpu.memory_space<hbm>>
      %dma_wait3A_701 = arith.constant 0 : i32
      %dma_wait3A_702 = tpu.memref_slice %arg10[%mul3A_693, %dma_wait3A_701] : memref<20480x64xf32, #tpu.memory_space<vmem_shared>> -> memref<1280x64xf32, #tpu.memory_space<vmem_shared>>
      tpu.wait_dma2 semaphore(%run_scoped3A_694 : memref<!tpu.dma_semaphore, #tpu.memory_space<semaphore_mem>>) src(%dma_wait3A_702 : memref<1280x64xf32, #tpu.memory_space<vmem_shared>>) dst(%dma_wait3A_700 : memref<1280x64xf32, #tpu.memory_space<hbm>>)
      tpu.yield
    }) : () -> ()
    return
  }
}

#map = affine_map<(d0, d1) -> (0, 0, 0, 0)>
#map1 = affine_map<(d0, d1) -> (0, 0)>
#map2 = affine_map<(d0, d1) -> (0, 0, 0)>
module attributes {stable_mosaic.version = 14 : i64} {
  func.func @body(%arg0: i32, %arg1: i32, %arg2: memref<2x32x21x128xi32, #tpu.memory_space<hbm>>, %arg3: memref<20480x64xf32, #tpu.memory_space<hbm>>, %arg4: memref<2x3072x128xf32, #tpu.memory_space<hbm>>, %arg5: memref<21x128xi32, #tpu.memory_space<vmem>>, %arg6: memref<21x128xi32, #tpu.memory_space<vmem>>, %arg7: memref<128x64xf32, #tpu.memory_space<vmem>>, %arg8: memref<128x64xf32, #tpu.memory_space<vmem>>, %arg9: memref<128x64xf32, #tpu.memory_space<vmem>>, %arg10: memref<6144x64xf32, #tpu.memory_space<vmem_shared>>, %arg11: memref<!tpu.dma_semaphore, #tpu.memory_space<semaphore_mem>>, %arg12: memref<!tpu.dma_semaphore, #tpu.memory_space<semaphore_mem>>, %arg13: memref<!tpu.dma_semaphore, #tpu.memory_space<semaphore_mem>>, %arg14: memref<!tpu.dma_semaphore, #tpu.memory_space<semaphore_mem>>, %arg15: memref<!tpu.dma_semaphore, #tpu.memory_space<semaphore_mem>>, %arg16: memref<!tpu.dma_semaphore, #tpu.memory_space<semaphore_mem>>) attributes {dimension_semantics = [#tpu.dimension_semantics<core_parallel>, #tpu.dimension_semantics<subcore_parallel>], iteration_bounds = array<i64: 2, 16>, scalar_prefetch = 0 : i64, scratch_operands = 12 : i64, tpu.core_type = #tpu.core_type<sc_vector_subcore>, window_params = [{transform_indices = #map}, {transform_indices = #map1}, {transform_indices = #map2}]} {
    %mul3A = arith.constant 16 : i32
    %mul3A_0 = arith.muli %arg0, %mul3A : i32
    %add3A = arith.addi %mul3A_0, %arg1 : i32
    %broadcast_in_dim3A = arith.constant 0.000000e+00 : f32
    %broadcast_in_dim3A_1 = vector.broadcast %broadcast_in_dim3A : f32 to vector<16xf32>
    %scan3A = arith.constant 0 : i32
    %scan3A_2 = arith.constant 0 : i32
    %scan3A_3 = arith.constant 128 : i32
    %scan3A_4 = arith.addi %scan3A_2, %scan3A_3 : i32
    %scan3A_5 = arith.constant 1 : i32
    scf.for %scan3A_694 = %scan3A_2 to %scan3A_4 step %scan3A_5  : i32 {
      %swap3A_695 = arith.index_cast %scan3A_694 : i32 to index
      %swap3A_696 = arith.constant 0 : index
      %swap3A_697 = tpu.vector_load %arg7[%swap3A_695, %swap3A_696] {strides = array<i32>} : memref<128x64xf32, #tpu.memory_space<vmem>>, vector<1x16xf32>,
      %swap3A_698 = vector.shape_cast %swap3A_697 : vector<1x16xf32> to vector<16xf32>
      %swap3A_699 = vector.shape_cast %broadcast_in_dim3A_1 : vector<16xf32> to vector<1x16xf32>
      tpu.vector_store %arg7[%swap3A_695, %swap3A_696], %swap3A_699 {strides = array<i32>} : memref<128x64xf32, #tpu.memory_space<vmem>>, vector<1x16xf32>,
      %swap3A_700 = arith.index_cast %scan3A_694 : i32 to index
      %swap3A_701 = arith.constant 16 : index
      %swap3A_702 = tpu.vector_load %arg7[%swap3A_700, %swap3A_701] {strides = array<i32>} : memref<128x64xf32, #tpu.memory_space<vmem>>, vector<1x16xf32>,
      %swap3A_703 = vector.shape_cast %swap3A_702 : vector<1x16xf32> to vector<16xf32>
      %swap3A_704 = vector.shape_cast %broadcast_in_dim3A_1 : vector<16xf32> to vector<1x16xf32>
      tpu.vector_store %arg7[%swap3A_700, %swap3A_701], %swap3A_704 {strides = array<i32>} : memref<128x64xf32, #tpu.memory_space<vmem>>, vector<1x16xf32>,
      %swap3A_705 = arith.index_cast %scan3A_694 : i32 to index
      %swap3A_706 = arith.constant 32 : index
      %swap3A_707 = tpu.vector_load %arg7[%swap3A_705, %swap3A_706] {strides = array<i32>} : memref<128x64xf32, #tpu.memory_space<vmem>>, vector<1x16xf32>,
      %swap3A_708 = vector.shape_cast %swap3A_707 : vector<1x16xf32> to vector<16xf32>
      %swap3A_709 = vector.shape_cast %broadcast_in_dim3A_1 : vector<16xf32> to vector<1x16xf32>
      tpu.vector_store %arg7[%swap3A_705, %swap3A_706], %swap3A_709 {strides = array<i32>} : memref<128x64xf32, #tpu.memory_space<vmem>>, vector<1x16xf32>,
      %swap3A_710 = arith.index_cast %scan3A_694 : i32 to index
      %swap3A_711 = arith.constant 48 : index
      %swap3A_712 = tpu.vector_load %arg7[%swap3A_710, %swap3A_711] {strides = array<i32>} : memref<128x64xf32, #tpu.memory_space<vmem>>, vector<1x16xf32>,
      %swap3A_713 = vector.shape_cast %swap3A_712 : vector<1x16xf32> to vector<16xf32>
      %swap3A_714 = vector.shape_cast %broadcast_in_dim3A_1 : vector<16xf32> to vector<1x16xf32>
      tpu.vector_store %arg7[%swap3A_710, %swap3A_711], %swap3A_714 {strides = array<i32>} : memref<128x64xf32, #tpu.memory_space<vmem>>, vector<1x16xf32>,
    }
    %scan3A_6 = arith.constant 128 : i32
    %scan3A_7 = arith.constant 0 : i32
    %scan3A_8 = arith.constant 0 : i32
    %scan3A_9 = arith.constant 3 : i32
    %scan3A_10 = arith.addi %scan3A_8, %scan3A_9 : i32
    %scan3A_11 = arith.constant 1 : i32
    scf.for %scan3A_694 = %scan3A_8 to %scan3A_10 step %scan3A_11  : i32 {
      %mul3A_695 = arith.constant 384 : i32
      %mul3A_696 = arith.muli %arg1, %mul3A_695 : i32
      %mul3A_697 = arith.constant 128 : i32
      %mul3A_698 = arith.muli %scan3A_694, %mul3A_697 : i32
      %add3A_699 = arith.addi %mul3A_696, %mul3A_698 : i32
      %dma_start3A_700 = arith.constant 0 : i32
      %dma_start3A_701 = tpu.memref_slice %arg10[%add3A_699, %dma_start3A_700] : memref<6144x64xf32, #tpu.memory_space<vmem_shared>> -> memref<128x64xf32, #tpu.memory_space<vmem_shared>>
      %dma_start3A_702 = arith.constant 0 : i32
      %dma_start3A_703 = tpu.memref_slice %arg10[%add3A_699, %dma_start3A_702] : memref<6144x64xf32, #tpu.memory_space<vmem_shared>> -> memref<128x64xf32, #tpu.memory_space<vmem_shared>>
      tpu.enqueue_dma source(%arg7 : memref<128x64xf32, #tpu.memory_space<vmem>>) target(%dma_start3A_703 : memref<128x64xf32, #tpu.memory_space<vmem_shared>>) target_semaphore(%arg11 : memref<!tpu.dma_semaphore, #tpu.memory_space<semaphore_mem>>)
    }
    %scan3A_12 = arith.constant 3 : i32
    %run_scoped3A = arith.constant 0 : i32
    "tpu.region"() ({
      %run_scoped3A_694 = tpu.sem_alloc : memref<!tpu.dma_semaphore, #tpu.memory_space<semaphore_mem>>
      %dma_start3A_695 = arith.constant 0 : i32
      %dma_start3A_696 = arith.constant 0 : i32
      %dma_start3A_697 = tpu.memref_slice %arg2[%run_scoped3A, %add3A, %dma_start3A_695, %dma_start3A_696] : memref<2x32x21x128xi32, #tpu.memory_space<hbm>> -> memref<1x1x21x128xi32, #tpu.memory_space<hbm>>
      %dma_start3A_698 = tpu.memref_squeeze %dma_start3A_697 : memref<1x1x21x128xi32, #tpu.memory_space<hbm>> -> memref<21x128xi32, #tpu.memory_space<hbm>>
      %dma_start3A_699 = arith.constant 0 : i32
      %dma_start3A_700 = arith.constant 0 : i32
      %dma_start3A_701 = tpu.memref_slice %arg2[%run_scoped3A, %add3A, %dma_start3A_699, %dma_start3A_700] : memref<2x32x21x128xi32, #tpu.memory_space<hbm>> -> memref<1x1x21x128xi32, #tpu.memory_space<hbm>>
      %dma_start3A_702 = tpu.memref_squeeze %dma_start3A_701 : memref<1x1x21x128xi32, #tpu.memory_space<hbm>> -> memref<21x128xi32, #tpu.memory_space<hbm>>
      tpu.enqueue_dma source(%dma_start3A_702 : memref<21x128xi32, #tpu.memory_space<hbm>>) target(%arg5 : memref<21x128xi32, #tpu.memory_space<vmem>>) target_semaphore(%run_scoped3A_694 : memref<!tpu.dma_semaphore, #tpu.memory_space<semaphore_mem>>)
      %dma_wait3A_703 = arith.constant 0 : i32
      %dma_wait3A_704 = arith.constant 0 : i32
      %dma_wait3A_705 = tpu.memref_slice %arg2[%run_scoped3A, %add3A, %dma_wait3A_703, %dma_wait3A_704] : memref<2x32x21x128xi32, #tpu.memory_space<hbm>> -> memref<1x1x21x128xi32, #tpu.memory_space<hbm>>
      %dma_wait3A_706 = tpu.memref_squeeze %dma_wait3A_705 : memref<1x1x21x128xi32, #tpu.memory_space<hbm>> -> memref<21x128xi32, #tpu.memory_space<hbm>>
      %dma_wait3A_707 = arith.constant 0 : i32
      %dma_wait3A_708 = arith.constant 0 : i32
      %dma_wait3A_709 = tpu.memref_slice %arg2[%run_scoped3A, %add3A, %dma_wait3A_707, %dma_wait3A_708] : memref<2x32x21x128xi32, #tpu.memory_space<hbm>> -> memref<1x1x21x128xi32, #tpu.memory_space<hbm>>
      %dma_wait3A_710 = tpu.memref_squeeze %dma_wait3A_709 : memref<1x1x21x128xi32, #tpu.memory_space<hbm>> -> memref<21x128xi32, #tpu.memory_space<hbm>>
      tpu.wait_dma2 semaphore(%run_scoped3A_694 : memref<!tpu.dma_semaphore, #tpu.memory_space<semaphore_mem>>) src(%dma_wait3A_710 : memref<21x128xi32, #tpu.memory_space<hbm>>) dst(%arg5 : memref<21x128xi32, #tpu.memory_space<vmem>>)
      tpu.yield
    }) : () -> ()
    %run_scoped3A_13 = arith.constant 1 : i32
    "tpu.region"() ({
      %run_scoped3A_694 = tpu.sem_alloc : memref<!tpu.dma_semaphore, #tpu.memory_space<semaphore_mem>>
      %dma_start3A_695 = arith.constant 0 : i32
      %dma_start3A_696 = arith.constant 0 : i32
      %dma_start3A_697 = tpu.memref_slice %arg2[%run_scoped3A_13, %add3A, %dma_start3A_695, %dma_start3A_696] : memref<2x32x21x128xi32, #tpu.memory_space<hbm>> -> memref<1x1x21x128xi32, #tpu.memory_space<hbm>>
      %dma_start3A_698 = tpu.memref_squeeze %dma_start3A_697 : memref<1x1x21x128xi32, #tpu.memory_space<hbm>> -> memref<21x128xi32, #tpu.memory_space<hbm>>
      %dma_start3A_699 = arith.constant 0 : i32
      %dma_start3A_700 = arith.constant 0 : i32
      %dma_start3A_701 = tpu.memref_slice %arg2[%run_scoped3A_13, %add3A, %dma_start3A_699, %dma_start3A_700] : memref<2x32x21x128xi32, #tpu.memory_space<hbm>> -> memref<1x1x21x128xi32, #tpu.memory_space<hbm>>
      %dma_start3A_702 = tpu.memref_squeeze %dma_start3A_701 : memref<1x1x21x128xi32, #tpu.memory_space<hbm>> -> memref<21x128xi32, #tpu.memory_space<hbm>>
      tpu.enqueue_dma source(%dma_start3A_702 : memref<21x128xi32, #tpu.memory_space<hbm>>) target(%arg6 : memref<21x128xi32, #tpu.memory_space<vmem>>) target_semaphore(%run_scoped3A_694 : memref<!tpu.dma_semaphore, #tpu.memory_space<semaphore_mem>>)
      %dma_wait3A_703 = arith.constant 0 : i32
      %dma_wait3A_704 = arith.constant 0 : i32
      %dma_wait3A_705 = tpu.memref_slice %arg2[%run_scoped3A_13, %add3A, %dma_wait3A_703, %dma_wait3A_704] : memref<2x32x21x128xi32, #tpu.memory_space<hbm>> -> memref<1x1x21x128xi32, #tpu.memory_space<hbm>>
      %dma_wait3A_706 = tpu.memref_squeeze %dma_wait3A_705 : memref<1x1x21x128xi32, #tpu.memory_space<hbm>> -> memref<21x128xi32, #tpu.memory_space<hbm>>
      %dma_wait3A_707 = arith.constant 0 : i32
      %dma_wait3A_708 = arith.constant 0 : i32
      %dma_wait3A_709 = tpu.memref_slice %arg2[%run_scoped3A_13, %add3A, %dma_wait3A_707, %dma_wait3A_708] : memref<2x32x21x128xi32, #tpu.memory_space<hbm>> -> memref<1x1x21x128xi32, #tpu.memory_space<hbm>>
      %dma_wait3A_710 = tpu.memref_squeeze %dma_wait3A_709 : memref<1x1x21x128xi32, #tpu.memory_space<hbm>> -> memref<21x128xi32, #tpu.memory_space<hbm>>
      tpu.wait_dma2 semaphore(%run_scoped3A_694 : memref<!tpu.dma_semaphore, #tpu.memory_space<semaphore_mem>>) src(%dma_wait3A_710 : memref<21x128xi32, #tpu.memory_space<hbm>>) dst(%arg6 : memref<21x128xi32, #tpu.memory_space<vmem>>)
      tpu.yield
    }) : () -> ()
    %scan3A_14 = arith.constant 0 : i32
    %scan3A_15 = arith.constant 0 : i32
    %scan3A_16 = arith.constant 3 : i32
    %scan3A_17 = arith.addi %scan3A_15, %scan3A_16 : i32
    %scan3A_18 = arith.constant 1 : i32
    scf.for %scan3A_694 = %scan3A_15 to %scan3A_17 step %scan3A_18  : i32 {
      %mul3A_695 = arith.constant 384 : i32
      %mul3A_696 = arith.muli %arg1, %mul3A_695 : i32
      %dma_wait3A_697 = arith.constant 0 : i32
      %dma_wait3A_698 = tpu.memref_slice %arg10[%mul3A_696, %dma_wait3A_697] : memref<6144x64xf32, #tpu.memory_space<vmem_shared>> -> memref<128x64xf32, #tpu.memory_space<vmem_shared>>
      %dma_wait3A_699 = arith.constant 0 : i32
      %dma_wait3A_700 = tpu.memref_slice %arg10[%mul3A_696, %dma_wait3A_699] : memref<6144x64xf32, #tpu.memory_space<vmem_shared>> -> memref<128x64xf32, #tpu.memory_space<vmem_shared>>
      tpu.wait_dma2 semaphore(%arg11 : memref<!tpu.dma_semaphore, #tpu.memory_space<semaphore_mem>>) src(%arg7 : memref<128x64xf32, #tpu.memory_space<vmem>>) dst(%dma_wait3A_700 : memref<128x64xf32, #tpu.memory_space<vmem_shared>>)
    }
    %scan3A_19 = arith.constant 3 : i32
    %barrier3A = arith.constant 0 : index
    tpu.barrier barrier_id(%barrier3A)
    %get3A = arith.constant 0 : i32
    %get3A_20 = arith.index_cast %get3A : i32 to index
    %get3A_21 = arith.constant 0 : index
    %get3A_22 = tpu.vector_load %arg5[%get3A_20, %get3A_21] {strides = array<i32>} : memref<21x128xi32, #tpu.memory_space<vmem>>, vector<1x16xi32>,
    %get3A_23 = vector.shape_cast %get3A_22 : vector<1x16xi32> to vector<16xi32>
    %ge3A = arith.constant 10240 : i32
    %ge3A_24 = vector.broadcast %ge3A : i32 to vector<16xi32>
    %ge3A_25 = arith.cmpi sge, %get3A_23, %ge3A_24 : vector<16xi32>
    %broadcast_in_dim3A_26 = arith.constant 20479 : i32
    %broadcast_in_dim3A_27 = vector.broadcast %broadcast_in_dim3A_26 : i32 to vector<16xi32>
    %broadcast_in_dim3A_28 = arith.constant 0 : i32
    %broadcast_in_dim3A_29 = vector.broadcast %broadcast_in_dim3A_28 : i32 to vector<16xi32>
    %select_n3A = arith.select %ge3A_25, %broadcast_in_dim3A_27, %broadcast_in_dim3A_29 : vector<16xi1>, vector<16xi32>
    %mul3A_30 = arith.constant 2 : i32
    %mul3A_31 = vector.broadcast %mul3A_30 : i32 to vector<16xi32>
    %mul3A_32 = arith.muli %get3A_23, %mul3A_31 : vector<16xi32>
    %sub3A = arith.subi %mul3A_32, %select_n3A : vector<16xi32>
    %swap3A = arith.constant 0 : i32
    %swap3A_33 = arith.index_cast %swap3A : i32 to index
    %swap3A_34 = arith.constant 0 : index
    %swap3A_35 = tpu.vector_load %arg5[%swap3A_33, %swap3A_34] {strides = array<i32>} : memref<21x128xi32, #tpu.memory_space<vmem>>, vector<1x16xi32>,
    %swap3A_36 = vector.shape_cast %swap3A_35 : vector<1x16xi32> to vector<16xi32>
    %swap3A_37 = vector.shape_cast %sub3A : vector<16xi32> to vector<1x16xi32>
    tpu.vector_store %arg5[%swap3A_33, %swap3A_34], %swap3A_37 {strides = array<i32>} : memref<21x128xi32, #tpu.memory_space<vmem>>, vector<1x16xi32>,
    %get3A_38 = arith.constant 0 : i32
    %get3A_39 = arith.index_cast %get3A_38 : i32 to index
    %get3A_40 = arith.constant 16 : index
    %get3A_41 = tpu.vector_load %arg5[%get3A_39, %get3A_40] {strides = array<i32>} : memref<21x128xi32, #tpu.memory_space<vmem>>, vector<1x16xi32>,
    %get3A_42 = vector.shape_cast %get3A_41 : vector<1x16xi32> to vector<16xi32>
    %ge3A_43 = arith.constant 10240 : i32
    %ge3A_44 = vector.broadcast %ge3A_43 : i32 to vector<16xi32>
    %ge3A_45 = arith.cmpi sge, %get3A_42, %ge3A_44 : vector<16xi32>
    %broadcast_in_dim3A_46 = arith.constant 20479 : i32
    %broadcast_in_dim3A_47 = vector.broadcast %broadcast_in_dim3A_46 : i32 to vector<16xi32>
    %broadcast_in_dim3A_48 = arith.constant 0 : i32
    %broadcast_in_dim3A_49 = vector.broadcast %broadcast_in_dim3A_48 : i32 to vector<16xi32>
    %select_n3A_50 = arith.select %ge3A_45, %broadcast_in_dim3A_47, %broadcast_in_dim3A_49 : vector<16xi1>, vector<16xi32>
    %mul3A_51 = arith.constant 2 : i32
    %mul3A_52 = vector.broadcast %mul3A_51 : i32 to vector<16xi32>
    %mul3A_53 = arith.muli %get3A_42, %mul3A_52 : vector<16xi32>
    %sub3A_54 = arith.subi %mul3A_53, %select_n3A_50 : vector<16xi32>
    %swap3A_55 = arith.constant 0 : i32
    %swap3A_56 = arith.index_cast %swap3A_55 : i32 to index
    %swap3A_57 = arith.constant 16 : index
    %swap3A_58 = tpu.vector_load %arg5[%swap3A_56, %swap3A_57] {strides = array<i32>} : memref<21x128xi32, #tpu.memory_space<vmem>>, vector<1x16xi32>,
    %swap3A_59 = vector.shape_cast %swap3A_58 : vector<1x16xi32> to vector<16xi32>
    %swap3A_60 = vector.shape_cast %sub3A_54 : vector<16xi32> to vector<1x16xi32>
    tpu.vector_store %arg5[%swap3A_56, %swap3A_57], %swap3A_60 {strides = array<i32>} : memref<21x128xi32, #tpu.memory_space<vmem>>, vector<1x16xi32>,
    %get3A_61 = arith.constant 0 : i32
    %get3A_62 = arith.index_cast %get3A_61 : i32 to index
    %get3A_63 = arith.constant 32 : index
    %get3A_64 = tpu.vector_load %arg5[%get3A_62, %get3A_63] {strides = array<i32>} : memref<21x128xi32, #tpu.memory_space<vmem>>, vector<1x16xi32>,
    %get3A_65 = vector.shape_cast %get3A_64 : vector<1x16xi32> to vector<16xi32>
    %ge3A_66 = arith.constant 10240 : i32
    %ge3A_67 = vector.broadcast %ge3A_66 : i32 to vector<16xi32>
    %ge3A_68 = arith.cmpi sge, %get3A_65, %ge3A_67 : vector<16xi32>
    %broadcast_in_dim3A_69 = arith.constant 20479 : i32
    %broadcast_in_dim3A_70 = vector.broadcast %broadcast_in_dim3A_69 : i32 to vector<16xi32>
    %broadcast_in_dim3A_71 = arith.constant 0 : i32
    %broadcast_in_dim3A_72 = vector.broadcast %broadcast_in_dim3A_71 : i32 to vector<16xi32>
    %select_n3A_73 = arith.select %ge3A_68, %broadcast_in_dim3A_70, %broadcast_in_dim3A_72 : vector<16xi1>, vector<16xi32>
    %mul3A_74 = arith.constant 2 : i32
    %mul3A_75 = vector.broadcast %mul3A_74 : i32 to vector<16xi32>
    %mul3A_76 = arith.muli %get3A_65, %mul3A_75 : vector<16xi32>
    %sub3A_77 = arith.subi %mul3A_76, %select_n3A_73 : vector<16xi32>
    %swap3A_78 = arith.constant 0 : i32
    %swap3A_79 = arith.index_cast %swap3A_78 : i32 to index
    %swap3A_80 = arith.constant 32 : index
    %swap3A_81 = tpu.vector_load %arg5[%swap3A_79, %swap3A_80] {strides = array<i32>} : memref<21x128xi32, #tpu.memory_space<vmem>>, vector<1x16xi32>,
    %swap3A_82 = vector.shape_cast %swap3A_81 : vector<1x16xi32> to vector<16xi32>
    %swap3A_83 = vector.shape_cast %sub3A_77 : vector<16xi32> to vector<1x16xi32>
    tpu.vector_store %arg5[%swap3A_79, %swap3A_80], %swap3A_83 {strides = array<i32>} : memref<21x128xi32, #tpu.memory_space<vmem>>, vector<1x16xi32>,
    %get3A_84 = arith.constant 0 : i32
    %get3A_85 = arith.index_cast %get3A_84 : i32 to index
    %get3A_86 = arith.constant 48 : index
    %get3A_87 = tpu.vector_load %arg5[%get3A_85, %get3A_86] {strides = array<i32>} : memref<21x128xi32, #tpu.memory_space<vmem>>, vector<1x16xi32>,
    %get3A_88 = vector.shape_cast %get3A_87 : vector<1x16xi32> to vector<16xi32>
    %ge3A_89 = arith.constant 10240 : i32
    %ge3A_90 = vector.broadcast %ge3A_89 : i32 to vector<16xi32>
    %ge3A_91 = arith.cmpi sge, %get3A_88, %ge3A_90 : vector<16xi32>
    %broadcast_in_dim3A_92 = arith.constant 20479 : i32
    %broadcast_in_dim3A_93 = vector.broadcast %broadcast_in_dim3A_92 : i32 to vector<16xi32>
    %broadcast_in_dim3A_94 = arith.constant 0 : i32
    %broadcast_in_dim3A_95 = vector.broadcast %broadcast_in_dim3A_94 : i32 to vector<16xi32>
    %select_n3A_96 = arith.select %ge3A_91, %broadcast_in_dim3A_93, %broadcast_in_dim3A_95 : vector<16xi1>, vector<16xi32>
    %mul3A_97 = arith.constant 2 : i32
    %mul3A_98 = vector.broadcast %mul3A_97 : i32 to vector<16xi32>
    %mul3A_99 = arith.muli %get3A_88, %mul3A_98 : vector<16xi32>
    %sub3A_100 = arith.subi %mul3A_99, %select_n3A_96 : vector<16xi32>
    %swap3A_101 = arith.constant 0 : i32
    %swap3A_102 = arith.index_cast %swap3A_101 : i32 to index
    %swap3A_103 = arith.constant 48 : index
    %swap3A_104 = tpu.vector_load %arg5[%swap3A_102, %swap3A_103] {strides = array<i32>} : memref<21x128xi32, #tpu.memory_space<vmem>>, vector<1x16xi32>,
    %swap3A_105 = vector.shape_cast %swap3A_104 : vector<1x16xi32> to vector<16xi32>
    %swap3A_106 = vector.shape_cast %sub3A_100 : vector<16xi32> to vector<1x16xi32>
    tpu.vector_store %arg5[%swap3A_102, %swap3A_103], %swap3A_106 {strides = array<i32>} : memref<21x128xi32, #tpu.memory_space<vmem>>, vector<1x16xi32>,
    %get3A_107 = arith.constant 0 : i32
    %get3A_108 = arith.index_cast %get3A_107 : i32 to index
    %get3A_109 = arith.constant 64 : index
    %get3A_110 = tpu.vector_load %arg5[%get3A_108, %get3A_109] {strides = array<i32>} : memref<21x128xi32, #tpu.memory_space<vmem>>, vector<1x16xi32>,
    %get3A_111 = vector.shape_cast %get3A_110 : vector<1x16xi32> to vector<16xi32>
    %ge3A_112 = arith.constant 10240 : i32
    %ge3A_113 = vector.broadcast %ge3A_112 : i32 to vector<16xi32>
    %ge3A_114 = arith.cmpi sge, %get3A_111, %ge3A_113 : vector<16xi32>
    %broadcast_in_dim3A_115 = arith.constant 20479 : i32
    %broadcast_in_dim3A_116 = vector.broadcast %broadcast_in_dim3A_115 : i32 to vector<16xi32>
    %broadcast_in_dim3A_117 = arith.constant 0 : i32
    %broadcast_in_dim3A_118 = vector.broadcast %broadcast_in_dim3A_117 : i32 to vector<16xi32>
    %select_n3A_119 = arith.select %ge3A_114, %broadcast_in_dim3A_116, %broadcast_in_dim3A_118 : vector<16xi1>, vector<16xi32>
    %mul3A_120 = arith.constant 2 : i32
    %mul3A_121 = vector.broadcast %mul3A_120 : i32 to vector<16xi32>
    %mul3A_122 = arith.muli %get3A_111, %mul3A_121 : vector<16xi32>
    %sub3A_123 = arith.subi %mul3A_122, %select_n3A_119 : vector<16xi32>
    %swap3A_124 = arith.constant 0 : i32
    %swap3A_125 = arith.index_cast %swap3A_124 : i32 to index
    %swap3A_126 = arith.constant 64 : index
    %swap3A_127 = tpu.vector_load %arg5[%swap3A_125, %swap3A_126] {strides = array<i32>} : memref<21x128xi32, #tpu.memory_space<vmem>>, vector<1x16xi32>,
    %swap3A_128 = vector.shape_cast %swap3A_127 : vector<1x16xi32> to vector<16xi32>
    %swap3A_129 = vector.shape_cast %sub3A_123 : vector<16xi32> to vector<1x16xi32>
    tpu.vector_store %arg5[%swap3A_125, %swap3A_126], %swap3A_129 {strides = array<i32>} : memref<21x128xi32, #tpu.memory_space<vmem>>, vector<1x16xi32>,
    %get3A_130 = arith.constant 0 : i32
    %get3A_131 = arith.index_cast %get3A_130 : i32 to index
    %get3A_132 = arith.constant 80 : index
    %get3A_133 = tpu.vector_load %arg5[%get3A_131, %get3A_132] {strides = array<i32>} : memref<21x128xi32, #tpu.memory_space<vmem>>, vector<1x16xi32>,
    %get3A_134 = vector.shape_cast %get3A_133 : vector<1x16xi32> to vector<16xi32>
    %ge3A_135 = arith.constant 10240 : i32
    %ge3A_136 = vector.broadcast %ge3A_135 : i32 to vector<16xi32>
    %ge3A_137 = arith.cmpi sge, %get3A_134, %ge3A_136 : vector<16xi32>
    %broadcast_in_dim3A_138 = arith.constant 20479 : i32
    %broadcast_in_dim3A_139 = vector.broadcast %broadcast_in_dim3A_138 : i32 to vector<16xi32>
    %broadcast_in_dim3A_140 = arith.constant 0 : i32
    %broadcast_in_dim3A_141 = vector.broadcast %broadcast_in_dim3A_140 : i32 to vector<16xi32>
    %select_n3A_142 = arith.select %ge3A_137, %broadcast_in_dim3A_139, %broadcast_in_dim3A_141 : vector<16xi1>, vector<16xi32>
    %mul3A_143 = arith.constant 2 : i32
    %mul3A_144 = vector.broadcast %mul3A_143 : i32 to vector<16xi32>
    %mul3A_145 = arith.muli %get3A_134, %mul3A_144 : vector<16xi32>
    %sub3A_146 = arith.subi %mul3A_145, %select_n3A_142 : vector<16xi32>
    %swap3A_147 = arith.constant 0 : i32
    %swap3A_148 = arith.index_cast %swap3A_147 : i32 to index
    %swap3A_149 = arith.constant 80 : index
    %swap3A_150 = tpu.vector_load %arg5[%swap3A_148, %swap3A_149] {strides = array<i32>} : memref<21x128xi32, #tpu.memory_space<vmem>>, vector<1x16xi32>,
    %swap3A_151 = vector.shape_cast %swap3A_150 : vector<1x16xi32> to vector<16xi32>
    %swap3A_152 = vector.shape_cast %sub3A_146 : vector<16xi32> to vector<1x16xi32>
    tpu.vector_store %arg5[%swap3A_148, %swap3A_149], %swap3A_152 {strides = array<i32>} : memref<21x128xi32, #tpu.memory_space<vmem>>, vector<1x16xi32>,
    %get3A_153 = arith.constant 0 : i32
    %get3A_154 = arith.index_cast %get3A_153 : i32 to index
    %get3A_155 = arith.constant 96 : index
    %get3A_156 = tpu.vector_load %arg5[%get3A_154, %get3A_155] {strides = array<i32>} : memref<21x128xi32, #tpu.memory_space<vmem>>, vector<1x16xi32>,
    %get3A_157 = vector.shape_cast %get3A_156 : vector<1x16xi32> to vector<16xi32>
    %ge3A_158 = arith.constant 10240 : i32
    %ge3A_159 = vector.broadcast %ge3A_158 : i32 to vector<16xi32>
    %ge3A_160 = arith.cmpi sge, %get3A_157, %ge3A_159 : vector<16xi32>
    %broadcast_in_dim3A_161 = arith.constant 20479 : i32
    %broadcast_in_dim3A_162 = vector.broadcast %broadcast_in_dim3A_161 : i32 to vector<16xi32>
    %broadcast_in_dim3A_163 = arith.constant 0 : i32
    %broadcast_in_dim3A_164 = vector.broadcast %broadcast_in_dim3A_163 : i32 to vector<16xi32>
    %select_n3A_165 = arith.select %ge3A_160, %broadcast_in_dim3A_162, %broadcast_in_dim3A_164 : vector<16xi1>, vector<16xi32>
    %mul3A_166 = arith.constant 2 : i32
    %mul3A_167 = vector.broadcast %mul3A_166 : i32 to vector<16xi32>
    %mul3A_168 = arith.muli %get3A_157, %mul3A_167 : vector<16xi32>
    %sub3A_169 = arith.subi %mul3A_168, %select_n3A_165 : vector<16xi32>
    %swap3A_170 = arith.constant 0 : i32
    %swap3A_171 = arith.index_cast %swap3A_170 : i32 to index
    %swap3A_172 = arith.constant 96 : index
    %swap3A_173 = tpu.vector_load %arg5[%swap3A_171, %swap3A_172] {strides = array<i32>} : memref<21x128xi32, #tpu.memory_space<vmem>>, vector<1x16xi32>,
    %swap3A_174 = vector.shape_cast %swap3A_173 : vector<1x16xi32> to vector<16xi32>
    %swap3A_175 = vector.shape_cast %sub3A_169 : vector<16xi32> to vector<1x16xi32>
    tpu.vector_store %arg5[%swap3A_171, %swap3A_172], %swap3A_175 {strides = array<i32>} : memref<21x128xi32, #tpu.memory_space<vmem>>, vector<1x16xi32>,
    %get3A_176 = arith.constant 0 : i32
    %get3A_177 = arith.index_cast %get3A_176 : i32 to index
    %get3A_178 = arith.constant 112 : index
    %get3A_179 = tpu.vector_load %arg5[%get3A_177, %get3A_178] {strides = array<i32>} : memref<21x128xi32, #tpu.memory_space<vmem>>, vector<1x16xi32>,
    %get3A_180 = vector.shape_cast %get3A_179 : vector<1x16xi32> to vector<16xi32>
    %ge3A_181 = arith.constant 10240 : i32
    %ge3A_182 = vector.broadcast %ge3A_181 : i32 to vector<16xi32>
    %ge3A_183 = arith.cmpi sge, %get3A_180, %ge3A_182 : vector<16xi32>
    %broadcast_in_dim3A_184 = arith.constant 20479 : i32
    %broadcast_in_dim3A_185 = vector.broadcast %broadcast_in_dim3A_184 : i32 to vector<16xi32>
    %broadcast_in_dim3A_186 = arith.constant 0 : i32
    %broadcast_in_dim3A_187 = vector.broadcast %broadcast_in_dim3A_186 : i32 to vector<16xi32>
    %select_n3A_188 = arith.select %ge3A_183, %broadcast_in_dim3A_185, %broadcast_in_dim3A_187 : vector<16xi1>, vector<16xi32>
    %mul3A_189 = arith.constant 2 : i32
    %mul3A_190 = vector.broadcast %mul3A_189 : i32 to vector<16xi32>
    %mul3A_191 = arith.muli %get3A_180, %mul3A_190 : vector<16xi32>
    %sub3A_192 = arith.subi %mul3A_191, %select_n3A_188 : vector<16xi32>
    %swap3A_193 = arith.constant 0 : i32
    %swap3A_194 = arith.index_cast %swap3A_193 : i32 to index
    %swap3A_195 = arith.constant 112 : index
    %swap3A_196 = tpu.vector_load %arg5[%swap3A_194, %swap3A_195] {strides = array<i32>} : memref<21x128xi32, #tpu.memory_space<vmem>>, vector<1x16xi32>,
    %swap3A_197 = vector.shape_cast %swap3A_196 : vector<1x16xi32> to vector<16xi32>
    %swap3A_198 = vector.shape_cast %sub3A_192 : vector<16xi32> to vector<1x16xi32>
    tpu.vector_store %arg5[%swap3A_194, %swap3A_195], %swap3A_198 {strides = array<i32>} : memref<21x128xi32, #tpu.memory_space<vmem>>, vector<1x16xi32>,
    %dma_start3A = arith.constant 0 : i32
    %dma_start3A_199 = arith.constant 0 : i32
    %dma_start3A_200 = tpu.memref_slice %arg5[%dma_start3A, %dma_start3A_199] : memref<21x128xi32, #tpu.memory_space<vmem>> -> memref<1x128xi32, #tpu.memory_space<vmem>>
    %dma_start3A_201 = tpu.memref_squeeze %dma_start3A_200 : memref<1x128xi32, #tpu.memory_space<vmem>> -> memref<128xi32, #tpu.memory_space<vmem>>
    %dma_start3A_202 = arith.constant 0 : i32
    %dma_start3A_203 = arith.constant 0 : i32
    %dma_start3A_204 = tpu.memref_slice %arg3[%dma_start3A_202, %dma_start3A_203] : memref<20480x64xf32, #tpu.memory_space<hbm>> -> memref<20480x64xf32, #tpu.memory_space<hbm>>
    tpu.enqueue_indirect_dma source(%dma_start3A_204 : memref<20480x64xf32, #tpu.memory_space<hbm>>) target(%arg7 : memref<128x64xf32, #tpu.memory_space<vmem>>) offsets(%dma_start3A_201 : memref<128xi32, #tpu.memory_space<vmem>>) semaphore(%arg11 : memref<!tpu.dma_semaphore, #tpu.memory_space<semaphore_mem>>)
    %get3A_205 = arith.constant 1 : i32
    %get3A_206 = arith.index_cast %get3A_205 : i32 to index
    %get3A_207 = arith.constant 0 : index
    %get3A_208 = tpu.vector_load %arg5[%get3A_206, %get3A_207] {strides = array<i32>} : memref<21x128xi32, #tpu.memory_space<vmem>>, vector<1x16xi32>,
    %get3A_209 = vector.shape_cast %get3A_208 : vector<1x16xi32> to vector<16xi32>
    %ge3A_210 = arith.constant 10240 : i32
    %ge3A_211 = vector.broadcast %ge3A_210 : i32 to vector<16xi32>
    %ge3A_212 = arith.cmpi sge, %get3A_209, %ge3A_211 : vector<16xi32>
    %broadcast_in_dim3A_213 = arith.constant 20479 : i32
    %broadcast_in_dim3A_214 = vector.broadcast %broadcast_in_dim3A_213 : i32 to vector<16xi32>
    %broadcast_in_dim3A_215 = arith.constant 0 : i32
    %broadcast_in_dim3A_216 = vector.broadcast %broadcast_in_dim3A_215 : i32 to vector<16xi32>
    %select_n3A_217 = arith.select %ge3A_212, %broadcast_in_dim3A_214, %broadcast_in_dim3A_216 : vector<16xi1>, vector<16xi32>
    %mul3A_218 = arith.constant 2 : i32
    %mul3A_219 = vector.broadcast %mul3A_218 : i32 to vector<16xi32>
    %mul3A_220 = arith.muli %get3A_209, %mul3A_219 : vector<16xi32>
    %sub3A_221 = arith.subi %mul3A_220, %select_n3A_217 : vector<16xi32>
    %swap3A_222 = arith.constant 1 : i32
    %swap3A_223 = arith.index_cast %swap3A_222 : i32 to index
    %swap3A_224 = arith.constant 0 : index
    %swap3A_225 = tpu.vector_load %arg5[%swap3A_223, %swap3A_224] {strides = array<i32>} : memref<21x128xi32, #tpu.memory_space<vmem>>, vector<1x16xi32>,
    %swap3A_226 = vector.shape_cast %swap3A_225 : vector<1x16xi32> to vector<16xi32>
    %swap3A_227 = vector.shape_cast %sub3A_221 : vector<16xi32> to vector<1x16xi32>
    tpu.vector_store %arg5[%swap3A_223, %swap3A_224], %swap3A_227 {strides = array<i32>} : memref<21x128xi32, #tpu.memory_space<vmem>>, vector<1x16xi32>,
    %get3A_228 = arith.constant 1 : i32
    %get3A_229 = arith.index_cast %get3A_228 : i32 to index
    %get3A_230 = arith.constant 16 : index
    %get3A_231 = tpu.vector_load %arg5[%get3A_229, %get3A_230] {strides = array<i32>} : memref<21x128xi32, #tpu.memory_space<vmem>>, vector<1x16xi32>,
    %get3A_232 = vector.shape_cast %get3A_231 : vector<1x16xi32> to vector<16xi32>
    %ge3A_233 = arith.constant 10240 : i32
    %ge3A_234 = vector.broadcast %ge3A_233 : i32 to vector<16xi32>
    %ge3A_235 = arith.cmpi sge, %get3A_232, %ge3A_234 : vector<16xi32>
    %broadcast_in_dim3A_236 = arith.constant 20479 : i32
    %broadcast_in_dim3A_237 = vector.broadcast %broadcast_in_dim3A_236 : i32 to vector<16xi32>
    %broadcast_in_dim3A_238 = arith.constant 0 : i32
    %broadcast_in_dim3A_239 = vector.broadcast %broadcast_in_dim3A_238 : i32 to vector<16xi32>
    %select_n3A_240 = arith.select %ge3A_235, %broadcast_in_dim3A_237, %broadcast_in_dim3A_239 : vector<16xi1>, vector<16xi32>
    %mul3A_241 = arith.constant 2 : i32
    %mul3A_242 = vector.broadcast %mul3A_241 : i32 to vector<16xi32>
    %mul3A_243 = arith.muli %get3A_232, %mul3A_242 : vector<16xi32>
    %sub3A_244 = arith.subi %mul3A_243, %select_n3A_240 : vector<16xi32>
    %swap3A_245 = arith.constant 1 : i32
    %swap3A_246 = arith.index_cast %swap3A_245 : i32 to index
    %swap3A_247 = arith.constant 16 : index
    %swap3A_248 = tpu.vector_load %arg5[%swap3A_246, %swap3A_247] {strides = array<i32>} : memref<21x128xi32, #tpu.memory_space<vmem>>, vector<1x16xi32>,
    %swap3A_249 = vector.shape_cast %swap3A_248 : vector<1x16xi32> to vector<16xi32>
    %swap3A_250 = vector.shape_cast %sub3A_244 : vector<16xi32> to vector<1x16xi32>
    tpu.vector_store %arg5[%swap3A_246, %swap3A_247], %swap3A_250 {strides = array<i32>} : memref<21x128xi32, #tpu.memory_space<vmem>>, vector<1x16xi32>,
    %get3A_251 = arith.constant 1 : i32
    %get3A_252 = arith.index_cast %get3A_251 : i32 to index
    %get3A_253 = arith.constant 32 : index
    %get3A_254 = tpu.vector_load %arg5[%get3A_252, %get3A_253] {strides = array<i32>} : memref<21x128xi32, #tpu.memory_space<vmem>>, vector<1x16xi32>,
    %get3A_255 = vector.shape_cast %get3A_254 : vector<1x16xi32> to vector<16xi32>
    %ge3A_256 = arith.constant 10240 : i32
    %ge3A_257 = vector.broadcast %ge3A_256 : i32 to vector<16xi32>
    %ge3A_258 = arith.cmpi sge, %get3A_255, %ge3A_257 : vector<16xi32>
    %broadcast_in_dim3A_259 = arith.constant 20479 : i32
    %broadcast_in_dim3A_260 = vector.broadcast %broadcast_in_dim3A_259 : i32 to vector<16xi32>
    %broadcast_in_dim3A_261 = arith.constant 0 : i32
    %broadcast_in_dim3A_262 = vector.broadcast %broadcast_in_dim3A_261 : i32 to vector<16xi32>
    %select_n3A_263 = arith.select %ge3A_258, %broadcast_in_dim3A_260, %broadcast_in_dim3A_262 : vector<16xi1>, vector<16xi32>
    %mul3A_264 = arith.constant 2 : i32
    %mul3A_265 = vector.broadcast %mul3A_264 : i32 to vector<16xi32>
    %mul3A_266 = arith.muli %get3A_255, %mul3A_265 : vector<16xi32>
    %sub3A_267 = arith.subi %mul3A_266, %select_n3A_263 : vector<16xi32>
    %swap3A_268 = arith.constant 1 : i32
    %swap3A_269 = arith.index_cast %swap3A_268 : i32 to index
    %swap3A_270 = arith.constant 32 : index
    %swap3A_271 = tpu.vector_load %arg5[%swap3A_269, %swap3A_270] {strides = array<i32>} : memref<21x128xi32, #tpu.memory_space<vmem>>, vector<1x16xi32>,
    %swap3A_272 = vector.shape_cast %swap3A_271 : vector<1x16xi32> to vector<16xi32>
    %swap3A_273 = vector.shape_cast %sub3A_267 : vector<16xi32> to vector<1x16xi32>
    tpu.vector_store %arg5[%swap3A_269, %swap3A_270], %swap3A_273 {strides = array<i32>} : memref<21x128xi32, #tpu.memory_space<vmem>>, vector<1x16xi32>,
    %get3A_274 = arith.constant 1 : i32
    %get3A_275 = arith.index_cast %get3A_274 : i32 to index
    %get3A_276 = arith.constant 48 : index
    %get3A_277 = tpu.vector_load %arg5[%get3A_275, %get3A_276] {strides = array<i32>} : memref<21x128xi32, #tpu.memory_space<vmem>>, vector<1x16xi32>,
    %get3A_278 = vector.shape_cast %get3A_277 : vector<1x16xi32> to vector<16xi32>
    %ge3A_279 = arith.constant 10240 : i32
    %ge3A_280 = vector.broadcast %ge3A_279 : i32 to vector<16xi32>
    %ge3A_281 = arith.cmpi sge, %get3A_278, %ge3A_280 : vector<16xi32>
    %broadcast_in_dim3A_282 = arith.constant 20479 : i32
    %broadcast_in_dim3A_283 = vector.broadcast %broadcast_in_dim3A_282 : i32 to vector<16xi32>
    %broadcast_in_dim3A_284 = arith.constant 0 : i32
    %broadcast_in_dim3A_285 = vector.broadcast %broadcast_in_dim3A_284 : i32 to vector<16xi32>
    %select_n3A_286 = arith.select %ge3A_281, %broadcast_in_dim3A_283, %broadcast_in_dim3A_285 : vector<16xi1>, vector<16xi32>
    %mul3A_287 = arith.constant 2 : i32
    %mul3A_288 = vector.broadcast %mul3A_287 : i32 to vector<16xi32>
    %mul3A_289 = arith.muli %get3A_278, %mul3A_288 : vector<16xi32>
    %sub3A_290 = arith.subi %mul3A_289, %select_n3A_286 : vector<16xi32>
    %swap3A_291 = arith.constant 1 : i32
    %swap3A_292 = arith.index_cast %swap3A_291 : i32 to index
    %swap3A_293 = arith.constant 48 : index
    %swap3A_294 = tpu.vector_load %arg5[%swap3A_292, %swap3A_293] {strides = array<i32>} : memref<21x128xi32, #tpu.memory_space<vmem>>, vector<1x16xi32>,
    %swap3A_295 = vector.shape_cast %swap3A_294 : vector<1x16xi32> to vector<16xi32>
    %swap3A_296 = vector.shape_cast %sub3A_290 : vector<16xi32> to vector<1x16xi32>
    tpu.vector_store %arg5[%swap3A_292, %swap3A_293], %swap3A_296 {strides = array<i32>} : memref<21x128xi32, #tpu.memory_space<vmem>>, vector<1x16xi32>,
    %get3A_297 = arith.constant 1 : i32
    %get3A_298 = arith.index_cast %get3A_297 : i32 to index
    %get3A_299 = arith.constant 64 : index
    %get3A_300 = tpu.vector_load %arg5[%get3A_298, %get3A_299] {strides = array<i32>} : memref<21x128xi32, #tpu.memory_space<vmem>>, vector<1x16xi32>,
    %get3A_301 = vector.shape_cast %get3A_300 : vector<1x16xi32> to vector<16xi32>
    %ge3A_302 = arith.constant 10240 : i32
    %ge3A_303 = vector.broadcast %ge3A_302 : i32 to vector<16xi32>
    %ge3A_304 = arith.cmpi sge, %get3A_301, %ge3A_303 : vector<16xi32>
    %broadcast_in_dim3A_305 = arith.constant 20479 : i32
    %broadcast_in_dim3A_306 = vector.broadcast %broadcast_in_dim3A_305 : i32 to vector<16xi32>
    %broadcast_in_dim3A_307 = arith.constant 0 : i32
    %broadcast_in_dim3A_308 = vector.broadcast %broadcast_in_dim3A_307 : i32 to vector<16xi32>
    %select_n3A_309 = arith.select %ge3A_304, %broadcast_in_dim3A_306, %broadcast_in_dim3A_308 : vector<16xi1>, vector<16xi32>
    %mul3A_310 = arith.constant 2 : i32
    %mul3A_311 = vector.broadcast %mul3A_310 : i32 to vector<16xi32>
    %mul3A_312 = arith.muli %get3A_301, %mul3A_311 : vector<16xi32>
    %sub3A_313 = arith.subi %mul3A_312, %select_n3A_309 : vector<16xi32>
    %swap3A_314 = arith.constant 1 : i32
    %swap3A_315 = arith.index_cast %swap3A_314 : i32 to index
    %swap3A_316 = arith.constant 64 : index
    %swap3A_317 = tpu.vector_load %arg5[%swap3A_315, %swap3A_316] {strides = array<i32>} : memref<21x128xi32, #tpu.memory_space<vmem>>, vector<1x16xi32>,
    %swap3A_318 = vector.shape_cast %swap3A_317 : vector<1x16xi32> to vector<16xi32>
    %swap3A_319 = vector.shape_cast %sub3A_313 : vector<16xi32> to vector<1x16xi32>
    tpu.vector_store %arg5[%swap3A_315, %swap3A_316], %swap3A_319 {strides = array<i32>} : memref<21x128xi32, #tpu.memory_space<vmem>>, vector<1x16xi32>,
    %get3A_320 = arith.constant 1 : i32
    %get3A_321 = arith.index_cast %get3A_320 : i32 to index
    %get3A_322 = arith.constant 80 : index
    %get3A_323 = tpu.vector_load %arg5[%get3A_321, %get3A_322] {strides = array<i32>} : memref<21x128xi32, #tpu.memory_space<vmem>>, vector<1x16xi32>,
    %get3A_324 = vector.shape_cast %get3A_323 : vector<1x16xi32> to vector<16xi32>
    %ge3A_325 = arith.constant 10240 : i32
    %ge3A_326 = vector.broadcast %ge3A_325 : i32 to vector<16xi32>
    %ge3A_327 = arith.cmpi sge, %get3A_324, %ge3A_326 : vector<16xi32>
    %broadcast_in_dim3A_328 = arith.constant 20479 : i32
    %broadcast_in_dim3A_329 = vector.broadcast %broadcast_in_dim3A_328 : i32 to vector<16xi32>
    %broadcast_in_dim3A_330 = arith.constant 0 : i32
    %broadcast_in_dim3A_331 = vector.broadcast %broadcast_in_dim3A_330 : i32 to vector<16xi32>
    %select_n3A_332 = arith.select %ge3A_327, %broadcast_in_dim3A_329, %broadcast_in_dim3A_331 : vector<16xi1>, vector<16xi32>
    %mul3A_333 = arith.constant 2 : i32
    %mul3A_334 = vector.broadcast %mul3A_333 : i32 to vector<16xi32>
    %mul3A_335 = arith.muli %get3A_324, %mul3A_334 : vector<16xi32>
    %sub3A_336 = arith.subi %mul3A_335, %select_n3A_332 : vector<16xi32>
    %swap3A_337 = arith.constant 1 : i32
    %swap3A_338 = arith.index_cast %swap3A_337 : i32 to index
    %swap3A_339 = arith.constant 80 : index
    %swap3A_340 = tpu.vector_load %arg5[%swap3A_338, %swap3A_339] {strides = array<i32>} : memref<21x128xi32, #tpu.memory_space<vmem>>, vector<1x16xi32>,
    %swap3A_341 = vector.shape_cast %swap3A_340 : vector<1x16xi32> to vector<16xi32>
    %swap3A_342 = vector.shape_cast %sub3A_336 : vector<16xi32> to vector<1x16xi32>
    tpu.vector_store %arg5[%swap3A_338, %swap3A_339], %swap3A_342 {strides = array<i32>} : memref<21x128xi32, #tpu.memory_space<vmem>>, vector<1x16xi32>,
    %get3A_343 = arith.constant 1 : i32
    %get3A_344 = arith.index_cast %get3A_343 : i32 to index
    %get3A_345 = arith.constant 96 : index
    %get3A_346 = tpu.vector_load %arg5[%get3A_344, %get3A_345] {strides = array<i32>} : memref<21x128xi32, #tpu.memory_space<vmem>>, vector<1x16xi32>,
    %get3A_347 = vector.shape_cast %get3A_346 : vector<1x16xi32> to vector<16xi32>
    %ge3A_348 = arith.constant 10240 : i32
    %ge3A_349 = vector.broadcast %ge3A_348 : i32 to vector<16xi32>
    %ge3A_350 = arith.cmpi sge, %get3A_347, %ge3A_349 : vector<16xi32>
    %broadcast_in_dim3A_351 = arith.constant 20479 : i32
    %broadcast_in_dim3A_352 = vector.broadcast %broadcast_in_dim3A_351 : i32 to vector<16xi32>
    %broadcast_in_dim3A_353 = arith.constant 0 : i32
    %broadcast_in_dim3A_354 = vector.broadcast %broadcast_in_dim3A_353 : i32 to vector<16xi32>
    %select_n3A_355 = arith.select %ge3A_350, %broadcast_in_dim3A_352, %broadcast_in_dim3A_354 : vector<16xi1>, vector<16xi32>
    %mul3A_356 = arith.constant 2 : i32
    %mul3A_357 = vector.broadcast %mul3A_356 : i32 to vector<16xi32>
    %mul3A_358 = arith.muli %get3A_347, %mul3A_357 : vector<16xi32>
    %sub3A_359 = arith.subi %mul3A_358, %select_n3A_355 : vector<16xi32>
    %swap3A_360 = arith.constant 1 : i32
    %swap3A_361 = arith.index_cast %swap3A_360 : i32 to index
    %swap3A_362 = arith.constant 96 : index
    %swap3A_363 = tpu.vector_load %arg5[%swap3A_361, %swap3A_362] {strides = array<i32>} : memref<21x128xi32, #tpu.memory_space<vmem>>, vector<1x16xi32>,
    %swap3A_364 = vector.shape_cast %swap3A_363 : vector<1x16xi32> to vector<16xi32>
    %swap3A_365 = vector.shape_cast %sub3A_359 : vector<16xi32> to vector<1x16xi32>
    tpu.vector_store %arg5[%swap3A_361, %swap3A_362], %swap3A_365 {strides = array<i32>} : memref<21x128xi32, #tpu.memory_space<vmem>>, vector<1x16xi32>,
    %get3A_366 = arith.constant 1 : i32
    %get3A_367 = arith.index_cast %get3A_366 : i32 to index
    %get3A_368 = arith.constant 112 : index
    %get3A_369 = tpu.vector_load %arg5[%get3A_367, %get3A_368] {strides = array<i32>} : memref<21x128xi32, #tpu.memory_space<vmem>>, vector<1x16xi32>,
    %get3A_370 = vector.shape_cast %get3A_369 : vector<1x16xi32> to vector<16xi32>
    %ge3A_371 = arith.constant 10240 : i32
    %ge3A_372 = vector.broadcast %ge3A_371 : i32 to vector<16xi32>
    %ge3A_373 = arith.cmpi sge, %get3A_370, %ge3A_372 : vector<16xi32>
    %broadcast_in_dim3A_374 = arith.constant 20479 : i32
    %broadcast_in_dim3A_375 = vector.broadcast %broadcast_in_dim3A_374 : i32 to vector<16xi32>
    %broadcast_in_dim3A_376 = arith.constant 0 : i32
    %broadcast_in_dim3A_377 = vector.broadcast %broadcast_in_dim3A_376 : i32 to vector<16xi32>
    %select_n3A_378 = arith.select %ge3A_373, %broadcast_in_dim3A_375, %broadcast_in_dim3A_377 : vector<16xi1>, vector<16xi32>
    %mul3A_379 = arith.constant 2 : i32
    %mul3A_380 = vector.broadcast %mul3A_379 : i32 to vector<16xi32>
    %mul3A_381 = arith.muli %get3A_370, %mul3A_380 : vector<16xi32>
    %sub3A_382 = arith.subi %mul3A_381, %select_n3A_378 : vector<16xi32>
    %swap3A_383 = arith.constant 1 : i32
    %swap3A_384 = arith.index_cast %swap3A_383 : i32 to index
    %swap3A_385 = arith.constant 112 : index
    %swap3A_386 = tpu.vector_load %arg5[%swap3A_384, %swap3A_385] {strides = array<i32>} : memref<21x128xi32, #tpu.memory_space<vmem>>, vector<1x16xi32>,
    %swap3A_387 = vector.shape_cast %swap3A_386 : vector<1x16xi32> to vector<16xi32>
    %swap3A_388 = vector.shape_cast %sub3A_382 : vector<16xi32> to vector<1x16xi32>
    tpu.vector_store %arg5[%swap3A_384, %swap3A_385], %swap3A_388 {strides = array<i32>} : memref<21x128xi32, #tpu.memory_space<vmem>>, vector<1x16xi32>,
    %dma_start3A_389 = arith.constant 1 : i32
    %dma_start3A_390 = arith.constant 0 : i32
    %dma_start3A_391 = tpu.memref_slice %arg5[%dma_start3A_389, %dma_start3A_390] : memref<21x128xi32, #tpu.memory_space<vmem>> -> memref<1x128xi32, #tpu.memory_space<vmem>>
    %dma_start3A_392 = tpu.memref_squeeze %dma_start3A_391 : memref<1x128xi32, #tpu.memory_space<vmem>> -> memref<128xi32, #tpu.memory_space<vmem>>
    %dma_start3A_393 = arith.constant 0 : i32
    %dma_start3A_394 = arith.constant 0 : i32
    %dma_start3A_395 = tpu.memref_slice %arg3[%dma_start3A_393, %dma_start3A_394] : memref<20480x64xf32, #tpu.memory_space<hbm>> -> memref<20480x64xf32, #tpu.memory_space<hbm>>
    tpu.enqueue_indirect_dma source(%dma_start3A_395 : memref<20480x64xf32, #tpu.memory_space<hbm>>) target(%arg8 : memref<128x64xf32, #tpu.memory_space<vmem>>) offsets(%dma_start3A_392 : memref<128xi32, #tpu.memory_space<vmem>>) semaphore(%arg12 : memref<!tpu.dma_semaphore, #tpu.memory_space<semaphore_mem>>)
    %get3A_396 = arith.constant 2 : i32
    %get3A_397 = arith.index_cast %get3A_396 : i32 to index
    %get3A_398 = arith.constant 0 : index
    %get3A_399 = tpu.vector_load %arg5[%get3A_397, %get3A_398] {strides = array<i32>} : memref<21x128xi32, #tpu.memory_space<vmem>>, vector<1x16xi32>,
    %get3A_400 = vector.shape_cast %get3A_399 : vector<1x16xi32> to vector<16xi32>
    %ge3A_401 = arith.constant 10240 : i32
    %ge3A_402 = vector.broadcast %ge3A_401 : i32 to vector<16xi32>
    %ge3A_403 = arith.cmpi sge, %get3A_400, %ge3A_402 : vector<16xi32>
    %broadcast_in_dim3A_404 = arith.constant 20479 : i32
    %broadcast_in_dim3A_405 = vector.broadcast %broadcast_in_dim3A_404 : i32 to vector<16xi32>
    %broadcast_in_dim3A_406 = arith.constant 0 : i32
    %broadcast_in_dim3A_407 = vector.broadcast %broadcast_in_dim3A_406 : i32 to vector<16xi32>
    %select_n3A_408 = arith.select %ge3A_403, %broadcast_in_dim3A_405, %broadcast_in_dim3A_407 : vector<16xi1>, vector<16xi32>
    %mul3A_409 = arith.constant 2 : i32
    %mul3A_410 = vector.broadcast %mul3A_409 : i32 to vector<16xi32>
    %mul3A_411 = arith.muli %get3A_400, %mul3A_410 : vector<16xi32>
    %sub3A_412 = arith.subi %mul3A_411, %select_n3A_408 : vector<16xi32>
    %swap3A_413 = arith.constant 2 : i32
    %swap3A_414 = arith.index_cast %swap3A_413 : i32 to index
    %swap3A_415 = arith.constant 0 : index
    %swap3A_416 = tpu.vector_load %arg5[%swap3A_414, %swap3A_415] {strides = array<i32>} : memref<21x128xi32, #tpu.memory_space<vmem>>, vector<1x16xi32>,
    %swap3A_417 = vector.shape_cast %swap3A_416 : vector<1x16xi32> to vector<16xi32>
    %swap3A_418 = vector.shape_cast %sub3A_412 : vector<16xi32> to vector<1x16xi32>
    tpu.vector_store %arg5[%swap3A_414, %swap3A_415], %swap3A_418 {strides = array<i32>} : memref<21x128xi32, #tpu.memory_space<vmem>>, vector<1x16xi32>,
    %get3A_419 = arith.constant 2 : i32
    %get3A_420 = arith.index_cast %get3A_419 : i32 to index
    %get3A_421 = arith.constant 16 : index
    %get3A_422 = tpu.vector_load %arg5[%get3A_420, %get3A_421] {strides = array<i32>} : memref<21x128xi32, #tpu.memory_space<vmem>>, vector<1x16xi32>,
    %get3A_423 = vector.shape_cast %get3A_422 : vector<1x16xi32> to vector<16xi32>
    %ge3A_424 = arith.constant 10240 : i32
    %ge3A_425 = vector.broadcast %ge3A_424 : i32 to vector<16xi32>
    %ge3A_426 = arith.cmpi sge, %get3A_423, %ge3A_425 : vector<16xi32>
    %broadcast_in_dim3A_427 = arith.constant 20479 : i32
    %broadcast_in_dim3A_428 = vector.broadcast %broadcast_in_dim3A_427 : i32 to vector<16xi32>
    %broadcast_in_dim3A_429 = arith.constant 0 : i32
    %broadcast_in_dim3A_430 = vector.broadcast %broadcast_in_dim3A_429 : i32 to vector<16xi32>
    %select_n3A_431 = arith.select %ge3A_426, %broadcast_in_dim3A_428, %broadcast_in_dim3A_430 : vector<16xi1>, vector<16xi32>
    %mul3A_432 = arith.constant 2 : i32
    %mul3A_433 = vector.broadcast %mul3A_432 : i32 to vector<16xi32>
    %mul3A_434 = arith.muli %get3A_423, %mul3A_433 : vector<16xi32>
    %sub3A_435 = arith.subi %mul3A_434, %select_n3A_431 : vector<16xi32>
    %swap3A_436 = arith.constant 2 : i32
    %swap3A_437 = arith.index_cast %swap3A_436 : i32 to index
    %swap3A_438 = arith.constant 16 : index
    %swap3A_439 = tpu.vector_load %arg5[%swap3A_437, %swap3A_438] {strides = array<i32>} : memref<21x128xi32, #tpu.memory_space<vmem>>, vector<1x16xi32>,
    %swap3A_440 = vector.shape_cast %swap3A_439 : vector<1x16xi32> to vector<16xi32>
    %swap3A_441 = vector.shape_cast %sub3A_435 : vector<16xi32> to vector<1x16xi32>
    tpu.vector_store %arg5[%swap3A_437, %swap3A_438], %swap3A_441 {strides = array<i32>} : memref<21x128xi32, #tpu.memory_space<vmem>>, vector<1x16xi32>,
    %get3A_442 = arith.constant 2 : i32
    %get3A_443 = arith.index_cast %get3A_442 : i32 to index
    %get3A_444 = arith.constant 32 : index
    %get3A_445 = tpu.vector_load %arg5[%get3A_443, %get3A_444] {strides = array<i32>} : memref<21x128xi32, #tpu.memory_space<vmem>>, vector<1x16xi32>,
    %get3A_446 = vector.shape_cast %get3A_445 : vector<1x16xi32> to vector<16xi32>
    %ge3A_447 = arith.constant 10240 : i32
    %ge3A_448 = vector.broadcast %ge3A_447 : i32 to vector<16xi32>
    %ge3A_449 = arith.cmpi sge, %get3A_446, %ge3A_448 : vector<16xi32>
    %broadcast_in_dim3A_450 = arith.constant 20479 : i32
    %broadcast_in_dim3A_451 = vector.broadcast %broadcast_in_dim3A_450 : i32 to vector<16xi32>
    %broadcast_in_dim3A_452 = arith.constant 0 : i32
    %broadcast_in_dim3A_453 = vector.broadcast %broadcast_in_dim3A_452 : i32 to vector<16xi32>
    %select_n3A_454 = arith.select %ge3A_449, %broadcast_in_dim3A_451, %broadcast_in_dim3A_453 : vector<16xi1>, vector<16xi32>
    %mul3A_455 = arith.constant 2 : i32
    %mul3A_456 = vector.broadcast %mul3A_455 : i32 to vector<16xi32>
    %mul3A_457 = arith.muli %get3A_446, %mul3A_456 : vector<16xi32>
    %sub3A_458 = arith.subi %mul3A_457, %select_n3A_454 : vector<16xi32>
    %swap3A_459 = arith.constant 2 : i32
    %swap3A_460 = arith.index_cast %swap3A_459 : i32 to index
    %swap3A_461 = arith.constant 32 : index
    %swap3A_462 = tpu.vector_load %arg5[%swap3A_460, %swap3A_461] {strides = array<i32>} : memref<21x128xi32, #tpu.memory_space<vmem>>, vector<1x16xi32>,
    %swap3A_463 = vector.shape_cast %swap3A_462 : vector<1x16xi32> to vector<16xi32>
    %swap3A_464 = vector.shape_cast %sub3A_458 : vector<16xi32> to vector<1x16xi32>
    tpu.vector_store %arg5[%swap3A_460, %swap3A_461], %swap3A_464 {strides = array<i32>} : memref<21x128xi32, #tpu.memory_space<vmem>>, vector<1x16xi32>,
    %get3A_465 = arith.constant 2 : i32
    %get3A_466 = arith.index_cast %get3A_465 : i32 to index
    %get3A_467 = arith.constant 48 : index
    %get3A_468 = tpu.vector_load %arg5[%get3A_466, %get3A_467] {strides = array<i32>} : memref<21x128xi32, #tpu.memory_space<vmem>>, vector<1x16xi32>,
    %get3A_469 = vector.shape_cast %get3A_468 : vector<1x16xi32> to vector<16xi32>
    %ge3A_470 = arith.constant 10240 : i32
    %ge3A_471 = vector.broadcast %ge3A_470 : i32 to vector<16xi32>
    %ge3A_472 = arith.cmpi sge, %get3A_469, %ge3A_471 : vector<16xi32>
    %broadcast_in_dim3A_473 = arith.constant 20479 : i32
    %broadcast_in_dim3A_474 = vector.broadcast %broadcast_in_dim3A_473 : i32 to vector<16xi32>
    %broadcast_in_dim3A_475 = arith.constant 0 : i32
    %broadcast_in_dim3A_476 = vector.broadcast %broadcast_in_dim3A_475 : i32 to vector<16xi32>
    %select_n3A_477 = arith.select %ge3A_472, %broadcast_in_dim3A_474, %broadcast_in_dim3A_476 : vector<16xi1>, vector<16xi32>
    %mul3A_478 = arith.constant 2 : i32
    %mul3A_479 = vector.broadcast %mul3A_478 : i32 to vector<16xi32>
    %mul3A_480 = arith.muli %get3A_469, %mul3A_479 : vector<16xi32>
    %sub3A_481 = arith.subi %mul3A_480, %select_n3A_477 : vector<16xi32>
    %swap3A_482 = arith.constant 2 : i32
    %swap3A_483 = arith.index_cast %swap3A_482 : i32 to index
    %swap3A_484 = arith.constant 48 : index
    %swap3A_485 = tpu.vector_load %arg5[%swap3A_483, %swap3A_484] {strides = array<i32>} : memref<21x128xi32, #tpu.memory_space<vmem>>, vector<1x16xi32>,
    %swap3A_486 = vector.shape_cast %swap3A_485 : vector<1x16xi32> to vector<16xi32>
    %swap3A_487 = vector.shape_cast %sub3A_481 : vector<16xi32> to vector<1x16xi32>
    tpu.vector_store %arg5[%swap3A_483, %swap3A_484], %swap3A_487 {strides = array<i32>} : memref<21x128xi32, #tpu.memory_space<vmem>>, vector<1x16xi32>,
    %get3A_488 = arith.constant 2 : i32
    %get3A_489 = arith.index_cast %get3A_488 : i32 to index
    %get3A_490 = arith.constant 64 : index
    %get3A_491 = tpu.vector_load %arg5[%get3A_489, %get3A_490] {strides = array<i32>} : memref<21x128xi32, #tpu.memory_space<vmem>>, vector<1x16xi32>,
    %get3A_492 = vector.shape_cast %get3A_491 : vector<1x16xi32> to vector<16xi32>
    %ge3A_493 = arith.constant 10240 : i32
    %ge3A_494 = vector.broadcast %ge3A_493 : i32 to vector<16xi32>
    %ge3A_495 = arith.cmpi sge, %get3A_492, %ge3A_494 : vector<16xi32>
    %broadcast_in_dim3A_496 = arith.constant 20479 : i32
    %broadcast_in_dim3A_497 = vector.broadcast %broadcast_in_dim3A_496 : i32 to vector<16xi32>
    %broadcast_in_dim3A_498 = arith.constant 0 : i32
    %broadcast_in_dim3A_499 = vector.broadcast %broadcast_in_dim3A_498 : i32 to vector<16xi32>
    %select_n3A_500 = arith.select %ge3A_495, %broadcast_in_dim3A_497, %broadcast_in_dim3A_499 : vector<16xi1>, vector<16xi32>
    %mul3A_501 = arith.constant 2 : i32
    %mul3A_502 = vector.broadcast %mul3A_501 : i32 to vector<16xi32>
    %mul3A_503 = arith.muli %get3A_492, %mul3A_502 : vector<16xi32>
    %sub3A_504 = arith.subi %mul3A_503, %select_n3A_500 : vector<16xi32>
    %swap3A_505 = arith.constant 2 : i32
    %swap3A_506 = arith.index_cast %swap3A_505 : i32 to index
    %swap3A_507 = arith.constant 64 : index
    %swap3A_508 = tpu.vector_load %arg5[%swap3A_506, %swap3A_507] {strides = array<i32>} : memref<21x128xi32, #tpu.memory_space<vmem>>, vector<1x16xi32>,
    %swap3A_509 = vector.shape_cast %swap3A_508 : vector<1x16xi32> to vector<16xi32>
    %swap3A_510 = vector.shape_cast %sub3A_504 : vector<16xi32> to vector<1x16xi32>
    tpu.vector_store %arg5[%swap3A_506, %swap3A_507], %swap3A_510 {strides = array<i32>} : memref<21x128xi32, #tpu.memory_space<vmem>>, vector<1x16xi32>,
    %get3A_511 = arith.constant 2 : i32
    %get3A_512 = arith.index_cast %get3A_511 : i32 to index
    %get3A_513 = arith.constant 80 : index
    %get3A_514 = tpu.vector_load %arg5[%get3A_512, %get3A_513] {strides = array<i32>} : memref<21x128xi32, #tpu.memory_space<vmem>>, vector<1x16xi32>,
    %get3A_515 = vector.shape_cast %get3A_514 : vector<1x16xi32> to vector<16xi32>
    %ge3A_516 = arith.constant 10240 : i32
    %ge3A_517 = vector.broadcast %ge3A_516 : i32 to vector<16xi32>
    %ge3A_518 = arith.cmpi sge, %get3A_515, %ge3A_517 : vector<16xi32>
    %broadcast_in_dim3A_519 = arith.constant 20479 : i32
    %broadcast_in_dim3A_520 = vector.broadcast %broadcast_in_dim3A_519 : i32 to vector<16xi32>
    %broadcast_in_dim3A_521 = arith.constant 0 : i32
    %broadcast_in_dim3A_522 = vector.broadcast %broadcast_in_dim3A_521 : i32 to vector<16xi32>
    %select_n3A_523 = arith.select %ge3A_518, %broadcast_in_dim3A_520, %broadcast_in_dim3A_522 : vector<16xi1>, vector<16xi32>
    %mul3A_524 = arith.constant 2 : i32
    %mul3A_525 = vector.broadcast %mul3A_524 : i32 to vector<16xi32>
    %mul3A_526 = arith.muli %get3A_515, %mul3A_525 : vector<16xi32>
    %sub3A_527 = arith.subi %mul3A_526, %select_n3A_523 : vector<16xi32>
    %swap3A_528 = arith.constant 2 : i32
    %swap3A_529 = arith.index_cast %swap3A_528 : i32 to index
    %swap3A_530 = arith.constant 80 : index
    %swap3A_531 = tpu.vector_load %arg5[%swap3A_529, %swap3A_530] {strides = array<i32>} : memref<21x128xi32, #tpu.memory_space<vmem>>, vector<1x16xi32>,
    %swap3A_532 = vector.shape_cast %swap3A_531 : vector<1x16xi32> to vector<16xi32>
    %swap3A_533 = vector.shape_cast %sub3A_527 : vector<16xi32> to vector<1x16xi32>
    tpu.vector_store %arg5[%swap3A_529, %swap3A_530], %swap3A_533 {strides = array<i32>} : memref<21x128xi32, #tpu.memory_space<vmem>>, vector<1x16xi32>,
    %get3A_534 = arith.constant 2 : i32
    %get3A_535 = arith.index_cast %get3A_534 : i32 to index
    %get3A_536 = arith.constant 96 : index
    %get3A_537 = tpu.vector_load %arg5[%get3A_535, %get3A_536] {strides = array<i32>} : memref<21x128xi32, #tpu.memory_space<vmem>>, vector<1x16xi32>,
    %get3A_538 = vector.shape_cast %get3A_537 : vector<1x16xi32> to vector<16xi32>
    %ge3A_539 = arith.constant 10240 : i32
    %ge3A_540 = vector.broadcast %ge3A_539 : i32 to vector<16xi32>
    %ge3A_541 = arith.cmpi sge, %get3A_538, %ge3A_540 : vector<16xi32>
    %broadcast_in_dim3A_542 = arith.constant 20479 : i32
    %broadcast_in_dim3A_543 = vector.broadcast %broadcast_in_dim3A_542 : i32 to vector<16xi32>
    %broadcast_in_dim3A_544 = arith.constant 0 : i32
    %broadcast_in_dim3A_545 = vector.broadcast %broadcast_in_dim3A_544 : i32 to vector<16xi32>
    %select_n3A_546 = arith.select %ge3A_541, %broadcast_in_dim3A_543, %broadcast_in_dim3A_545 : vector<16xi1>, vector<16xi32>
    %mul3A_547 = arith.constant 2 : i32
    %mul3A_548 = vector.broadcast %mul3A_547 : i32 to vector<16xi32>
    %mul3A_549 = arith.muli %get3A_538, %mul3A_548 : vector<16xi32>
    %sub3A_550 = arith.subi %mul3A_549, %select_n3A_546 : vector<16xi32>
    %swap3A_551 = arith.constant 2 : i32
    %swap3A_552 = arith.index_cast %swap3A_551 : i32 to index
    %swap3A_553 = arith.constant 96 : index
    %swap3A_554 = tpu.vector_load %arg5[%swap3A_552, %swap3A_553] {strides = array<i32>} : memref<21x128xi32, #tpu.memory_space<vmem>>, vector<1x16xi32>,
    %swap3A_555 = vector.shape_cast %swap3A_554 : vector<1x16xi32> to vector<16xi32>
    %swap3A_556 = vector.shape_cast %sub3A_550 : vector<16xi32> to vector<1x16xi32>
    tpu.vector_store %arg5[%swap3A_552, %swap3A_553], %swap3A_556 {strides = array<i32>} : memref<21x128xi32, #tpu.memory_space<vmem>>, vector<1x16xi32>,
    %get3A_557 = arith.constant 2 : i32
    %get3A_558 = arith.index_cast %get3A_557 : i32 to index
    %get3A_559 = arith.constant 112 : index
    %get3A_560 = tpu.vector_load %arg5[%get3A_558, %get3A_559] {strides = array<i32>} : memref<21x128xi32, #tpu.memory_space<vmem>>, vector<1x16xi32>,
    %get3A_561 = vector.shape_cast %get3A_560 : vector<1x16xi32> to vector<16xi32>
    %ge3A_562 = arith.constant 10240 : i32
    %ge3A_563 = vector.broadcast %ge3A_562 : i32 to vector<16xi32>
    %ge3A_564 = arith.cmpi sge, %get3A_561, %ge3A_563 : vector<16xi32>
    %broadcast_in_dim3A_565 = arith.constant 20479 : i32
    %broadcast_in_dim3A_566 = vector.broadcast %broadcast_in_dim3A_565 : i32 to vector<16xi32>
    %broadcast_in_dim3A_567 = arith.constant 0 : i32
    %broadcast_in_dim3A_568 = vector.broadcast %broadcast_in_dim3A_567 : i32 to vector<16xi32>
    %select_n3A_569 = arith.select %ge3A_564, %broadcast_in_dim3A_566, %broadcast_in_dim3A_568 : vector<16xi1>, vector<16xi32>
    %mul3A_570 = arith.constant 2 : i32
    %mul3A_571 = vector.broadcast %mul3A_570 : i32 to vector<16xi32>
    %mul3A_572 = arith.muli %get3A_561, %mul3A_571 : vector<16xi32>
    %sub3A_573 = arith.subi %mul3A_572, %select_n3A_569 : vector<16xi32>
    %swap3A_574 = arith.constant 2 : i32
    %swap3A_575 = arith.index_cast %swap3A_574 : i32 to index
    %swap3A_576 = arith.constant 112 : index
    %swap3A_577 = tpu.vector_load %arg5[%swap3A_575, %swap3A_576] {strides = array<i32>} : memref<21x128xi32, #tpu.memory_space<vmem>>, vector<1x16xi32>,
    %swap3A_578 = vector.shape_cast %swap3A_577 : vector<1x16xi32> to vector<16xi32>
    %swap3A_579 = vector.shape_cast %sub3A_573 : vector<16xi32> to vector<1x16xi32>
    tpu.vector_store %arg5[%swap3A_575, %swap3A_576], %swap3A_579 {strides = array<i32>} : memref<21x128xi32, #tpu.memory_space<vmem>>, vector<1x16xi32>,
    %dma_start3A_580 = arith.constant 2 : i32
    %dma_start3A_581 = arith.constant 0 : i32
    %dma_start3A_582 = tpu.memref_slice %arg5[%dma_start3A_580, %dma_start3A_581] : memref<21x128xi32, #tpu.memory_space<vmem>> -> memref<1x128xi32, #tpu.memory_space<vmem>>
    %dma_start3A_583 = tpu.memref_squeeze %dma_start3A_582 : memref<1x128xi32, #tpu.memory_space<vmem>> -> memref<128xi32, #tpu.memory_space<vmem>>
    %dma_start3A_584 = arith.constant 0 : i32
    %dma_start3A_585 = arith.constant 0 : i32
    %dma_start3A_586 = tpu.memref_slice %arg3[%dma_start3A_584, %dma_start3A_585] : memref<20480x64xf32, #tpu.memory_space<hbm>> -> memref<20480x64xf32, #tpu.memory_space<hbm>>
    tpu.enqueue_indirect_dma source(%dma_start3A_586 : memref<20480x64xf32, #tpu.memory_space<hbm>>) target(%arg9 : memref<128x64xf32, #tpu.memory_space<vmem>>) offsets(%dma_start3A_583 : memref<128xi32, #tpu.memory_space<vmem>>) semaphore(%arg13 : memref<!tpu.dma_semaphore, #tpu.memory_space<semaphore_mem>>)
    %scan3A_587 = arith.constant 0 : i32
    %scan3A_588 = arith.constant 0 : i32
    %scan3A_589 = arith.constant 6 : i32
    %scan3A_590 = arith.addi %scan3A_588, %scan3A_589 : i32
    %scan3A_591 = arith.constant 1 : i32
    scf.for %scan3A_694 = %scan3A_588 to %scan3A_590 step %scan3A_591  : i32 {
      %mul3A_695 = arith.constant 3 : i32
      %mul3A_696 = arith.muli %mul3A_695, %scan3A_694 : i32
      %dma_wait3A_697 = arith.constant 0 : i32
      %dma_wait3A_698 = arith.constant 0 : i32
      %dma_wait3A_699 = tpu.memref_slice %arg5[%dma_wait3A_697, %dma_wait3A_698] : memref<21x128xi32, #tpu.memory_space<vmem>> -> memref<1x128xi32, #tpu.memory_space<vmem>>
      %dma_wait3A_700 = tpu.memref_squeeze %dma_wait3A_699 : memref<1x128xi32, #tpu.memory_space<vmem>> -> memref<128xi32, #tpu.memory_space<vmem>>
      %dma_wait3A_701 = arith.constant 0 : i32
      %dma_wait3A_702 = arith.constant 0 : i32
      %dma_wait3A_703 = tpu.memref_slice %arg3[%dma_wait3A_701, %dma_wait3A_702] : memref<20480x64xf32, #tpu.memory_space<hbm>> -> memref<20480x64xf32, #tpu.memory_space<hbm>>
      tpu.wait_indirect_dma semaphore(%arg11 : memref<!tpu.dma_semaphore, #tpu.memory_space<semaphore_mem>>) src(%dma_wait3A_703 : memref<20480x64xf32, #tpu.memory_space<hbm>>) dst(%arg7 : memref<128x64xf32, #tpu.memory_space<vmem>>)
      %add3A_704 = arith.constant 0 : i32
      %add3A_705 = arith.addi %mul3A_696, %add3A_704 : i32
      %dma_start3A_706 = arith.constant 0 : i32
      %dma_start3A_707 = tpu.memref_slice %arg6[%add3A_705, %dma_start3A_706] : memref<21x128xi32, #tpu.memory_space<vmem>> -> memref<1x128xi32, #tpu.memory_space<vmem>>
      %dma_start3A_708 = tpu.memref_squeeze %dma_start3A_707 : memref<1x128xi32, #tpu.memory_space<vmem>> -> memref<128xi32, #tpu.memory_space<vmem>>
      %dma_start3A_709 = arith.constant 0 : i32
      %dma_start3A_710 = arith.constant 0 : i32
      %dma_start3A_711 = tpu.memref_slice %arg10[%dma_start3A_709, %dma_start3A_710] : memref<6144x64xf32, #tpu.memory_space<vmem_shared>> -> memref<6144x64xf32, #tpu.memory_space<vmem_shared>>
      tpu.enqueue_indirect_dma source(%arg7 : memref<128x64xf32, #tpu.memory_space<vmem>>) target(%dma_start3A_711 : memref<6144x64xf32, #tpu.memory_space<vmem_shared>>) offsets(%dma_start3A_708 : memref<128xi32, #tpu.memory_space<vmem>>) semaphore(%arg14 : memref<!tpu.dma_semaphore, #tpu.memory_space<semaphore_mem>>) {add = true}
      %dma_wait3A_712 = arith.constant 0 : i32
      %dma_wait3A_713 = arith.constant 0 : i32
      %dma_wait3A_714 = tpu.memref_slice %arg5[%dma_wait3A_712, %dma_wait3A_713] : memref<21x128xi32, #tpu.memory_space<vmem>> -> memref<1x128xi32, #tpu.memory_space<vmem>>
      %dma_wait3A_715 = tpu.memref_squeeze %dma_wait3A_714 : memref<1x128xi32, #tpu.memory_space<vmem>> -> memref<128xi32, #tpu.memory_space<vmem>>
      %dma_wait3A_716 = arith.constant 0 : i32
      %dma_wait3A_717 = arith.constant 0 : i32
      %dma_wait3A_718 = tpu.memref_slice %arg3[%dma_wait3A_716, %dma_wait3A_717] : memref<20480x64xf32, #tpu.memory_space<hbm>> -> memref<20480x64xf32, #tpu.memory_space<hbm>>
      tpu.wait_indirect_dma semaphore(%arg12 : memref<!tpu.dma_semaphore, #tpu.memory_space<semaphore_mem>>) src(%dma_wait3A_718 : memref<20480x64xf32, #tpu.memory_space<hbm>>) dst(%arg8 : memref<128x64xf32, #tpu.memory_space<vmem>>)
      %add3A_719 = arith.constant 1 : i32
      %add3A_720 = arith.addi %mul3A_696, %add3A_719 : i32
      %dma_start3A_721 = arith.constant 0 : i32
      %dma_start3A_722 = tpu.memref_slice %arg6[%add3A_720, %dma_start3A_721] : memref<21x128xi32, #tpu.memory_space<vmem>> -> memref<1x128xi32, #tpu.memory_space<vmem>>
      %dma_start3A_723 = tpu.memref_squeeze %dma_start3A_722 : memref<1x128xi32, #tpu.memory_space<vmem>> -> memref<128xi32, #tpu.memory_space<vmem>>
      %dma_start3A_724 = arith.constant 0 : i32
      %dma_start3A_725 = arith.constant 0 : i32
      %dma_start3A_726 = tpu.memref_slice %arg10[%dma_start3A_724, %dma_start3A_725] : memref<6144x64xf32, #tpu.memory_space<vmem_shared>> -> memref<6144x64xf32, #tpu.memory_space<vmem_shared>>
      tpu.enqueue_indirect_dma source(%arg8 : memref<128x64xf32, #tpu.memory_space<vmem>>) target(%dma_start3A_726 : memref<6144x64xf32, #tpu.memory_space<vmem_shared>>) offsets(%dma_start3A_723 : memref<128xi32, #tpu.memory_space<vmem>>) semaphore(%arg15 : memref<!tpu.dma_semaphore, #tpu.memory_space<semaphore_mem>>) {add = true}
      %dma_wait3A_727 = arith.constant 0 : i32
      %dma_wait3A_728 = arith.constant 0 : i32
      %dma_wait3A_729 = tpu.memref_slice %arg5[%dma_wait3A_727, %dma_wait3A_728] : memref<21x128xi32, #tpu.memory_space<vmem>> -> memref<1x128xi32, #tpu.memory_space<vmem>>
      %dma_wait3A_730 = tpu.memref_squeeze %dma_wait3A_729 : memref<1x128xi32, #tpu.memory_space<vmem>> -> memref<128xi32, #tpu.memory_space<vmem>>
      %dma_wait3A_731 = arith.constant 0 : i32
      %dma_wait3A_732 = arith.constant 0 : i32
      %dma_wait3A_733 = tpu.memref_slice %arg3[%dma_wait3A_731, %dma_wait3A_732] : memref<20480x64xf32, #tpu.memory_space<hbm>> -> memref<20480x64xf32, #tpu.memory_space<hbm>>
      tpu.wait_indirect_dma semaphore(%arg13 : memref<!tpu.dma_semaphore, #tpu.memory_space<semaphore_mem>>) src(%dma_wait3A_733 : memref<20480x64xf32, #tpu.memory_space<hbm>>) dst(%arg9 : memref<128x64xf32, #tpu.memory_space<vmem>>)
      %add3A_734 = arith.constant 2 : i32
      %add3A_735 = arith.addi %mul3A_696, %add3A_734 : i32
      %dma_start3A_736 = arith.constant 0 : i32
      %dma_start3A_737 = tpu.memref_slice %arg6[%add3A_735, %dma_start3A_736] : memref<21x128xi32, #tpu.memory_space<vmem>> -> memref<1x128xi32, #tpu.memory_space<vmem>>
      %dma_start3A_738 = tpu.memref_squeeze %dma_start3A_737 : memref<1x128xi32, #tpu.memory_space<vmem>> -> memref<128xi32, #tpu.memory_space<vmem>>
      %dma_start3A_739 = arith.constant 0 : i32
      %dma_start3A_740 = arith.constant 0 : i32
      %dma_start3A_741 = tpu.memref_slice %arg10[%dma_start3A_739, %dma_start3A_740] : memref<6144x64xf32, #tpu.memory_space<vmem_shared>> -> memref<6144x64xf32, #tpu.memory_space<vmem_shared>>
      tpu.enqueue_indirect_dma source(%arg9 : memref<128x64xf32, #tpu.memory_space<vmem>>) target(%dma_start3A_741 : memref<6144x64xf32, #tpu.memory_space<vmem_shared>>) offsets(%dma_start3A_738 : memref<128xi32, #tpu.memory_space<vmem>>) semaphore(%arg16 : memref<!tpu.dma_semaphore, #tpu.memory_space<semaphore_mem>>) {add = true}
      %dma_wait3A_742 = arith.constant 0 : i32
      %dma_wait3A_743 = arith.constant 0 : i32
      %dma_wait3A_744 = tpu.memref_slice %arg6[%dma_wait3A_742, %dma_wait3A_743] : memref<21x128xi32, #tpu.memory_space<vmem>> -> memref<1x128xi32, #tpu.memory_space<vmem>>
      %dma_wait3A_745 = tpu.memref_squeeze %dma_wait3A_744 : memref<1x128xi32, #tpu.memory_space<vmem>> -> memref<128xi32, #tpu.memory_space<vmem>>
      %dma_wait3A_746 = arith.constant 0 : i32
      %dma_wait3A_747 = arith.constant 0 : i32
      %dma_wait3A_748 = tpu.memref_slice %arg10[%dma_wait3A_746, %dma_wait3A_747] : memref<6144x64xf32, #tpu.memory_space<vmem_shared>> -> memref<6144x64xf32, #tpu.memory_space<vmem_shared>>
      tpu.wait_indirect_dma semaphore(%arg14 : memref<!tpu.dma_semaphore, #tpu.memory_space<semaphore_mem>>) src(%arg7 : memref<128x64xf32, #tpu.memory_space<vmem>>) dst(%dma_wait3A_748 : memref<6144x64xf32, #tpu.memory_space<vmem_shared>>)
      %add3A_749 = arith.constant 3 : i32
      %add3A_750 = arith.addi %mul3A_696, %add3A_749 : i32
      %add3A_751 = arith.constant 0 : i32
      %add3A_752 = arith.addi %add3A_750, %add3A_751 : i32
      %get3A_753 = arith.index_cast %add3A_752 : i32 to index
      %get3A_754 = arith.constant 0 : index
      %get3A_755 = tpu.vector_load %arg5[%get3A_753, %get3A_754] {strides = array<i32>} : memref<21x128xi32, #tpu.memory_space<vmem>>, vector<1x16xi32>,
      %get3A_756 = vector.shape_cast %get3A_755 : vector<1x16xi32> to vector<16xi32>
      %ge3A_757 = arith.constant 10240 : i32
      %ge3A_758 = vector.broadcast %ge3A_757 : i32 to vector<16xi32>
      %ge3A_759 = arith.cmpi sge, %get3A_756, %ge3A_758 : vector<16xi32>
      %broadcast_in_dim3A_760 = arith.constant 20479 : i32
      %broadcast_in_dim3A_761 = vector.broadcast %broadcast_in_dim3A_760 : i32 to vector<16xi32>
      %broadcast_in_dim3A_762 = arith.constant 0 : i32
      %broadcast_in_dim3A_763 = vector.broadcast %broadcast_in_dim3A_762 : i32 to vector<16xi32>
      %select_n3A_764 = arith.select %ge3A_759, %broadcast_in_dim3A_761, %broadcast_in_dim3A_763 : vector<16xi1>, vector<16xi32>
      %mul3A_765 = arith.constant 2 : i32
      %mul3A_766 = vector.broadcast %mul3A_765 : i32 to vector<16xi32>
      %mul3A_767 = arith.muli %get3A_756, %mul3A_766 : vector<16xi32>
      %sub3A_768 = arith.subi %mul3A_767, %select_n3A_764 : vector<16xi32>
      %swap3A_769 = arith.index_cast %add3A_752 : i32 to index
      %swap3A_770 = arith.constant 0 : index
      %swap3A_771 = tpu.vector_load %arg5[%swap3A_769, %swap3A_770] {strides = array<i32>} : memref<21x128xi32, #tpu.memory_space<vmem>>, vector<1x16xi32>,
      %swap3A_772 = vector.shape_cast %swap3A_771 : vector<1x16xi32> to vector<16xi32>
      %swap3A_773 = vector.shape_cast %sub3A_768 : vector<16xi32> to vector<1x16xi32>
      tpu.vector_store %arg5[%swap3A_769, %swap3A_770], %swap3A_773 {strides = array<i32>} : memref<21x128xi32, #tpu.memory_space<vmem>>, vector<1x16xi32>,
      %get3A_774 = arith.index_cast %add3A_752 : i32 to index
      %get3A_775 = arith.constant 16 : index
      %get3A_776 = tpu.vector_load %arg5[%get3A_774, %get3A_775] {strides = array<i32>} : memref<21x128xi32, #tpu.memory_space<vmem>>, vector<1x16xi32>,
      %get3A_777 = vector.shape_cast %get3A_776 : vector<1x16xi32> to vector<16xi32>
      %ge3A_778 = arith.constant 10240 : i32
      %ge3A_779 = vector.broadcast %ge3A_778 : i32 to vector<16xi32>
      %ge3A_780 = arith.cmpi sge, %get3A_777, %ge3A_779 : vector<16xi32>
      %broadcast_in_dim3A_781 = arith.constant 20479 : i32
      %broadcast_in_dim3A_782 = vector.broadcast %broadcast_in_dim3A_781 : i32 to vector<16xi32>
      %broadcast_in_dim3A_783 = arith.constant 0 : i32
      %broadcast_in_dim3A_784 = vector.broadcast %broadcast_in_dim3A_783 : i32 to vector<16xi32>
      %select_n3A_785 = arith.select %ge3A_780, %broadcast_in_dim3A_782, %broadcast_in_dim3A_784 : vector<16xi1>, vector<16xi32>
      %mul3A_786 = arith.constant 2 : i32
      %mul3A_787 = vector.broadcast %mul3A_786 : i32 to vector<16xi32>
      %mul3A_788 = arith.muli %get3A_777, %mul3A_787 : vector<16xi32>
      %sub3A_789 = arith.subi %mul3A_788, %select_n3A_785 : vector<16xi32>
      %swap3A_790 = arith.index_cast %add3A_752 : i32 to index
      %swap3A_791 = arith.constant 16 : index
      %swap3A_792 = tpu.vector_load %arg5[%swap3A_790, %swap3A_791] {strides = array<i32>} : memref<21x128xi32, #tpu.memory_space<vmem>>, vector<1x16xi32>,
      %swap3A_793 = vector.shape_cast %swap3A_792 : vector<1x16xi32> to vector<16xi32>
      %swap3A_794 = vector.shape_cast %sub3A_789 : vector<16xi32> to vector<1x16xi32>
      tpu.vector_store %arg5[%swap3A_790, %swap3A_791], %swap3A_794 {strides = array<i32>} : memref<21x128xi32, #tpu.memory_space<vmem>>, vector<1x16xi32>,
      %get3A_795 = arith.index_cast %add3A_752 : i32 to index
      %get3A_796 = arith.constant 32 : index
      %get3A_797 = tpu.vector_load %arg5[%get3A_795, %get3A_796] {strides = array<i32>} : memref<21x128xi32, #tpu.memory_space<vmem>>, vector<1x16xi32>,
      %get3A_798 = vector.shape_cast %get3A_797 : vector<1x16xi32> to vector<16xi32>
      %ge3A_799 = arith.constant 10240 : i32
      %ge3A_800 = vector.broadcast %ge3A_799 : i32 to vector<16xi32>
      %ge3A_801 = arith.cmpi sge, %get3A_798, %ge3A_800 : vector<16xi32>
      %broadcast_in_dim3A_802 = arith.constant 20479 : i32
      %broadcast_in_dim3A_803 = vector.broadcast %broadcast_in_dim3A_802 : i32 to vector<16xi32>
      %broadcast_in_dim3A_804 = arith.constant 0 : i32
      %broadcast_in_dim3A_805 = vector.broadcast %broadcast_in_dim3A_804 : i32 to vector<16xi32>
      %select_n3A_806 = arith.select %ge3A_801, %broadcast_in_dim3A_803, %broadcast_in_dim3A_805 : vector<16xi1>, vector<16xi32>
      %mul3A_807 = arith.constant 2 : i32
      %mul3A_808 = vector.broadcast %mul3A_807 : i32 to vector<16xi32>
      %mul3A_809 = arith.muli %get3A_798, %mul3A_808 : vector<16xi32>
      %sub3A_810 = arith.subi %mul3A_809, %select_n3A_806 : vector<16xi32>
      %swap3A_811 = arith.index_cast %add3A_752 : i32 to index
      %swap3A_812 = arith.constant 32 : index
      %swap3A_813 = tpu.vector_load %arg5[%swap3A_811, %swap3A_812] {strides = array<i32>} : memref<21x128xi32, #tpu.memory_space<vmem>>, vector<1x16xi32>,
      %swap3A_814 = vector.shape_cast %swap3A_813 : vector<1x16xi32> to vector<16xi32>
      %swap3A_815 = vector.shape_cast %sub3A_810 : vector<16xi32> to vector<1x16xi32>
      tpu.vector_store %arg5[%swap3A_811, %swap3A_812], %swap3A_815 {strides = array<i32>} : memref<21x128xi32, #tpu.memory_space<vmem>>, vector<1x16xi32>,
      %get3A_816 = arith.index_cast %add3A_752 : i32 to index
      %get3A_817 = arith.constant 48 : index
      %get3A_818 = tpu.vector_load %arg5[%get3A_816, %get3A_817] {strides = array<i32>} : memref<21x128xi32, #tpu.memory_space<vmem>>, vector<1x16xi32>,
      %get3A_819 = vector.shape_cast %get3A_818 : vector<1x16xi32> to vector<16xi32>
      %ge3A_820 = arith.constant 10240 : i32
      %ge3A_821 = vector.broadcast %ge3A_820 : i32 to vector<16xi32>
      %ge3A_822 = arith.cmpi sge, %get3A_819, %ge3A_821 : vector<16xi32>
      %broadcast_in_dim3A_823 = arith.constant 20479 : i32
      %broadcast_in_dim3A_824 = vector.broadcast %broadcast_in_dim3A_823 : i32 to vector<16xi32>
      %broadcast_in_dim3A_825 = arith.constant 0 : i32
      %broadcast_in_dim3A_826 = vector.broadcast %broadcast_in_dim3A_825 : i32 to vector<16xi32>
      %select_n3A_827 = arith.select %ge3A_822, %broadcast_in_dim3A_824, %broadcast_in_dim3A_826 : vector<16xi1>, vector<16xi32>
      %mul3A_828 = arith.constant 2 : i32
      %mul3A_829 = vector.broadcast %mul3A_828 : i32 to vector<16xi32>
      %mul3A_830 = arith.muli %get3A_819, %mul3A_829 : vector<16xi32>
      %sub3A_831 = arith.subi %mul3A_830, %select_n3A_827 : vector<16xi32>
      %swap3A_832 = arith.index_cast %add3A_752 : i32 to index
      %swap3A_833 = arith.constant 48 : index
      %swap3A_834 = tpu.vector_load %arg5[%swap3A_832, %swap3A_833] {strides = array<i32>} : memref<21x128xi32, #tpu.memory_space<vmem>>, vector<1x16xi32>,
      %swap3A_835 = vector.shape_cast %swap3A_834 : vector<1x16xi32> to vector<16xi32>
      %swap3A_836 = vector.shape_cast %sub3A_831 : vector<16xi32> to vector<1x16xi32>
      tpu.vector_store %arg5[%swap3A_832, %swap3A_833], %swap3A_836 {strides = array<i32>} : memref<21x128xi32, #tpu.memory_space<vmem>>, vector<1x16xi32>,
      %get3A_837 = arith.index_cast %add3A_752 : i32 to index
      %get3A_838 = arith.constant 64 : index
      %get3A_839 = tpu.vector_load %arg5[%get3A_837, %get3A_838] {strides = array<i32>} : memref<21x128xi32, #tpu.memory_space<vmem>>, vector<1x16xi32>,
      %get3A_840 = vector.shape_cast %get3A_839 : vector<1x16xi32> to vector<16xi32>
      %ge3A_841 = arith.constant 10240 : i32
      %ge3A_842 = vector.broadcast %ge3A_841 : i32 to vector<16xi32>
      %ge3A_843 = arith.cmpi sge, %get3A_840, %ge3A_842 : vector<16xi32>
      %broadcast_in_dim3A_844 = arith.constant 20479 : i32
      %broadcast_in_dim3A_845 = vector.broadcast %broadcast_in_dim3A_844 : i32 to vector<16xi32>
      %broadcast_in_dim3A_846 = arith.constant 0 : i32
      %broadcast_in_dim3A_847 = vector.broadcast %broadcast_in_dim3A_846 : i32 to vector<16xi32>
      %select_n3A_848 = arith.select %ge3A_843, %broadcast_in_dim3A_845, %broadcast_in_dim3A_847 : vector<16xi1>, vector<16xi32>
      %mul3A_849 = arith.constant 2 : i32
      %mul3A_850 = vector.broadcast %mul3A_849 : i32 to vector<16xi32>
      %mul3A_851 = arith.muli %get3A_840, %mul3A_850 : vector<16xi32>
      %sub3A_852 = arith.subi %mul3A_851, %select_n3A_848 : vector<16xi32>
      %swap3A_853 = arith.index_cast %add3A_752 : i32 to index
      %swap3A_854 = arith.constant 64 : index
      %swap3A_855 = tpu.vector_load %arg5[%swap3A_853, %swap3A_854] {strides = array<i32>} : memref<21x128xi32, #tpu.memory_space<vmem>>, vector<1x16xi32>,
      %swap3A_856 = vector.shape_cast %swap3A_855 : vector<1x16xi32> to vector<16xi32>
      %swap3A_857 = vector.shape_cast %sub3A_852 : vector<16xi32> to vector<1x16xi32>
      tpu.vector_store %arg5[%swap3A_853, %swap3A_854], %swap3A_857 {strides = array<i32>} : memref<21x128xi32, #tpu.memory_space<vmem>>, vector<1x16xi32>,
      %get3A_858 = arith.index_cast %add3A_752 : i32 to index
      %get3A_859 = arith.constant 80 : index
      %get3A_860 = tpu.vector_load %arg5[%get3A_858, %get3A_859] {strides = array<i32>} : memref<21x128xi32, #tpu.memory_space<vmem>>, vector<1x16xi32>,
      %get3A_861 = vector.shape_cast %get3A_860 : vector<1x16xi32> to vector<16xi32>
      %ge3A_862 = arith.constant 10240 : i32
      %ge3A_863 = vector.broadcast %ge3A_862 : i32 to vector<16xi32>
      %ge3A_864 = arith.cmpi sge, %get3A_861, %ge3A_863 : vector<16xi32>
      %broadcast_in_dim3A_865 = arith.constant 20479 : i32
      %broadcast_in_dim3A_866 = vector.broadcast %broadcast_in_dim3A_865 : i32 to vector<16xi32>
      %broadcast_in_dim3A_867 = arith.constant 0 : i32
      %broadcast_in_dim3A_868 = vector.broadcast %broadcast_in_dim3A_867 : i32 to vector<16xi32>
      %select_n3A_869 = arith.select %ge3A_864, %broadcast_in_dim3A_866, %broadcast_in_dim3A_868 : vector<16xi1>, vector<16xi32>
      %mul3A_870 = arith.constant 2 : i32
      %mul3A_871 = vector.broadcast %mul3A_870 : i32 to vector<16xi32>
      %mul3A_872 = arith.muli %get3A_861, %mul3A_871 : vector<16xi32>
      %sub3A_873 = arith.subi %mul3A_872, %select_n3A_869 : vector<16xi32>
      %swap3A_874 = arith.index_cast %add3A_752 : i32 to index
      %swap3A_875 = arith.constant 80 : index
      %swap3A_876 = tpu.vector_load %arg5[%swap3A_874, %swap3A_875] {strides = array<i32>} : memref<21x128xi32, #tpu.memory_space<vmem>>, vector<1x16xi32>,
      %swap3A_877 = vector.shape_cast %swap3A_876 : vector<1x16xi32> to vector<16xi32>
      %swap3A_878 = vector.shape_cast %sub3A_873 : vector<16xi32> to vector<1x16xi32>
      tpu.vector_store %arg5[%swap3A_874, %swap3A_875], %swap3A_878 {strides = array<i32>} : memref<21x128xi32, #tpu.memory_space<vmem>>, vector<1x16xi32>,
      %get3A_879 = arith.index_cast %add3A_752 : i32 to index
      %get3A_880 = arith.constant 96 : index
      %get3A_881 = tpu.vector_load %arg5[%get3A_879, %get3A_880] {strides = array<i32>} : memref<21x128xi32, #tpu.memory_space<vmem>>, vector<1x16xi32>,
      %get3A_882 = vector.shape_cast %get3A_881 : vector<1x16xi32> to vector<16xi32>
      %ge3A_883 = arith.constant 10240 : i32
      %ge3A_884 = vector.broadcast %ge3A_883 : i32 to vector<16xi32>
      %ge3A_885 = arith.cmpi sge, %get3A_882, %ge3A_884 : vector<16xi32>
      %broadcast_in_dim3A_886 = arith.constant 20479 : i32
      %broadcast_in_dim3A_887 = vector.broadcast %broadcast_in_dim3A_886 : i32 to vector<16xi32>
      %broadcast_in_dim3A_888 = arith.constant 0 : i32
      %broadcast_in_dim3A_889 = vector.broadcast %broadcast_in_dim3A_888 : i32 to vector<16xi32>
      %select_n3A_890 = arith.select %ge3A_885, %broadcast_in_dim3A_887, %broadcast_in_dim3A_889 : vector<16xi1>, vector<16xi32>
      %mul3A_891 = arith.constant 2 : i32
      %mul3A_892 = vector.broadcast %mul3A_891 : i32 to vector<16xi32>
      %mul3A_893 = arith.muli %get3A_882, %mul3A_892 : vector<16xi32>
      %sub3A_894 = arith.subi %mul3A_893, %select_n3A_890 : vector<16xi32>
      %swap3A_895 = arith.index_cast %add3A_752 : i32 to index
      %swap3A_896 = arith.constant 96 : index
      %swap3A_897 = tpu.vector_load %arg5[%swap3A_895, %swap3A_896] {strides = array<i32>} : memref<21x128xi32, #tpu.memory_space<vmem>>, vector<1x16xi32>,
      %swap3A_898 = vector.shape_cast %swap3A_897 : vector<1x16xi32> to vector<16xi32>
      %swap3A_899 = vector.shape_cast %sub3A_894 : vector<16xi32> to vector<1x16xi32>
      tpu.vector_store %arg5[%swap3A_895, %swap3A_896], %swap3A_899 {strides = array<i32>} : memref<21x128xi32, #tpu.memory_space<vmem>>, vector<1x16xi32>,
      %get3A_900 = arith.index_cast %add3A_752 : i32 to index
      %get3A_901 = arith.constant 112 : index
      %get3A_902 = tpu.vector_load %arg5[%get3A_900, %get3A_901] {strides = array<i32>} : memref<21x128xi32, #tpu.memory_space<vmem>>, vector<1x16xi32>,
      %get3A_903 = vector.shape_cast %get3A_902 : vector<1x16xi32> to vector<16xi32>
      %ge3A_904 = arith.constant 10240 : i32
      %ge3A_905 = vector.broadcast %ge3A_904 : i32 to vector<16xi32>
      %ge3A_906 = arith.cmpi sge, %get3A_903, %ge3A_905 : vector<16xi32>
      %broadcast_in_dim3A_907 = arith.constant 20479 : i32
      %broadcast_in_dim3A_908 = vector.broadcast %broadcast_in_dim3A_907 : i32 to vector<16xi32>
      %broadcast_in_dim3A_909 = arith.constant 0 : i32
      %broadcast_in_dim3A_910 = vector.broadcast %broadcast_in_dim3A_909 : i32 to vector<16xi32>
      %select_n3A_911 = arith.select %ge3A_906, %broadcast_in_dim3A_908, %broadcast_in_dim3A_910 : vector<16xi1>, vector<16xi32>
      %mul3A_912 = arith.constant 2 : i32
      %mul3A_913 = vector.broadcast %mul3A_912 : i32 to vector<16xi32>
      %mul3A_914 = arith.muli %get3A_903, %mul3A_913 : vector<16xi32>
      %sub3A_915 = arith.subi %mul3A_914, %select_n3A_911 : vector<16xi32>
      %swap3A_916 = arith.index_cast %add3A_752 : i32 to index
      %swap3A_917 = arith.constant 112 : index
      %swap3A_918 = tpu.vector_load %arg5[%swap3A_916, %swap3A_917] {strides = array<i32>} : memref<21x128xi32, #tpu.memory_space<vmem>>, vector<1x16xi32>,
      %swap3A_919 = vector.shape_cast %swap3A_918 : vector<1x16xi32> to vector<16xi32>
      %swap3A_920 = vector.shape_cast %sub3A_915 : vector<16xi32> to vector<1x16xi32>
      tpu.vector_store %arg5[%swap3A_916, %swap3A_917], %swap3A_920 {strides = array<i32>} : memref<21x128xi32, #tpu.memory_space<vmem>>, vector<1x16xi32>,
      %dma_start3A_921 = arith.constant 0 : i32
      %dma_start3A_922 = tpu.memref_slice %arg5[%add3A_752, %dma_start3A_921] : memref<21x128xi32, #tpu.memory_space<vmem>> -> memref<1x128xi32, #tpu.memory_space<vmem>>
      %dma_start3A_923 = tpu.memref_squeeze %dma_start3A_922 : memref<1x128xi32, #tpu.memory_space<vmem>> -> memref<128xi32, #tpu.memory_space<vmem>>
      %dma_start3A_924 = arith.constant 0 : i32
      %dma_start3A_925 = arith.constant 0 : i32
      %dma_start3A_926 = tpu.memref_slice %arg3[%dma_start3A_924, %dma_start3A_925] : memref<20480x64xf32, #tpu.memory_space<hbm>> -> memref<20480x64xf32, #tpu.memory_space<hbm>>
      tpu.enqueue_indirect_dma source(%dma_start3A_926 : memref<20480x64xf32, #tpu.memory_space<hbm>>) target(%arg7 : memref<128x64xf32, #tpu.memory_space<vmem>>) offsets(%dma_start3A_923 : memref<128xi32, #tpu.memory_space<vmem>>) semaphore(%arg11 : memref<!tpu.dma_semaphore, #tpu.memory_space<semaphore_mem>>)
      %dma_wait3A_927 = arith.constant 0 : i32
      %dma_wait3A_928 = arith.constant 0 : i32
      %dma_wait3A_929 = tpu.memref_slice %arg6[%dma_wait3A_927, %dma_wait3A_928] : memref<21x128xi32, #tpu.memory_space<vmem>> -> memref<1x128xi32, #tpu.memory_space<vmem>>
      %dma_wait3A_930 = tpu.memref_squeeze %dma_wait3A_929 : memref<1x128xi32, #tpu.memory_space<vmem>> -> memref<128xi32, #tpu.memory_space<vmem>>
      %dma_wait3A_931 = arith.constant 0 : i32
      %dma_wait3A_932 = arith.constant 0 : i32
      %dma_wait3A_933 = tpu.memref_slice %arg10[%dma_wait3A_931, %dma_wait3A_932] : memref<6144x64xf32, #tpu.memory_space<vmem_shared>> -> memref<6144x64xf32, #tpu.memory_space<vmem_shared>>
      tpu.wait_indirect_dma semaphore(%arg15 : memref<!tpu.dma_semaphore, #tpu.memory_space<semaphore_mem>>) src(%arg8 : memref<128x64xf32, #tpu.memory_space<vmem>>) dst(%dma_wait3A_933 : memref<6144x64xf32, #tpu.memory_space<vmem_shared>>)
      %add3A_934 = arith.constant 3 : i32
      %add3A_935 = arith.addi %mul3A_696, %add3A_934 : i32
      %add3A_936 = arith.constant 1 : i32
      %add3A_937 = arith.addi %add3A_935, %add3A_936 : i32
      %get3A_938 = arith.index_cast %add3A_937 : i32 to index
      %get3A_939 = arith.constant 0 : index
      %get3A_940 = tpu.vector_load %arg5[%get3A_938, %get3A_939] {strides = array<i32>} : memref<21x128xi32, #tpu.memory_space<vmem>>, vector<1x16xi32>,
      %get3A_941 = vector.shape_cast %get3A_940 : vector<1x16xi32> to vector<16xi32>
      %ge3A_942 = arith.constant 10240 : i32
      %ge3A_943 = vector.broadcast %ge3A_942 : i32 to vector<16xi32>
      %ge3A_944 = arith.cmpi sge, %get3A_941, %ge3A_943 : vector<16xi32>
      %broadcast_in_dim3A_945 = arith.constant 20479 : i32
      %broadcast_in_dim3A_946 = vector.broadcast %broadcast_in_dim3A_945 : i32 to vector<16xi32>
      %broadcast_in_dim3A_947 = arith.constant 0 : i32
      %broadcast_in_dim3A_948 = vector.broadcast %broadcast_in_dim3A_947 : i32 to vector<16xi32>
      %select_n3A_949 = arith.select %ge3A_944, %broadcast_in_dim3A_946, %broadcast_in_dim3A_948 : vector<16xi1>, vector<16xi32>
      %mul3A_950 = arith.constant 2 : i32
      %mul3A_951 = vector.broadcast %mul3A_950 : i32 to vector<16xi32>
      %mul3A_952 = arith.muli %get3A_941, %mul3A_951 : vector<16xi32>
      %sub3A_953 = arith.subi %mul3A_952, %select_n3A_949 : vector<16xi32>
      %swap3A_954 = arith.index_cast %add3A_937 : i32 to index
      %swap3A_955 = arith.constant 0 : index
      %swap3A_956 = tpu.vector_load %arg5[%swap3A_954, %swap3A_955] {strides = array<i32>} : memref<21x128xi32, #tpu.memory_space<vmem>>, vector<1x16xi32>,
      %swap3A_957 = vector.shape_cast %swap3A_956 : vector<1x16xi32> to vector<16xi32>
      %swap3A_958 = vector.shape_cast %sub3A_953 : vector<16xi32> to vector<1x16xi32>
      tpu.vector_store %arg5[%swap3A_954, %swap3A_955], %swap3A_958 {strides = array<i32>} : memref<21x128xi32, #tpu.memory_space<vmem>>, vector<1x16xi32>,
      %get3A_959 = arith.index_cast %add3A_937 : i32 to index
      %get3A_960 = arith.constant 16 : index
      %get3A_961 = tpu.vector_load %arg5[%get3A_959, %get3A_960] {strides = array<i32>} : memref<21x128xi32, #tpu.memory_space<vmem>>, vector<1x16xi32>,
      %get3A_962 = vector.shape_cast %get3A_961 : vector<1x16xi32> to vector<16xi32>
      %ge3A_963 = arith.constant 10240 : i32
      %ge3A_964 = vector.broadcast %ge3A_963 : i32 to vector<16xi32>
      %ge3A_965 = arith.cmpi sge, %get3A_962, %ge3A_964 : vector<16xi32>
      %broadcast_in_dim3A_966 = arith.constant 20479 : i32
      %broadcast_in_dim3A_967 = vector.broadcast %broadcast_in_dim3A_966 : i32 to vector<16xi32>
      %broadcast_in_dim3A_968 = arith.constant 0 : i32
      %broadcast_in_dim3A_969 = vector.broadcast %broadcast_in_dim3A_968 : i32 to vector<16xi32>
      %select_n3A_970 = arith.select %ge3A_965, %broadcast_in_dim3A_967, %broadcast_in_dim3A_969 : vector<16xi1>, vector<16xi32>
      %mul3A_971 = arith.constant 2 : i32
      %mul3A_972 = vector.broadcast %mul3A_971 : i32 to vector<16xi32>
      %mul3A_973 = arith.muli %get3A_962, %mul3A_972 : vector<16xi32>
      %sub3A_974 = arith.subi %mul3A_973, %select_n3A_970 : vector<16xi32>
      %swap3A_975 = arith.index_cast %add3A_937 : i32 to index
      %swap3A_976 = arith.constant 16 : index
      %swap3A_977 = tpu.vector_load %arg5[%swap3A_975, %swap3A_976] {strides = array<i32>} : memref<21x128xi32, #tpu.memory_space<vmem>>, vector<1x16xi32>,
      %swap3A_978 = vector.shape_cast %swap3A_977 : vector<1x16xi32> to vector<16xi32>
      %swap3A_979 = vector.shape_cast %sub3A_974 : vector<16xi32> to vector<1x16xi32>
      tpu.vector_store %arg5[%swap3A_975, %swap3A_976], %swap3A_979 {strides = array<i32>} : memref<21x128xi32, #tpu.memory_space<vmem>>, vector<1x16xi32>,
      %get3A_980 = arith.index_cast %add3A_937 : i32 to index
      %get3A_981 = arith.constant 32 : index
      %get3A_982 = tpu.vector_load %arg5[%get3A_980, %get3A_981] {strides = array<i32>} : memref<21x128xi32, #tpu.memory_space<vmem>>, vector<1x16xi32>,
      %get3A_983 = vector.shape_cast %get3A_982 : vector<1x16xi32> to vector<16xi32>
      %ge3A_984 = arith.constant 10240 : i32
      %ge3A_985 = vector.broadcast %ge3A_984 : i32 to vector<16xi32>
      %ge3A_986 = arith.cmpi sge, %get3A_983, %ge3A_985 : vector<16xi32>
      %broadcast_in_dim3A_987 = arith.constant 20479 : i32
      %broadcast_in_dim3A_988 = vector.broadcast %broadcast_in_dim3A_987 : i32 to vector<16xi32>
      %broadcast_in_dim3A_989 = arith.constant 0 : i32
      %broadcast_in_dim3A_990 = vector.broadcast %broadcast_in_dim3A_989 : i32 to vector<16xi32>
      %select_n3A_991 = arith.select %ge3A_986, %broadcast_in_dim3A_988, %broadcast_in_dim3A_990 : vector<16xi1>, vector<16xi32>
      %mul3A_992 = arith.constant 2 : i32
      %mul3A_993 = vector.broadcast %mul3A_992 : i32 to vector<16xi32>
      %mul3A_994 = arith.muli %get3A_983, %mul3A_993 : vector<16xi32>
      %sub3A_995 = arith.subi %mul3A_994, %select_n3A_991 : vector<16xi32>
      %swap3A_996 = arith.index_cast %add3A_937 : i32 to index
      %swap3A_997 = arith.constant 32 : index
      %swap3A_998 = tpu.vector_load %arg5[%swap3A_996, %swap3A_997] {strides = array<i32>} : memref<21x128xi32, #tpu.memory_space<vmem>>, vector<1x16xi32>,
      %swap3A_999 = vector.shape_cast %swap3A_998 : vector<1x16xi32> to vector<16xi32>
      %swap3A_1000 = vector.shape_cast %sub3A_995 : vector<16xi32> to vector<1x16xi32>
      tpu.vector_store %arg5[%swap3A_996, %swap3A_997], %swap3A_1000 {strides = array<i32>} : memref<21x128xi32, #tpu.memory_space<vmem>>, vector<1x16xi32>,
      %get3A_1001 = arith.index_cast %add3A_937 : i32 to index
      %get3A_1002 = arith.constant 48 : index
      %get3A_1003 = tpu.vector_load %arg5[%get3A_1001, %get3A_1002] {strides = array<i32>} : memref<21x128xi32, #tpu.memory_space<vmem>>, vector<1x16xi32>,
      %get3A_1004 = vector.shape_cast %get3A_1003 : vector<1x16xi32> to vector<16xi32>
      %ge3A_1005 = arith.constant 10240 : i32
      %ge3A_1006 = vector.broadcast %ge3A_1005 : i32 to vector<16xi32>
      %ge3A_1007 = arith.cmpi sge, %get3A_1004, %ge3A_1006 : vector<16xi32>
      %broadcast_in_dim3A_1008 = arith.constant 20479 : i32
      %broadcast_in_dim3A_1009 = vector.broadcast %broadcast_in_dim3A_1008 : i32 to vector<16xi32>
      %broadcast_in_dim3A_1010 = arith.constant 0 : i32
      %broadcast_in_dim3A_1011 = vector.broadcast %broadcast_in_dim3A_1010 : i32 to vector<16xi32>
      %select_n3A_1012 = arith.select %ge3A_1007, %broadcast_in_dim3A_1009, %broadcast_in_dim3A_1011 : vector<16xi1>, vector<16xi32>
      %mul3A_1013 = arith.constant 2 : i32
      %mul3A_1014 = vector.broadcast %mul3A_1013 : i32 to vector<16xi32>
      %mul3A_1015 = arith.muli %get3A_1004, %mul3A_1014 : vector<16xi32>
      %sub3A_1016 = arith.subi %mul3A_1015, %select_n3A_1012 : vector<16xi32>
      %swap3A_1017 = arith.index_cast %add3A_937 : i32 to index
      %swap3A_1018 = arith.constant 48 : index
      %swap3A_1019 = tpu.vector_load %arg5[%swap3A_1017, %swap3A_1018] {strides = array<i32>} : memref<21x128xi32, #tpu.memory_space<vmem>>, vector<1x16xi32>,
      %swap3A_1020 = vector.shape_cast %swap3A_1019 : vector<1x16xi32> to vector<16xi32>
      %swap3A_1021 = vector.shape_cast %sub3A_1016 : vector<16xi32> to vector<1x16xi32>
      tpu.vector_store %arg5[%swap3A_1017, %swap3A_1018], %swap3A_1021 {strides = array<i32>} : memref<21x128xi32, #tpu.memory_space<vmem>>, vector<1x16xi32>,
      %get3A_1022 = arith.index_cast %add3A_937 : i32 to index
      %get3A_1023 = arith.constant 64 : index
      %get3A_1024 = tpu.vector_load %arg5[%get3A_1022, %get3A_1023] {strides = array<i32>} : memref<21x128xi32, #tpu.memory_space<vmem>>, vector<1x16xi32>,
      %get3A_1025 = vector.shape_cast %get3A_1024 : vector<1x16xi32> to vector<16xi32>
      %ge3A_1026 = arith.constant 10240 : i32
      %ge3A_1027 = vector.broadcast %ge3A_1026 : i32 to vector<16xi32>
      %ge3A_1028 = arith.cmpi sge, %get3A_1025, %ge3A_1027 : vector<16xi32>
      %broadcast_in_dim3A_1029 = arith.constant 20479 : i32
      %broadcast_in_dim3A_1030 = vector.broadcast %broadcast_in_dim3A_1029 : i32 to vector<16xi32>
      %broadcast_in_dim3A_1031 = arith.constant 0 : i32
      %broadcast_in_dim3A_1032 = vector.broadcast %broadcast_in_dim3A_1031 : i32 to vector<16xi32>
      %select_n3A_1033 = arith.select %ge3A_1028, %broadcast_in_dim3A_1030, %broadcast_in_dim3A_1032 : vector<16xi1>, vector<16xi32>
      %mul3A_1034 = arith.constant 2 : i32
      %mul3A_1035 = vector.broadcast %mul3A_1034 : i32 to vector<16xi32>
      %mul3A_1036 = arith.muli %get3A_1025, %mul3A_1035 : vector<16xi32>
      %sub3A_1037 = arith.subi %mul3A_1036, %select_n3A_1033 : vector<16xi32>
      %swap3A_1038 = arith.index_cast %add3A_937 : i32 to index
      %swap3A_1039 = arith.constant 64 : index
      %swap3A_1040 = tpu.vector_load %arg5[%swap3A_1038, %swap3A_1039] {strides = array<i32>} : memref<21x128xi32, #tpu.memory_space<vmem>>, vector<1x16xi32>,
      %swap3A_1041 = vector.shape_cast %swap3A_1040 : vector<1x16xi32> to vector<16xi32>
      %swap3A_1042 = vector.shape_cast %sub3A_1037 : vector<16xi32> to vector<1x16xi32>
      tpu.vector_store %arg5[%swap3A_1038, %swap3A_1039], %swap3A_1042 {strides = array<i32>} : memref<21x128xi32, #tpu.memory_space<vmem>>, vector<1x16xi32>,
      %get3A_1043 = arith.index_cast %add3A_937 : i32 to index
      %get3A_1044 = arith.constant 80 : index
      %get3A_1045 = tpu.vector_load %arg5[%get3A_1043, %get3A_1044] {strides = array<i32>} : memref<21x128xi32, #tpu.memory_space<vmem>>, vector<1x16xi32>,
      %get3A_1046 = vector.shape_cast %get3A_1045 : vector<1x16xi32> to vector<16xi32>
      %ge3A_1047 = arith.constant 10240 : i32
      %ge3A_1048 = vector.broadcast %ge3A_1047 : i32 to vector<16xi32>
      %ge3A_1049 = arith.cmpi sge, %get3A_1046, %ge3A_1048 : vector<16xi32>
      %broadcast_in_dim3A_1050 = arith.constant 20479 : i32
      %broadcast_in_dim3A_1051 = vector.broadcast %broadcast_in_dim3A_1050 : i32 to vector<16xi32>
      %broadcast_in_dim3A_1052 = arith.constant 0 : i32
      %broadcast_in_dim3A_1053 = vector.broadcast %broadcast_in_dim3A_1052 : i32 to vector<16xi32>
      %select_n3A_1054 = arith.select %ge3A_1049, %broadcast_in_dim3A_1051, %broadcast_in_dim3A_1053 : vector<16xi1>, vector<16xi32>
      %mul3A_1055 = arith.constant 2 : i32
      %mul3A_1056 = vector.broadcast %mul3A_1055 : i32 to vector<16xi32>
      %mul3A_1057 = arith.muli %get3A_1046, %mul3A_1056 : vector<16xi32>
      %sub3A_1058 = arith.subi %mul3A_1057, %select_n3A_1054 : vector<16xi32>
      %swap3A_1059 = arith.index_cast %add3A_937 : i32 to index
      %swap3A_1060 = arith.constant 80 : index
      %swap3A_1061 = tpu.vector_load %arg5[%swap3A_1059, %swap3A_1060] {strides = array<i32>} : memref<21x128xi32, #tpu.memory_space<vmem>>, vector<1x16xi32>,
      %swap3A_1062 = vector.shape_cast %swap3A_1061 : vector<1x16xi32> to vector<16xi32>
      %swap3A_1063 = vector.shape_cast %sub3A_1058 : vector<16xi32> to vector<1x16xi32>
      tpu.vector_store %arg5[%swap3A_1059, %swap3A_1060], %swap3A_1063 {strides = array<i32>} : memref<21x128xi32, #tpu.memory_space<vmem>>, vector<1x16xi32>,
      %get3A_1064 = arith.index_cast %add3A_937 : i32 to index
      %get3A_1065 = arith.constant 96 : index
      %get3A_1066 = tpu.vector_load %arg5[%get3A_1064, %get3A_1065] {strides = array<i32>} : memref<21x128xi32, #tpu.memory_space<vmem>>, vector<1x16xi32>,
      %get3A_1067 = vector.shape_cast %get3A_1066 : vector<1x16xi32> to vector<16xi32>
      %ge3A_1068 = arith.constant 10240 : i32
      %ge3A_1069 = vector.broadcast %ge3A_1068 : i32 to vector<16xi32>
      %ge3A_1070 = arith.cmpi sge, %get3A_1067, %ge3A_1069 : vector<16xi32>
      %broadcast_in_dim3A_1071 = arith.constant 20479 : i32
      %broadcast_in_dim3A_1072 = vector.broadcast %broadcast_in_dim3A_1071 : i32 to vector<16xi32>
      %broadcast_in_dim3A_1073 = arith.constant 0 : i32
      %broadcast_in_dim3A_1074 = vector.broadcast %broadcast_in_dim3A_1073 : i32 to vector<16xi32>
      %select_n3A_1075 = arith.select %ge3A_1070, %broadcast_in_dim3A_1072, %broadcast_in_dim3A_1074 : vector<16xi1>, vector<16xi32>
      %mul3A_1076 = arith.constant 2 : i32
      %mul3A_1077 = vector.broadcast %mul3A_1076 : i32 to vector<16xi32>
      %mul3A_1078 = arith.muli %get3A_1067, %mul3A_1077 : vector<16xi32>
      %sub3A_1079 = arith.subi %mul3A_1078, %select_n3A_1075 : vector<16xi32>
      %swap3A_1080 = arith.index_cast %add3A_937 : i32 to index
      %swap3A_1081 = arith.constant 96 : index
      %swap3A_1082 = tpu.vector_load %arg5[%swap3A_1080, %swap3A_1081] {strides = array<i32>} : memref<21x128xi32, #tpu.memory_space<vmem>>, vector<1x16xi32>,
      %swap3A_1083 = vector.shape_cast %swap3A_1082 : vector<1x16xi32> to vector<16xi32>
      %swap3A_1084 = vector.shape_cast %sub3A_1079 : vector<16xi32> to vector<1x16xi32>
      tpu.vector_store %arg5[%swap3A_1080, %swap3A_1081], %swap3A_1084 {strides = array<i32>} : memref<21x128xi32, #tpu.memory_space<vmem>>, vector<1x16xi32>,
      %get3A_1085 = arith.index_cast %add3A_937 : i32 to index
      %get3A_1086 = arith.constant 112 : index
      %get3A_1087 = tpu.vector_load %arg5[%get3A_1085, %get3A_1086] {strides = array<i32>} : memref<21x128xi32, #tpu.memory_space<vmem>>, vector<1x16xi32>,
      %get3A_1088 = vector.shape_cast %get3A_1087 : vector<1x16xi32> to vector<16xi32>
      %ge3A_1089 = arith.constant 10240 : i32
      %ge3A_1090 = vector.broadcast %ge3A_1089 : i32 to vector<16xi32>
      %ge3A_1091 = arith.cmpi sge, %get3A_1088, %ge3A_1090 : vector<16xi32>
      %broadcast_in_dim3A_1092 = arith.constant 20479 : i32
      %broadcast_in_dim3A_1093 = vector.broadcast %broadcast_in_dim3A_1092 : i32 to vector<16xi32>
      %broadcast_in_dim3A_1094 = arith.constant 0 : i32
      %broadcast_in_dim3A_1095 = vector.broadcast %broadcast_in_dim3A_1094 : i32 to vector<16xi32>
      %select_n3A_1096 = arith.select %ge3A_1091, %broadcast_in_dim3A_1093, %broadcast_in_dim3A_1095 : vector<16xi1>, vector<16xi32>
      %mul3A_1097 = arith.constant 2 : i32
      %mul3A_1098 = vector.broadcast %mul3A_1097 : i32 to vector<16xi32>
      %mul3A_1099 = arith.muli %get3A_1088, %mul3A_1098 : vector<16xi32>
      %sub3A_1100 = arith.subi %mul3A_1099, %select_n3A_1096 : vector<16xi32>
      %swap3A_1101 = arith.index_cast %add3A_937 : i32 to index
      %swap3A_1102 = arith.constant 112 : index
      %swap3A_1103 = tpu.vector_load %arg5[%swap3A_1101, %swap3A_1102] {strides = array<i32>} : memref<21x128xi32, #tpu.memory_space<vmem>>, vector<1x16xi32>,
      %swap3A_1104 = vector.shape_cast %swap3A_1103 : vector<1x16xi32> to vector<16xi32>
      %swap3A_1105 = vector.shape_cast %sub3A_1100 : vector<16xi32> to vector<1x16xi32>
      tpu.vector_store %arg5[%swap3A_1101, %swap3A_1102], %swap3A_1105 {strides = array<i32>} : memref<21x128xi32, #tpu.memory_space<vmem>>, vector<1x16xi32>,
      %dma_start3A_1106 = arith.constant 0 : i32
      %dma_start3A_1107 = tpu.memref_slice %arg5[%add3A_937, %dma_start3A_1106] : memref<21x128xi32, #tpu.memory_space<vmem>> -> memref<1x128xi32, #tpu.memory_space<vmem>>
      %dma_start3A_1108 = tpu.memref_squeeze %dma_start3A_1107 : memref<1x128xi32, #tpu.memory_space<vmem>> -> memref<128xi32, #tpu.memory_space<vmem>>
      %dma_start3A_1109 = arith.constant 0 : i32
      %dma_start3A_1110 = arith.constant 0 : i32
      %dma_start3A_1111 = tpu.memref_slice %arg3[%dma_start3A_1109, %dma_start3A_1110] : memref<20480x64xf32, #tpu.memory_space<hbm>> -> memref<20480x64xf32, #tpu.memory_space<hbm>>
      tpu.enqueue_indirect_dma source(%dma_start3A_1111 : memref<20480x64xf32, #tpu.memory_space<hbm>>) target(%arg8 : memref<128x64xf32, #tpu.memory_space<vmem>>) offsets(%dma_start3A_1108 : memref<128xi32, #tpu.memory_space<vmem>>) semaphore(%arg12 : memref<!tpu.dma_semaphore, #tpu.memory_space<semaphore_mem>>)
      %dma_wait3A_1112 = arith.constant 0 : i32
      %dma_wait3A_1113 = arith.constant 0 : i32
      %dma_wait3A_1114 = tpu.memref_slice %arg6[%dma_wait3A_1112, %dma_wait3A_1113] : memref<21x128xi32, #tpu.memory_space<vmem>> -> memref<1x128xi32, #tpu.memory_space<vmem>>
      %dma_wait3A_1115 = tpu.memref_squeeze %dma_wait3A_1114 : memref<1x128xi32, #tpu.memory_space<vmem>> -> memref<128xi32, #tpu.memory_space<vmem>>
      %dma_wait3A_1116 = arith.constant 0 : i32
      %dma_wait3A_1117 = arith.constant 0 : i32
      %dma_wait3A_1118 = tpu.memref_slice %arg10[%dma_wait3A_1116, %dma_wait3A_1117] : memref<6144x64xf32, #tpu.memory_space<vmem_shared>> -> memref<6144x64xf32, #tpu.memory_space<vmem_shared>>
      tpu.wait_indirect_dma semaphore(%arg16 : memref<!tpu.dma_semaphore, #tpu.memory_space<semaphore_mem>>) src(%arg9 : memref<128x64xf32, #tpu.memory_space<vmem>>) dst(%dma_wait3A_1118 : memref<6144x64xf32, #tpu.memory_space<vmem_shared>>)
      %add3A_1119 = arith.constant 3 : i32
      %add3A_1120 = arith.addi %mul3A_696, %add3A_1119 : i32
      %add3A_1121 = arith.constant 2 : i32
      %add3A_1122 = arith.addi %add3A_1120, %add3A_1121 : i32
      %get3A_1123 = arith.index_cast %add3A_1122 : i32 to index
      %get3A_1124 = arith.constant 0 : index
      %get3A_1125 = tpu.vector_load %arg5[%get3A_1123, %get3A_1124] {strides = array<i32>} : memref<21x128xi32, #tpu.memory_space<vmem>>, vector<1x16xi32>,
      %get3A_1126 = vector.shape_cast %get3A_1125 : vector<1x16xi32> to vector<16xi32>
      %ge3A_1127 = arith.constant 10240 : i32
      %ge3A_1128 = vector.broadcast %ge3A_1127 : i32 to vector<16xi32>
      %ge3A_1129 = arith.cmpi sge, %get3A_1126, %ge3A_1128 : vector<16xi32>
      %broadcast_in_dim3A_1130 = arith.constant 20479 : i32
      %broadcast_in_dim3A_1131 = vector.broadcast %broadcast_in_dim3A_1130 : i32 to vector<16xi32>
      %broadcast_in_dim3A_1132 = arith.constant 0 : i32
      %broadcast_in_dim3A_1133 = vector.broadcast %broadcast_in_dim3A_1132 : i32 to vector<16xi32>
      %select_n3A_1134 = arith.select %ge3A_1129, %broadcast_in_dim3A_1131, %broadcast_in_dim3A_1133 : vector<16xi1>, vector<16xi32>
      %mul3A_1135 = arith.constant 2 : i32
      %mul3A_1136 = vector.broadcast %mul3A_1135 : i32 to vector<16xi32>
      %mul3A_1137 = arith.muli %get3A_1126, %mul3A_1136 : vector<16xi32>
      %sub3A_1138 = arith.subi %mul3A_1137, %select_n3A_1134 : vector<16xi32>
      %swap3A_1139 = arith.index_cast %add3A_1122 : i32 to index
      %swap3A_1140 = arith.constant 0 : index
      %swap3A_1141 = tpu.vector_load %arg5[%swap3A_1139, %swap3A_1140] {strides = array<i32>} : memref<21x128xi32, #tpu.memory_space<vmem>>, vector<1x16xi32>,
      %swap3A_1142 = vector.shape_cast %swap3A_1141 : vector<1x16xi32> to vector<16xi32>
      %swap3A_1143 = vector.shape_cast %sub3A_1138 : vector<16xi32> to vector<1x16xi32>
      tpu.vector_store %arg5[%swap3A_1139, %swap3A_1140], %swap3A_1143 {strides = array<i32>} : memref<21x128xi32, #tpu.memory_space<vmem>>, vector<1x16xi32>,
      %get3A_1144 = arith.index_cast %add3A_1122 : i32 to index
      %get3A_1145 = arith.constant 16 : index
      %get3A_1146 = tpu.vector_load %arg5[%get3A_1144, %get3A_1145] {strides = array<i32>} : memref<21x128xi32, #tpu.memory_space<vmem>>, vector<1x16xi32>,
      %get3A_1147 = vector.shape_cast %get3A_1146 : vector<1x16xi32> to vector<16xi32>
      %ge3A_1148 = arith.constant 10240 : i32
      %ge3A_1149 = vector.broadcast %ge3A_1148 : i32 to vector<16xi32>
      %ge3A_1150 = arith.cmpi sge, %get3A_1147, %ge3A_1149 : vector<16xi32>
      %broadcast_in_dim3A_1151 = arith.constant 20479 : i32
      %broadcast_in_dim3A_1152 = vector.broadcast %broadcast_in_dim3A_1151 : i32 to vector<16xi32>
      %broadcast_in_dim3A_1153 = arith.constant 0 : i32
      %broadcast_in_dim3A_1154 = vector.broadcast %broadcast_in_dim3A_1153 : i32 to vector<16xi32>
      %select_n3A_1155 = arith.select %ge3A_1150, %broadcast_in_dim3A_1152, %broadcast_in_dim3A_1154 : vector<16xi1>, vector<16xi32>
      %mul3A_1156 = arith.constant 2 : i32
      %mul3A_1157 = vector.broadcast %mul3A_1156 : i32 to vector<16xi32>
      %mul3A_1158 = arith.muli %get3A_1147, %mul3A_1157 : vector<16xi32>
      %sub3A_1159 = arith.subi %mul3A_1158, %select_n3A_1155 : vector<16xi32>
      %swap3A_1160 = arith.index_cast %add3A_1122 : i32 to index
      %swap3A_1161 = arith.constant 16 : index
      %swap3A_1162 = tpu.vector_load %arg5[%swap3A_1160, %swap3A_1161] {strides = array<i32>} : memref<21x128xi32, #tpu.memory_space<vmem>>, vector<1x16xi32>,
      %swap3A_1163 = vector.shape_cast %swap3A_1162 : vector<1x16xi32> to vector<16xi32>
      %swap3A_1164 = vector.shape_cast %sub3A_1159 : vector<16xi32> to vector<1x16xi32>
      tpu.vector_store %arg5[%swap3A_1160, %swap3A_1161], %swap3A_1164 {strides = array<i32>} : memref<21x128xi32, #tpu.memory_space<vmem>>, vector<1x16xi32>,
      %get3A_1165 = arith.index_cast %add3A_1122 : i32 to index
      %get3A_1166 = arith.constant 32 : index
      %get3A_1167 = tpu.vector_load %arg5[%get3A_1165, %get3A_1166] {strides = array<i32>} : memref<21x128xi32, #tpu.memory_space<vmem>>, vector<1x16xi32>,
      %get3A_1168 = vector.shape_cast %get3A_1167 : vector<1x16xi32> to vector<16xi32>
      %ge3A_1169 = arith.constant 10240 : i32
      %ge3A_1170 = vector.broadcast %ge3A_1169 : i32 to vector<16xi32>
      %ge3A_1171 = arith.cmpi sge, %get3A_1168, %ge3A_1170 : vector<16xi32>
      %broadcast_in_dim3A_1172 = arith.constant 20479 : i32
      %broadcast_in_dim3A_1173 = vector.broadcast %broadcast_in_dim3A_1172 : i32 to vector<16xi32>
      %broadcast_in_dim3A_1174 = arith.constant 0 : i32
      %broadcast_in_dim3A_1175 = vector.broadcast %broadcast_in_dim3A_1174 : i32 to vector<16xi32>
      %select_n3A_1176 = arith.select %ge3A_1171, %broadcast_in_dim3A_1173, %broadcast_in_dim3A_1175 : vector<16xi1>, vector<16xi32>
      %mul3A_1177 = arith.constant 2 : i32
      %mul3A_1178 = vector.broadcast %mul3A_1177 : i32 to vector<16xi32>
      %mul3A_1179 = arith.muli %get3A_1168, %mul3A_1178 : vector<16xi32>
      %sub3A_1180 = arith.subi %mul3A_1179, %select_n3A_1176 : vector<16xi32>
      %swap3A_1181 = arith.index_cast %add3A_1122 : i32 to index
      %swap3A_1182 = arith.constant 32 : index
      %swap3A_1183 = tpu.vector_load %arg5[%swap3A_1181, %swap3A_1182] {strides = array<i32>} : memref<21x128xi32, #tpu.memory_space<vmem>>, vector<1x16xi32>,
      %swap3A_1184 = vector.shape_cast %swap3A_1183 : vector<1x16xi32> to vector<16xi32>
      %swap3A_1185 = vector.shape_cast %sub3A_1180 : vector<16xi32> to vector<1x16xi32>
      tpu.vector_store %arg5[%swap3A_1181, %swap3A_1182], %swap3A_1185 {strides = array<i32>} : memref<21x128xi32, #tpu.memory_space<vmem>>, vector<1x16xi32>,
      %get3A_1186 = arith.index_cast %add3A_1122 : i32 to index
      %get3A_1187 = arith.constant 48 : index
      %get3A_1188 = tpu.vector_load %arg5[%get3A_1186, %get3A_1187] {strides = array<i32>} : memref<21x128xi32, #tpu.memory_space<vmem>>, vector<1x16xi32>,
      %get3A_1189 = vector.shape_cast %get3A_1188 : vector<1x16xi32> to vector<16xi32>
      %ge3A_1190 = arith.constant 10240 : i32
      %ge3A_1191 = vector.broadcast %ge3A_1190 : i32 to vector<16xi32>
      %ge3A_1192 = arith.cmpi sge, %get3A_1189, %ge3A_1191 : vector<16xi32>
      %broadcast_in_dim3A_1193 = arith.constant 20479 : i32
      %broadcast_in_dim3A_1194 = vector.broadcast %broadcast_in_dim3A_1193 : i32 to vector<16xi32>
      %broadcast_in_dim3A_1195 = arith.constant 0 : i32
      %broadcast_in_dim3A_1196 = vector.broadcast %broadcast_in_dim3A_1195 : i32 to vector<16xi32>
      %select_n3A_1197 = arith.select %ge3A_1192, %broadcast_in_dim3A_1194, %broadcast_in_dim3A_1196 : vector<16xi1>, vector<16xi32>
      %mul3A_1198 = arith.constant 2 : i32
      %mul3A_1199 = vector.broadcast %mul3A_1198 : i32 to vector<16xi32>
      %mul3A_1200 = arith.muli %get3A_1189, %mul3A_1199 : vector<16xi32>
      %sub3A_1201 = arith.subi %mul3A_1200, %select_n3A_1197 : vector<16xi32>
      %swap3A_1202 = arith.index_cast %add3A_1122 : i32 to index
      %swap3A_1203 = arith.constant 48 : index
      %swap3A_1204 = tpu.vector_load %arg5[%swap3A_1202, %swap3A_1203] {strides = array<i32>} : memref<21x128xi32, #tpu.memory_space<vmem>>, vector<1x16xi32>,
      %swap3A_1205 = vector.shape_cast %swap3A_1204 : vector<1x16xi32> to vector<16xi32>
      %swap3A_1206 = vector.shape_cast %sub3A_1201 : vector<16xi32> to vector<1x16xi32>
      tpu.vector_store %arg5[%swap3A_1202, %swap3A_1203], %swap3A_1206 {strides = array<i32>} : memref<21x128xi32, #tpu.memory_space<vmem>>, vector<1x16xi32>,
      %get3A_1207 = arith.index_cast %add3A_1122 : i32 to index
      %get3A_1208 = arith.constant 64 : index
      %get3A_1209 = tpu.vector_load %arg5[%get3A_1207, %get3A_1208] {strides = array<i32>} : memref<21x128xi32, #tpu.memory_space<vmem>>, vector<1x16xi32>,
      %get3A_1210 = vector.shape_cast %get3A_1209 : vector<1x16xi32> to vector<16xi32>
      %ge3A_1211 = arith.constant 10240 : i32
      %ge3A_1212 = vector.broadcast %ge3A_1211 : i32 to vector<16xi32>
      %ge3A_1213 = arith.cmpi sge, %get3A_1210, %ge3A_1212 : vector<16xi32>
      %broadcast_in_dim3A_1214 = arith.constant 20479 : i32
      %broadcast_in_dim3A_1215 = vector.broadcast %broadcast_in_dim3A_1214 : i32 to vector<16xi32>
      %broadcast_in_dim3A_1216 = arith.constant 0 : i32
      %broadcast_in_dim3A_1217 = vector.broadcast %broadcast_in_dim3A_1216 : i32 to vector<16xi32>
      %select_n3A_1218 = arith.select %ge3A_1213, %broadcast_in_dim3A_1215, %broadcast_in_dim3A_1217 : vector<16xi1>, vector<16xi32>
      %mul3A_1219 = arith.constant 2 : i32
      %mul3A_1220 = vector.broadcast %mul3A_1219 : i32 to vector<16xi32>
      %mul3A_1221 = arith.muli %get3A_1210, %mul3A_1220 : vector<16xi32>
      %sub3A_1222 = arith.subi %mul3A_1221, %select_n3A_1218 : vector<16xi32>
      %swap3A_1223 = arith.index_cast %add3A_1122 : i32 to index
      %swap3A_1224 = arith.constant 64 : index
      %swap3A_1225 = tpu.vector_load %arg5[%swap3A_1223, %swap3A_1224] {strides = array<i32>} : memref<21x128xi32, #tpu.memory_space<vmem>>, vector<1x16xi32>,
      %swap3A_1226 = vector.shape_cast %swap3A_1225 : vector<1x16xi32> to vector<16xi32>
      %swap3A_1227 = vector.shape_cast %sub3A_1222 : vector<16xi32> to vector<1x16xi32>
      tpu.vector_store %arg5[%swap3A_1223, %swap3A_1224], %swap3A_1227 {strides = array<i32>} : memref<21x128xi32, #tpu.memory_space<vmem>>, vector<1x16xi32>,
      %get3A_1228 = arith.index_cast %add3A_1122 : i32 to index
      %get3A_1229 = arith.constant 80 : index
      %get3A_1230 = tpu.vector_load %arg5[%get3A_1228, %get3A_1229] {strides = array<i32>} : memref<21x128xi32, #tpu.memory_space<vmem>>, vector<1x16xi32>,
      %get3A_1231 = vector.shape_cast %get3A_1230 : vector<1x16xi32> to vector<16xi32>
      %ge3A_1232 = arith.constant 10240 : i32
      %ge3A_1233 = vector.broadcast %ge3A_1232 : i32 to vector<16xi32>
      %ge3A_1234 = arith.cmpi sge, %get3A_1231, %ge3A_1233 : vector<16xi32>
      %broadcast_in_dim3A_1235 = arith.constant 20479 : i32
      %broadcast_in_dim3A_1236 = vector.broadcast %broadcast_in_dim3A_1235 : i32 to vector<16xi32>
      %broadcast_in_dim3A_1237 = arith.constant 0 : i32
      %broadcast_in_dim3A_1238 = vector.broadcast %broadcast_in_dim3A_1237 : i32 to vector<16xi32>
      %select_n3A_1239 = arith.select %ge3A_1234, %broadcast_in_dim3A_1236, %broadcast_in_dim3A_1238 : vector<16xi1>, vector<16xi32>
      %mul3A_1240 = arith.constant 2 : i32
      %mul3A_1241 = vector.broadcast %mul3A_1240 : i32 to vector<16xi32>
      %mul3A_1242 = arith.muli %get3A_1231, %mul3A_1241 : vector<16xi32>
      %sub3A_1243 = arith.subi %mul3A_1242, %select_n3A_1239 : vector<16xi32>
      %swap3A_1244 = arith.index_cast %add3A_1122 : i32 to index
      %swap3A_1245 = arith.constant 80 : index
      %swap3A_1246 = tpu.vector_load %arg5[%swap3A_1244, %swap3A_1245] {strides = array<i32>} : memref<21x128xi32, #tpu.memory_space<vmem>>, vector<1x16xi32>,
      %swap3A_1247 = vector.shape_cast %swap3A_1246 : vector<1x16xi32> to vector<16xi32>
      %swap3A_1248 = vector.shape_cast %sub3A_1243 : vector<16xi32> to vector<1x16xi32>
      tpu.vector_store %arg5[%swap3A_1244, %swap3A_1245], %swap3A_1248 {strides = array<i32>} : memref<21x128xi32, #tpu.memory_space<vmem>>, vector<1x16xi32>,
      %get3A_1249 = arith.index_cast %add3A_1122 : i32 to index
      %get3A_1250 = arith.constant 96 : index
      %get3A_1251 = tpu.vector_load %arg5[%get3A_1249, %get3A_1250] {strides = array<i32>} : memref<21x128xi32, #tpu.memory_space<vmem>>, vector<1x16xi32>,
      %get3A_1252 = vector.shape_cast %get3A_1251 : vector<1x16xi32> to vector<16xi32>
      %ge3A_1253 = arith.constant 10240 : i32
      %ge3A_1254 = vector.broadcast %ge3A_1253 : i32 to vector<16xi32>
      %ge3A_1255 = arith.cmpi sge, %get3A_1252, %ge3A_1254 : vector<16xi32>
      %broadcast_in_dim3A_1256 = arith.constant 20479 : i32
      %broadcast_in_dim3A_1257 = vector.broadcast %broadcast_in_dim3A_1256 : i32 to vector<16xi32>
      %broadcast_in_dim3A_1258 = arith.constant 0 : i32
      %broadcast_in_dim3A_1259 = vector.broadcast %broadcast_in_dim3A_1258 : i32 to vector<16xi32>
      %select_n3A_1260 = arith.select %ge3A_1255, %broadcast_in_dim3A_1257, %broadcast_in_dim3A_1259 : vector<16xi1>, vector<16xi32>
      %mul3A_1261 = arith.constant 2 : i32
      %mul3A_1262 = vector.broadcast %mul3A_1261 : i32 to vector<16xi32>
      %mul3A_1263 = arith.muli %get3A_1252, %mul3A_1262 : vector<16xi32>
      %sub3A_1264 = arith.subi %mul3A_1263, %select_n3A_1260 : vector<16xi32>
      %swap3A_1265 = arith.index_cast %add3A_1122 : i32 to index
      %swap3A_1266 = arith.constant 96 : index
      %swap3A_1267 = tpu.vector_load %arg5[%swap3A_1265, %swap3A_1266] {strides = array<i32>} : memref<21x128xi32, #tpu.memory_space<vmem>>, vector<1x16xi32>,
      %swap3A_1268 = vector.shape_cast %swap3A_1267 : vector<1x16xi32> to vector<16xi32>
      %swap3A_1269 = vector.shape_cast %sub3A_1264 : vector<16xi32> to vector<1x16xi32>
      tpu.vector_store %arg5[%swap3A_1265, %swap3A_1266], %swap3A_1269 {strides = array<i32>} : memref<21x128xi32, #tpu.memory_space<vmem>>, vector<1x16xi32>,
      %get3A_1270 = arith.index_cast %add3A_1122 : i32 to index
      %get3A_1271 = arith.constant 112 : index
      %get3A_1272 = tpu.vector_load %arg5[%get3A_1270, %get3A_1271] {strides = array<i32>} : memref<21x128xi32, #tpu.memory_space<vmem>>, vector<1x16xi32>,
      %get3A_1273 = vector.shape_cast %get3A_1272 : vector<1x16xi32> to vector<16xi32>
      %ge3A_1274 = arith.constant 10240 : i32
      %ge3A_1275 = vector.broadcast %ge3A_1274 : i32 to vector<16xi32>
      %ge3A_1276 = arith.cmpi sge, %get3A_1273, %ge3A_1275 : vector<16xi32>
      %broadcast_in_dim3A_1277 = arith.constant 20479 : i32
      %broadcast_in_dim3A_1278 = vector.broadcast %broadcast_in_dim3A_1277 : i32 to vector<16xi32>
      %broadcast_in_dim3A_1279 = arith.constant 0 : i32
      %broadcast_in_dim3A_1280 = vector.broadcast %broadcast_in_dim3A_1279 : i32 to vector<16xi32>
      %select_n3A_1281 = arith.select %ge3A_1276, %broadcast_in_dim3A_1278, %broadcast_in_dim3A_1280 : vector<16xi1>, vector<16xi32>
      %mul3A_1282 = arith.constant 2 : i32
      %mul3A_1283 = vector.broadcast %mul3A_1282 : i32 to vector<16xi32>
      %mul3A_1284 = arith.muli %get3A_1273, %mul3A_1283 : vector<16xi32>
      %sub3A_1285 = arith.subi %mul3A_1284, %select_n3A_1281 : vector<16xi32>
      %swap3A_1286 = arith.index_cast %add3A_1122 : i32 to index
      %swap3A_1287 = arith.constant 112 : index
      %swap3A_1288 = tpu.vector_load %arg5[%swap3A_1286, %swap3A_1287] {strides = array<i32>} : memref<21x128xi32, #tpu.memory_space<vmem>>, vector<1x16xi32>,
      %swap3A_1289 = vector.shape_cast %swap3A_1288 : vector<1x16xi32> to vector<16xi32>
      %swap3A_1290 = vector.shape_cast %sub3A_1285 : vector<16xi32> to vector<1x16xi32>
      tpu.vector_store %arg5[%swap3A_1286, %swap3A_1287], %swap3A_1290 {strides = array<i32>} : memref<21x128xi32, #tpu.memory_space<vmem>>, vector<1x16xi32>,
      %dma_start3A_1291 = arith.constant 0 : i32
      %dma_start3A_1292 = tpu.memref_slice %arg5[%add3A_1122, %dma_start3A_1291] : memref<21x128xi32, #tpu.memory_space<vmem>> -> memref<1x128xi32, #tpu.memory_space<vmem>>
      %dma_start3A_1293 = tpu.memref_squeeze %dma_start3A_1292 : memref<1x128xi32, #tpu.memory_space<vmem>> -> memref<128xi32, #tpu.memory_space<vmem>>
      %dma_start3A_1294 = arith.constant 0 : i32
      %dma_start3A_1295 = arith.constant 0 : i32
      %dma_start3A_1296 = tpu.memref_slice %arg3[%dma_start3A_1294, %dma_start3A_1295] : memref<20480x64xf32, #tpu.memory_space<hbm>> -> memref<20480x64xf32, #tpu.memory_space<hbm>>
      tpu.enqueue_indirect_dma source(%dma_start3A_1296 : memref<20480x64xf32, #tpu.memory_space<hbm>>) target(%arg9 : memref<128x64xf32, #tpu.memory_space<vmem>>) offsets(%dma_start3A_1293 : memref<128xi32, #tpu.memory_space<vmem>>) semaphore(%arg13 : memref<!tpu.dma_semaphore, #tpu.memory_space<semaphore_mem>>)
    }
    %scan3A_592 = arith.constant 6 : i32
    %dma_wait3A = arith.constant 0 : i32
    %dma_wait3A_593 = arith.constant 0 : i32
    %dma_wait3A_594 = tpu.memref_slice %arg5[%dma_wait3A, %dma_wait3A_593] : memref<21x128xi32, #tpu.memory_space<vmem>> -> memref<1x128xi32, #tpu.memory_space<vmem>>
    %dma_wait3A_595 = tpu.memref_squeeze %dma_wait3A_594 : memref<1x128xi32, #tpu.memory_space<vmem>> -> memref<128xi32, #tpu.memory_space<vmem>>
    %dma_wait3A_596 = arith.constant 0 : i32
    %dma_wait3A_597 = arith.constant 0 : i32
    %dma_wait3A_598 = tpu.memref_slice %arg3[%dma_wait3A_596, %dma_wait3A_597] : memref<20480x64xf32, #tpu.memory_space<hbm>> -> memref<20480x64xf32, #tpu.memory_space<hbm>>
    tpu.wait_indirect_dma semaphore(%arg11 : memref<!tpu.dma_semaphore, #tpu.memory_space<semaphore_mem>>) src(%dma_wait3A_598 : memref<20480x64xf32, #tpu.memory_space<hbm>>) dst(%arg7 : memref<128x64xf32, #tpu.memory_space<vmem>>)
    %dma_start3A_599 = arith.constant 18 : i32
    %dma_start3A_600 = arith.constant 0 : i32
    %dma_start3A_601 = tpu.memref_slice %arg6[%dma_start3A_599, %dma_start3A_600] : memref<21x128xi32, #tpu.memory_space<vmem>> -> memref<1x128xi32, #tpu.memory_space<vmem>>
    %dma_start3A_602 = tpu.memref_squeeze %dma_start3A_601 : memref<1x128xi32, #tpu.memory_space<vmem>> -> memref<128xi32, #tpu.memory_space<vmem>>
    %dma_start3A_603 = arith.constant 0 : i32
    %dma_start3A_604 = arith.constant 0 : i32
    %dma_start3A_605 = tpu.memref_slice %arg10[%dma_start3A_603, %dma_start3A_604] : memref<6144x64xf32, #tpu.memory_space<vmem_shared>> -> memref<6144x64xf32, #tpu.memory_space<vmem_shared>>
    tpu.enqueue_indirect_dma source(%arg7 : memref<128x64xf32, #tpu.memory_space<vmem>>) target(%dma_start3A_605 : memref<6144x64xf32, #tpu.memory_space<vmem_shared>>) offsets(%dma_start3A_602 : memref<128xi32, #tpu.memory_space<vmem>>) semaphore(%arg14 : memref<!tpu.dma_semaphore, #tpu.memory_space<semaphore_mem>>) {add = true}
    %dma_wait3A_606 = arith.constant 0 : i32
    %dma_wait3A_607 = arith.constant 0 : i32
    %dma_wait3A_608 = tpu.memref_slice %arg5[%dma_wait3A_606, %dma_wait3A_607] : memref<21x128xi32, #tpu.memory_space<vmem>> -> memref<1x128xi32, #tpu.memory_space<vmem>>
    %dma_wait3A_609 = tpu.memref_squeeze %dma_wait3A_608 : memref<1x128xi32, #tpu.memory_space<vmem>> -> memref<128xi32, #tpu.memory_space<vmem>>
    %dma_wait3A_610 = arith.constant 0 : i32
    %dma_wait3A_611 = arith.constant 0 : i32
    %dma_wait3A_612 = tpu.memref_slice %arg3[%dma_wait3A_610, %dma_wait3A_611] : memref<20480x64xf32, #tpu.memory_space<hbm>> -> memref<20480x64xf32, #tpu.memory_space<hbm>>
    tpu.wait_indirect_dma semaphore(%arg12 : memref<!tpu.dma_semaphore, #tpu.memory_space<semaphore_mem>>) src(%dma_wait3A_612 : memref<20480x64xf32, #tpu.memory_space<hbm>>) dst(%arg8 : memref<128x64xf32, #tpu.memory_space<vmem>>)
    %dma_start3A_613 = arith.constant 19 : i32
    %dma_start3A_614 = arith.constant 0 : i32
    %dma_start3A_615 = tpu.memref_slice %arg6[%dma_start3A_613, %dma_start3A_614] : memref<21x128xi32, #tpu.memory_space<vmem>> -> memref<1x128xi32, #tpu.memory_space<vmem>>
    %dma_start3A_616 = tpu.memref_squeeze %dma_start3A_615 : memref<1x128xi32, #tpu.memory_space<vmem>> -> memref<128xi32, #tpu.memory_space<vmem>>
    %dma_start3A_617 = arith.constant 0 : i32
    %dma_start3A_618 = arith.constant 0 : i32
    %dma_start3A_619 = tpu.memref_slice %arg10[%dma_start3A_617, %dma_start3A_618] : memref<6144x64xf32, #tpu.memory_space<vmem_shared>> -> memref<6144x64xf32, #tpu.memory_space<vmem_shared>>
    tpu.enqueue_indirect_dma source(%arg8 : memref<128x64xf32, #tpu.memory_space<vmem>>) target(%dma_start3A_619 : memref<6144x64xf32, #tpu.memory_space<vmem_shared>>) offsets(%dma_start3A_616 : memref<128xi32, #tpu.memory_space<vmem>>) semaphore(%arg15 : memref<!tpu.dma_semaphore, #tpu.memory_space<semaphore_mem>>) {add = true}
    %dma_wait3A_620 = arith.constant 0 : i32
    %dma_wait3A_621 = arith.constant 0 : i32
    %dma_wait3A_622 = tpu.memref_slice %arg5[%dma_wait3A_620, %dma_wait3A_621] : memref<21x128xi32, #tpu.memory_space<vmem>> -> memref<1x128xi32, #tpu.memory_space<vmem>>
    %dma_wait3A_623 = tpu.memref_squeeze %dma_wait3A_622 : memref<1x128xi32, #tpu.memory_space<vmem>> -> memref<128xi32, #tpu.memory_space<vmem>>
    %dma_wait3A_624 = arith.constant 0 : i32
    %dma_wait3A_625 = arith.constant 0 : i32
    %dma_wait3A_626 = tpu.memref_slice %arg3[%dma_wait3A_624, %dma_wait3A_625] : memref<20480x64xf32, #tpu.memory_space<hbm>> -> memref<20480x64xf32, #tpu.memory_space<hbm>>
    tpu.wait_indirect_dma semaphore(%arg13 : memref<!tpu.dma_semaphore, #tpu.memory_space<semaphore_mem>>) src(%dma_wait3A_626 : memref<20480x64xf32, #tpu.memory_space<hbm>>) dst(%arg9 : memref<128x64xf32, #tpu.memory_space<vmem>>)
    %dma_start3A_627 = arith.constant 20 : i32
    %dma_start3A_628 = arith.constant 0 : i32
    %dma_start3A_629 = tpu.memref_slice %arg6[%dma_start3A_627, %dma_start3A_628] : memref<21x128xi32, #tpu.memory_space<vmem>> -> memref<1x128xi32, #tpu.memory_space<vmem>>
    %dma_start3A_630 = tpu.memref_squeeze %dma_start3A_629 : memref<1x128xi32, #tpu.memory_space<vmem>> -> memref<128xi32, #tpu.memory_space<vmem>>
    %dma_start3A_631 = arith.constant 0 : i32
    %dma_start3A_632 = arith.constant 0 : i32
    %dma_start3A_633 = tpu.memref_slice %arg10[%dma_start3A_631, %dma_start3A_632] : memref<6144x64xf32, #tpu.memory_space<vmem_shared>> -> memref<6144x64xf32, #tpu.memory_space<vmem_shared>>
    tpu.enqueue_indirect_dma source(%arg9 : memref<128x64xf32, #tpu.memory_space<vmem>>) target(%dma_start3A_633 : memref<6144x64xf32, #tpu.memory_space<vmem_shared>>) offsets(%dma_start3A_630 : memref<128xi32, #tpu.memory_space<vmem>>) semaphore(%arg16 : memref<!tpu.dma_semaphore, #tpu.memory_space<semaphore_mem>>) {add = true}
    %dma_wait3A_634 = arith.constant 0 : i32
    %dma_wait3A_635 = arith.constant 0 : i32
    %dma_wait3A_636 = tpu.memref_slice %arg6[%dma_wait3A_634, %dma_wait3A_635] : memref<21x128xi32, #tpu.memory_space<vmem>> -> memref<1x128xi32, #tpu.memory_space<vmem>>
    %dma_wait3A_637 = tpu.memref_squeeze %dma_wait3A_636 : memref<1x128xi32, #tpu.memory_space<vmem>> -> memref<128xi32, #tpu.memory_space<vmem>>
    %dma_wait3A_638 = arith.constant 0 : i32
    %dma_wait3A_639 = arith.constant 0 : i32
    %dma_wait3A_640 = tpu.memref_slice %arg10[%dma_wait3A_638, %dma_wait3A_639] : memref<6144x64xf32, #tpu.memory_space<vmem_shared>> -> memref<6144x64xf32, #tpu.memory_space<vmem_shared>>
    tpu.wait_indirect_dma semaphore(%arg14 : memref<!tpu.dma_semaphore, #tpu.memory_space<semaphore_mem>>) src(%arg7 : memref<128x64xf32, #tpu.memory_space<vmem>>) dst(%dma_wait3A_640 : memref<6144x64xf32, #tpu.memory_space<vmem_shared>>)
    %dma_wait3A_641 = arith.constant 0 : i32
    %dma_wait3A_642 = arith.constant 0 : i32
    %dma_wait3A_643 = tpu.memref_slice %arg6[%dma_wait3A_641, %dma_wait3A_642] : memref<21x128xi32, #tpu.memory_space<vmem>> -> memref<1x128xi32, #tpu.memory_space<vmem>>
    %dma_wait3A_644 = tpu.memref_squeeze %dma_wait3A_643 : memref<1x128xi32, #tpu.memory_space<vmem>> -> memref<128xi32, #tpu.memory_space<vmem>>
    %dma_wait3A_645 = arith.constant 0 : i32
    %dma_wait3A_646 = arith.constant 0 : i32
    %dma_wait3A_647 = tpu.memref_slice %arg10[%dma_wait3A_645, %dma_wait3A_646] : memref<6144x64xf32, #tpu.memory_space<vmem_shared>> -> memref<6144x64xf32, #tpu.memory_space<vmem_shared>>
    tpu.wait_indirect_dma semaphore(%arg15 : memref<!tpu.dma_semaphore, #tpu.memory_space<semaphore_mem>>) src(%arg8 : memref<128x64xf32, #tpu.memory_space<vmem>>) dst(%dma_wait3A_647 : memref<6144x64xf32, #tpu.memory_space<vmem_shared>>)
    %dma_wait3A_648 = arith.constant 0 : i32
    %dma_wait3A_649 = arith.constant 0 : i32
    %dma_wait3A_650 = tpu.memref_slice %arg6[%dma_wait3A_648, %dma_wait3A_649] : memref<21x128xi32, #tpu.memory_space<vmem>> -> memref<1x128xi32, #tpu.memory_space<vmem>>
    %dma_wait3A_651 = tpu.memref_squeeze %dma_wait3A_650 : memref<1x128xi32, #tpu.memory_space<vmem>> -> memref<128xi32, #tpu.memory_space<vmem>>
    %dma_wait3A_652 = arith.constant 0 : i32
    %dma_wait3A_653 = arith.constant 0 : i32
    %dma_wait3A_654 = tpu.memref_slice %arg10[%dma_wait3A_652, %dma_wait3A_653] : memref<6144x64xf32, #tpu.memory_space<vmem_shared>> -> memref<6144x64xf32, #tpu.memory_space<vmem_shared>>
    tpu.wait_indirect_dma semaphore(%arg16 : memref<!tpu.dma_semaphore, #tpu.memory_space<semaphore_mem>>) src(%arg9 : memref<128x64xf32, #tpu.memory_space<vmem>>) dst(%dma_wait3A_654 : memref<6144x64xf32, #tpu.memory_space<vmem_shared>>)
    %barrier3A_655 = arith.constant 0 : index
    tpu.barrier barrier_id(%barrier3A_655)
    %jit3A = arith.constant 8 : i32
    %div3A = arith.divsi %arg1, %jit3A : i32
    %sign3A = arith.constant 0 : i32
    %sign3A_656 = arith.cmpi sgt, %arg1, %sign3A : i32
    %sign3A_657 = arith.extui %sign3A_656 : i1 to i32
    %sign3A_658 = arith.constant 0 : i32
    %sign3A_659 = arith.cmpi slt, %arg1, %sign3A_658 : i32
    %sign3A_660 = arith.extui %sign3A_659 : i1 to i32
    %sign3A_661 = arith.subi %sign3A_657, %sign3A_660 : i32
    %sign3A_662 = arith.constant 0 : i32
    %sign3A_663 = arith.cmpi sgt, %jit3A, %sign3A_662 : i32
    %sign3A_664 = arith.extui %sign3A_663 : i1 to i32
    %sign3A_665 = arith.constant 0 : i32
    %sign3A_666 = arith.cmpi slt, %jit3A, %sign3A_665 : i32
    %sign3A_667 = arith.extui %sign3A_666 : i1 to i32
    %sign3A_668 = arith.subi %sign3A_664, %sign3A_667 : i32
    %ne3A = arith.cmpi ne, %sign3A_661, %sign3A_668 : i32
    %rem3A = arith.remsi %arg1, %jit3A : i32
    %ne3A_669 = arith.constant 0 : i32
    %ne3A_670 = arith.cmpi ne, %rem3A, %ne3A_669 : i32
    %and3A = arith.andi %ne3A, %ne3A_670 : i1
    %sub3A_671 = arith.constant 1 : i32
    %sub3A_672 = arith.subi %div3A, %sub3A_671 : i32
    %select_n3A_673 = arith.select %and3A, %sub3A_672, %div3A : i32
    %mul3A_674 = arith.constant 64 : i32
    %mul3A_675 = arith.muli %select_n3A_673, %mul3A_674 : i32
    %jit3A_676 = arith.constant 8 : i32
    %eq3A = arith.constant 0 : i32
    %eq3A_677 = arith.cmpi eq, %jit3A_676, %eq3A : i32
    %jit3A_678 = arith.constant 1 : i32
    %select_n3A_679 = arith.select %eq3A_677, %jit3A_678, %jit3A_676 : i32
    %rem3A_680 = arith.remsi %arg1, %select_n3A_679 : i32
    %ne3A_681 = arith.constant 0 : i32
    %ne3A_682 = arith.cmpi ne, %rem3A_680, %ne3A_681 : i32
    %lt3A = arith.constant 0 : i32
    %lt3A_683 = arith.cmpi slt, %rem3A_680, %lt3A : i32
    %lt3A_684 = arith.constant 0 : i32
    %lt3A_685 = arith.cmpi slt, %select_n3A_679, %lt3A_684 : i32
    %ne3A_686 = arith.xori %lt3A_683, %lt3A_685 : i1
    %and3A_687 = arith.andi %ne3A_686, %ne3A_682 : i1
    %add3A_688 = arith.addi %rem3A_680, %select_n3A_679 : i32
    %select_n3A_689 = arith.select %and3A_687, %add3A_688, %rem3A_680 : i32
    %mul3A_690 = arith.constant 384 : i32
    %mul3A_691 = arith.muli %select_n3A_689, %mul3A_690 : i32
    %mul3A_692 = arith.constant 384 : i32
    %mul3A_693 = arith.muli %arg1, %mul3A_692 : i32
    "tpu.region"() ({
      %run_scoped3A_694 = tpu.sem_alloc : memref<!tpu.dma_semaphore, #tpu.memory_space<semaphore_mem>>
      %dma_start3A_695 = tpu.memref_slice %arg4[%arg0, %mul3A_691, %mul3A_675] : memref<2x3072x128xf32, #tpu.memory_space<hbm>> -> memref<1x384x64xf32, #tpu.memory_space<hbm>>
      %dma_start3A_696 = tpu.memref_squeeze %dma_start3A_695 : memref<1x384x64xf32, #tpu.memory_space<hbm>> -> memref<384x64xf32, #tpu.memory_space<hbm>>
      %dma_start3A_697 = arith.constant 0 : i32
      %dma_start3A_698 = tpu.memref_slice %arg10[%mul3A_693, %dma_start3A_697] : memref<6144x64xf32, #tpu.memory_space<vmem_shared>> -> memref<384x64xf32, #tpu.memory_space<vmem_shared>>
      tpu.enqueue_dma source(%dma_start3A_698 : memref<384x64xf32, #tpu.memory_space<vmem_shared>>) target(%dma_start3A_696 : memref<384x64xf32, #tpu.memory_space<hbm>>) target_semaphore(%run_scoped3A_694 : memref<!tpu.dma_semaphore, #tpu.memory_space<semaphore_mem>>)
      %dma_wait3A_699 = tpu.memref_slice %arg4[%arg0, %mul3A_691, %mul3A_675] : memref<2x3072x128xf32, #tpu.memory_space<hbm>> -> memref<1x384x64xf32, #tpu.memory_space<hbm>>
      %dma_wait3A_700 = tpu.memref_squeeze %dma_wait3A_699 : memref<1x384x64xf32, #tpu.memory_space<hbm>> -> memref<384x64xf32, #tpu.memory_space<hbm>>
      %dma_wait3A_701 = arith.constant 0 : i32
      %dma_wait3A_702 = tpu.memref_slice %arg10[%mul3A_693, %dma_wait3A_701] : memref<6144x64xf32, #tpu.memory_space<vmem_shared>> -> memref<384x64xf32, #tpu.memory_space<vmem_shared>>
      tpu.wait_dma2 semaphore(%run_scoped3A_694 : memref<!tpu.dma_semaphore, #tpu.memory_space<semaphore_mem>>) src(%dma_wait3A_702 : memref<384x64xf32, #tpu.memory_space<vmem_shared>>) dst(%dma_wait3A_700 : memref<384x64xf32, #tpu.memory_space<hbm>>)
      tpu.yield
    }) : () -> ()
    return
  }
}

module attributes {stable_mosaic.version = 14 : i64} {
  func.func @_tab_body(%arg0: i32, %arg1: memref<5000x128xf32, #tpu.memory_space<vmem>>, %arg2: memref<5000x128xf32, #tpu.memory_space<vmem>>, %arg3: memref<128x128xf32, #tpu.memory_space<vmem>>, %arg4: memref<128x128xf32, #tpu.memory_space<vmem>>, %arg5: memref<5000x128xf32, #tpu.memory_space<vmem>>) attributes {dimension_semantics = [#tpu.dimension_semantics<arbitrary>], iteration_bounds = array<i64: 5>, scalar_prefetch = 0 : i64, scratch_operands = 0 : i64, tpu.core_type = #tpu.core_type<tc>, window_params = [{transform_indices = @transform_0, window_bounds = array<i64: 5000, 128>}, {transform_indices = @transform_1, window_bounds = array<i64: 5000, 128>}, {pipeline_mode = #tpu.pipeline_mode<synchronous>, transform_indices = @transform_2, window_bounds = array<i64: 128, 128>}, {pipeline_mode = #tpu.pipeline_mode<synchronous>, transform_indices = @transform_3, window_bounds = array<i64: 128, 128>}, {transform_indices = @transform_4, window_bounds = array<i64: 5000, 128>}]} {
    %get3A = arith.constant 0 : index
    %get3A_0 = arith.constant 0 : index
    %get3A_1 = vector.load %arg1[%get3A, %get3A_0] : memref<5000x128xf32, #tpu.memory_space<vmem>>, vector<5000x128xf32>
    %get3A_2 = arith.constant 0 : index
    %get3A_3 = arith.constant 0 : index
    %get3A_4 = vector.load %arg3[%get3A_2, %get3A_3] : memref<128x128xf32, #tpu.memory_space<vmem>>, vector<128x128xf32>
    %dot_general3A = arith.constant dense<0.000000e+00> : vector<5000x128xf32>
    %dot_general3A_5 = tpu.matmul %get3A_1, %get3A_4, %dot_general3A {dimension_numbers = #tpu.dot_dimension_numbers<[1], [0], [0], [1], [0, 0, 1, 1], [], []>, transpose_lhs_hint = false} : vector<5000x128xf32>, vector<128x128xf32>, vector<5000x128xf32> -> vector<5000x128xf32>
    %get3A_6 = arith.constant 0 : index
    %get3A_7 = arith.constant 0 : index
    %get3A_8 = vector.load %arg2[%get3A_6, %get3A_7] : memref<5000x128xf32, #tpu.memory_space<vmem>>, vector<5000x128xf32>
    %get3A_9 = arith.constant 0 : index
    %get3A_10 = arith.constant 0 : index
    %get3A_11 = vector.load %arg4[%get3A_9, %get3A_10] : memref<128x128xf32, #tpu.memory_space<vmem>>, vector<128x128xf32>
    %dot_general3A_12 = arith.constant dense<0.000000e+00> : vector<5000x128xf32>
    %dot_general3A_13 = tpu.matmul %get3A_8, %get3A_11, %dot_general3A_12 {dimension_numbers = #tpu.dot_dimension_numbers<[1], [0], [0], [1], [0, 0, 1, 1], [], []>, transpose_lhs_hint = false} : vector<5000x128xf32>, vector<128x128xf32>, vector<5000x128xf32> -> vector<5000x128xf32>
    %add3A = arith.addf %dot_general3A_5, %dot_general3A_13 : vector<5000x128xf32>
    %iota3A = tpu.iota {dimensions = array<i32: 1>} : vector<1x128xi32>
    %jit3A = arith.constant 64 : i32
    %eq3A = arith.constant 0 : i32
    %eq3A_14 = arith.cmpi eq, %jit3A, %eq3A : i32
    %jit3A_15 = arith.constant 1 : i32
    %select_n3A = arith.select %eq3A_14, %jit3A_15, %jit3A : i32
    %rem3A = vector.broadcast %select_n3A : i32 to vector<1x128xi32>
    %rem3A_16 = arith.remsi %iota3A, %rem3A : vector<1x128xi32>
    %ne3A = arith.constant 0 : i32
    %ne3A_17 = vector.broadcast %ne3A : i32 to vector<1x128xi32>
    %ne3A_18 = arith.cmpi ne, %rem3A_16, %ne3A_17 : vector<1x128xi32>
    %lt3A = arith.constant 0 : i32
    %lt3A_19 = vector.broadcast %lt3A : i32 to vector<1x128xi32>
    %lt3A_20 = arith.cmpi slt, %rem3A_16, %lt3A_19 : vector<1x128xi32>
    %lt3A_21 = arith.constant 0 : i32
    %lt3A_22 = arith.cmpi slt, %select_n3A, %lt3A_21 : i32
    %ne3A_23 = vector.broadcast %lt3A_22 : i1 to vector<1x128xi1>
    %ne3A_24 = vector.broadcast %ne3A_23 : vector<1x128xi1> to vector<1x128xi1>
    %ne3A_25 = arith.xori %lt3A_20, %ne3A_24 : vector<1x128xi1>
    %and3A = arith.andi %ne3A_25, %ne3A_18 : vector<1x128xi1>
    %add3A_26 = vector.broadcast %select_n3A : i32 to vector<1x128xi32>
    %add3A_27 = arith.addi %rem3A_16, %add3A_26 : vector<1x128xi32>
    %select_n3A_28 = arith.select %and3A, %add3A_27, %rem3A_16 : vector<1x128xi1>, vector<1x128xi32>
    %eq3A_29 = arith.constant 50 : i32
    %eq3A_30 = vector.broadcast %eq3A_29 : i32 to vector<1x128xi32>
    %eq3A_31 = arith.cmpi eq, %select_n3A_28, %eq3A_30 : vector<1x128xi32>
    %jit3A_32 = arith.constant 1.000000e+00 : f32
    %jit3A_33 = arith.constant 0.000000e+00 : f32
    %broadcast_in_dim3A = vector.broadcast %jit3A_32 : f32 to vector<1x128xf32>
    %broadcast_in_dim3A_34 = vector.broadcast %jit3A_33 : f32 to vector<1x128xf32>
    %select_n3A_35 = arith.select %eq3A_31, %broadcast_in_dim3A, %broadcast_in_dim3A_34 : vector<1x128xi1>, vector<1x128xf32>
    %add3A_36 = vector.broadcast %select_n3A_35 : vector<1x128xf32> to vector<5000x128xf32>
    %add3A_37 = arith.addf %add3A, %add3A_36 : vector<5000x128xf32>
    %swap3A = arith.constant 0 : index
    %swap3A_38 = arith.constant 0 : index
    %swap3A_39 = vector.load %arg5[%swap3A, %swap3A_38] : memref<5000x128xf32, #tpu.memory_space<vmem>>, vector<5000x128xf32>
    tpu.vector_store %arg5[%swap3A, %swap3A_38], %add3A_37 {strides = array<i32>} : memref<5000x128xf32, #tpu.memory_space<vmem>>, vector<5000x128xf32>,
    return
  }
  func.func @transform_0(%arg0: i32) -> (i32, i32) {
    %c0_i32 = arith.constant 0 : i32
    %c0_i32_0 = arith.constant 0 : i32
    return %arg0, %c0_i32 : i32, i32
  }
  func.func @transform_1(%arg0: i32) -> (i32, i32) {
    %add3A = arith.constant 5 : i32
    %add3A_0 = arith.addi %arg0, %add3A : i32
    %c0_i32 = arith.constant 0 : i32
    %c0_i32_1 = arith.constant 0 : i32
    return %add3A_0, %c0_i32 : i32, i32
  }
  func.func @transform_2(%arg0: i32) -> (i32, i32) {
    %c0_i32 = arith.constant 0 : i32
    %c0_i32_0 = arith.constant 0 : i32
    %c0_i32_1 = arith.constant 0 : i32
    return %c0_i32, %c0_i32_0 : i32, i32
  }
  func.func @transform_3(%arg0: i32) -> (i32, i32) {
    %c0_i32 = arith.constant 0 : i32
    %c0_i32_0 = arith.constant 0 : i32
    %c0_i32_1 = arith.constant 0 : i32
    return %c0_i32, %c0_i32_0 : i32, i32
  }
  func.func @transform_4(%arg0: i32) -> (i32, i32) {
    %c0_i32 = arith.constant 0 : i32
    %c0_i32_0 = arith.constant 0 : i32
    return %arg0, %c0_i32 : i32, i32
  }
}

module attributes {stable_mosaic.version = 14 : i64} {
  func.func @_tc2_body(%arg0: i32, %arg1: memref<2x2048x128xf32, #tpu.memory_space<vmem>>, %arg2: memref<2048x128xf32, #tpu.memory_space<vmem>>, %arg3: memref<2048x128xf32, #tpu.memory_space<vmem>>, %arg4: memref<128x128xf32, #tpu.memory_space<vmem>>, %arg5: memref<128x128xf32, #tpu.memory_space<vmem>>, %arg6: memref<1x128xf32, #tpu.memory_space<vmem>>, %arg7: memref<128x128xf32, #tpu.memory_space<vmem>>, %arg8: memref<2048x128xf32, #tpu.memory_space<vmem>>, %arg9: memref<2048x128xf32, #tpu.memory_space<vmem>>) attributes {dimension_semantics = [#tpu.dimension_semantics<arbitrary>], iteration_bounds = array<i64: 5>, scalar_prefetch = 0 : i64, scratch_operands = 0 : i64, tpu.core_type = #tpu.core_type<tc>, window_params = [{transform_indices = @transform_0, window_bounds = array<i64: 2, 2048, 128>}, {transform_indices = @transform_1, window_bounds = array<i64: 2048, 128>}, {transform_indices = @transform_2, window_bounds = array<i64: 2048, 128>}, {pipeline_mode = #tpu.pipeline_mode<synchronous>, transform_indices = @transform_3, window_bounds = array<i64: 128, 128>}, {pipeline_mode = #tpu.pipeline_mode<synchronous>, transform_indices = @transform_4, window_bounds = array<i64: 128, 128>}, {pipeline_mode = #tpu.pipeline_mode<synchronous>, transform_indices = @transform_5, window_bounds = array<i64: 1, 128>}, {pipeline_mode = #tpu.pipeline_mode<synchronous>, transform_indices = @transform_6, window_bounds = array<i64: 128, 128>}, {transform_indices = @transform_7, window_bounds = array<i64: 2048, 128>}, {transform_indices = @transform_8, window_bounds = array<i64: 2048, 128>}]} {
    %iota3A = tpu.iota {dimensions = array<i32: 1>} : vector<1x128xi32>
    %get3A = arith.constant 0 : index
    %get3A_0 = arith.constant 0 : index
    %get3A_1 = arith.constant 0 : index
    %get3A_2 = vector.load %arg1[%get3A, %get3A_0, %get3A_1] : memref<2x2048x128xf32, #tpu.memory_space<vmem>>, vector<1x2048x128xf32>
    %get3A_3 = vector.shape_cast %get3A_2 : vector<1x2048x128xf32> to vector<2048x128xf32>
    %get3A_4 = arith.constant 1 : index
    %get3A_5 = arith.constant 0 : index
    %get3A_6 = arith.constant 0 : index
    %get3A_7 = vector.load %arg1[%get3A_4, %get3A_5, %get3A_6] : memref<2x2048x128xf32, #tpu.memory_space<vmem>>, vector<1x2048x128xf32>
    %get3A_8 = vector.shape_cast %get3A_7 : vector<1x2048x128xf32> to vector<2048x128xf32>
    %add3A = arith.addf %get3A_3, %get3A_8 : vector<2048x128xf32>
    %slice3A = vector.extract_strided_slice %add3A {offsets = [0, 50], sizes = [2048, 1], strides = [1, 1]} : vector<2048x128xf32> to vector<2048x1xf32>
    %max3A = arith.constant 1.000000e+00 : f32
    %max3A_9 = vector.broadcast %max3A : f32 to vector<2048x1xf32>
    %max3A_10 = arith.maximumf %slice3A, %max3A_9 : vector<2048x1xf32>
    %slice3A_11 = vector.extract_strided_slice %add3A {offsets = [0, 114], sizes = [2048, 1], strides = [1, 1]} : vector<2048x128xf32> to vector<2048x1xf32>
    %max3A_12 = arith.constant 1.000000e+00 : f32
    %max3A_13 = vector.broadcast %max3A_12 : f32 to vector<2048x1xf32>
    %max3A_14 = arith.maximumf %slice3A_11, %max3A_13 : vector<2048x1xf32>
    %lt3A = arith.constant 64 : i32
    %lt3A_15 = vector.broadcast %lt3A : i32 to vector<1x128xi32>
    %lt3A_16 = arith.cmpi slt, %iota3A, %lt3A_15 : vector<1x128xi32>
    %broadcast_in_dim3A = vector.shape_cast %lt3A_16 : vector<1x128xi1> to vector<1x128xi1>
    %broadcast_in_dim3A_17 = vector.broadcast %broadcast_in_dim3A : vector<1x128xi1> to vector<2048x128xi1>
    %broadcast_in_dim3A_18 = vector.shape_cast %max3A_10 : vector<2048x1xf32> to vector<2048x1xf32>
    %broadcast_in_dim3A_19 = vector.broadcast %broadcast_in_dim3A_18 : vector<2048x1xf32> to vector<2048x128xf32>
    %broadcast_in_dim3A_20 = vector.shape_cast %max3A_14 : vector<2048x1xf32> to vector<2048x1xf32>
    %broadcast_in_dim3A_21 = vector.broadcast %broadcast_in_dim3A_20 : vector<2048x1xf32> to vector<2048x128xf32>
    %select_n3A = arith.select %broadcast_in_dim3A_17, %broadcast_in_dim3A_19, %broadcast_in_dim3A_21 : vector<2048x128xi1>, vector<2048x128xf32>
    %jit3A = arith.constant 64 : i32
    %eq3A = arith.constant 0 : i32
    %eq3A_22 = arith.cmpi eq, %jit3A, %eq3A : i32
    %jit3A_23 = arith.constant 1 : i32
    %select_n3A_24 = arith.select %eq3A_22, %jit3A_23, %jit3A : i32
    %rem3A = vector.broadcast %select_n3A_24 : i32 to vector<1x128xi32>
    %rem3A_25 = arith.remsi %iota3A, %rem3A : vector<1x128xi32>
    %ne3A = arith.constant 0 : i32
    %ne3A_26 = vector.broadcast %ne3A : i32 to vector<1x128xi32>
    %ne3A_27 = arith.cmpi ne, %rem3A_25, %ne3A_26 : vector<1x128xi32>
    %lt3A_28 = arith.constant 0 : i32
    %lt3A_29 = vector.broadcast %lt3A_28 : i32 to vector<1x128xi32>
    %lt3A_30 = arith.cmpi slt, %rem3A_25, %lt3A_29 : vector<1x128xi32>
    %lt3A_31 = arith.constant 0 : i32
    %lt3A_32 = arith.cmpi slt, %select_n3A_24, %lt3A_31 : i32
    %ne3A_33 = vector.broadcast %lt3A_32 : i1 to vector<1x128xi1>
    %ne3A_34 = vector.broadcast %ne3A_33 : vector<1x128xi1> to vector<1x128xi1>
    %ne3A_35 = arith.xori %lt3A_30, %ne3A_34 : vector<1x128xi1>
    %and3A = arith.andi %ne3A_35, %ne3A_27 : vector<1x128xi1>
    %add3A_36 = vector.broadcast %select_n3A_24 : i32 to vector<1x128xi32>
    %add3A_37 = arith.addi %rem3A_25, %add3A_36 : vector<1x128xi32>
    %select_n3A_38 = arith.select %and3A, %add3A_37, %rem3A_25 : vector<1x128xi1>, vector<1x128xi32>
    %lt3A_39 = arith.constant 50 : i32
    %lt3A_40 = vector.broadcast %lt3A_39 : i32 to vector<1x128xi32>
    %lt3A_41 = arith.cmpi slt, %select_n3A_38, %lt3A_40 : vector<1x128xi32>
    %div3A = arith.divf %add3A, %select_n3A : vector<2048x128xf32>
    %jit3A_42 = arith.constant 0.000000e+00 : f32
    %broadcast_in_dim3A_43 = vector.shape_cast %lt3A_41 : vector<1x128xi1> to vector<1x128xi1>
    %broadcast_in_dim3A_44 = vector.broadcast %broadcast_in_dim3A_43 : vector<1x128xi1> to vector<2048x128xi1>
    %broadcast_in_dim3A_45 = vector.broadcast %jit3A_42 : f32 to vector<2048x128xf32>
    %select_n3A_46 = arith.select %broadcast_in_dim3A_44, %div3A, %broadcast_in_dim3A_45 : vector<2048x128xi1>, vector<2048x128xf32>
    %get3A_47 = arith.constant 0 : index
    %get3A_48 = arith.constant 0 : index
    %get3A_49 = vector.load %arg2[%get3A_47, %get3A_48] : memref<2048x128xf32, #tpu.memory_space<vmem>>, vector<2048x128xf32>
    %get3A_50 = arith.constant 0 : index
    %get3A_51 = arith.constant 0 : index
    %get3A_52 = vector.load %arg4[%get3A_50, %get3A_51] : memref<128x128xf32, #tpu.memory_space<vmem>>, vector<128x128xf32>
    %dot_general3A = arith.constant dense<0.000000e+00> : vector<2048x128xf32>
    %dot_general3A_53 = tpu.matmul %get3A_49, %get3A_52, %dot_general3A {dimension_numbers = #tpu.dot_dimension_numbers<[1], [0], [0], [1], [0, 0, 1, 1], [], []>, transpose_lhs_hint = false} : vector<2048x128xf32>, vector<128x128xf32>, vector<2048x128xf32> -> vector<2048x128xf32>
    %get3A_54 = arith.constant 0 : index
    %get3A_55 = arith.constant 0 : index
    %get3A_56 = vector.load %arg3[%get3A_54, %get3A_55] : memref<2048x128xf32, #tpu.memory_space<vmem>>, vector<2048x128xf32>
    %get3A_57 = arith.constant 0 : index
    %get3A_58 = arith.constant 0 : index
    %get3A_59 = vector.load %arg5[%get3A_57, %get3A_58] : memref<128x128xf32, #tpu.memory_space<vmem>>, vector<128x128xf32>
    %dot_general3A_60 = arith.constant dense<0.000000e+00> : vector<2048x128xf32>
    %dot_general3A_61 = tpu.matmul %get3A_56, %get3A_59, %dot_general3A_60 {dimension_numbers = #tpu.dot_dimension_numbers<[1], [0], [0], [1], [0, 0, 1, 1], [], []>, transpose_lhs_hint = false} : vector<2048x128xf32>, vector<128x128xf32>, vector<2048x128xf32> -> vector<2048x128xf32>
    %add3A_62 = arith.addf %dot_general3A_53, %dot_general3A_61 : vector<2048x128xf32>
    %get3A_63 = arith.constant 0 : index
    %get3A_64 = arith.constant 0 : index
    %get3A_65 = vector.load %arg6[%get3A_63, %get3A_64] : memref<1x128xf32, #tpu.memory_space<vmem>>, vector<1x128xf32>
    %add3A_66 = vector.broadcast %get3A_65 : vector<1x128xf32> to vector<2048x128xf32>
    %add3A_67 = arith.addf %select_n3A_46, %add3A_66 : vector<2048x128xf32>
    %add3A_68 = arith.addf %add3A_67, %add3A_62 : vector<2048x128xf32>
    %max3A_69 = arith.constant 0.000000e+00 : f32
    %max3A_70 = vector.broadcast %max3A_69 : f32 to vector<2048x128xf32>
    %max3A_71 = arith.maximumf %add3A_68, %max3A_70 : vector<2048x128xf32>
    %swap3A = arith.constant 0 : index
    %swap3A_72 = arith.constant 0 : index
    %swap3A_73 = vector.load %arg9[%swap3A, %swap3A_72] : memref<2048x128xf32, #tpu.memory_space<vmem>>, vector<2048x128xf32>
    tpu.vector_store %arg9[%swap3A, %swap3A_72], %max3A_71 {strides = array<i32>} : memref<2048x128xf32, #tpu.memory_space<vmem>>, vector<2048x128xf32>,
    %get3A_74 = arith.constant 0 : index
    %get3A_75 = arith.constant 0 : index
    %get3A_76 = vector.load %arg7[%get3A_74, %get3A_75] : memref<128x128xf32, #tpu.memory_space<vmem>>, vector<128x128xf32>
    %dot_general3A_77 = arith.constant dense<0.000000e+00> : vector<2048x128xf32>
    %dot_general3A_78 = tpu.matmul %max3A_71, %get3A_76, %dot_general3A_77 {dimension_numbers = #tpu.dot_dimension_numbers<[1], [0], [0], [1], [0, 0, 1, 1], [], []>, transpose_lhs_hint = false} : vector<2048x128xf32>, vector<128x128xf32>, vector<2048x128xf32> -> vector<2048x128xf32>
    %jit3A_79 = arith.constant 64 : i32
    %eq3A_80 = arith.constant 0 : i32
    %eq3A_81 = arith.cmpi eq, %jit3A_79, %eq3A_80 : i32
    %jit3A_82 = arith.constant 1 : i32
    %select_n3A_83 = arith.select %eq3A_81, %jit3A_82, %jit3A_79 : i32
    %rem3A_84 = vector.broadcast %select_n3A_83 : i32 to vector<1x128xi32>
    %rem3A_85 = arith.remsi %iota3A, %rem3A_84 : vector<1x128xi32>
    %ne3A_86 = arith.constant 0 : i32
    %ne3A_87 = vector.broadcast %ne3A_86 : i32 to vector<1x128xi32>
    %ne3A_88 = arith.cmpi ne, %rem3A_85, %ne3A_87 : vector<1x128xi32>
    %lt3A_89 = arith.constant 0 : i32
    %lt3A_90 = vector.broadcast %lt3A_89 : i32 to vector<1x128xi32>
    %lt3A_91 = arith.cmpi slt, %rem3A_85, %lt3A_90 : vector<1x128xi32>
    %lt3A_92 = arith.constant 0 : i32
    %lt3A_93 = arith.cmpi slt, %select_n3A_83, %lt3A_92 : i32
    %ne3A_94 = vector.broadcast %lt3A_93 : i1 to vector<1x128xi1>
    %ne3A_95 = vector.broadcast %ne3A_94 : vector<1x128xi1> to vector<1x128xi1>
    %ne3A_96 = arith.xori %lt3A_91, %ne3A_95 : vector<1x128xi1>
    %and3A_97 = arith.andi %ne3A_96, %ne3A_88 : vector<1x128xi1>
    %add3A_98 = vector.broadcast %select_n3A_83 : i32 to vector<1x128xi32>
    %add3A_99 = arith.addi %rem3A_85, %add3A_98 : vector<1x128xi32>
    %select_n3A_100 = arith.select %and3A_97, %add3A_99, %rem3A_85 : vector<1x128xi1>, vector<1x128xi32>
    %eq3A_101 = arith.constant 50 : i32
    %eq3A_102 = vector.broadcast %eq3A_101 : i32 to vector<1x128xi32>
    %eq3A_103 = arith.cmpi eq, %select_n3A_100, %eq3A_102 : vector<1x128xi32>
    %jit3A_104 = arith.constant 1.000000e+00 : f32
    %jit3A_105 = arith.constant 0.000000e+00 : f32
    %broadcast_in_dim3A_106 = vector.broadcast %jit3A_104 : f32 to vector<1x128xf32>
    %broadcast_in_dim3A_107 = vector.broadcast %jit3A_105 : f32 to vector<1x128xf32>
    %select_n3A_108 = arith.select %eq3A_103, %broadcast_in_dim3A_106, %broadcast_in_dim3A_107 : vector<1x128xi1>, vector<1x128xf32>
    %add3A_109 = vector.broadcast %select_n3A_108 : vector<1x128xf32> to vector<2048x128xf32>
    %add3A_110 = arith.addf %dot_general3A_78, %add3A_109 : vector<2048x128xf32>
    %swap3A_111 = arith.constant 0 : index
    %swap3A_112 = arith.constant 0 : index
    %swap3A_113 = vector.load %arg8[%swap3A_111, %swap3A_112] : memref<2048x128xf32, #tpu.memory_space<vmem>>, vector<2048x128xf32>
    tpu.vector_store %arg8[%swap3A_111, %swap3A_112], %add3A_110 {strides = array<i32>} : memref<2048x128xf32, #tpu.memory_space<vmem>>, vector<2048x128xf32>,
    return
  }
  func.func @transform_0(%arg0: i32) -> (i32, i32, i32) {
    %c0_i32 = arith.constant 0 : i32
    %c0_i32_0 = arith.constant 0 : i32
    %c0_i32_1 = arith.constant 0 : i32
    return %c0_i32, %arg0, %c0_i32_0 : i32, i32, i32
  }
  func.func @transform_1(%arg0: i32) -> (i32, i32) {
    %c0_i32 = arith.constant 0 : i32
    %c0_i32_0 = arith.constant 0 : i32
    return %arg0, %c0_i32 : i32, i32
  }
  func.func @transform_2(%arg0: i32) -> (i32, i32) {
    %add3A = arith.constant 5 : i32
    %add3A_0 = arith.addi %arg0, %add3A : i32
    %c0_i32 = arith.constant 0 : i32
    %c0_i32_1 = arith.constant 0 : i32
    return %add3A_0, %c0_i32 : i32, i32
  }
  func.func @transform_3(%arg0: i32) -> (i32, i32) {
    %c0_i32 = arith.constant 0 : i32
    %c0_i32_0 = arith.constant 0 : i32
    %c0_i32_1 = arith.constant 0 : i32
    return %c0_i32, %c0_i32_0 : i32, i32
  }
  func.func @transform_4(%arg0: i32) -> (i32, i32) {
    %c0_i32 = arith.constant 0 : i32
    %c0_i32_0 = arith.constant 0 : i32
    %c0_i32_1 = arith.constant 0 : i32
    return %c0_i32, %c0_i32_0 : i32, i32
  }
  func.func @transform_5(%arg0: i32) -> (i32, i32) {
    %c0_i32 = arith.constant 0 : i32
    %c0_i32_0 = arith.constant 0 : i32
    %c0_i32_1 = arith.constant 0 : i32
    return %c0_i32, %c0_i32_0 : i32, i32
  }
  func.func @transform_6(%arg0: i32) -> (i32, i32) {
    %c0_i32 = arith.constant 0 : i32
    %c0_i32_0 = arith.constant 0 : i32
    %c0_i32_1 = arith.constant 0 : i32
    return %c0_i32, %c0_i32_0 : i32, i32
  }
  func.func @transform_7(%arg0: i32) -> (i32, i32) {
    %c0_i32 = arith.constant 0 : i32
    %c0_i32_0 = arith.constant 0 : i32
    return %arg0, %c0_i32 : i32, i32
  }
  func.func @transform_8(%arg0: i32) -> (i32, i32) {
    %c0_i32 = arith.constant 0 : i32
    %c0_i32_0 = arith.constant 0 : i32
    return %arg0, %c0_i32 : i32, i32
  }
}

module attributes {stable_mosaic.version = 14 : i64} {
  func.func @_tc3_body(%arg0: i32, %arg1: memref<2x3072x128xf32, #tpu.memory_space<vmem>>, %arg2: memref<3072x128xf32, #tpu.memory_space<vmem>>, %arg3: memref<3072x128xf32, #tpu.memory_space<vmem>>, %arg4: memref<128x128xf32, #tpu.memory_space<vmem>>, %arg5: memref<128x128xf32, #tpu.memory_space<vmem>>, %arg6: memref<1x128xf32, #tpu.memory_space<vmem>>, %arg7: memref<128x2xf32, #tpu.memory_space<vmem>>, %arg8: memref<1x2xf32, #tpu.memory_space<vmem>>, %arg9: memref<3072x2xf32, #tpu.memory_space<vmem>>) attributes {dimension_semantics = [#tpu.dimension_semantics<arbitrary>], iteration_bounds = array<i64: 1>, scalar_prefetch = 0 : i64, scratch_operands = 0 : i64, tpu.core_type = #tpu.core_type<tc>, window_params = [{pipeline_mode = #tpu.pipeline_mode<synchronous>, transform_indices = @transform_0, window_bounds = array<i64: 2, 3072, 128>}, {transform_indices = @transform_1, window_bounds = array<i64: 3072, 128>}, {transform_indices = @transform_2, window_bounds = array<i64: 3072, 128>}, {pipeline_mode = #tpu.pipeline_mode<synchronous>, transform_indices = @transform_3, window_bounds = array<i64: 128, 128>}, {pipeline_mode = #tpu.pipeline_mode<synchronous>, transform_indices = @transform_4, window_bounds = array<i64: 128, 128>}, {pipeline_mode = #tpu.pipeline_mode<synchronous>, transform_indices = @transform_5, window_bounds = array<i64: 1, 128>}, {pipeline_mode = #tpu.pipeline_mode<synchronous>, transform_indices = @transform_6, window_bounds = array<i64: 128, 2>}, {pipeline_mode = #tpu.pipeline_mode<synchronous>, transform_indices = @transform_7, window_bounds = array<i64: 1, 2>}, {pipeline_mode = #tpu.pipeline_mode<synchronous>, transform_indices = @transform_8, window_bounds = array<i64: 3072, 2>}]} {
    %iota3A = tpu.iota {dimensions = array<i32: 1>} : vector<1x128xi32>
    %get3A = arith.constant 0 : index
    %get3A_0 = arith.constant 0 : index
    %get3A_1 = arith.constant 0 : index
    %get3A_2 = vector.load %arg1[%get3A, %get3A_0, %get3A_1] : memref<2x3072x128xf32, #tpu.memory_space<vmem>>, vector<1x3072x128xf32>
    %get3A_3 = vector.shape_cast %get3A_2 : vector<1x3072x128xf32> to vector<3072x128xf32>
    %get3A_4 = arith.constant 1 : index
    %get3A_5 = arith.constant 0 : index
    %get3A_6 = arith.constant 0 : index
    %get3A_7 = vector.load %arg1[%get3A_4, %get3A_5, %get3A_6] : memref<2x3072x128xf32, #tpu.memory_space<vmem>>, vector<1x3072x128xf32>
    %get3A_8 = vector.shape_cast %get3A_7 : vector<1x3072x128xf32> to vector<3072x128xf32>
    %add3A = arith.addf %get3A_3, %get3A_8 : vector<3072x128xf32>
    %slice3A = vector.extract_strided_slice %add3A {offsets = [0, 50], sizes = [3072, 1], strides = [1, 1]} : vector<3072x128xf32> to vector<3072x1xf32>
    %max3A = arith.constant 1.000000e+00 : f32
    %max3A_9 = vector.broadcast %max3A : f32 to vector<3072x1xf32>
    %max3A_10 = arith.maximumf %slice3A, %max3A_9 : vector<3072x1xf32>
    %slice3A_11 = vector.extract_strided_slice %add3A {offsets = [0, 114], sizes = [3072, 1], strides = [1, 1]} : vector<3072x128xf32> to vector<3072x1xf32>
    %max3A_12 = arith.constant 1.000000e+00 : f32
    %max3A_13 = vector.broadcast %max3A_12 : f32 to vector<3072x1xf32>
    %max3A_14 = arith.maximumf %slice3A_11, %max3A_13 : vector<3072x1xf32>
    %lt3A = arith.constant 64 : i32
    %lt3A_15 = vector.broadcast %lt3A : i32 to vector<1x128xi32>
    %lt3A_16 = arith.cmpi slt, %iota3A, %lt3A_15 : vector<1x128xi32>
    %broadcast_in_dim3A = vector.shape_cast %lt3A_16 : vector<1x128xi1> to vector<1x128xi1>
    %broadcast_in_dim3A_17 = vector.broadcast %broadcast_in_dim3A : vector<1x128xi1> to vector<3072x128xi1>
    %broadcast_in_dim3A_18 = vector.shape_cast %max3A_10 : vector<3072x1xf32> to vector<3072x1xf32>
    %broadcast_in_dim3A_19 = vector.broadcast %broadcast_in_dim3A_18 : vector<3072x1xf32> to vector<3072x128xf32>
    %broadcast_in_dim3A_20 = vector.shape_cast %max3A_14 : vector<3072x1xf32> to vector<3072x1xf32>
    %broadcast_in_dim3A_21 = vector.broadcast %broadcast_in_dim3A_20 : vector<3072x1xf32> to vector<3072x128xf32>
    %select_n3A = arith.select %broadcast_in_dim3A_17, %broadcast_in_dim3A_19, %broadcast_in_dim3A_21 : vector<3072x128xi1>, vector<3072x128xf32>
    %jit3A = arith.constant 64 : i32
    %eq3A = arith.constant 0 : i32
    %eq3A_22 = arith.cmpi eq, %jit3A, %eq3A : i32
    %jit3A_23 = arith.constant 1 : i32
    %select_n3A_24 = arith.select %eq3A_22, %jit3A_23, %jit3A : i32
    %rem3A = vector.broadcast %select_n3A_24 : i32 to vector<1x128xi32>
    %rem3A_25 = arith.remsi %iota3A, %rem3A : vector<1x128xi32>
    %ne3A = arith.constant 0 : i32
    %ne3A_26 = vector.broadcast %ne3A : i32 to vector<1x128xi32>
    %ne3A_27 = arith.cmpi ne, %rem3A_25, %ne3A_26 : vector<1x128xi32>
    %lt3A_28 = arith.constant 0 : i32
    %lt3A_29 = vector.broadcast %lt3A_28 : i32 to vector<1x128xi32>
    %lt3A_30 = arith.cmpi slt, %rem3A_25, %lt3A_29 : vector<1x128xi32>
    %lt3A_31 = arith.constant 0 : i32
    %lt3A_32 = arith.cmpi slt, %select_n3A_24, %lt3A_31 : i32
    %ne3A_33 = vector.broadcast %lt3A_32 : i1 to vector<1x128xi1>
    %ne3A_34 = vector.broadcast %ne3A_33 : vector<1x128xi1> to vector<1x128xi1>
    %ne3A_35 = arith.xori %lt3A_30, %ne3A_34 : vector<1x128xi1>
    %and3A = arith.andi %ne3A_35, %ne3A_27 : vector<1x128xi1>
    %add3A_36 = vector.broadcast %select_n3A_24 : i32 to vector<1x128xi32>
    %add3A_37 = arith.addi %rem3A_25, %add3A_36 : vector<1x128xi32>
    %select_n3A_38 = arith.select %and3A, %add3A_37, %rem3A_25 : vector<1x128xi1>, vector<1x128xi32>
    %lt3A_39 = arith.constant 50 : i32
    %lt3A_40 = vector.broadcast %lt3A_39 : i32 to vector<1x128xi32>
    %lt3A_41 = arith.cmpi slt, %select_n3A_38, %lt3A_40 : vector<1x128xi32>
    %div3A = arith.divf %add3A, %select_n3A : vector<3072x128xf32>
    %jit3A_42 = arith.constant 0.000000e+00 : f32
    %broadcast_in_dim3A_43 = vector.shape_cast %lt3A_41 : vector<1x128xi1> to vector<1x128xi1>
    %broadcast_in_dim3A_44 = vector.broadcast %broadcast_in_dim3A_43 : vector<1x128xi1> to vector<3072x128xi1>
    %broadcast_in_dim3A_45 = vector.broadcast %jit3A_42 : f32 to vector<3072x128xf32>
    %select_n3A_46 = arith.select %broadcast_in_dim3A_44, %div3A, %broadcast_in_dim3A_45 : vector<3072x128xi1>, vector<3072x128xf32>
    %get3A_47 = arith.constant 0 : index
    %get3A_48 = arith.constant 0 : index
    %get3A_49 = vector.load %arg2[%get3A_47, %get3A_48] : memref<3072x128xf32, #tpu.memory_space<vmem>>, vector<3072x128xf32>
    %get3A_50 = arith.constant 0 : index
    %get3A_51 = arith.constant 0 : index
    %get3A_52 = vector.load %arg4[%get3A_50, %get3A_51] : memref<128x128xf32, #tpu.memory_space<vmem>>, vector<128x128xf32>
    %dot_general3A = arith.constant dense<0.000000e+00> : vector<3072x128xf32>
    %dot_general3A_53 = tpu.matmul %get3A_49, %get3A_52, %dot_general3A {dimension_numbers = #tpu.dot_dimension_numbers<[1], [0], [0], [1], [0, 0, 1, 1], [], []>, transpose_lhs_hint = false} : vector<3072x128xf32>, vector<128x128xf32>, vector<3072x128xf32> -> vector<3072x128xf32>
    %get3A_54 = arith.constant 0 : index
    %get3A_55 = arith.constant 0 : index
    %get3A_56 = vector.load %arg3[%get3A_54, %get3A_55] : memref<3072x128xf32, #tpu.memory_space<vmem>>, vector<3072x128xf32>
    %get3A_57 = arith.constant 0 : index
    %get3A_58 = arith.constant 0 : index
    %get3A_59 = vector.load %arg5[%get3A_57, %get3A_58] : memref<128x128xf32, #tpu.memory_space<vmem>>, vector<128x128xf32>
    %dot_general3A_60 = arith.constant dense<0.000000e+00> : vector<3072x128xf32>
    %dot_general3A_61 = tpu.matmul %get3A_56, %get3A_59, %dot_general3A_60 {dimension_numbers = #tpu.dot_dimension_numbers<[1], [0], [0], [1], [0, 0, 1, 1], [], []>, transpose_lhs_hint = false} : vector<3072x128xf32>, vector<128x128xf32>, vector<3072x128xf32> -> vector<3072x128xf32>
    %add3A_62 = arith.addf %dot_general3A_53, %dot_general3A_61 : vector<3072x128xf32>
    %get3A_63 = arith.constant 0 : index
    %get3A_64 = arith.constant 0 : index
    %get3A_65 = vector.load %arg6[%get3A_63, %get3A_64] : memref<1x128xf32, #tpu.memory_space<vmem>>, vector<1x128xf32>
    %add3A_66 = vector.broadcast %get3A_65 : vector<1x128xf32> to vector<3072x128xf32>
    %add3A_67 = arith.addf %select_n3A_46, %add3A_66 : vector<3072x128xf32>
    %add3A_68 = arith.addf %add3A_67, %add3A_62 : vector<3072x128xf32>
    %get3A_69 = arith.constant 0 : index
    %get3A_70 = arith.constant 0 : index
    %get3A_71 = vector.load %arg7[%get3A_69, %get3A_70] : memref<128x2xf32, #tpu.memory_space<vmem>>, vector<128x2xf32>
    %dot_general3A_72 = arith.constant dense<0.000000e+00> : vector<3072x2xf32>
    %dot_general3A_73 = tpu.matmul %add3A_68, %get3A_71, %dot_general3A_72 {dimension_numbers = #tpu.dot_dimension_numbers<[1], [0], [0], [1], [0, 0, 1, 1], [], []>, transpose_lhs_hint = false} : vector<3072x128xf32>, vector<128x2xf32>, vector<3072x2xf32> -> vector<3072x2xf32>
    %get3A_74 = arith.constant 0 : index
    %get3A_75 = arith.constant 0 : index
    %get3A_76 = vector.load %arg8[%get3A_74, %get3A_75] : memref<1x2xf32, #tpu.memory_space<vmem>>, vector<1x2xf32>
    %add3A_77 = vector.broadcast %get3A_76 : vector<1x2xf32> to vector<3072x2xf32>
    %add3A_78 = arith.addf %dot_general3A_73, %add3A_77 : vector<3072x2xf32>
    %max3A_79 = arith.constant 0.000000e+00 : f32
    %max3A_80 = vector.broadcast %max3A_79 : f32 to vector<3072x2xf32>
    %max3A_81 = arith.maximumf %add3A_78, %max3A_80 : vector<3072x2xf32>
    %swap3A = arith.constant 0 : index
    %swap3A_82 = arith.constant 0 : index
    %swap3A_83 = vector.load %arg9[%swap3A, %swap3A_82] : memref<3072x2xf32, #tpu.memory_space<vmem>>, vector<3072x2xf32>
    tpu.vector_store %arg9[%swap3A, %swap3A_82], %max3A_81 {strides = array<i32>} : memref<3072x2xf32, #tpu.memory_space<vmem>>, vector<3072x2xf32>,
    return
  }
  func.func @transform_0(%arg0: i32) -> (i32, i32, i32) {
    %c0_i32 = arith.constant 0 : i32
    %c0_i32_0 = arith.constant 0 : i32
    %c0_i32_1 = arith.constant 0 : i32
    %c0_i32_2 = arith.constant 0 : i32
    return %c0_i32, %c0_i32_0, %c0_i32_1 : i32, i32, i32
  }
  func.func @transform_1(%arg0: i32) -> (i32, i32) {
    %c0_i32 = arith.constant 0 : i32
    %c0_i32_0 = arith.constant 0 : i32
    %c0_i32_1 = arith.constant 0 : i32
    return %c0_i32, %c0_i32_0 : i32, i32
  }
  func.func @transform_2(%arg0: i32) -> (i32, i32) {
    %c1_i32 = arith.constant 1 : i32
    %c0_i32 = arith.constant 0 : i32
    %c0_i32_0 = arith.constant 0 : i32
    return %c1_i32, %c0_i32 : i32, i32
  }
  func.func @transform_3(%arg0: i32) -> (i32, i32) {
    %c0_i32 = arith.constant 0 : i32
    %c0_i32_0 = arith.constant 0 : i32
    %c0_i32_1 = arith.constant 0 : i32
    return %c0_i32, %c0_i32_0 : i32, i32
  }
  func.func @transform_4(%arg0: i32) -> (i32, i32) {
    %c0_i32 = arith.constant 0 : i32
    %c0_i32_0 = arith.constant 0 : i32
    %c0_i32_1 = arith.constant 0 : i32
    return %c0_i32, %c0_i32_0 : i32, i32
  }
  func.func @transform_5(%arg0: i32) -> (i32, i32) {
    %c0_i32 = arith.constant 0 : i32
    %c0_i32_0 = arith.constant 0 : i32
    %c0_i32_1 = arith.constant 0 : i32
    return %c0_i32, %c0_i32_0 : i32, i32
  }
  func.func @transform_6(%arg0: i32) -> (i32, i32) {
    %c0_i32 = arith.constant 0 : i32
    %c0_i32_0 = arith.constant 0 : i32
    %c0_i32_1 = arith.constant 0 : i32
    return %c0_i32, %c0_i32_0 : i32, i32
  }
  func.func @transform_7(%arg0: i32) -> (i32, i32) {
    %c0_i32 = arith.constant 0 : i32
    %c0_i32_0 = arith.constant 0 : i32
    %c0_i32_1 = arith.constant 0 : i32
    return %c0_i32, %c0_i32_0 : i32, i32
  }
  func.func @transform_8(%arg0: i32) -> (i32, i32) {
    %c0_i32 = arith.constant 0 : i32
    %c0_i32_0 = arith.constant 0 : i32
    %c0_i32_1 = arith.constant 0 : i32
    return %c0_i32, %c0_i32_0 : i32, i32
  }
}

</mosaic_0001>

<sc_bundles>
// kernel: kernel.10.cloned.1.call-start
scs
__scs_entry_jumppad:
0x0: {  	(pc) =	sbr.rel $0x88, $3  }
0x1: {  	(tag) =	ssettag $0x0;
	lr =	simm.s32 $0x1  }
0x2: {  	[smem:$0x3F96] =	sst lr;
	_ =	strace $0xD0000000  }
0x3: {  	_ = 	snop  }
0x4: {  	_ = 	snop  }
0x5: {  	_ = 	snop  }
0x6: {  	_ = 	snop  }
0x7: {  	_ = 	snop  }
__scs_overlays_trampoline_lowered:
0x8: {  	[smem:$0x3FA5] =	sst s0  }
0x9: {  	[smem:$0x3FA6] =	sst s1  }
0xa: {  	[smem:$0x3FA7] =	sst s2  }
0xb: {  	[smem:$0x3FA8] =	sst s3  }
0xc: {  	[smem:$0x3FA9] =	sst s4  }
0xd: {  	[smem:$0x3FAA] =	sst s5  }
0xe: {  	[smem:$0x3FAB] =	sst s6  }
0xf: {  	[smem:$0x3FAC] =	sst s7  }
0x10: {  	[smem:$0x3FAD] =	sst s8  }
0x11: {  	[smem:$0x3FAE] =	sst s9;
	s0 =	simm.s32 @!p0 $0x0  }
0x12: {  	s1 =	sld [smem:$0x3F94];
	s0 =	simm.s32 @p0 $0x1  }
0x13: {  	[smem:$0x3FAF] =	sst s0;
	s0 =	simm.s32 @!p1 $0x0  }
0x14: {  	s2 =	sld [smem:$0x3F93];
	s0 =	simm.s32 @p1 $0x1  }
0x15: {  	[smem:$0x3FB0] =	sst s0;
	s0 =	simm.s32 @!p2 $0x0  }
0x16: {  	s3 =	sld [smem:$0x3FDB];
	s0 =	simm.s32 @p2 $0x1  }
0x17: {  	s4 =	simm.s32 $0x1BF5;
	[smem:$0x3FB2] =	sst s0  }
0x18: {  	s0 =	sld [smem:$0x3F95];
	_ =	swait.ge [sflag:s4], $0x0  }
0x19: {  	s7 =	sld [smem:$0x3F96]  }
0x1a: {  	s8 =	sadd.s32 $0xFFFFE003, lr  }
0x1b: {  	s9 =	sadd.s32 $0xFFFFFEF7, lr;
	s5 =	simm.s32 $0xFFFFFFFF;
	p2 =	slt.u32 s8, $0xFFFFF086  }
0x1c: {  	p1 =	slt.u32 s9, $0xF7A;
	s5 =	simm.s32 @!p2 $0x0  }
0x1d: {  	s5 =	simm.s32 @p1 $0x1;
	p0 =	seq.s32 s7, s2  }
0x1e: {  	s7 =	smul.u32 @!p0 $0xF7A, s2;
	p2 =	seq.s32 @!p0 s5, $0x0  }
0x1f: {  	s9 =	smul.u32 $0xF7A, s1;
	s8 =	simm.s32 @!p0 $0x1BF5;
	p2 =	por !p2, p0  }
0x20: {  	[sflag:s8] =	ssyncset.s32 @!p0 $0xFFFFF086;
	s6 =	sadd.s32 @!p0 s3, s7;
	s7 =	simm.s32 @!p0 $0x108  }
0x21: {  	s3 =	sadd.s32 s3, s9;
	s6 =	sadd.s32 @!p0 $0x88, s6;
	s7 =	simm.s32 @p2 $0x1082  }
0x22: {  	[simem:s7], [sflag:s8] =	dma.local @!p0 [hbm:s6], $0xF7A  }
0x23: {  	s9 =	sor.u32 $0xD0000000, s2;
	s6 =	simm.s32 $0x108;
	_ =	swait.ge @!p0 [sflag:s8], $0x0  }
0x24: {  	s3 =	sadd.s32 $0x88, s3;
	s6 =	simm.s32 @!p1 $0x1082;
	[sflag:s4] =	ssyncset.s32 $0xFFFFF086  }
0x25: {  	[simem:s6], [sflag:s4] =	dma.local [hbm:s3], $0xF7A  }
0x26: {  	[smem:$0x3F96] =	sst s1;
	(tag) =	ssettag s2;
	_ =	strace s9  }
0x27: {  	s1 =	sld [smem:$0x3FA6]  }
0x28: {  	s2 =	sld [smem:$0x3FA7]  }
0x29: {  	s4 =	sld [smem:$0x3FA9]  }
0x2a: {  	p0 =	seq.s32 s5, $0x0;
	s5 =	sld [smem:$0x3FAA]  }
0x2b: {  	s6 =	sld [smem:$0x3FAB]  }
0x2c: {  	s7 =	sld [smem:$0x3FAC]  }
0x2d: {  	s3 =	simm.s32 $0x108;
	s8 =	sld [smem:$0x3FAD]  }
0x2e: {  	s3 =	simm.s32 @!p0 $0x1082;
	s9 =	sld [smem:$0x3FAE]  }
0x2f: {  	lr =	sadd.s32 s0, s3;
	s0 =	sld [smem:$0x3FA5]  }
0x30: {  	s3 =	sld [smem:$0x3FA8]  }
0x31: {  	[smem:$0x3FB1] =	sst s10  }
0x32: {  	s10 =	sld [smem:$0x3FAF];
	_ =	sdelay $0x3  }
0x33: {  	p0 =	seq.s32 s10, $0x1;
	s10 =	sld [smem:$0x3FB1];
	_ =	sdelay $0x3  }
0x34: {  	[smem:$0x3FB1] =	sst s10  }
0x35: {  	s10 =	sld [smem:$0x3FB0];
	_ =	sdelay $0x3  }
0x36: {  	p1 =	seq.s32 s10, $0x1;
	s10 =	sld [smem:$0x3FB1];
	_ =	sdelay $0x3  }
0x37: {  	[smem:$0x3FB1] =	sst s10  }
0x38: {  	s10 =	sld [smem:$0x3FB2]  }
0x39: {  	_ = 	snop;
	(pc) =	sbr.ind lr, $3  }
0x3a: {  	_ = 	snop  }
0x3b: {  	_ = 	snop  }
0x3c: {  	p2 =	seq.s32 s10, $0x1;
	s10 =	sld [smem:$0x3FB1]  }
0x3d: {  	_ =	shalt  }
0x3e: {  	_ =	shalt  }
0x3f: {  	_ =	shalt  }
0x40: {  	_ =	shalt  }
0x41: {  	_ =	shalt  }
0x42: {  	_ =	shalt  }
0x43: {  	_ =	shalt  }
0x44: {  	_ =	shalt  }
0x45: {  	_ =	shalt  }
0x46: {  	_ =	shalt  }
0x47: {  	_ =	shalt  }
0x48: {  	_ =	shalt  }
0x49: {  	_ =	shalt  }
0x4a: {  	_ =	shalt  }
0x4b: {  	_ =	shalt  }
0x4c: {  	_ =	shalt  }
0x4d: {  	_ =	shalt  }
0x4e: {  	_ =	shalt  }
0x4f: {  	_ =	shalt  }
0x50: {  	_ =	shalt  }
0x51: {  	_ =	shalt  }
0x52: {  	_ =	shalt  }
0x53: {  	_ =	shalt  }
0x54: {  	_ =	shalt  }
0x55: {  	_ =	shalt  }
0x56: {  	_ =	shalt  }
0x57: {  	_ =	shalt  }
0x58: {  	_ =	shalt  }
0x59: {  	_ =	shalt  }
0x5a: {  	_ =	shalt  }
0x5b: {  	_ =	shalt  }
0x5c: {  	_ =	shalt  }
0x5d: {  	_ =	shalt  }
0x5e: {  	_ =	shalt  }
0x5f: {  	_ =	shalt  }
0x60: {  	_ =	shalt  }
0x61: {  	_ =	shalt  }
0x62: {  	_ =	shalt  }
0x63: {  	_ =	shalt  }
0x64: {  	_ =	shalt  }
0x65: {  	_ =	shalt  }
0x66: {  	_ =	shalt  }
0x67: {  	_ =	shalt  }
0x68: {  	_ =	shalt  }
0x69: {  	_ =	shalt  }
0x6a: {  	_ =	shalt  }
0x6b: {  	_ =	shalt  }
0x6c: {  	_ =	shalt  }
0x6d: {  	_ =	shalt  }
0x6e: {  	_ =	shalt  }
0x6f: {  	_ =	shalt  }
0x70: {  	_ =	shalt  }
0x71: {  	_ =	shalt  }
0x72: {  	_ =	shalt  }
0x73: {  	_ =	shalt  }
0x74: {  	_ =	shalt  }
0x75: {  	_ =	shalt  }
0x76: {  	_ =	shalt  }
0x77: {  	_ =	shalt  }
0x78: {  	_ =	shalt  }
0x79: {  	_ =	shalt  }
0x7a: {  	_ =	shalt  }
0x7b: {  	_ =	shalt  }
0x7c: {  	_ =	shalt  }
0x7d: {  	_ =	shalt  }
0x7e: {  	_ =	shalt  }
0x7f: {  	_ =	shalt  }
0x80: {  	_ =	shalt  }
0x81: {  	_ =	shalt  }
0x82: {  	_ =	shalt  }
0x83: {  	_ =	shalt  }
0x84: {  	_ =	shalt  }
0x85: {  	_ =	shalt  }
0x86: {  	_ =	shalt  }
0x87: {  	_ =	shalt  }
.Lfunc_end0:
.L_simem_size_0:
called_computation.1_lowered:
.L_overlay_start_0:
0x88: {  	s2 =	sld [smem:$0x3FD9]  }
0x89: {  	s3 =	sld [smem:$0x3FFE];
	_ =	sdelay $0x1  }
0x8a: {  	s1 =	srdreg.scid  }
0x8b: {  	s0 =	sand.u32 $0x1, s1  }
0x8c: {  	s16 =	sshll.u32 s0, $0xA;
	s2 =	sadd.s32 s3, s2  }
0x8d: {  	s2 =	sadd.s32 s2, s16  }
0x8e: {  	[smem:$0x3FBD] =	sst s2  }
0x8f: {  	_ = 	snop  }
0x90: {  	(tm) =	ssettm $0x1  }
0x91: {  	s17 =	sld [smem:$0x3FFB];
	_ =	sdelay $0x3  }
0x92: {  	_ =	strace s17  }
0x93: {  	s2 =	sld [smem:$0x3FFC];
	_ =	sdelay $0x3  }
0x94: {  	_ =	strace s2  }
0x95: {  	s2 =	sld [smem:$0x3FFD];
	_ =	sdelay $0x3  }
0x96: {  	_ =	strace s2  }
0x97: {  	_ =	strace $0x8FFFFFFF  }
0x98: {  	s18 =	sld [smem:$0x3FDB];
	_ =	sdelay $0x1  }
0x99: {  	s19 =	simm.s32 $_scs_section_size  }
0x9a: {  	s4 =	simm.s32 $_size__tile_overlayer_lowered;
	s5 =	simm.s32 $_tile_overlayer_lowered  }
0x9b: {  	s22 =	simm.s32 $0x1BFF;
	s21 =	sshll.u32 s5, $0x1;
	s2 =	sadd.s32 s19, s18  }
0x9c: {  	s6 =	simm.s32 $0x0;
	s20 =	sshll.u32 s4, $0x1;
	s4 =	sadd.s32 s21, s2  }
0x9d: {  	[timem:s6], [sflag:s22] =	dma.local [hbm:s4], s20  }
0x9e: {  	_ =	swait.ge [sflag:s22], s20  }
0x9f: {  	s3 =	ssub.s32 $0x0, s20;
	[sflag:s22] =	ssyncset.done $0x0  }
0xa0: {  	[sflag:s22] =	ssyncadd.s32 s3;
	_ =	sdelay $0x1  }
0xa1: {  	s23 =	simm.s32 $0x1B8B  }
0xa2: {  	_ =	swait.ge [sflag:s23], $0x1  }
0xa3: {  	[sflag:s23] =	ssyncset.done $0x0  }
0xa4: {  	s25 =	simm.s32 $0x1B8E;
	s24 =	sld [smem:$0x3FFE];
	[sflag:s23] =	ssyncadd.s32 $0xFFFFFFFF  }
0xa5: {  	s26 =	simm.s32 $execute0_lowered;
	[smem:$0x3FD2] =	sst s25  }
0xa6: {  	s4 =	sshll.u32 s26, $0x1;
	_ =	strace $0x80000049;
	[dreg:$0x1] =	wrdreg $0xFFFFFFFF  }
0xa7: {  	s28 =	simm.s32 $_size_execute0_lowered;
	s2 =	sadd.s32 s2, s4;
	[dreg:$0x0] =	wrdreg $0x0  }
0xa8: {  	s4 =	sshll.u32 s28, $0x1;
	[dreg:$0x2] =	wrdreg s2  }
0xa9: {  	[dreg:$0x3] =	wrdreg s4  }
0xaa: {  	[dreg:$0x4] =	wrdreg $0xC0  }
0xab: {  	_ =	task [dreg:s6], $0x5FFFF  }
0xac: {  	[dreg:$0x1] =	wrdreg $0xFFFFFFFF  }
0xad: {  	[dreg:$0x0] =	wrdreg $0x60  }
0xae: {  	[dreg:$0x2] =	wrdreg s24  }
0xaf: {  	[dreg:$0x3] =	wrdreg $0x75000  }
0xb0: {  	[dreg:$0x4] =	wrdreg $0x9  }
0xb1: {  	_ =	task.clear_ibuf [dreg:s6], $0x5FFFF;
	_ =	strace $0x90000049  }
0xb2: {  	s29 =	simm.s32 $0x9;
	_ =	strace $0x8000004B  }
0xb3: {  	_ =	swait.ge [sflag:s29], $0x1  }
0xb4: {  	[sflag:s29] =	ssyncadd.s32 $0xFFFFFFFF  }
0xb5: {  	_ =	strace $0x9000004B  }
0xb6: {  	_ =	sfence  }
0xb7: {  	s30 =	sld [smem:$0x0];
	_ =	sdelay $0x2  }
0xb8: {  	s31 =	sshll.u32 s1, $0xD;
	s1 =	sshrl.u32 s1, $0x2  }
0xb9: {  	s3 =	sand.u32 $0x4000, s31;
	s1 =	sadd.s32 s1, s30  }
0xba: {  	s0 =	sor.u32 s3, s0;
	s1 =	sshll.u32 s1, $0x11  }
0xbb: {  	s0 =	sor.u32 s1, s0  }
0xbc: {  	s0 =	sadd.s32 $0x8F2B, s0  }
0xbd: {  	[sflag:s0] =	ssyncadd.remote.s32 $0x1  }
0xbe: {  	_ =	sfence.sel $0xFFFF  }
0xbf: {  	[dreg:$0x0] =	wrdreg $0xFFFFFFFF;
	(pc) =	sbr.abs _section_cstart, $3  }
0xc0: {  	[dreg:$0x1] =	wrdreg $0xFFFFFFFF  }
0xc1: {  	_ =	task.clear_ibuf [dreg:s6], $0x2FFFF;
	_ =	strace $0x9FFFFFFF  }
0xc2: {  	(tm) =	ssettm $0x7FFFFFFF  }
0xc3: {  	_ =	shalt  }
tec
execute0_lowered:
.L_overlay_start_1:
0x0: {  	(tag) =	ssettag $0x1  }
0x1: {  	s5 =	rddreg [dreg:$0x0]  }
0x2: {  	s0 =	srdreg.scid;
	s2 =	rddreg [dreg:$0x1]  }
0x3: {  	s12 =	simm.s32 $0x1500;
	s13 =	simm.s32 $0x7;
	s15 =	simm.s32 $0x1  }
0x4: {  	s16 =	simm.s32 $0x80;
	s17 =	simm.s32 $0x3500;
	s19 =	simm.s32 $0x5500  }
0x5: {  	s20 =	simm.s32 $0x2;
	s21 =	simm.s32 $0x3;
	s22 =	simm.s32 $0x4  }
0x6: {  	s23 =	simm.s32 $0x5;
	s24 =	simm.s32 $0x6;
	s28 =	simm.s32 $0x1480  }
0x7: {  	s29 =	simm.s32 $0x10;
	s30 =	simm.s32 $0x8;
	s1 =	sand.u32 $0x1, s0  }
0x8: {  	s0 =	stileid.u32;
	s3 =	sshll.u32 s1, $0x4;
	s6 =	smul.u32 $0x60000, s1  }
0x9: {  	s7 =	sand.u32 $0x7, s0;
	s25 =	sshll.u32 s0, $0x3;
	s9 =	smul.u32 $0x18000, s0  }
0xa: {  	s1 =	ssub.s32 $0x2, s1;
	s3 =	sor.u32 s0, s3;
	s7 =	smul.u32 $0xC000, s7  }
0xb: {  	s26 =	sand.u32 $0x40, s25;
	s31 =	sshrl.u32 s1, $0x1;
	s25 =	simm.s32 $0x1380  }
0xc: {  	s4 =	smul.u32 $0xA80, s3;
	s3 =	simm.s32 $0x0;
	s9 =	sshrl.u32 s9, $0x2  }
0xd: {  	s1 =	ssub.s32 s1, s31;
	[smem:$0x7FF] =	sst s3;
	s6 =	sadd.s32 s6, s7  }
0xe: {  	s4 =	sshrl.u32 s4, $0x3;
	_ =	strace $0x8000004A;
	s6 =	sor.u32 s26, s6  }
0xf: {  	s26 =	simm.s32 $0x1400;
	s8 =	sadd.s32 s4, s5;
	s6 =	sshrl.u32 s6, $0x3  }
0x10: {  	s4 =	sadd.s32 $0x2400, s5;
	s10 =	sadd.s32 s6, s5;
	s5 =	sadd.s32 s9, s2  }
0x11: {  	s6 =	sadd.s32 $0xC8400, s8;
	s7 =	sadd.s32 $0xCAE00, s8;
	s9 =	smax.u32 s1, $0x1  }
0x12: {  	v0 =	vimm.f32 $0.0e+00;
	v1 =	vimm.s32 $0x0;
	s8 =	sadd.s32 $0x2A400, s10;
	s10 =	sadd.s32 $0x2000, s5;
	s11 =	sadd.s32 $0x4000, s5  }
.LBB2_1:
0x13: {  	s14 =	simm.s32 $0x100;
	s1 =	simm.s32 $0x0  }
.LBB2_2:
0x14: {  	p0 =	sne.s32 s14, $0x7F00;
	[tilespmem:s1+$0x1530] =	vst v0;
	s31 =	smov.u32 s14;
	s14 =	sadd.s32 $0x100, s14  }
.Ltmp0:
0x15: {  	[tilespmem:s1+$0x1520] =	vst v0;
	(pc) =	sbr.rel @p0 .LBB2_2-.Ltmp0, $3  }
0x16: {  	[tilespmem:s1+$0x1500] =	vst v0  }
0x17: {  	[tilespmem:s1+$0x1510] =	vst v0;
	_ =	sdelay $0x1  }
0x18: {  	s1 =	sshra.s32 s31, $0x2  }
0x19: {  	[tilespmem:s1+$0x1530] =	vst v0  }
0x1a: {  	[tilespmem:s1+$0x1520] =	vst v0  }
0x1b: {  	[tilespmem:s1+$0x1500] =	vst v0  }
0x1c: {  	[tilespmem:s1+$0x1510] =	vst v0  }
0x1d: {  	[spmem:s5] =	stream.linear.scatter [tilespmem:s12], [sflag:$0x1], $0x2000, $0x38;
	[tilespmem:$0xD500] =	vst v63  }
0x1e: {  	_ = 	snop  }
0x1f: {  	[spmem:s10] =	stream.linear.scatter [tilespmem:s12], [sflag:$0x1], $0x2000, $0x38;
	[tilespmem:$0xD500] =	vst v63  }
0x20: {  	_ = 	snop  }
0x21: {  	[spmem:s11] =	stream.linear.scatter [tilespmem:s12], [sflag:$0x1], $0x2000, $0x38;
	[tilespmem:$0xD500] =	vst v63  }
0x22: {  	s18 =	simm.s32 $0x0  }
0x23: {  	[tilespmem:s18], [sflag:$0x7] =	stream.linear.gather [hbm4b:s6+s18], $0xA80, $0x38;
	[tilespmem:$0xD500] =	vst v63  }
0x24: {  	_ =	swait.ge [sflag:s13], $0xA80  }
0x25: {  	[sflag:s13] =	ssyncset.done $0x0  }
0x26: {  	s14 =	simm.s32 $0xA80;
	[sflag:s13] =	ssyncadd.s32 $0xFFFFF580  }
0x27: {  	[tilespmem:s14], [sflag:$0x7] =	stream.linear.gather [hbm4b:s7+s18], $0xA80, $0x38;
	[tilespmem:$0xD500] =	vst v63  }
0x28: {  	_ =	swait.ge [sflag:s13], $0xA80  }
0x29: {  	[sflag:s13] =	ssyncset.done $0x0  }
0x2a: {  	[sflag:s13] =	ssyncadd.s32 $0xFFFFF580  }
0x2b: {  	_ =	swait.ge [sflag:s15], $0x2000  }
0x2c: {  	[sflag:s15] =	ssyncset.done $0x0  }
0x2d: {  	[sflag:s15] =	ssyncadd.s32 $0xFFFFE000  }
0x2e: {  	_ =	swait.ge [sflag:s15], $0x2000  }
0x2f: {  	[sflag:s15] =	ssyncset.done $0x0  }
0x30: {  	[sflag:s15] =	ssyncadd.s32 $0xFFFFE000  }
0x31: {  	_ =	swait.ge [sflag:s15], $0x2000  }
0x32: {  	[sflag:s15] =	ssyncset.done $0x0  }
0x33: {  	[sflag:s15] =	ssyncadd.s32 $0xFFFFE000  }
0x34: {  	[bflag:$0x0] =	sbarrier.arrive $0xFFFF  }
0x35: {  	v2 =	vld [tilespmem:$0x0]  }
0x36: {  	v3 =	vld [tilespmem:$0x10]  }
0x37: {  	v4 =	vld [tilespmem:$0x20];
	_ =	sdelay $0x1  }
0x38: {  	v5 =	vld [tilespmem:$0x30]  }
0x39: {  	v6 =	vld [tilespmem:$0x40];
	vm0 =	vgt.s32 v2, $0x27FF  }
0x3a: {  	v8 =	vld [tilespmem:$0x50];
	v2 =	vshll.u32 v2, $0x1;
	v7 =	vsel vm0, $0xFFFFB001, v1;
	vm0 =	vgt.s32 v3, $0x27FF  }
0x3b: {  	v2 =	vadd.s32 v2, v7;
	v7 =	vsel vm0, $0xFFFFB001, v1;
	vm0 =	vgt.s32 v4, $0x27FF  }
0x3c: {  	v10 =	vld [tilespmem:$0x60];
	v3 =	vshll.u32 v3, $0x1;
	v4 =	vshll.u32 v4, $0x1;
	v9 =	vsel vm0, $0xFFFFB001, v1  }
0x3d: {  	v3 =	vadd.s32 v3, v7;
	vm0 =	vgt.s32 v5, $0x27FF;
	v7 =	vld [tilespmem:$0x70];
	v5 =	vshll.u32 v5, $0x1  }
0x3e: {  	[tilespmem:$0x0] =	vst v2;
	v4 =	vadd.s32 v4, v9;
	v2 =	vsel vm0, $0xFFFFB001, v1;
	vm0 =	vgt.s32 v6, $0x27FF  }
0x3f: {  	[tilespmem:$0x10] =	vst v3;
	v2 =	vadd.s32 v5, v2;
	v3 =	vsel vm0, $0xFFFFB001, v1;
	vm0 =	vgt.s32 v8, $0x27FF  }
0x40: {  	[tilespmem:$0x20] =	vst v4;
	v4 =	vshll.u32 v6, $0x1;
	v6 =	vshll.u32 v8, $0x1;
	v5 =	vsel vm0, $0xFFFFB001, v1  }
0x41: {  	[tilespmem:$0x30] =	vst v2;
	v2 =	vadd.s32 v4, v3;
	vm0 =	vgt.s32 v10, $0x27FF;
	v4 =	vshll.u32 v10, $0x1  }
0x42: {  	v3 =	vadd.s32 v6, v5;
	[tilespmem:$0x40] =	vst v2;
	v2 =	vsel vm0, $0xFFFFB001, v1;
	vm0 =	vgt.s32 v7, $0x27FF  }
0x43: {  	[tilespmem:$0x50] =	vst v3;
	v2 =	vadd.s32 v4, v2;
	v4 =	vshll.u32 v7, $0x1;
	v3 =	vsel vm0, $0xFFFFB001, v1  }
0x44: {  	[tilespmem:$0x60] =	vst v2;
	v2 =	vadd.s32 v4, v3  }
0x45: {  	[tilespmem:$0x70] =	vst v2  }
0x46: {  	[tilespmem:s12], [sflag:$0x1] =	stream.indirect.gather [hbm4b:s4+s16], $0x40, s18, s16, $0xb8;
	[tilespmem:$0xD500] =	vst v63  }
0x47: {  	v2 =	vld [tilespmem:$0x80]  }
0x48: {  	v3 =	vld [tilespmem:$0x90]  }
0x49: {  	v4 =	vld [tilespmem:$0xA0];
	_ =	sdelay $0x1  }
0x4a: {  	v5 =	vld [tilespmem:$0xB0]  }
0x4b: {  	v6 =	vld [tilespmem:$0xC0];
	vm0 =	vgt.s32 v2, $0x27FF  }
0x4c: {  	v8 =	vld [tilespmem:$0xD0];
	v2 =	vshll.u32 v2, $0x1;
	v7 =	vsel vm0, $0xFFFFB001, v1;
	vm0 =	vgt.s32 v3, $0x27FF  }
0x4d: {  	v2 =	vadd.s32 v2, v7;
	v7 =	vsel vm0, $0xFFFFB001, v1;
	vm0 =	vgt.s32 v4, $0x27FF  }
0x4e: {  	v10 =	vld [tilespmem:$0xE0];
	v3 =	vshll.u32 v3, $0x1;
	v4 =	vshll.u32 v4, $0x1;
	v9 =	vsel vm0, $0xFFFFB001, v1  }
0x4f: {  	v3 =	vadd.s32 v3, v7;
	vm0 =	vgt.s32 v5, $0x27FF;
	v7 =	vld [tilespmem:$0xF0];
	v5 =	vshll.u32 v5, $0x1  }
0x50: {  	[tilespmem:$0x80] =	vst v2;
	v4 =	vadd.s32 v4, v9;
	v2 =	vsel vm0, $0xFFFFB001, v1;
	vm0 =	vgt.s32 v6, $0x27FF  }
0x51: {  	[tilespmem:$0x90] =	vst v3;
	v2 =	vadd.s32 v5, v2;
	v3 =	vsel vm0, $0xFFFFB001, v1;
	vm0 =	vgt.s32 v8, $0x27FF  }
0x52: {  	[tilespmem:$0xA0] =	vst v4;
	v4 =	vshll.u32 v6, $0x1;
	v6 =	vshll.u32 v8, $0x1;
	v5 =	vsel vm0, $0xFFFFB001, v1  }
0x53: {  	[tilespmem:$0xB0] =	vst v2;
	v2 =	vadd.s32 v4, v3;
	vm0 =	vgt.s32 v10, $0x27FF;
	v4 =	vshll.u32 v10, $0x1  }
0x54: {  	v3 =	vadd.s32 v6, v5;
	[tilespmem:$0xC0] =	vst v2;
	v2 =	vsel vm0, $0xFFFFB001, v1;
	vm0 =	vgt.s32 v7, $0x27FF  }
0x55: {  	[tilespmem:$0xD0] =	vst v3;
	v2 =	vadd.s32 v4, v2;
	v4 =	vshll.u32 v7, $0x1;
	v3 =	vsel vm0, $0xFFFFB001, v1  }
0x56: {  	[tilespmem:$0xE0] =	vst v2;
	v2 =	vadd.s32 v4, v3  }
0x57: {  	[tilespmem:$0xF0] =	vst v2  }
0x58: {  	[tilespmem:s17], [sflag:$0x2] =	stream.indirect.gather [hbm4b:s4+s16], $0x40, s16, s16, $0xb8;
	[tilespmem:$0xD500] =	vst v63  }
0x59: {  	v2 =	vld [tilespmem:$0x100]  }
0x5a: {  	v3 =	vld [tilespmem:$0x110]  }
0x5b: {  	v4 =	vld [tilespmem:$0x120];
	_ =	sdelay $0x1  }
0x5c: {  	v5 =	vld [tilespmem:$0x130]  }
0x5d: {  	v6 =	vld [tilespmem:$0x140];
	vm0 =	vgt.s32 v2, $0x27FF  }
0x5e: {  	v8 =	vld [tilespmem:$0x150];
	v2 =	vshll.u32 v2, $0x1;
	v7 =	vsel vm0, $0xFFFFB001, v1;
	vm0 =	vgt.s32 v3, $0x27FF  }
0x5f: {  	v2 =	vadd.s32 v2, v7;
	v7 =	vsel vm0, $0xFFFFB001, v1;
	vm0 =	vgt.s32 v4, $0x27FF  }
0x60: {  	v10 =	vld [tilespmem:$0x160];
	v3 =	vshll.u32 v3, $0x1;
	v4 =	vshll.u32 v4, $0x1;
	v9 =	vsel vm0, $0xFFFFB001, v1  }
0x61: {  	v3 =	vadd.s32 v3, v7;
	vm0 =	vgt.s32 v5, $0x27FF;
	v7 =	vld [tilespmem:$0x170];
	v5 =	vshll.u32 v5, $0x1  }
0x62: {  	[tilespmem:$0x100] =	vst v2;
	v4 =	vadd.s32 v4, v9;
	v2 =	vsel vm0, $0xFFFFB001, v1;
	vm0 =	vgt.s32 v6, $0x27FF  }
0x63: {  	[tilespmem:$0x110] =	vst v3;
	v2 =	vadd.s32 v5, v2;
	v3 =	vsel vm0, $0xFFFFB001, v1;
	vm0 =	vgt.s32 v8, $0x27FF  }
0x64: {  	[tilespmem:$0x120] =	vst v4;
	v4 =	vshll.u32 v6, $0x1;
	v6 =	vshll.u32 v8, $0x1;
	v5 =	vsel vm0, $0xFFFFB001, v1  }
0x65: {  	[tilespmem:$0x130] =	vst v2;
	v2 =	vadd.s32 v4, v3;
	vm0 =	vgt.s32 v10, $0x27FF;
	v4 =	vshll.u32 v10, $0x1  }
0x66: {  	v3 =	vadd.s32 v6, v5;
	[tilespmem:$0x140] =	vst v2;
	v2 =	vsel vm0, $0xFFFFB001, v1;
	vm0 =	vgt.s32 v7, $0x27FF  }
0x67: {  	[tilespmem:$0x150] =	vst v3;
	v2 =	vadd.s32 v4, v2;
	v4 =	vshll.u32 v7, $0x1;
	v3 =	vsel vm0, $0xFFFFB001, v1  }
0x68: {  	[tilespmem:$0x160] =	vst v2;
	v2 =	vadd.s32 v4, v3  }
0x69: {  	s18 =	simm.s32 $0x100;
	[tilespmem:$0x170] =	vst v2  }
0x6a: {  	[tilespmem:s19], [sflag:$0x3] =	stream.indirect.gather [hbm4b:s4+s16], $0x40, s18, s16, $0xb8;
	[tilespmem:$0xD500] =	vst v63  }
0x6b: {  	_ =	swait.ge [sflag:s15], $0x2000  }
0x6c: {  	[sflag:s15] =	ssyncset.done $0x0  }
0x6d: {  	s14 =	simm.s32 $0xA80;
	[sflag:s15] =	ssyncadd.s32 $0xFFFFE000  }
0x6e: {  	[spmem:s2] =	stream.indirect.scatter.add.f32 [tilespmem:s12], [sflag:$0x4], $0x40, s14, s16, $0xb8;
	[tilespmem:$0xD500] =	vst v63  }
0x6f: {  	_ =	swait.ge [sflag:s20], $0x2000  }
0x70: {  	[sflag:s20] =	ssyncset.done $0x0  }
0x71: {  	s18 =	simm.s32 $0xB00;
	[sflag:s20] =	ssyncadd.s32 $0xFFFFE000  }
0x72: {  	[spmem:s2] =	stream.indirect.scatter.add.f32 [tilespmem:s17], [sflag:$0x5], $0x40, s18, s16, $0xb8;
	[tilespmem:$0xD500] =	vst v63  }
0x73: {  	_ =	swait.ge [sflag:s21], $0x2000  }
0x74: {  	[sflag:s21] =	ssyncset.done $0x0  }
0x75: {  	s14 =	simm.s32 $0xB80;
	[sflag:s21] =	ssyncadd.s32 $0xFFFFE000  }
0x76: {  	[spmem:s2] =	stream.indirect.scatter.add.f32 [tilespmem:s19], [sflag:$0x6], $0x40, s14, s16, $0xb8;
	[tilespmem:$0xD500] =	vst v63  }
0x77: {  	_ =	swait.ge [sflag:s22], $0x2000  }
0x78: {  	[sflag:s22] =	ssyncset.done $0x0  }
0x79: {  	s31 =	simm.s32 $0x0;
	[sflag:s22] =	ssyncadd.s32 $0xFFFFE000  }
0x7a: {  	v2 =	vld [tilespmem:s31+$0x1F0]  }
0x7b: {  	v3 =	vld [tilespmem:s31+$0x1E0]  }
0x7c: {  	v4 =	vld [tilespmem:s31+$0x1D0]  }
0x7d: {  	v5 =	vld [tilespmem:s31+$0x180];
	_ =	sdelay $0x1  }
0x7e: {  	v6 =	vld [tilespmem:s31+$0x1A0]  }
0x7f: {  	vm0 =	vgt.s32 v2, $0x27FF;
	v2 =	vshll.u32 v2, $0x1  }
0x80: {  	v7 =	vld [tilespmem:s31+$0x1C0];
	vm1 =	vgt.s32 v3, $0x27FF;
	v3 =	vshll.u32 v3, $0x1;
	v8 =	vsel vm0, $0xFFFFB001, v1  }
0x81: {  	v9 =	vld [tilespmem:s31+$0x1B0];
	v10 =	vsel vm1, $0xFFFFB001, v1;
	vm0 =	vgt.s32 v4, $0x27FF;
	vm1 =	vgt.s32 v5, $0x27FF  }
0x82: {  	v5 =	vshll.u32 v5, $0x1;
	v2 =	vadd.s32 v2, v8;
	v3 =	vadd.s32 v3, v10  }
0x83: {  	v8 =	vld [tilespmem:s31+$0x190];
	v10 =	vsel vm0, $0xFFFFB001, v1;
	vm0 =	vgt.s32 v6, $0x27FF;
	[tilespmem:s31+$0x1F0] =	vst v2;
	v2 =	vsel vm1, $0xFFFFB001, v1  }
0x84: {  	v11 =	vshll.u32 v6, $0x1;
	[tilespmem:s31+$0x1E0] =	vst v3;
	v3 =	vsel vm0, $0xFFFFB001, v1;
	v2 =	vadd.s32 v5, v2  }
0x85: {  	v4 =	vshll.u32 v4, $0x1;
	[tilespmem:s31+$0x180] =	vst v2;
	v2 =	vadd.s32 v11, v3  }
0x86: {  	vm1 =	vgt.s32 v7, $0x27FF;
	vm0 =	vgt.s32 v9, $0x27FF;
	v3 =	vadd.s32 v4, v10;
	[tilespmem:s31+$0x1A0] =	vst v2  }
0x87: {  	v5 =	vsel vm1, $0xFFFFB001, v1;
	v2 =	vshll.u32 v7, $0x1;
	[tilespmem:s31+$0x1D0] =	vst v3;
	v3 =	vshll.u32 v9, $0x1  }
0x88: {  	vm1 =	vgt.s32 v8, $0x27FF;
	v2 =	vadd.s32 v2, v5;
	v5 =	vsel vm0, $0xFFFFB001, v1  }
0x89: {  	v6 =	vshll.u32 v8, $0x1;
	v4 =	vsel vm1, $0xFFFFB001, v1;
	[tilespmem:s31+$0x1C0] =	vst v2;
	v2 =	vadd.s32 v3, v5  }
0x8a: {  	v4 =	vadd.s32 v6, v4;
	[tilespmem:s31+$0x1B0] =	vst v2  }
0x8b: {  	s18 =	simm.s32 $0x180;
	[tilespmem:s31+$0x190] =	vst v4  }
0x8c: {  	[tilespmem:s12], [sflag:$0x1] =	stream.indirect.gather [hbm4b:s4+s16], $0x40, s18, s16, $0xb8;
	[tilespmem:$0xD500] =	vst v63  }
0x8d: {  	_ =	swait.ge [sflag:s23], $0x2000  }
0x8e: {  	[sflag:s23] =	ssyncset.done $0x0  }
0x8f: {  	[sflag:s23] =	ssyncadd.s32 $0xFFFFE000  }
0x90: {  	v3 =	vld [tilespmem:s31+$0x230]  }
0x91: {  	v5 =	vld [tilespmem:s31+$0x220]  }
0x92: {  	v7 =	vld [tilespmem:s31+$0x200]  }
0x93: {  	v2 =	vld [tilespmem:s31+$0x270]  }
0x94: {  	v4 =	vld [tilespmem:s31+$0x240]  }
0x95: {  	v12 =	vld [tilespmem:s31+$0x250]  }
0x96: {  	vm0 =	vgt.s32 v5, $0x27FF  }
0x97: {  	v5 =	vshll.u32 v5, $0x1;
	vm1 =	vgt.s32 v7, $0x27FF;
	v6 =	vsel vm0, $0xFFFFB001, v1  }
0x98: {  	vm2 =	vgt.s32 v3, $0x27FF;
	v10 =	vshll.u32 v3, $0x1;
	v11 =	vadd.s32 v5, v6;
	v5 =	vld [tilespmem:s31+$0x260]  }
0x99: {  	v7 =	vshll.u32 v7, $0x1;
	vm0 =	vgt.s32 v2, $0x27FF;
	v9 =	vsel vm2, $0xFFFFB001, v1  }
0x9a: {  	vm2 =	vgt.s32 v4, $0x27FF;
	v6 =	vsel vm1, $0xFFFFB001, v1;
	vm1 =	vgt.s32 v12, $0x27FF  }
0x9b: {  	s1 =	simm.s32 $0x600;
	v3 =	vld [tilespmem:s31+$0x210];
	v8 =	vsel vm2, $0xFFFFB001, v1;
	v12 =	vshll.u32 v12, $0x1;
	[tilespmem:s31+$0x220] =	vst v11;
	v11 =	vsel vm1, $0xFFFFB001, v1  }
.LBB2_4:
0x9c: {  	p0 =	sne.s32 s1, $0x1E00;
	v9 =	vadd.s32 v10, v9;
	v4 =	vshll.u32 v4, $0x1;
	v10 =	vadd.s32 v12, v11;
	s14 =	smov.u32 s1;
	s1 =	sadd.s32 $0x600, s1  }
0x9d: {  	vm1 =	vgt.s32 v5, $0x27FF;
	v5 =	vshll.u32 v5, $0x1;
	[tilespmem:s31+$0x230] =	vst v9;
	v4 =	vadd.s32 v4, v8  }
0x9e: {  	v2 =	vshll.u32 v2, $0x1;
	v8 =	vsel vm1, $0xFFFFB001, v1;
	v9 =	vsel vm0, $0xFFFFB001, v1;
	[tilespmem:s31+$0x250] =	vst v10  }
0x9f: {  	v6 =	vadd.s32 v7, v6;
	v2 =	vadd.s32 v2, v9;
	[tilespmem:s31+$0x240] =	vst v4;
	v4 =	vadd.s32 v5, v8  }
0xa0: {  	vm0 =	vgt.s32 v3, $0x27FF;
	[tilespmem:s31+$0x260] =	vst v4  }
0xa1: {  	v3 =	vshll.u32 v3, $0x1;
	v4 =	vsel vm0, $0xFFFFB001, v1;
	[tilespmem:s31+$0x270] =	vst v2  }
0xa2: {  	v2 =	vadd.s32 v3, v4;
	[tilespmem:s31+$0x200] =	vst v6  }
0xa3: {  	s18 =	sadd.s32 $0x200, s31;
	[tilespmem:s31+$0x210] =	vst v2  }
0xa4: {  	[tilespmem:s17], [sflag:$0x2] =	stream.indirect.gather [hbm4b:s4+s16], $0x40, s18, s16, $0xb8;
	[tilespmem:$0xD500] =	vst v63  }
0xa5: {  	_ =	swait.ge [sflag:s24], $0x2000  }
0xa6: {  	[sflag:s24] =	ssyncset.done $0x0  }
0xa7: {  	[sflag:s24] =	ssyncadd.s32 $0xFFFFE000  }
0xa8: {  	v2 =	vld [tilespmem:s31+$0x280]  }
0xa9: {  	v3 =	vld [tilespmem:s31+$0x290]  }
0xaa: {  	v4 =	vld [tilespmem:s31+$0x2A0]  }
0xab: {  	v5 =	vld [tilespmem:s31+$0x2B0]  }
0xac: {  	v6 =	vld [tilespmem:s31+$0x2C0]  }
0xad: {  	vm0 =	vgt.s32 v2, $0x27FF;
	v7 =	vld [tilespmem:s31+$0x2D0]  }
0xae: {  	v2 =	vshll.u32 v2, $0x1;
	v8 =	vsel vm0, $0xFFFFB001, v1;
	vm0 =	vgt.s32 v3, $0x27FF;
	v9 =	vld [tilespmem:s31+$0x2E0]  }
0xaf: {  	v3 =	vshll.u32 v3, $0x1;
	v10 =	vsel vm0, $0xFFFFB001, v1;
	vm0 =	vgt.s32 v4, $0x27FF;
	v11 =	vld [tilespmem:s31+$0x2F0]  }
0xb0: {  	v4 =	vshll.u32 v4, $0x1;
	v12 =	vsel vm0, $0xFFFFB001, v1;
	vm0 =	vgt.s32 v5, $0x27FF  }
0xb1: {  	v5 =	vshll.u32 v5, $0x1;
	v4 =	vadd.s32 v4, v12;
	v12 =	vsel vm0, $0xFFFFB001, v1  }
0xb2: {  	[tilespmem:s31+$0x2A0] =	vst v4;
	v4 =	vadd.s32 v5, v12;
	vm0 =	vgt.s32 v7, $0x27FF;
	v5 =	vshll.u32 v7, $0x1  }
0xb3: {  	[tilespmem:s31+$0x2B0] =	vst v4;
	v4 =	vsel vm0, $0xFFFFB001, v1;
	vm0 =	vgt.s32 v9, $0x27FF;
	v7 =	vshll.u32 v9, $0x1  }
0xb4: {  	vm1 =	vgt.s32 v6, $0x27FF;
	v4 =	vadd.s32 v5, v4;
	v5 =	vsel vm0, $0xFFFFB001, v1  }
0xb5: {  	v6 =	vshll.u32 v6, $0x1;
	vm0 =	vgt.s32 v11, $0x27FF;
	[tilespmem:s31+$0x2D0] =	vst v4;
	v4 =	vadd.s32 v7, v5  }
0xb6: {  	v5 =	vsel vm1, $0xFFFFB001, v1;
	v7 =	vshll.u32 v11, $0x1;
	[tilespmem:s31+$0x2E0] =	vst v4;
	v4 =	vsel vm0, $0xFFFFB001, v1  }
0xb7: {  	v3 =	vadd.s32 v3, v10;
	v5 =	vadd.s32 v6, v5;
	v4 =	vadd.s32 v7, v4  }
0xb8: {  	v2 =	vadd.s32 v2, v8;
	[tilespmem:s31+$0x290] =	vst v3  }
0xb9: {  	[tilespmem:s31+$0x280] =	vst v2  }
0xba: {  	s18 =	sadd.s32 $0x280, s31;
	[tilespmem:s31+$0x2F0] =	vst v4  }
0xbb: {  	[tilespmem:s31+$0x2C0] =	vst v5  }
0xbc: {  	[tilespmem:s19], [sflag:$0x3] =	stream.indirect.gather [hbm4b:s4+s16], $0x40, s18, s16, $0xb8;
	[tilespmem:$0xD500] =	vst v63  }
0xbd: {  	_ =	swait.ge [sflag:s15], $0x2000  }
0xbe: {  	s31 =	sshra.s32 s14, $0x2;
	[sflag:s15] =	ssyncset.done $0x0  }
0xbf: {  	s14 =	sadd.s32 $0xA80, s31;
	[sflag:s15] =	ssyncadd.s32 $0xFFFFE000  }
0xc0: {  	[spmem:s2] =	stream.indirect.scatter.add.f32 [tilespmem:s12], [sflag:$0x4], $0x40, s14, s16, $0xb8;
	[tilespmem:$0xD500] =	vst v63  }
0xc1: {  	_ =	swait.ge [sflag:s20], $0x2000  }
0xc2: {  	[sflag:s20] =	ssyncset.done $0x0  }
0xc3: {  	s14 =	sadd.s32 $0xB00, s31;
	[sflag:s20] =	ssyncadd.s32 $0xFFFFE000  }
0xc4: {  	[spmem:s2] =	stream.indirect.scatter.add.f32 [tilespmem:s17], [sflag:$0x5], $0x40, s14, s16, $0xb8;
	[tilespmem:$0xD500] =	vst v63  }
0xc5: {  	_ =	swait.ge [sflag:s21], $0x2000  }
0xc6: {  	[sflag:s21] =	ssyncset.done $0x0  }
0xc7: {  	s14 =	sadd.s32 $0xB80, s31;
	[sflag:s21] =	ssyncadd.s32 $0xFFFFE000  }
0xc8: {  	[spmem:s2] =	stream.indirect.scatter.add.f32 [tilespmem:s19], [sflag:$0x6], $0x40, s14, s16, $0xb8;
	[tilespmem:$0xD500] =	vst v63  }
0xc9: {  	_ =	swait.ge [sflag:s22], $0x2000  }
0xca: {  	[sflag:s22] =	ssyncset.done $0x0  }
0xcb: {  	[sflag:s22] =	ssyncadd.s32 $0xFFFFE000  }
0xcc: {  	v2 =	vld [tilespmem:s31+$0x1F0]  }
0xcd: {  	v3 =	vld [tilespmem:s31+$0x1E0]  }
0xce: {  	v4 =	vld [tilespmem:s31+$0x1A0]  }
0xcf: {  	v5 =	vld [tilespmem:s31+$0x1D0]  }
0xd0: {  	v6 =	vld [tilespmem:s31+$0x180]  }
0xd1: {  	v7 =	vld [tilespmem:s31+$0x1C0];
	vm0 =	vgt.s32 v2, $0x27FF;
	v2 =	vshll.u32 v2, $0x1  }
0xd2: {  	v8 =	vld [tilespmem:s31+$0x1B0];
	vm1 =	vgt.s32 v3, $0x27FF;
	v3 =	vshll.u32 v3, $0x1;
	v9 =	vsel vm0, $0xFFFFB001, v1  }
0xd3: {  	v10 =	vld [tilespmem:s31+$0x190];
	v11 =	vsel vm1, $0xFFFFB001, v1;
	v2 =	vadd.s32 v2, v9  }
0xd4: {  	vm0 =	vgt.s32 v5, $0x27FF;
	v5 =	vshll.u32 v5, $0x1;
	v3 =	vadd.s32 v3, v11;
	[tilespmem:s31+$0x1F0] =	vst v2  }
0xd5: {  	vm1 =	vgt.s32 v6, $0x27FF;
	v2 =	vshll.u32 v6, $0x1;
	v6 =	vsel vm0, $0xFFFFB001, v1  }
0xd6: {  	v11 =	vshll.u32 v4, $0x1;
	v9 =	vsel vm1, $0xFFFFB001, v1;
	vm0 =	vgt.s32 v7, $0x27FF;
	[tilespmem:s31+$0x1E0] =	vst v3  }
0xd7: {  	vm1 =	vgt.s32 v4, $0x27FF;
	v2 =	vadd.s32 v2, v9;
	v3 =	vsel vm0, $0xFFFFB001, v1  }
0xd8: {  	vm0 =	vgt.s32 v8, $0x27FF;
	v4 =	vshll.u32 v8, $0x1;
	[tilespmem:s31+$0x180] =	vst v2;
	v2 =	vsel vm1, $0xFFFFB001, v1  }
0xd9: {  	vm1 =	vgt.s32 v10, $0x27FF;
	v8 =	vsel vm0, $0xFFFFB001, v1;
	v2 =	vadd.s32 v11, v2  }
0xda: {  	v5 =	vadd.s32 v5, v6;
	[tilespmem:s31+$0x1A0] =	vst v2;
	v2 =	vadd.s32 v4, v8;
	v4 =	vshll.u32 v7, $0x1  }
0xdb: {  	v6 =	vsel vm1, $0xFFFFB001, v1;
	v7 =	vshll.u32 v10, $0x1;
	v3 =	vadd.s32 v4, v3;
	[tilespmem:s31+$0x1D0] =	vst v5  }
0xdc: {  	v4 =	vadd.s32 v7, v6;
	[tilespmem:s31+$0x1C0] =	vst v3  }
0xdd: {  	[tilespmem:s31+$0x190] =	vst v4  }
0xde: {  	s14 =	sadd.s32 $0x180, s31;
	[tilespmem:s31+$0x1B0] =	vst v2  }
0xdf: {  	[tilespmem:s12], [sflag:$0x1] =	stream.indirect.gather [hbm4b:s4+s16], $0x40, s14, s16, $0xb8;
	[tilespmem:$0xD500] =	vst v63  }
0xe0: {  	_ =	swait.ge [sflag:s23], $0x2000  }
0xe1: {  	[sflag:s23] =	ssyncset.done $0x0  }
0xe2: {  	[sflag:s23] =	ssyncadd.s32 $0xFFFFE000  }
0xe3: {  	v6 =	vld [tilespmem:s31+$0x230]  }
0xe4: {  	v3 =	vld [tilespmem:s31+$0x220]  }
0xe5: {  	v2 =	vld [tilespmem:s31+$0x270]  }
0xe6: {  	v7 =	vld [tilespmem:s31+$0x200]  }
0xe7: {  	v4 =	vld [tilespmem:s31+$0x240]  }
0xe8: {  	v12 =	vld [tilespmem:s31+$0x250]  }
0xe9: {  	vm0 =	vgt.s32 v3, $0x27FF;
	v8 =	vshll.u32 v3, $0x1;
	v5 =	vld [tilespmem:s31+$0x260]  }
.Ltmp1:
0xea: {  	v3 =	vld [tilespmem:s31+$0x210];
	v9 =	vsel vm0, $0xFFFFB001, v1;
	vm0 =	vgt.s32 v2, $0x27FF;
	(pc) =	sbr.rel @p0 .LBB2_4-.Ltmp1, $4  }
0xeb: {  	vm2 =	vgt.s32 v6, $0x27FF;
	vm1 =	vgt.s32 v7, $0x27FF;
	v8 =	vadd.s32 v8, v9  }
0xec: {  	v10 =	vshll.u32 v6, $0x1;
	v9 =	vsel vm2, $0xFFFFB001, v1;
	[tilespmem:s31+$0x220] =	vst v8;
	vm2 =	vgt.s32 v4, $0x27FF  }
0xed: {  	v6 =	vsel vm1, $0xFFFFB001, v1;
	v8 =	vsel vm2, $0xFFFFB001, v1;
	vm1 =	vgt.s32 v12, $0x27FF  }
0xee: {  	v7 =	vshll.u32 v7, $0x1;
	v12 =	vshll.u32 v12, $0x1;
	v11 =	vsel vm1, $0xFFFFB001, v1  }
0xef: {  	v9 =	vadd.s32 v10, v9  }
0xf0: {  	v4 =	vshll.u32 v4, $0x1;
	v39 =	vadd.s32 v12, v11;
	[tilespmem:s31+$0x230] =	vst v9  }
0xf1: {  	vm1 =	vgt.s32 v5, $0x27FF;
	v40 =	vshll.u32 v5, $0x1;
	v44 =	vadd.s32 v7, v6;
	[tilespmem:s31+$0x250] =	vst v39  }
0xf2: {  	v42 =	vsel vm0, $0xFFFFB001, v1;
	v2 =	vshll.u32 v2, $0x1;
	v4 =	vadd.s32 v4, v8;
	[tilespmem:s31+$0x200] =	vst v44  }
0xf3: {  	vm7 =	vgt.s32 v3, $0x27FF;
	v41 =	vsel vm1, $0xFFFFB001, v1;
	v2 =	vadd.s32 v2, v42;
	[tilespmem:s31+$0x240] =	vst v4  }
0xf4: {  	v3 =	vshll.u32 v3, $0x1;
	v45 =	vsel vm7, $0xFFFFB001, v1;
	v43 =	vadd.s32 v40, v41;
	[tilespmem:s31+$0x270] =	vst v2  }
0xf5: {  	v2 =	vadd.s32 v3, v45;
	[tilespmem:s31+$0x260] =	vst v43  }
0xf6: {  	s1 =	sadd.s32 $0x200, s31;
	[tilespmem:s31+$0x210] =	vst v2  }
0xf7: {  	[tilespmem:s17], [sflag:$0x2] =	stream.indirect.gather [hbm4b:s4+s16], $0x40, s1, s16, $0xb8;
	[tilespmem:$0xD500] =	vst v63  }
0xf8: {  	_ =	swait.ge [sflag:s24], $0x2000  }
0xf9: {  	[sflag:s24] =	ssyncset.done $0x0  }
0xfa: {  	[sflag:s24] =	ssyncadd.s32 $0xFFFFE000  }
0xfb: {  	v2 =	vld [tilespmem:s31+$0x280]  }
0xfc: {  	v3 =	vld [tilespmem:s31+$0x290]  }
0xfd: {  	v46 =	vld [tilespmem:s31+$0x2A0]  }
0xfe: {  	v47 =	vld [tilespmem:s31+$0x2B0]  }
0xff: {  	v48 =	vld [tilespmem:s31+$0x2D0]  }
0x100: {  	v49 =	vld [tilespmem:s31+$0x2E0]  }
0x101: {  	vm8 =	vgt.s32 v2, $0x27FF  }
0x102: {  	v2 =	vshll.u32 v2, $0x1;
	vm9 =	vgt.s32 v46, $0x27FF;
	vm10 =	vgt.s32 v3, $0x27FF  }
0x103: {  	v51 =	vld [tilespmem:s31+$0x2C0];
	vm11 =	vgt.s32 v47, $0x27FF;
	v4 =	vshll.u32 v46, $0x1;
	v5 =	vshll.u32 v47, $0x1  }
0x104: {  	v53 =	vld [tilespmem:s31+$0x2F0];
	vm12 =	vgt.s32 v48, $0x27FF;
	v55 =	vshll.u32 v48, $0x1;
	v52 =	vsel vm9, $0xFFFFB001, v1  }
0x105: {  	vm13 =	vgt.s32 v49, $0x27FF;
	v54 =	vsel vm11, $0xFFFFB001, v1;
	v4 =	vadd.s32 v4, v52  }
0x106: {  	v57 =	vshll.u32 v49, $0x1;
	v58 =	vsel vm13, $0xFFFFB001, v1;
	v5 =	vadd.s32 v5, v54;
	[tilespmem:s31+$0x2A0] =	vst v4  }
0x107: {  	v3 =	vshll.u32 v3, $0x1;
	v59 =	vsel vm10, $0xFFFFB001, v1;
	v60 =	vadd.s32 v57, v58;
	[tilespmem:s31+$0x2B0] =	vst v5  }
0x108: {  	vm14 =	vgt.s32 v51, $0x27FF;
	v50 =	vsel vm8, $0xFFFFB001, v1;
	v3 =	vadd.s32 v3, v59;
	[tilespmem:s31+$0x2E0] =	vst v60  }
0x109: {  	vm15 =	vgt.s32 v53, $0x27FF;
	v56 =	vsel vm12, $0xFFFFB001, v1;
	v2 =	vadd.s32 v2, v50;
	[tilespmem:s31+$0x290] =	vst v3  }
0x10a: {  	v62 =	vshll.u32 v53, $0x1;
	v61 =	vsel vm15, $0xFFFFB001, v1;
	v4 =	vadd.s32 v55, v56;
	[tilespmem:s31+$0x280] =	vst v2  }
0x10b: {  	v63 =	vsel vm14, $0xFFFFB001, v1;
	v3 =	vshll.u32 v51, $0x1;
	[tilespmem:s31+$0x2D0] =	vst v4;
	v4 =	vadd.s32 v62, v61  }
0x10c: {  	v2 =	vadd.s32 v3, v63;
	[tilespmem:s31+$0x2F0] =	vst v4  }
0x10d: {  	s18 =	sadd.s32 $0x280, s31;
	[tilespmem:s31+$0x2C0] =	vst v2  }
0x10e: {  	[tilespmem:s19], [sflag:$0x3] =	stream.indirect.gather [hbm4b:s4+s16], $0x40, s18, s16, $0xb8;
	[tilespmem:$0xD500] =	vst v63  }
0x10f: {  	_ =	swait.ge [sflag:s15], $0x2000  }
0x110: {  	[sflag:s15] =	ssyncset.done $0x0  }
0x111: {  	[sflag:s15] =	ssyncadd.s32 $0xFFFFE000  }
0x112: {  	[spmem:s2] =	stream.indirect.scatter.add.f32 [tilespmem:s12], [sflag:$0x4], $0x40, s25, s16, $0xb8;
	[tilespmem:$0xD500] =	vst v63  }
0x113: {  	_ =	swait.ge [sflag:s20], $0x2000  }
0x114: {  	[sflag:s20] =	ssyncset.done $0x0  }
0x115: {  	[sflag:s20] =	ssyncadd.s32 $0xFFFFE000  }
0x116: {  	[spmem:s2] =	stream.indirect.scatter.add.f32 [tilespmem:s17], [sflag:$0x5], $0x40, s26, s16, $0xb8;
	[tilespmem:$0xD500] =	vst v63  }
0x117: {  	_ =	swait.ge [sflag:s21], $0x2000  }
0x118: {  	[sflag:s21] =	ssyncset.done $0x0  }
0x119: {  	[sflag:s21] =	ssyncadd.s32 $0xFFFFE000  }
0x11a: {  	[spmem:s2] =	stream.indirect.scatter.add.f32 [tilespmem:s19], [sflag:$0x6], $0x40, s28, s16, $0xb8;
	[tilespmem:$0xD500] =	vst v63  }
0x11b: {  	_ =	swait.ge [sflag:s22], $0x2000  }
0x11c: {  	[sflag:s22] =	ssyncset.done $0x0  }
0x11d: {  	[sflag:s22] =	ssyncadd.s32 $0xFFFFE000  }
0x11e: {  	_ =	swait.ge [sflag:s23], $0x2000  }
0x11f: {  	[sflag:s23] =	ssyncset.done $0x0  }
0x120: {  	[sflag:s23] =	ssyncadd.s32 $0xFFFFE000  }
0x121: {  	_ =	swait.ge [sflag:s24], $0x2000  }
0x122: {  	s14 =	sshrl.u32 s5, $0x3;
	s3 =	sadd.s32 $0x1, s3;
	[sflag:s24] =	ssyncset.done $0x0  }
0x123: {  	p0 =	sne.s32 s3, s9;
	s31 =	sshll.u32 s0, $0x6;
	[sflag:s24] =	ssyncadd.s32 $0xFFFFE000  }
.Ltmp2:
0x124: {  	s1 =	sor.u32 $0x1C07, s31;
	[bflag:$0x0] =	sbarrier.arrive $0xFFFF;
	(pc) =	sbr.rel @p0 .LBB2_1-.Ltmp2, $4  }
0x125: {  	[hbm:s8@s29], [sflag:s1] =	dma.strided [spmem:s14@s30], $0xC00, s15, $0x8   }
0x126: {  	_ =	swait.ge [sflag:s13], $0xC00  }
0x127: {  	[sflag:s13] =	ssyncset.done $0x0  }
0x128: {  	[sflag:s13] =	ssyncadd.s32 $0xFFFFF400  }
0x129: {  	_ =	sfence.sel $0x180000  }
0x12a: {  	[bflag:$0x0] =	sbarrier.arrive $0xFFFF  }
0x12b: {  	_ =	strace $0x9000004A  }
0x12c: {  	[bflag:$0x2] =	sbarrier.arrive $0xFFFF  }
0x12d: {  	p0 =	sne.s32 s0, $0x0;
	s0 =	rddreg [dreg:$0x2]  }
0x12e: {  	s0 =	sadd.s32 @!p0 $0x100000, s0  }
0x12f: {  	[sflag:s0] =	ssyncadd.tile.s32 @!p0 $0x1;
	_ =	shalt  }
.Lfunc_end2:
_tile_overlayer_lowered:
.L_overlay_start_2:
0x130: {  	(tag) =	ssettag $0x2  }
0x131: {  	s0 =	rddreg [dreg:$0x0];
	s2 =	stileid.u32  }
0x132: {  	s1 =	rddreg [dreg:$0x1];
	p0 =	sne.s32 s2, $0x0  }
0x133: {  	s3 =	rddreg [dreg:$0x2];
	[bflag:$0x3] =	sbarrier.arrive $0xFFFF;
	s2 =	simm.s32 @!p0 $0x1C07  }
0x134: {  	[timem:s3], [sflag:s2] =	dma.local @!p0 [hbm:s0], s1  }
0x135: {  	s0 =	simm.s32 @!p0 $0x7  }
0x136: {  	_ =	swait.ge @!p0 [sflag:s0], s1  }
0x137: {  	s1 =	ssub.s32 @!p0 $0x0, s1;
	[sflag:s0] =	ssyncset.done @!p0 $0x0  }
0x138: {  	[sflag:s0] =	ssyncadd.s32 @!p0 s1  }
0x139: {  	[bflag:$0x3] =	sbarrier.arrive $0xFFFF  }
0x13a: {  	_ =	shalt  }

// kernel: kernel.7.cloned.1.call-start
scs
__scs_entry_jumppad:
0x0: {  	(pc) =	sbr.rel $0x88, $3  }
0x1: {  	(tag) =	ssettag $0x0;
	lr =	simm.s32 $0x1  }
0x2: {  	[smem:$0x3F96] =	sst lr;
	_ =	strace $0xD0000000  }
0x3: {  	_ = 	snop  }
0x4: {  	_ = 	snop  }
0x5: {  	_ = 	snop  }
0x6: {  	_ = 	snop  }
0x7: {  	_ = 	snop  }
__scs_overlays_trampoline_lowered:
0x8: {  	[smem:$0x3FA5] =	sst s0  }
0x9: {  	[smem:$0x3FA6] =	sst s1  }
0xa: {  	[smem:$0x3FA7] =	sst s2  }
0xb: {  	[smem:$0x3FA8] =	sst s3  }
0xc: {  	[smem:$0x3FA9] =	sst s4  }
0xd: {  	[smem:$0x3FAA] =	sst s5  }
0xe: {  	[smem:$0x3FAB] =	sst s6  }
0xf: {  	[smem:$0x3FAC] =	sst s7  }
0x10: {  	[smem:$0x3FAD] =	sst s8  }
0x11: {  	[smem:$0x3FAE] =	sst s9;
	s0 =	simm.s32 @!p0 $0x0  }
0x12: {  	s1 =	sld [smem:$0x3F94];
	s0 =	simm.s32 @p0 $0x1  }
0x13: {  	[smem:$0x3FAF] =	sst s0;
	s0 =	simm.s32 @!p1 $0x0  }
0x14: {  	s2 =	sld [smem:$0x3F93];
	s0 =	simm.s32 @p1 $0x1  }
0x15: {  	[smem:$0x3FB0] =	sst s0;
	s0 =	simm.s32 @!p2 $0x0  }
0x16: {  	s3 =	sld [smem:$0x3FDB];
	s0 =	simm.s32 @p2 $0x1  }
0x17: {  	s4 =	simm.s32 $0x1BF5;
	[smem:$0x3FB2] =	sst s0  }
0x18: {  	s0 =	sld [smem:$0x3F95];
	_ =	swait.ge [sflag:s4], $0x0  }
0x19: {  	s7 =	sld [smem:$0x3F96]  }
0x1a: {  	s8 =	sadd.s32 $0xFFFFE003, lr  }
0x1b: {  	s9 =	sadd.s32 $0xFFFFFEF7, lr;
	s5 =	simm.s32 $0xFFFFFFFF;
	p2 =	slt.u32 s8, $0xFFFFF086  }
0x1c: {  	p1 =	slt.u32 s9, $0xF7A;
	s5 =	simm.s32 @!p2 $0x0  }
0x1d: {  	s5 =	simm.s32 @p1 $0x1;
	p0 =	seq.s32 s7, s2  }
0x1e: {  	s7 =	smul.u32 @!p0 $0xF7A, s2;
	p2 =	seq.s32 @!p0 s5, $0x0  }
0x1f: {  	s9 =	smul.u32 $0xF7A, s1;
	s8 =	simm.s32 @!p0 $0x1BF5;
	p2 =	por !p2, p0  }
0x20: {  	[sflag:s8] =	ssyncset.s32 @!p0 $0xFFFFF086;
	s6 =	sadd.s32 @!p0 s3, s7;
	s7 =	simm.s32 @!p0 $0x108  }
0x21: {  	s3 =	sadd.s32 s3, s9;
	s6 =	sadd.s32 @!p0 $0x88, s6;
	s7 =	simm.s32 @p2 $0x1082  }
0x22: {  	[simem:s7], [sflag:s8] =	dma.local @!p0 [hbm:s6], $0xF7A  }
0x23: {  	s9 =	sor.u32 $0xD0000000, s2;
	s6 =	simm.s32 $0x108;
	_ =	swait.ge @!p0 [sflag:s8], $0x0  }
0x24: {  	s3 =	sadd.s32 $0x88, s3;
	s6 =	simm.s32 @!p1 $0x1082;
	[sflag:s4] =	ssyncset.s32 $0xFFFFF086  }
0x25: {  	[simem:s6], [sflag:s4] =	dma.local [hbm:s3], $0xF7A  }
0x26: {  	[smem:$0x3F96] =	sst s1;
	(tag) =	ssettag s2;
	_ =	strace s9  }
0x27: {  	s1 =	sld [smem:$0x3FA6]  }
0x28: {  	s2 =	sld [smem:$0x3FA7]  }
0x29: {  	s4 =	sld [smem:$0x3FA9]  }
0x2a: {  	p0 =	seq.s32 s5, $0x0;
	s5 =	sld [smem:$0x3FAA]  }
0x2b: {  	s6 =	sld [smem:$0x3FAB]  }
0x2c: {  	s7 =	sld [smem:$0x3FAC]  }
0x2d: {  	s3 =	simm.s32 $0x108;
	s8 =	sld [smem:$0x3FAD]  }
0x2e: {  	s3 =	simm.s32 @!p0 $0x1082;
	s9 =	sld [smem:$0x3FAE]  }
0x2f: {  	lr =	sadd.s32 s0, s3;
	s0 =	sld [smem:$0x3FA5]  }
0x30: {  	s3 =	sld [smem:$0x3FA8]  }
0x31: {  	[smem:$0x3FB1] =	sst s10  }
0x32: {  	s10 =	sld [smem:$0x3FAF];
	_ =	sdelay $0x3  }
0x33: {  	p0 =	seq.s32 s10, $0x1;
	s10 =	sld [smem:$0x3FB1];
	_ =	sdelay $0x3  }
0x34: {  	[smem:$0x3FB1] =	sst s10  }
0x35: {  	s10 =	sld [smem:$0x3FB0];
	_ =	sdelay $0x3  }
0x36: {  	p1 =	seq.s32 s10, $0x1;
	s10 =	sld [smem:$0x3FB1];
	_ =	sdelay $0x3  }
0x37: {  	[smem:$0x3FB1] =	sst s10  }
0x38: {  	s10 =	sld [smem:$0x3FB2]  }
0x39: {  	_ = 	snop;
	(pc) =	sbr.ind lr, $3  }
0x3a: {  	_ = 	snop  }
0x3b: {  	_ = 	snop  }
0x3c: {  	p2 =	seq.s32 s10, $0x1;
	s10 =	sld [smem:$0x3FB1]  }
0x3d: {  	_ =	shalt  }
0x3e: {  	_ =	shalt  }
0x3f: {  	_ =	shalt  }
0x40: {  	_ =	shalt  }
0x41: {  	_ =	shalt  }
0x42: {  	_ =	shalt  }
0x43: {  	_ =	shalt  }
0x44: {  	_ =	shalt  }
0x45: {  	_ =	shalt  }
0x46: {  	_ =	shalt  }
0x47: {  	_ =	shalt  }
0x48: {  	_ =	shalt  }
0x49: {  	_ =	shalt  }
0x4a: {  	_ =	shalt  }
0x4b: {  	_ =	shalt  }
0x4c: {  	_ =	shalt  }
0x4d: {  	_ =	shalt  }
0x4e: {  	_ =	shalt  }
0x4f: {  	_ =	shalt  }
0x50: {  	_ =	shalt  }
0x51: {  	_ =	shalt  }
0x52: {  	_ =	shalt  }
0x53: {  	_ =	shalt  }
0x54: {  	_ =	shalt  }
0x55: {  	_ =	shalt  }
0x56: {  	_ =	shalt  }
0x57: {  	_ =	shalt  }
0x58: {  	_ =	shalt  }
0x59: {  	_ =	shalt  }
0x5a: {  	_ =	shalt  }
0x5b: {  	_ =	shalt  }
0x5c: {  	_ =	shalt  }
0x5d: {  	_ =	shalt  }
0x5e: {  	_ =	shalt  }
0x5f: {  	_ =	shalt  }
0x60: {  	_ =	shalt  }
0x61: {  	_ =	shalt  }
0x62: {  	_ =	shalt  }
0x63: {  	_ =	shalt  }
0x64: {  	_ =	shalt  }
0x65: {  	_ =	shalt  }
0x66: {  	_ =	shalt  }
0x67: {  	_ =	shalt  }
0x68: {  	_ =	shalt  }
0x69: {  	_ =	shalt  }
0x6a: {  	_ =	shalt  }
0x6b: {  	_ =	shalt  }
0x6c: {  	_ =	shalt  }
0x6d: {  	_ =	shalt  }
0x6e: {  	_ =	shalt  }
0x6f: {  	_ =	shalt  }
0x70: {  	_ =	shalt  }
0x71: {  	_ =	shalt  }
0x72: {  	_ =	shalt  }
0x73: {  	_ =	shalt  }
0x74: {  	_ =	shalt  }
0x75: {  	_ =	shalt  }
0x76: {  	_ =	shalt  }
0x77: {  	_ =	shalt  }
0x78: {  	_ =	shalt  }
0x79: {  	_ =	shalt  }
0x7a: {  	_ =	shalt  }
0x7b: {  	_ =	shalt  }
0x7c: {  	_ =	shalt  }
0x7d: {  	_ =	shalt  }
0x7e: {  	_ =	shalt  }
0x7f: {  	_ =	shalt  }
0x80: {  	_ =	shalt  }
0x81: {  	_ =	shalt  }
0x82: {  	_ =	shalt  }
0x83: {  	_ =	shalt  }
0x84: {  	_ =	shalt  }
0x85: {  	_ =	shalt  }
0x86: {  	_ =	shalt  }
0x87: {  	_ =	shalt  }
.Lfunc_end0:
.L_simem_size_0:
called_computation_lowered:
.L_overlay_start_0:
0x88: {  	s2 =	sld [smem:$0x3FD9]  }
0x89: {  	s3 =	sld [smem:$0x3FFE];
	_ =	sdelay $0x1  }
0x8a: {  	s1 =	srdreg.scid  }
0x8b: {  	s0 =	sand.u32 $0x1, s1  }
0x8c: {  	s16 =	sshll.u32 s0, $0xA;
	s2 =	sadd.s32 s3, s2  }
0x8d: {  	s2 =	sadd.s32 s2, s16  }
0x8e: {  	[smem:$0x3FBD] =	sst s2  }
0x8f: {  	_ = 	snop  }
0x90: {  	(tm) =	ssettm $0x1  }
0x91: {  	s17 =	sld [smem:$0x3FFB];
	_ =	sdelay $0x3  }
0x92: {  	_ =	strace s17  }
0x93: {  	s2 =	sld [smem:$0x3FFC];
	_ =	sdelay $0x3  }
0x94: {  	_ =	strace s2  }
0x95: {  	s2 =	sld [smem:$0x3FFD];
	_ =	sdelay $0x3  }
0x96: {  	_ =	strace s2  }
0x97: {  	_ =	strace $0x8FFFFFFF  }
0x98: {  	s18 =	sld [smem:$0x3FDB];
	_ =	sdelay $0x1  }
0x99: {  	s19 =	simm.s32 $_scs_section_size  }
0x9a: {  	s4 =	simm.s32 $_size__tile_overlayer_lowered;
	s5 =	simm.s32 $_tile_overlayer_lowered  }
0x9b: {  	s22 =	simm.s32 $0x1BFF;
	s21 =	sshll.u32 s5, $0x1;
	s2 =	sadd.s32 s19, s18  }
0x9c: {  	s6 =	simm.s32 $0x0;
	s20 =	sshll.u32 s4, $0x1;
	s4 =	sadd.s32 s21, s2  }
0x9d: {  	[timem:s6], [sflag:s22] =	dma.local [hbm:s4], s20  }
0x9e: {  	_ =	swait.ge [sflag:s22], s20  }
0x9f: {  	s3 =	ssub.s32 $0x0, s20;
	[sflag:s22] =	ssyncset.done $0x0  }
0xa0: {  	[sflag:s22] =	ssyncadd.s32 s3;
	_ =	sdelay $0x1  }
0xa1: {  	s23 =	simm.s32 $0x1B8B  }
0xa2: {  	_ =	swait.ge [sflag:s23], $0x1  }
0xa3: {  	[sflag:s23] =	ssyncset.done $0x0  }
0xa4: {  	s25 =	simm.s32 $0x1B8E;
	s24 =	sld [smem:$0x3FFE];
	[sflag:s23] =	ssyncadd.s32 $0xFFFFFFFF  }
0xa5: {  	s26 =	simm.s32 $execute0_lowered;
	[smem:$0x3FD2] =	sst s25  }
0xa6: {  	s4 =	sshll.u32 s26, $0x1;
	_ =	strace $0x80000046;
	[dreg:$0x1] =	wrdreg $0xFFFFFFFF  }
0xa7: {  	s28 =	simm.s32 $_size_execute0_lowered;
	s2 =	sadd.s32 s2, s4;
	[dreg:$0x0] =	wrdreg $0x0  }
0xa8: {  	s4 =	sshll.u32 s28, $0x1;
	[dreg:$0x2] =	wrdreg s2  }
0xa9: {  	[dreg:$0x3] =	wrdreg s4  }
0xaa: {  	[dreg:$0x4] =	wrdreg $0xC0  }
0xab: {  	_ =	task [dreg:s6], $0x5FFFF  }
0xac: {  	[dreg:$0x1] =	wrdreg $0xFFFFFFFF  }
0xad: {  	[dreg:$0x0] =	wrdreg $0x60  }
0xae: {  	[dreg:$0x2] =	wrdreg s24  }
0xaf: {  	[dreg:$0x3] =	wrdreg $0xB1000  }
0xb0: {  	[dreg:$0x4] =	wrdreg $0x9  }
0xb1: {  	_ =	task.clear_ibuf [dreg:s6], $0x5FFFF;
	_ =	strace $0x90000046  }
0xb2: {  	s29 =	simm.s32 $0x9;
	_ =	strace $0x80000048  }
0xb3: {  	_ =	swait.ge [sflag:s29], $0x1  }
0xb4: {  	[sflag:s29] =	ssyncadd.s32 $0xFFFFFFFF  }
0xb5: {  	_ =	strace $0x90000048  }
0xb6: {  	_ =	sfence  }
0xb7: {  	s30 =	sld [smem:$0x0];
	_ =	sdelay $0x2  }
0xb8: {  	s31 =	sshll.u32 s1, $0xD;
	s1 =	sshrl.u32 s1, $0x2  }
0xb9: {  	s3 =	sand.u32 $0x4000, s31;
	s1 =	sadd.s32 s1, s30  }
0xba: {  	s0 =	sor.u32 s3, s0;
	s1 =	sshll.u32 s1, $0x11  }
0xbb: {  	s0 =	sor.u32 s1, s0  }
0xbc: {  	s0 =	sadd.s32 $0x8F2B, s0  }
0xbd: {  	[sflag:s0] =	ssyncadd.remote.s32 $0x1  }
0xbe: {  	_ =	sfence.sel $0xFFFF  }
0xbf: {  	[dreg:$0x0] =	wrdreg $0xFFFFFFFF;
	(pc) =	sbr.abs _section_cstart, $3  }
0xc0: {  	[dreg:$0x1] =	wrdreg $0xFFFFFFFF  }
0xc1: {  	_ =	task.clear_ibuf [dreg:s6], $0x2FFFF;
	_ =	strace $0x9FFFFFFF  }
0xc2: {  	(tm) =	ssettm $0x7FFFFFFF  }
0xc3: {  	_ =	shalt  }
tec
execute0_lowered:
.L_overlay_start_1:
0x0: {  	(tag) =	ssettag $0x1  }
0x1: {  	s0 =	srdreg.scid  }
0x2: {  	s1 =	rddreg [dreg:$0x0];
	s8 =	stileid.u32  }
0x3: {  	s2 =	rddreg [dreg:$0x1];
	s19 =	simm.s32 $0x5100;
	s20 =	simm.s32 $0x7  }
0x4: {  	s28 =	simm.s32 $0x2;
	s29 =	simm.s32 $0x3;
	s30 =	simm.s32 $0x4  }
0x5: {  	s31 =	simm.s32 $0x5;
	s0 =	sand.u32 $0x1, s0;
	s24 =	smul.u32 $0x50000, s8  }
0x6: {  	s6 =	sand.u32 $0x7, s8;
	s7 =	sshll.u32 s8, $0x3;
	s5 =	smul.u32 $0x140000, s0  }
0x7: {  	s3 =	sshll.u32 s0, $0x4;
	s6 =	smul.u32 $0x28000, s6;
	s0 =	ssub.s32 $0x2, s0  }
0x8: {  	s22 =	sand.u32 $0x40, s7;
	s3 =	sor.u32 s8, s3;
	s25 =	sshrl.u32 s0, $0x1  }
0x9: {  	s4 =	smul.u32 $0x2880, s3;
	s3 =	simm.s32 $0x0;
	s5 =	sadd.s32 s5, s6  }
0xa: {  	s6 =	sshrl.u32 s24, $0x2;
	s0 =	ssub.s32 s0, s25;
	s24 =	simm.s32 $0x7100  }
0xb: {  	[smem:$0x7FF] =	sst s3;
	s5 =	sor.u32 s22, s5;
	s9 =	smax.u32 s0, $0x1  }
0xc: {  	s22 =	simm.s32 $0x1;
	_ =	strace $0x80000047;
	s4 =	sshrl.u32 s4, $0x3  }
0xd: {  	s5 =	sshrl.u32 s5, $0x3;
	s23 =	sadd.s32 s4, s1;
	s4 =	sadd.s32 $0x16800, s1  }
0xe: {  	s1 =	sadd.s32 s5, s1;
	s5 =	sadd.s32 s6, s2;
	s26 =	sadd.s32 $0x2400, s23  }
0xf: {  	s7 =	sadd.s32 $0xC600, s23;
	s8 =	sadd.s32 $0x78400, s1;
	s10 =	sadd.s32 $0x2000, s5  }
0x10: {  	s11 =	sadd.s32 $0x4000, s5;
	s12 =	sadd.s32 $0x6000, s5;
	s13 =	sadd.s32 $0x8000, s5  }
0x11: {  	s14 =	sadd.s32 $0xA000, s5;
	s15 =	sadd.s32 $0xC000, s5;
	s16 =	sadd.s32 $0xE000, s5  }
0x12: {  	s17 =	sadd.s32 $0x10000, s5;
	s18 =	sadd.s32 $0x12000, s5;
	s23 =	simm.s32 $0x80  }
0x13: {  	v0 =	vimm.f32 $0.0e+00;
	v1 =	vimm.s32 $0x0;
	s1 =	simm.s32 $0x6;
	[dreg:$0x3] =	wrdreg s26;
	s26 =	simm.s32 $0x9100  }
.LBB2_1:
0x14: {  	s21 =	simm.s32 $0x100;
	s0 =	simm.s32 $0x0  }
.LBB2_2:
0x15: {  	p0 =	sne.s32 s21, $0x7F00;
	[tilespmem:s0+$0x5130] =	vst v0;
	s25 =	smov.u32 s21;
	s21 =	sadd.s32 $0x100, s21  }
.Ltmp0:
0x16: {  	[tilespmem:s0+$0x5120] =	vst v0;
	(pc) =	sbr.rel @p0 .LBB2_2-.Ltmp0, $3  }
0x17: {  	[tilespmem:s0+$0x5100] =	vst v0  }
0x18: {  	[tilespmem:s0+$0x5110] =	vst v0;
	_ =	sdelay $0x1  }
0x19: {  	s0 =	sshra.s32 s25, $0x2  }
0x1a: {  	[tilespmem:s0+$0x5130] =	vst v0  }
0x1b: {  	[tilespmem:s0+$0x5120] =	vst v0  }
0x1c: {  	[tilespmem:s0+$0x5100] =	vst v0  }
0x1d: {  	[tilespmem:s0+$0x5110] =	vst v0  }
0x1e: {  	[spmem:s5] =	stream.linear.scatter [tilespmem:s19], [sflag:$0x1], $0x2000, $0x38;
	[tilespmem:$0x1F100] =	vst v63  }
0x1f: {  	_ = 	snop  }
0x20: {  	[spmem:s10] =	stream.linear.scatter [tilespmem:s19], [sflag:$0x1], $0x2000, $0x38;
	[tilespmem:$0x1F100] =	vst v63  }
0x21: {  	_ = 	snop  }
0x22: {  	[spmem:s11] =	stream.linear.scatter [tilespmem:s19], [sflag:$0x1], $0x2000, $0x38;
	[tilespmem:$0x1F100] =	vst v63  }
0x23: {  	_ = 	snop  }
0x24: {  	[spmem:s12] =	stream.linear.scatter [tilespmem:s19], [sflag:$0x1], $0x2000, $0x38;
	[tilespmem:$0x1F100] =	vst v63  }
0x25: {  	_ = 	snop  }
0x26: {  	[spmem:s13] =	stream.linear.scatter [tilespmem:s19], [sflag:$0x1], $0x2000, $0x38;
	[tilespmem:$0x1F100] =	vst v63  }
0x27: {  	_ = 	snop  }
0x28: {  	[spmem:s14] =	stream.linear.scatter [tilespmem:s19], [sflag:$0x1], $0x2000, $0x38;
	[tilespmem:$0x1F100] =	vst v63  }
0x29: {  	_ = 	snop  }
0x2a: {  	[spmem:s15] =	stream.linear.scatter [tilespmem:s19], [sflag:$0x1], $0x2000, $0x38;
	[tilespmem:$0x1F100] =	vst v63  }
0x2b: {  	_ = 	snop  }
0x2c: {  	[spmem:s16] =	stream.linear.scatter [tilespmem:s19], [sflag:$0x1], $0x2000, $0x38;
	[tilespmem:$0x1F100] =	vst v63  }
0x2d: {  	_ = 	snop  }
0x2e: {  	[spmem:s17] =	stream.linear.scatter [tilespmem:s19], [sflag:$0x1], $0x2000, $0x38;
	[tilespmem:$0x1F100] =	vst v63  }
0x2f: {  	_ = 	snop  }
0x30: {  	[spmem:s18] =	stream.linear.scatter [tilespmem:s19], [sflag:$0x1], $0x2000, $0x38;
	[tilespmem:$0x1F100] =	vst v63  }
0x31: {  	s21 =	simm.s32 $0x0;
	s6 =	rddreg [dreg:$0x3]  }
0x32: {  	[tilespmem:s21], [sflag:$0x7] =	stream.linear.gather [hbm4b:s6+s21], $0x2880, $0x38;
	[tilespmem:$0x1F100] =	vst v63  }
0x33: {  	_ =	swait.ge [sflag:s20], $0x2880  }
0x34: {  	[sflag:s20] =	ssyncset.done $0x0  }
0x35: {  	s25 =	simm.s32 $0x2880;
	[sflag:s20] =	ssyncadd.s32 $0xFFFFD780  }
0x36: {  	[tilespmem:s25], [sflag:$0x7] =	stream.linear.gather [hbm4b:s7+s21], $0x2880, $0x38;
	[tilespmem:$0x1F100] =	vst v63  }
0x37: {  	_ =	swait.ge [sflag:s20], $0x2880  }
0x38: {  	[sflag:s20] =	ssyncset.done $0x0  }
0x39: {  	[sflag:s20] =	ssyncadd.s32 $0xFFFFD780  }
0x3a: {  	_ =	swait.ge [sflag:s22], $0x2000  }
0x3b: {  	[sflag:s22] =	ssyncset.done $0x0  }
0x3c: {  	[sflag:s22] =	ssyncadd.s32 $0xFFFFE000  }
0x3d: {  	_ =	swait.ge [sflag:s22], $0x2000  }
0x3e: {  	[sflag:s22] =	ssyncset.done $0x0  }
0x3f: {  	[sflag:s22] =	ssyncadd.s32 $0xFFFFE000  }
0x40: {  	_ =	swait.ge [sflag:s22], $0x2000  }
0x41: {  	[sflag:s22] =	ssyncset.done $0x0  }
0x42: {  	[sflag:s22] =	ssyncadd.s32 $0xFFFFE000  }
0x43: {  	_ =	swait.ge [sflag:s22], $0x2000  }
0x44: {  	[sflag:s22] =	ssyncset.done $0x0  }
0x45: {  	[sflag:s22] =	ssyncadd.s32 $0xFFFFE000  }
0x46: {  	_ =	swait.ge [sflag:s22], $0x2000  }
0x47: {  	[sflag:s22] =	ssyncset.done $0x0  }
0x48: {  	[sflag:s22] =	ssyncadd.s32 $0xFFFFE000  }
0x49: {  	_ =	swait.ge [sflag:s22], $0x2000  }
0x4a: {  	[sflag:s22] =	ssyncset.done $0x0  }
0x4b: {  	[sflag:s22] =	ssyncadd.s32 $0xFFFFE000  }
0x4c: {  	_ =	swait.ge [sflag:s22], $0x2000  }
0x4d: {  	[sflag:s22] =	ssyncset.done $0x0  }
0x4e: {  	[sflag:s22] =	ssyncadd.s32 $0xFFFFE000  }
0x4f: {  	_ =	swait.ge [sflag:s22], $0x2000  }
0x50: {  	[sflag:s22] =	ssyncset.done $0x0  }
0x51: {  	[sflag:s22] =	ssyncadd.s32 $0xFFFFE000  }
0x52: {  	_ =	swait.ge [sflag:s22], $0x2000  }
0x53: {  	[sflag:s22] =	ssyncset.done $0x0  }
0x54: {  	[sflag:s22] =	ssyncadd.s32 $0xFFFFE000  }
0x55: {  	_ =	swait.ge [sflag:s22], $0x2000  }
0x56: {  	[sflag:s22] =	ssyncset.done $0x0  }
0x57: {  	[sflag:s22] =	ssyncadd.s32 $0xFFFFE000  }
0x58: {  	[bflag:$0x0] =	sbarrier.arrive $0xFFFF  }
0x59: {  	v2 =	vld [tilespmem:$0x0]  }
0x5a: {  	v3 =	vld [tilespmem:$0x10]  }
0x5b: {  	v4 =	vld [tilespmem:$0x20];
	_ =	sdelay $0x1  }
0x5c: {  	v5 =	vld [tilespmem:$0x30]  }
0x5d: {  	v6 =	vld [tilespmem:$0x40];
	vm0 =	vgt.s32 v2, $0x61A7  }
0x5e: {  	v8 =	vld [tilespmem:$0x50];
	v2 =	vshll.u32 v2, $0x1;
	v7 =	vsel vm0, $0xFFFF3CB1, v1;
	vm0 =	vgt.s32 v3, $0x61A7  }
0x5f: {  	v2 =	vadd.s32 v2, v7;
	v7 =	vsel vm0, $0xFFFF3CB1, v1;
	vm0 =	vgt.s32 v4, $0x61A7  }
0x60: {  	v10 =	vld [tilespmem:$0x60];
	v3 =	vshll.u32 v3, $0x1;
	v4 =	vshll.u32 v4, $0x1;
	v9 =	vsel vm0, $0xFFFF3CB1, v1  }
0x61: {  	v3 =	vadd.s32 v3, v7;
	vm0 =	vgt.s32 v5, $0x61A7;
	v7 =	vld [tilespmem:$0x70];
	v5 =	vshll.u32 v5, $0x1  }
0x62: {  	[tilespmem:$0x0] =	vst v2;
	v4 =	vadd.s32 v4, v9;
	v2 =	vsel vm0, $0xFFFF3CB1, v1;
	vm0 =	vgt.s32 v6, $0x61A7  }
0x63: {  	[tilespmem:$0x10] =	vst v3;
	v2 =	vadd.s32 v5, v2;
	v3 =	vsel vm0, $0xFFFF3CB1, v1;
	vm0 =	vgt.s32 v8, $0x61A7  }
0x64: {  	[tilespmem:$0x20] =	vst v4;
	v4 =	vshll.u32 v6, $0x1;
	v6 =	vshll.u32 v8, $0x1;
	v5 =	vsel vm0, $0xFFFF3CB1, v1  }
0x65: {  	[tilespmem:$0x30] =	vst v2;
	v2 =	vadd.s32 v4, v3;
	vm0 =	vgt.s32 v10, $0x61A7;
	v4 =	vshll.u32 v10, $0x1  }
0x66: {  	v3 =	vadd.s32 v6, v5;
	[tilespmem:$0x40] =	vst v2;
	v2 =	vsel vm0, $0xFFFF3CB1, v1;
	vm0 =	vgt.s32 v7, $0x61A7  }
0x67: {  	[tilespmem:$0x50] =	vst v3;
	v2 =	vadd.s32 v4, v2;
	v4 =	vshll.u32 v7, $0x1;
	v3 =	vsel vm0, $0xFFFF3CB1, v1  }
0x68: {  	[tilespmem:$0x60] =	vst v2;
	v2 =	vadd.s32 v4, v3  }
0x69: {  	[tilespmem:$0x70] =	vst v2  }
0x6a: {  	[tilespmem:s19], [sflag:$0x1] =	stream.indirect.gather [hbm4b:s4+s23], $0x40, s21, s23, $0xb8;
	[tilespmem:$0x1F100] =	vst v63  }
0x6b: {  	v2 =	vld [tilespmem:$0x80]  }
0x6c: {  	v3 =	vld [tilespmem:$0x90]  }
0x6d: {  	v4 =	vld [tilespmem:$0xA0];
	_ =	sdelay $0x1  }
0x6e: {  	v5 =	vld [tilespmem:$0xB0]  }
0x6f: {  	v6 =	vld [tilespmem:$0xC0];
	vm0 =	vgt.s32 v2, $0x61A7  }
0x70: {  	v8 =	vld [tilespmem:$0xD0];
	v2 =	vshll.u32 v2, $0x1;
	v7 =	vsel vm0, $0xFFFF3CB1, v1;
	vm0 =	vgt.s32 v3, $0x61A7  }
0x71: {  	v2 =	vadd.s32 v2, v7;
	v7 =	vsel vm0, $0xFFFF3CB1, v1;
	vm0 =	vgt.s32 v4, $0x61A7  }
0x72: {  	v10 =	vld [tilespmem:$0xE0];
	v3 =	vshll.u32 v3, $0x1;
	v4 =	vshll.u32 v4, $0x1;
	v9 =	vsel vm0, $0xFFFF3CB1, v1  }
0x73: {  	v3 =	vadd.s32 v3, v7;
	vm0 =	vgt.s32 v5, $0x61A7;
	v7 =	vld [tilespmem:$0xF0];
	v5 =	vshll.u32 v5, $0x1  }
0x74: {  	[tilespmem:$0x80] =	vst v2;
	v4 =	vadd.s32 v4, v9;
	v2 =	vsel vm0, $0xFFFF3CB1, v1;
	vm0 =	vgt.s32 v6, $0x61A7  }
0x75: {  	[tilespmem:$0x90] =	vst v3;
	v2 =	vadd.s32 v5, v2;
	v3 =	vsel vm0, $0xFFFF3CB1, v1;
	vm0 =	vgt.s32 v8, $0x61A7  }
0x76: {  	[tilespmem:$0xA0] =	vst v4;
	v4 =	vshll.u32 v6, $0x1;
	v6 =	vshll.u32 v8, $0x1;
	v5 =	vsel vm0, $0xFFFF3CB1, v1  }
0x77: {  	[tilespmem:$0xB0] =	vst v2;
	v2 =	vadd.s32 v4, v3;
	vm0 =	vgt.s32 v10, $0x61A7;
	v4 =	vshll.u32 v10, $0x1  }
0x78: {  	v3 =	vadd.s32 v6, v5;
	[tilespmem:$0xC0] =	vst v2;
	v2 =	vsel vm0, $0xFFFF3CB1, v1;
	vm0 =	vgt.s32 v7, $0x61A7  }
0x79: {  	[tilespmem:$0xD0] =	vst v3;
	v2 =	vadd.s32 v4, v2;
	v4 =	vshll.u32 v7, $0x1;
	v3 =	vsel vm0, $0xFFFF3CB1, v1  }
0x7a: {  	[tilespmem:$0xE0] =	vst v2;
	v2 =	vadd.s32 v4, v3  }
0x7b: {  	[tilespmem:$0xF0] =	vst v2  }
0x7c: {  	[tilespmem:s24], [sflag:$0x2] =	stream.indirect.gather [hbm4b:s4+s23], $0x40, s23, s23, $0xb8;
	[tilespmem:$0x1F100] =	vst v63  }
0x7d: {  	v2 =	vld [tilespmem:$0x100]  }
0x7e: {  	v3 =	vld [tilespmem:$0x110]  }
0x7f: {  	v4 =	vld [tilespmem:$0x120];
	_ =	sdelay $0x1  }
0x80: {  	v5 =	vld [tilespmem:$0x130]  }
0x81: {  	v6 =	vld [tilespmem:$0x140];
	vm0 =	vgt.s32 v2, $0x61A7  }
0x82: {  	v8 =	vld [tilespmem:$0x150];
	v2 =	vshll.u32 v2, $0x1;
	v7 =	vsel vm0, $0xFFFF3CB1, v1;
	vm0 =	vgt.s32 v3, $0x61A7  }
0x83: {  	v2 =	vadd.s32 v2, v7;
	v7 =	vsel vm0, $0xFFFF3CB1, v1;
	vm0 =	vgt.s32 v4, $0x61A7  }
0x84: {  	v10 =	vld [tilespmem:$0x160];
	v3 =	vshll.u32 v3, $0x1;
	v4 =	vshll.u32 v4, $0x1;
	v9 =	vsel vm0, $0xFFFF3CB1, v1  }
0x85: {  	v3 =	vadd.s32 v3, v7;
	vm0 =	vgt.s32 v5, $0x61A7;
	v7 =	vld [tilespmem:$0x170];
	v5 =	vshll.u32 v5, $0x1  }
0x86: {  	[tilespmem:$0x100] =	vst v2;
	v4 =	vadd.s32 v4, v9;
	v2 =	vsel vm0, $0xFFFF3CB1, v1;
	vm0 =	vgt.s32 v6, $0x61A7  }
0x87: {  	[tilespmem:$0x110] =	vst v3;
	v2 =	vadd.s32 v5, v2;
	v3 =	vsel vm0, $0xFFFF3CB1, v1;
	vm0 =	vgt.s32 v8, $0x61A7  }
0x88: {  	[tilespmem:$0x120] =	vst v4;
	v4 =	vshll.u32 v6, $0x1;
	v6 =	vshll.u32 v8, $0x1;
	v5 =	vsel vm0, $0xFFFF3CB1, v1  }
0x89: {  	[tilespmem:$0x130] =	vst v2;
	v2 =	vadd.s32 v4, v3;
	vm0 =	vgt.s32 v10, $0x61A7;
	v4 =	vshll.u32 v10, $0x1  }
0x8a: {  	v3 =	vadd.s32 v6, v5;
	[tilespmem:$0x140] =	vst v2;
	v2 =	vsel vm0, $0xFFFF3CB1, v1;
	vm0 =	vgt.s32 v7, $0x61A7  }
0x8b: {  	[tilespmem:$0x150] =	vst v3;
	v2 =	vadd.s32 v4, v2;
	v4 =	vshll.u32 v7, $0x1;
	v3 =	vsel vm0, $0xFFFF3CB1, v1  }
0x8c: {  	[tilespmem:$0x160] =	vst v2;
	v2 =	vadd.s32 v4, v3  }
0x8d: {  	s6 =	simm.s32 $0x100;
	[tilespmem:$0x170] =	vst v2  }
0x8e: {  	[tilespmem:s26], [sflag:$0x3] =	stream.indirect.gather [hbm4b:s4+s23], $0x40, s6, s23, $0xb8;
	[tilespmem:$0x1F100] =	vst v63  }
0x8f: {  	_ =	swait.ge [sflag:s22], $0x2000  }
0x90: {  	[sflag:s22] =	ssyncset.done $0x0  }
0x91: {  	s21 =	simm.s32 $0x2880;
	[sflag:s22] =	ssyncadd.s32 $0xFFFFE000  }
0x92: {  	[spmem:s2] =	stream.indirect.scatter.add.f32 [tilespmem:s19], [sflag:$0x4], $0x40, s21, s23, $0xb8;
	[tilespmem:$0x1F100] =	vst v63  }
0x93: {  	_ =	swait.ge [sflag:s28], $0x2000  }
0x94: {  	[sflag:s28] =	ssyncset.done $0x0  }
0x95: {  	s25 =	simm.s32 $0x2900;
	[sflag:s28] =	ssyncadd.s32 $0xFFFFE000  }
0x96: {  	[spmem:s2] =	stream.indirect.scatter.add.f32 [tilespmem:s24], [sflag:$0x5], $0x40, s25, s23, $0xb8;
	[tilespmem:$0x1F100] =	vst v63  }
0x97: {  	_ =	swait.ge [sflag:s29], $0x2000  }
0x98: {  	[sflag:s29] =	ssyncset.done $0x0  }
0x99: {  	s6 =	simm.s32 $0x2980;
	[sflag:s29] =	ssyncadd.s32 $0xFFFFE000  }
0x9a: {  	[spmem:s2] =	stream.indirect.scatter.add.f32 [tilespmem:s26], [sflag:$0x6], $0x40, s6, s23, $0xb8;
	[tilespmem:$0x1F100] =	vst v63  }
0x9b: {  	_ =	swait.ge [sflag:s30], $0x2000  }
0x9c: {  	[sflag:s30] =	ssyncset.done $0x0  }
0x9d: {  	s25 =	simm.s32 $0x0;
	[sflag:s30] =	ssyncadd.s32 $0xFFFFE000  }
0x9e: {  	v2 =	vld [tilespmem:s25+$0x1F0]  }
0x9f: {  	v3 =	vld [tilespmem:s25+$0x1E0]  }
0xa0: {  	v4 =	vld [tilespmem:s25+$0x1D0]  }
0xa1: {  	v5 =	vld [tilespmem:s25+$0x180];
	_ =	sdelay $0x1  }
0xa2: {  	v6 =	vld [tilespmem:s25+$0x1A0]  }
0xa3: {  	vm0 =	vgt.s32 v2, $0x61A7;
	v2 =	vshll.u32 v2, $0x1  }
0xa4: {  	v7 =	vld [tilespmem:s25+$0x1C0];
	vm1 =	vgt.s32 v3, $0x61A7;
	v3 =	vshll.u32 v3, $0x1;
	v8 =	vsel vm0, $0xFFFF3CB1, v1  }
0xa5: {  	v9 =	vld [tilespmem:s25+$0x1B0];
	v10 =	vsel vm1, $0xFFFF3CB1, v1;
	vm0 =	vgt.s32 v4, $0x61A7;
	vm1 =	vgt.s32 v5, $0x61A7  }
0xa6: {  	v5 =	vshll.u32 v5, $0x1;
	v2 =	vadd.s32 v2, v8;
	v3 =	vadd.s32 v3, v10  }
0xa7: {  	v8 =	vld [tilespmem:s25+$0x190];
	v10 =	vsel vm0, $0xFFFF3CB1, v1;
	vm0 =	vgt.s32 v6, $0x61A7;
	[tilespmem:s25+$0x1F0] =	vst v2;
	v2 =	vsel vm1, $0xFFFF3CB1, v1  }
0xa8: {  	v11 =	vshll.u32 v6, $0x1;
	[tilespmem:s25+$0x1E0] =	vst v3;
	v3 =	vsel vm0, $0xFFFF3CB1, v1;
	v2 =	vadd.s32 v5, v2  }
0xa9: {  	v4 =	vshll.u32 v4, $0x1;
	[tilespmem:s25+$0x180] =	vst v2;
	v2 =	vadd.s32 v11, v3  }
0xaa: {  	vm1 =	vgt.s32 v7, $0x61A7;
	vm0 =	vgt.s32 v9, $0x61A7;
	v3 =	vadd.s32 v4, v10;
	[tilespmem:s25+$0x1A0] =	vst v2  }
0xab: {  	v5 =	vsel vm1, $0xFFFF3CB1, v1;
	v2 =	vshll.u32 v7, $0x1;
	[tilespmem:s25+$0x1D0] =	vst v3;
	v3 =	vshll.u32 v9, $0x1  }
0xac: {  	vm1 =	vgt.s32 v8, $0x61A7;
	v2 =	vadd.s32 v2, v5;
	v5 =	vsel vm0, $0xFFFF3CB1, v1  }
0xad: {  	v6 =	vshll.u32 v8, $0x1;
	v4 =	vsel vm1, $0xFFFF3CB1, v1;
	[tilespmem:s25+$0x1C0] =	vst v2;
	v2 =	vadd.s32 v3, v5  }
0xae: {  	v4 =	vadd.s32 v6, v4;
	[tilespmem:s25+$0x1B0] =	vst v2  }
0xaf: {  	s21 =	simm.s32 $0x180;
	[tilespmem:s25+$0x190] =	vst v4  }
0xb0: {  	[tilespmem:s19], [sflag:$0x1] =	stream.indirect.gather [hbm4b:s4+s23], $0x40, s21, s23, $0xb8;
	[tilespmem:$0x1F100] =	vst v63  }
0xb1: {  	_ =	swait.ge [sflag:s31], $0x2000  }
0xb2: {  	[sflag:s31] =	ssyncset.done $0x0  }
0xb3: {  	[sflag:s31] =	ssyncadd.s32 $0xFFFFE000  }
0xb4: {  	v3 =	vld [tilespmem:s25+$0x230]  }
0xb5: {  	v5 =	vld [tilespmem:s25+$0x220]  }
0xb6: {  	v7 =	vld [tilespmem:s25+$0x200]  }
0xb7: {  	v2 =	vld [tilespmem:s25+$0x270]  }
0xb8: {  	v4 =	vld [tilespmem:s25+$0x240]  }
0xb9: {  	v12 =	vld [tilespmem:s25+$0x250]  }
0xba: {  	vm0 =	vgt.s32 v5, $0x61A7  }
0xbb: {  	v5 =	vshll.u32 v5, $0x1;
	vm1 =	vgt.s32 v7, $0x61A7;
	v6 =	vsel vm0, $0xFFFF3CB1, v1  }
0xbc: {  	vm2 =	vgt.s32 v3, $0x61A7;
	v10 =	vshll.u32 v3, $0x1;
	v11 =	vadd.s32 v5, v6;
	v5 =	vld [tilespmem:s25+$0x260]  }
0xbd: {  	v7 =	vshll.u32 v7, $0x1;
	vm0 =	vgt.s32 v2, $0x61A7;
	v9 =	vsel vm2, $0xFFFF3CB1, v1  }
0xbe: {  	vm2 =	vgt.s32 v4, $0x61A7;
	v6 =	vsel vm1, $0xFFFF3CB1, v1;
	vm1 =	vgt.s32 v12, $0x61A7  }
0xbf: {  	s21 =	simm.s32 $0x600;
	v3 =	vld [tilespmem:s25+$0x210];
	v8 =	vsel vm2, $0xFFFF3CB1, v1;
	v12 =	vshll.u32 v12, $0x1;
	[tilespmem:s25+$0x220] =	vst v11;
	v11 =	vsel vm1, $0xFFFF3CB1, v1  }
.LBB2_4:
0xc0: {  	p0 =	sne.s32 s21, $0x9600;
	v9 =	vadd.s32 v10, v9;
	v4 =	vshll.u32 v4, $0x1;
	v10 =	vadd.s32 v12, v11;
	s0 =	smov.u32 s21;
	s21 =	sadd.s32 $0x600, s21  }
0xc1: {  	vm1 =	vgt.s32 v5, $0x61A7;
	v5 =	vshll.u32 v5, $0x1;
	[tilespmem:s25+$0x230] =	vst v9;
	v4 =	vadd.s32 v4, v8  }
0xc2: {  	v2 =	vshll.u32 v2, $0x1;
	v8 =	vsel vm1, $0xFFFF3CB1, v1;
	v9 =	vsel vm0, $0xFFFF3CB1, v1;
	[tilespmem:s25+$0x250] =	vst v10  }
0xc3: {  	v6 =	vadd.s32 v7, v6;
	v2 =	vadd.s32 v2, v9;
	[tilespmem:s25+$0x240] =	vst v4;
	v4 =	vadd.s32 v5, v8  }
0xc4: {  	vm0 =	vgt.s32 v3, $0x61A7;
	[tilespmem:s25+$0x260] =	vst v4  }
0xc5: {  	v3 =	vshll.u32 v3, $0x1;
	v4 =	vsel vm0, $0xFFFF3CB1, v1;
	[tilespmem:s25+$0x270] =	vst v2  }
0xc6: {  	v2 =	vadd.s32 v3, v4;
	[tilespmem:s25+$0x200] =	vst v6  }
0xc7: {  	s6 =	sadd.s32 $0x200, s25;
	[tilespmem:s25+$0x210] =	vst v2  }
0xc8: {  	[tilespmem:s24], [sflag:$0x2] =	stream.indirect.gather [hbm4b:s4+s23], $0x40, s6, s23, $0xb8;
	[tilespmem:$0x1F100] =	vst v63  }
0xc9: {  	_ =	swait.ge [sflag:s1], $0x2000  }
0xca: {  	[sflag:s1] =	ssyncset.done $0x0  }
0xcb: {  	[sflag:s1] =	ssyncadd.s32 $0xFFFFE000  }
0xcc: {  	v2 =	vld [tilespmem:s25+$0x280]  }
0xcd: {  	v3 =	vld [tilespmem:s25+$0x290]  }
0xce: {  	v4 =	vld [tilespmem:s25+$0x2A0]  }
0xcf: {  	v5 =	vld [tilespmem:s25+$0x2B0]  }
0xd0: {  	v6 =	vld [tilespmem:s25+$0x2C0]  }
0xd1: {  	vm0 =	vgt.s32 v2, $0x61A7;
	v7 =	vld [tilespmem:s25+$0x2D0]  }
0xd2: {  	v2 =	vshll.u32 v2, $0x1;
	v8 =	vsel vm0, $0xFFFF3CB1, v1;
	vm0 =	vgt.s32 v3, $0x61A7;
	v9 =	vld [tilespmem:s25+$0x2E0]  }
0xd3: {  	v3 =	vshll.u32 v3, $0x1;
	v10 =	vsel vm0, $0xFFFF3CB1, v1;
	vm0 =	vgt.s32 v4, $0x61A7;
	v11 =	vld [tilespmem:s25+$0x2F0]  }
0xd4: {  	v4 =	vshll.u32 v4, $0x1;
	v12 =	vsel vm0, $0xFFFF3CB1, v1;
	vm0 =	vgt.s32 v5, $0x61A7  }
0xd5: {  	v5 =	vshll.u32 v5, $0x1;
	v4 =	vadd.s32 v4, v12;
	v12 =	vsel vm0, $0xFFFF3CB1, v1  }
0xd6: {  	[tilespmem:s25+$0x2A0] =	vst v4;
	v4 =	vadd.s32 v5, v12;
	vm0 =	vgt.s32 v7, $0x61A7;
	v5 =	vshll.u32 v7, $0x1  }
0xd7: {  	[tilespmem:s25+$0x2B0] =	vst v4;
	v4 =	vsel vm0, $0xFFFF3CB1, v1;
	vm0 =	vgt.s32 v9, $0x61A7;
	v7 =	vshll.u32 v9, $0x1  }
0xd8: {  	vm1 =	vgt.s32 v6, $0x61A7;
	v4 =	vadd.s32 v5, v4;
	v5 =	vsel vm0, $0xFFFF3CB1, v1  }
0xd9: {  	v6 =	vshll.u32 v6, $0x1;
	vm0 =	vgt.s32 v11, $0x61A7;
	[tilespmem:s25+$0x2D0] =	vst v4;
	v4 =	vadd.s32 v7, v5  }
0xda: {  	v5 =	vsel vm1, $0xFFFF3CB1, v1;
	v7 =	vshll.u32 v11, $0x1;
	[tilespmem:s25+$0x2E0] =	vst v4;
	v4 =	vsel vm0, $0xFFFF3CB1, v1  }
0xdb: {  	v3 =	vadd.s32 v3, v10;
	v5 =	vadd.s32 v6, v5;
	v4 =	vadd.s32 v7, v4  }
0xdc: {  	v2 =	vadd.s32 v2, v8;
	[tilespmem:s25+$0x290] =	vst v3  }
0xdd: {  	[tilespmem:s25+$0x280] =	vst v2  }
0xde: {  	s6 =	sadd.s32 $0x280, s25;
	[tilespmem:s25+$0x2F0] =	vst v4  }
0xdf: {  	[tilespmem:s25+$0x2C0] =	vst v5  }
0xe0: {  	[tilespmem:s26], [sflag:$0x3] =	stream.indirect.gather [hbm4b:s4+s23], $0x40, s6, s23, $0xb8;
	[tilespmem:$0x1F100] =	vst v63  }
0xe1: {  	_ =	swait.ge [sflag:s22], $0x2000  }
0xe2: {  	s25 =	sshra.s32 s0, $0x2;
	[sflag:s22] =	ssyncset.done $0x0  }
0xe3: {  	s0 =	sadd.s32 $0x2880, s25;
	[sflag:s22] =	ssyncadd.s32 $0xFFFFE000  }
0xe4: {  	[spmem:s2] =	stream.indirect.scatter.add.f32 [tilespmem:s19], [sflag:$0x4], $0x40, s0, s23, $0xb8;
	[tilespmem:$0x1F100] =	vst v63  }
0xe5: {  	_ =	swait.ge [sflag:s28], $0x2000  }
0xe6: {  	[sflag:s28] =	ssyncset.done $0x0  }
0xe7: {  	s0 =	sadd.s32 $0x2900, s25;
	[sflag:s28] =	ssyncadd.s32 $0xFFFFE000  }
0xe8: {  	[spmem:s2] =	stream.indirect.scatter.add.f32 [tilespmem:s24], [sflag:$0x5], $0x40, s0, s23, $0xb8;
	[tilespmem:$0x1F100] =	vst v63  }
0xe9: {  	_ =	swait.ge [sflag:s29], $0x2000  }
0xea: {  	[sflag:s29] =	ssyncset.done $0x0  }
0xeb: {  	s0 =	sadd.s32 $0x2980, s25;
	[sflag:s29] =	ssyncadd.s32 $0xFFFFE000  }
0xec: {  	[spmem:s2] =	stream.indirect.scatter.add.f32 [tilespmem:s26], [sflag:$0x6], $0x40, s0, s23, $0xb8;
	[tilespmem:$0x1F100] =	vst v63  }
0xed: {  	_ =	swait.ge [sflag:s30], $0x2000  }
0xee: {  	[sflag:s30] =	ssyncset.done $0x0  }
0xef: {  	[sflag:s30] =	ssyncadd.s32 $0xFFFFE000  }
0xf0: {  	v2 =	vld [tilespmem:s25+$0x1F0]  }
0xf1: {  	v3 =	vld [tilespmem:s25+$0x1E0]  }
0xf2: {  	v4 =	vld [tilespmem:s25+$0x1A0]  }
0xf3: {  	v5 =	vld [tilespmem:s25+$0x1D0]  }
0xf4: {  	v6 =	vld [tilespmem:s25+$0x180]  }
0xf5: {  	v7 =	vld [tilespmem:s25+$0x1C0];
	vm0 =	vgt.s32 v2, $0x61A7;
	v2 =	vshll.u32 v2, $0x1  }
0xf6: {  	v8 =	vld [tilespmem:s25+$0x1B0];
	vm1 =	vgt.s32 v3, $0x61A7;
	v3 =	vshll.u32 v3, $0x1;
	v9 =	vsel vm0, $0xFFFF3CB1, v1  }
0xf7: {  	v10 =	vld [tilespmem:s25+$0x190];
	v11 =	vsel vm1, $0xFFFF3CB1, v1;
	v2 =	vadd.s32 v2, v9  }
0xf8: {  	vm0 =	vgt.s32 v5, $0x61A7;
	v5 =	vshll.u32 v5, $0x1;
	v3 =	vadd.s32 v3, v11;
	[tilespmem:s25+$0x1F0] =	vst v2  }
0xf9: {  	vm1 =	vgt.s32 v6, $0x61A7;
	v2 =	vshll.u32 v6, $0x1;
	v6 =	vsel vm0, $0xFFFF3CB1, v1  }
0xfa: {  	v11 =	vshll.u32 v4, $0x1;
	v9 =	vsel vm1, $0xFFFF3CB1, v1;
	vm0 =	vgt.s32 v7, $0x61A7;
	[tilespmem:s25+$0x1E0] =	vst v3  }
0xfb: {  	vm1 =	vgt.s32 v4, $0x61A7;
	v2 =	vadd.s32 v2, v9;
	v3 =	vsel vm0, $0xFFFF3CB1, v1  }
0xfc: {  	vm0 =	vgt.s32 v8, $0x61A7;
	v4 =	vshll.u32 v8, $0x1;
	[tilespmem:s25+$0x180] =	vst v2;
	v2 =	vsel vm1, $0xFFFF3CB1, v1  }
0xfd: {  	vm1 =	vgt.s32 v10, $0x61A7;
	v8 =	vsel vm0, $0xFFFF3CB1, v1;
	v2 =	vadd.s32 v11, v2  }
0xfe: {  	v5 =	vadd.s32 v5, v6;
	[tilespmem:s25+$0x1A0] =	vst v2;
	v2 =	vadd.s32 v4, v8;
	v4 =	vshll.u32 v7, $0x1  }
0xff: {  	v6 =	vsel vm1, $0xFFFF3CB1, v1;
	v7 =	vshll.u32 v10, $0x1;
	v3 =	vadd.s32 v4, v3;
	[tilespmem:s25+$0x1D0] =	vst v5  }
0x100: {  	v4 =	vadd.s32 v7, v6;
	[tilespmem:s25+$0x1C0] =	vst v3  }
0x101: {  	[tilespmem:s25+$0x190] =	vst v4  }
0x102: {  	s0 =	sadd.s32 $0x180, s25;
	[tilespmem:s25+$0x1B0] =	vst v2  }
0x103: {  	[tilespmem:s19], [sflag:$0x1] =	stream.indirect.gather [hbm4b:s4+s23], $0x40, s0, s23, $0xb8;
	[tilespmem:$0x1F100] =	vst v63  }
0x104: {  	_ =	swait.ge [sflag:s31], $0x2000  }
0x105: {  	[sflag:s31] =	ssyncset.done $0x0  }
0x106: {  	[sflag:s31] =	ssyncadd.s32 $0xFFFFE000  }
0x107: {  	v6 =	vld [tilespmem:s25+$0x230]  }
0x108: {  	v3 =	vld [tilespmem:s25+$0x220]  }
0x109: {  	v2 =	vld [tilespmem:s25+$0x270]  }
0x10a: {  	v7 =	vld [tilespmem:s25+$0x200]  }
0x10b: {  	v4 =	vld [tilespmem:s25+$0x240]  }
0x10c: {  	v12 =	vld [tilespmem:s25+$0x250]  }
0x10d: {  	vm0 =	vgt.s32 v3, $0x61A7;
	v8 =	vshll.u32 v3, $0x1;
	v5 =	vld [tilespmem:s25+$0x260]  }
.Ltmp1:
0x10e: {  	v3 =	vld [tilespmem:s25+$0x210];
	v9 =	vsel vm0, $0xFFFF3CB1, v1;
	vm0 =	vgt.s32 v2, $0x61A7;
	(pc) =	sbr.rel @p0 .LBB2_4-.Ltmp1, $4  }
0x10f: {  	vm2 =	vgt.s32 v6, $0x61A7;
	vm1 =	vgt.s32 v7, $0x61A7;
	v8 =	vadd.s32 v8, v9  }
0x110: {  	v10 =	vshll.u32 v6, $0x1;
	v9 =	vsel vm2, $0xFFFF3CB1, v1;
	[tilespmem:s25+$0x220] =	vst v8;
	vm2 =	vgt.s32 v4, $0x61A7  }
0x111: {  	v6 =	vsel vm1, $0xFFFF3CB1, v1;
	v8 =	vsel vm2, $0xFFFF3CB1, v1;
	vm1 =	vgt.s32 v12, $0x61A7  }
0x112: {  	v7 =	vshll.u32 v7, $0x1;
	v12 =	vshll.u32 v12, $0x1;
	v11 =	vsel vm1, $0xFFFF3CB1, v1  }
0x113: {  	v9 =	vadd.s32 v10, v9  }
0x114: {  	v4 =	vshll.u32 v4, $0x1;
	v39 =	vadd.s32 v12, v11;
	[tilespmem:s25+$0x230] =	vst v9  }
0x115: {  	vm1 =	vgt.s32 v5, $0x61A7;
	v40 =	vshll.u32 v5, $0x1;
	v44 =	vadd.s32 v7, v6;
	[tilespmem:s25+$0x250] =	vst v39  }
0x116: {  	v42 =	vsel vm0, $0xFFFF3CB1, v1;
	v2 =	vshll.u32 v2, $0x1;
	v4 =	vadd.s32 v4, v8;
	[tilespmem:s25+$0x200] =	vst v44  }
0x117: {  	vm7 =	vgt.s32 v3, $0x61A7;
	v41 =	vsel vm1, $0xFFFF3CB1, v1;
	v2 =	vadd.s32 v2, v42;
	[tilespmem:s25+$0x240] =	vst v4  }
0x118: {  	v3 =	vshll.u32 v3, $0x1;
	v45 =	vsel vm7, $0xFFFF3CB1, v1;
	v43 =	vadd.s32 v40, v41;
	[tilespmem:s25+$0x270] =	vst v2  }
0x119: {  	v2 =	vadd.s32 v3, v45;
	[tilespmem:s25+$0x260] =	vst v43  }
0x11a: {  	s0 =	sadd.s32 $0x200, s25;
	[tilespmem:s25+$0x210] =	vst v2  }
0x11b: {  	[tilespmem:s24], [sflag:$0x2] =	stream.indirect.gather [hbm4b:s4+s23], $0x40, s0, s23, $0xb8;
	[tilespmem:$0x1F100] =	vst v63  }
0x11c: {  	_ =	swait.ge [sflag:s1], $0x2000  }
0x11d: {  	[sflag:s1] =	ssyncset.done $0x0  }
0x11e: {  	[sflag:s1] =	ssyncadd.s32 $0xFFFFE000  }
0x11f: {  	v2 =	vld [tilespmem:s25+$0x280]  }
0x120: {  	v3 =	vld [tilespmem:s25+$0x290]  }
0x121: {  	v46 =	vld [tilespmem:s25+$0x2A0]  }
0x122: {  	v47 =	vld [tilespmem:s25+$0x2B0]  }
0x123: {  	v48 =	vld [tilespmem:s25+$0x2D0]  }
0x124: {  	v49 =	vld [tilespmem:s25+$0x2E0]  }
0x125: {  	vm8 =	vgt.s32 v2, $0x61A7  }
0x126: {  	v2 =	vshll.u32 v2, $0x1;
	vm9 =	vgt.s32 v46, $0x61A7;
	vm10 =	vgt.s32 v3, $0x61A7  }
0x127: {  	v51 =	vld [tilespmem:s25+$0x2C0];
	vm11 =	vgt.s32 v47, $0x61A7;
	v4 =	vshll.u32 v46, $0x1;
	v5 =	vshll.u32 v47, $0x1  }
0x128: {  	v53 =	vld [tilespmem:s25+$0x2F0];
	vm12 =	vgt.s32 v48, $0x61A7;
	v55 =	vshll.u32 v48, $0x1;
	v52 =	vsel vm9, $0xFFFF3CB1, v1  }
0x129: {  	vm13 =	vgt.s32 v49, $0x61A7;
	v54 =	vsel vm11, $0xFFFF3CB1, v1;
	v4 =	vadd.s32 v4, v52  }
0x12a: {  	v57 =	vshll.u32 v49, $0x1;
	v58 =	vsel vm13, $0xFFFF3CB1, v1;
	v5 =	vadd.s32 v5, v54;
	[tilespmem:s25+$0x2A0] =	vst v4  }
0x12b: {  	v3 =	vshll.u32 v3, $0x1;
	v59 =	vsel vm10, $0xFFFF3CB1, v1;
	v60 =	vadd.s32 v57, v58;
	[tilespmem:s25+$0x2B0] =	vst v5  }
0x12c: {  	vm14 =	vgt.s32 v51, $0x61A7;
	v50 =	vsel vm8, $0xFFFF3CB1, v1;
	v3 =	vadd.s32 v3, v59;
	[tilespmem:s25+$0x2E0] =	vst v60  }
0x12d: {  	vm15 =	vgt.s32 v53, $0x61A7;
	v56 =	vsel vm12, $0xFFFF3CB1, v1;
	v2 =	vadd.s32 v2, v50;
	[tilespmem:s25+$0x290] =	vst v3  }
0x12e: {  	v62 =	vshll.u32 v53, $0x1;
	v61 =	vsel vm15, $0xFFFF3CB1, v1;
	v4 =	vadd.s32 v55, v56;
	[tilespmem:s25+$0x280] =	vst v2  }
0x12f: {  	v63 =	vsel vm14, $0xFFFF3CB1, v1;
	v3 =	vshll.u32 v51, $0x1;
	[tilespmem:s25+$0x2D0] =	vst v4;
	v4 =	vadd.s32 v62, v61  }
0x130: {  	v2 =	vadd.s32 v3, v63;
	[tilespmem:s25+$0x2F0] =	vst v4  }
0x131: {  	s21 =	sadd.s32 $0x280, s25;
	[tilespmem:s25+$0x2C0] =	vst v2  }
0x132: {  	[tilespmem:s26], [sflag:$0x3] =	stream.indirect.gather [hbm4b:s4+s23], $0x40, s21, s23, $0xb8;
	[tilespmem:$0x1F100] =	vst v63  }
0x133: {  	_ =	swait.ge [sflag:s22], $0x2000  }
0x134: {  	[sflag:s22] =	ssyncset.done $0x0  }
0x135: {  	s25 =	simm.s32 $0x4F80;
	[sflag:s22] =	ssyncadd.s32 $0xFFFFE000  }
0x136: {  	[spmem:s2] =	stream.indirect.scatter.add.f32 [tilespmem:s19], [sflag:$0x4], $0x40, s25, s23, $0xb8;
	[tilespmem:$0x1F100] =	vst v63  }
0x137: {  	_ =	swait.ge [sflag:s28], $0x2000  }
0x138: {  	[sflag:s28] =	ssyncset.done $0x0  }
0x139: {  	s6 =	simm.s32 $0x5000;
	[sflag:s28] =	ssyncadd.s32 $0xFFFFE000  }
0x13a: {  	[spmem:s2] =	stream.indirect.scatter.add.f32 [tilespmem:s24], [sflag:$0x5], $0x40, s6, s23, $0xb8;
	[tilespmem:$0x1F100] =	vst v63  }
0x13b: {  	_ =	swait.ge [sflag:s29], $0x2000  }
0x13c: {  	[sflag:s29] =	ssyncset.done $0x0  }
0x13d: {  	s21 =	simm.s32 $0x5080;
	[sflag:s29] =	ssyncadd.s32 $0xFFFFE000  }
0x13e: {  	[spmem:s2] =	stream.indirect.scatter.add.f32 [tilespmem:s26], [sflag:$0x6], $0x40, s21, s23, $0xb8;
	[tilespmem:$0x1F100] =	vst v63  }
0x13f: {  	_ =	swait.ge [sflag:s30], $0x2000  }
0x140: {  	[sflag:s30] =	ssyncset.done $0x0  }
0x141: {  	[sflag:s30] =	ssyncadd.s32 $0xFFFFE000  }
0x142: {  	_ =	swait.ge [sflag:s31], $0x2000  }
0x143: {  	[sflag:s31] =	ssyncset.done $0x0  }
0x144: {  	s3 =	sadd.s32 $0x1, s3;
	[sflag:s31] =	ssyncadd.s32 $0xFFFFE000  }
0x145: {  	p0 =	sne.s32 s3, s9;
	s25 =	stileid.u32;
	_ =	swait.ge [sflag:s1], $0x2000  }
0x146: {  	s0 =	sshll.u32 s25, $0x6;
	s25 =	simm.s32 $0x8;
	[sflag:s1] =	ssyncset.done $0x0  }
0x147: {  	s0 =	sor.u32 $0x1C07, s0;
	s6 =	sshrl.u32 s5, $0x3;
	[sflag:s1] =	ssyncadd.s32 $0xFFFFE000  }
.Ltmp2:
0x148: {  	s21 =	simm.s32 $0x10;
	[bflag:$0x0] =	sbarrier.arrive $0xFFFF;
	(pc) =	sbr.rel @p0 .LBB2_1-.Ltmp2, $4  }
0x149: {  	[hbm:s8@s21], [sflag:s0] =	dma.strided [spmem:s6@s25], $0x2800, s22, $0x8   }
0x14a: {  	_ =	swait.ge [sflag:s20], $0x2800  }
0x14b: {  	[sflag:s20] =	ssyncset.done $0x0  }
0x14c: {  	[sflag:s20] =	ssyncadd.s32 $0xFFFFD800  }
0x14d: {  	_ =	sfence.sel $0x180000  }
0x14e: {  	[bflag:$0x0] =	sbarrier.arrive $0xFFFF  }
0x14f: {  	_ =	strace $0x90000047  }
0x150: {  	s0 =	stileid.u32;
	[bflag:$0x2] =	sbarrier.arrive $0xFFFF  }
0x151: {  	p0 =	sne.s32 s0, $0x0;
	s0 =	rddreg [dreg:$0x2]  }
0x152: {  	s0 =	sadd.s32 @!p0 $0x100000, s0  }
0x153: {  	[sflag:s0] =	ssyncadd.tile.s32 @!p0 $0x1;
	_ =	shalt  }
.Lfunc_end2:
_tile_overlayer_lowered:
.L_overlay_start_2:
0x154: {  	(tag) =	ssettag $0x2  }
0x155: {  	s0 =	rddreg [dreg:$0x0];
	s2 =	stileid.u32  }
0x156: {  	s1 =	rddreg [dreg:$0x1];
	p0 =	sne.s32 s2, $0x0  }
0x157: {  	s3 =	rddreg [dreg:$0x2];
	[bflag:$0x3] =	sbarrier.arrive $0xFFFF;
	s2 =	simm.s32 @!p0 $0x1C07  }
0x158: {  	[timem:s3], [sflag:s2] =	dma.local @!p0 [hbm:s0], s1  }
0x159: {  	s0 =	simm.s32 @!p0 $0x7  }
0x15a: {  	_ =	swait.ge @!p0 [sflag:s0], s1  }
0x15b: {  	s1 =	ssub.s32 @!p0 $0x0, s1;
	[sflag:s0] =	ssyncset.done @!p0 $0x0  }
0x15c: {  	[sflag:s0] =	ssyncadd.s32 @!p0 s1  }
0x15d: {  	[bflag:$0x3] =	sbarrier.arrive $0xFFFF  }
0x15e: {  	_ =	shalt  }

</sc_bundles>
